<compile_context>
chip_gen: v7x
topology: tpu7x:2x2x1
jax: 0.10.2.dev20260603
libtpu: 0.0.44.dev20260713+nightly
codegen_flags: <defaults>
</compile_context>

<pallas_src>
import functools
import jax
import jax.numpy as jnp
from jax import lax
from jax.experimental import pallas as pl
from jax.experimental.pallas import tpu as pltpu
from jax.experimental.pallas import tpu_sc as plsc

N_NODES = 10000
E = 160000
D = 128
D_VAL = 16
NUM_FES = 16
H1 = 512
H_FC = 64
CHUNK = 128
NC, NS = 2, 16
NW = NC * NS
NSPLIT = 2
EH = E // NSPLIT
NCH = EH // CHUNK
ITERS_H = (NCH + NW - 1) // NW
NR_CHUNK = 80
NRCHUNKS = N_NODES // NR_CHUNK
NR_ITERS = (NRCHUNKS + NS - 1) // NS

_mesh = plsc.VectorSubcoreMesh(core_axis_name="c", subcore_axis_name="s")


def _gather_body(chunk_lo, hn_hbm, src_hbm, dst_hbm, hns_hbm, hnd_hbm,
                 idx_s, idx_d, rows_s, rows_d, gsem0, gsem1):
    cid = lax.axis_index("c")
    sid = lax.axis_index("s")
    wid = sid * NC + cid
    gsems = (gsem0, gsem1)

    def chunk(step):
        return jnp.minimum(wid + step * NW, NCH - 1)

    def fire(step, b):
        base = (chunk(step) + chunk_lo) * CHUNK
        pltpu.sync_copy(src_hbm.at[pl.ds(base, CHUNK)], idx_s.at[b])
        pltpu.sync_copy(dst_hbm.at[pl.ds(base, CHUNK)], idx_d.at[b])
        pltpu.async_copy(hn_hbm.at[idx_s.at[b]], rows_s.at[b], gsems[b])
        pltpu.async_copy(hn_hbm.at[idx_d.at[b]], rows_d.at[b], gsems[b])

    def complete(step, b):
        base = chunk(step) * CHUNK
        pltpu.make_async_copy(hn_hbm.at[idx_s.at[b]], rows_s.at[b],
                              gsems[b]).wait()
        pltpu.make_async_copy(hn_hbm.at[idx_d.at[b]], rows_d.at[b],
                              gsems[b]).wait()
        pltpu.sync_copy(rows_s.at[b], hns_hbm.at[pl.ds(base, CHUNK)])
        pltpu.sync_copy(rows_d.at[b], hnd_hbm.at[pl.ds(base, CHUNK)])

    def body(i, carry):
        s0 = 2 * i
        fire(s0, 0)

        @pl.when(i > 0)
        def _():
            complete(s0 - 1, 1)

        fire(s0 + 1, 1)
        complete(s0, 0)
        return carry

    lax.fori_loop(0, ITERS_H // 2, body, 0)
    complete(ITERS_H - 1, 1)


def _make_gather(chunk_lo):
    return pl.kernel(
        functools.partial(_gather_body, chunk_lo),
        mesh=_mesh,
        out_type=[jax.ShapeDtypeStruct((EH, D), jnp.float32),
                  jax.ShapeDtypeStruct((EH, D), jnp.float32)],
        scratch_types=[
            pltpu.VMEM((2, CHUNK), jnp.int32),
            pltpu.VMEM((2, CHUNK), jnp.int32),
            pltpu.VMEM((2, CHUNK, D), jnp.float32),
            pltpu.VMEM((2, CHUNK, D), jnp.float32),
            pltpu.SemaphoreType.DMA,
            pltpu.SemaphoreType.DMA,
        ],
    )


_gathers = [_make_gather(k * NCH) for k in range(NSPLIT)]


def _scatter_body(chunk_lo, henw_hbm, dst_hbm, zeros_hbm, out_hbm, idx2, rows,
                  lsem0, lsem1, acc):
    cid = lax.axis_index("c")
    sid = lax.axis_index("s")
    wid = sid * NC + cid
    lsems = (lsem0, lsem1)

    def zbody(i, carry):
        c = sid + i * NS

        @pl.when(c < NRCHUNKS)
        def _():
            pltpu.sync_copy(zeros_hbm, acc.at[pl.ds(c * NR_CHUNK, NR_CHUNK)])

        return carry

    lax.fori_loop(0, NR_ITERS, zbody, 0)
    plsc.subcore_barrier()

    def fire(step, b):
        c = wid + step * NW

        @pl.when(c < NCH)
        def _():
            pltpu.async_copy(dst_hbm.at[pl.ds((c + chunk_lo) * CHUNK, CHUNK)],
                             idx2.at[b], lsems[b])
            pltpu.async_copy(henw_hbm.at[pl.ds(c * CHUNK, CHUNK)],
                             rows.at[b], lsems[b])

    def complete(step, b):
        c = wid + step * NW

        @pl.when(c < NCH)
        def _():
            pltpu.make_async_copy(dst_hbm.at[pl.ds(0, CHUNK)], idx2.at[b],
                                  lsems[b]).wait()
            pltpu.make_async_copy(henw_hbm.at[pl.ds(0, CHUNK)], rows.at[b],
                                  lsems[b]).wait()
            pltpu.sync_copy(rows.at[b], acc.at[idx2.at[b]], add=True)

    def body(i, carry):
        s0 = 2 * i
        fire(s0, 0)

        @pl.when(i > 0)
        def _():
            complete(s0 - 1, 1)

        fire(s0 + 1, 1)
        complete(s0, 0)
        return carry

    lax.fori_loop(0, ITERS_H // 2, body, 0)
    complete(ITERS_H - 1, 1)
    plsc.subcore_barrier()

    def dbody(i, carry):
        c = sid + i * NS

        @pl.when(c < NRCHUNKS)
        def _():
            pltpu.sync_copy(acc.at[pl.ds(c * NR_CHUNK, NR_CHUNK)],
                            out_hbm.at[cid, pl.ds(c * NR_CHUNK, NR_CHUNK)])

        return carry

    lax.fori_loop(0, NR_ITERS, dbody, 0)


def _make_scatter(chunk_lo):
    return pl.kernel(
        functools.partial(_scatter_body, chunk_lo),
        mesh=_mesh,
        out_type=jax.ShapeDtypeStruct((NC, N_NODES, D), jnp.float32),
        scratch_types=[
            pltpu.VMEM((2, CHUNK), jnp.int32),
            pltpu.VMEM((2, CHUNK, D), jnp.float32),
            pltpu.SemaphoreType.DMA,
            pltpu.SemaphoreType.DMA,
            pltpu.VMEM_SHARED((N_NODES, D), jnp.float32),
        ],
    )


_scatters = [_make_scatter(k * NCH) for k in range(NSPLIT)]


BE = 3200
NBLK_H = EH // BE


def _col(tr):
    return jnp.concatenate([tr[:, g:g + 1] for g in range(tr.shape[1])],
                           axis=0)


def _edge_math(he, hns, hnd, fesT, fe, nm, w1, b1, w2, b2, fw1, r, s, w2r):
    bf = jnp.bfloat16
    z = jnp.concatenate(
        [he.astype(bf), hns.astype(bf), hnd.astype(bf)], axis=1)
    t = jnp.dot(z, w1, preferred_element_type=jnp.float32)
    t = jnp.maximum(t + b1, 0.0).astype(bf)
    v = jnp.dot(t, w2, preferred_element_type=jnp.float32) + b2
    h = jnp.maximum(
        lax.dot_general(fesT.astype(bf), fw1, (((0,), (0,)), ((), ())),
                        preferred_element_type=jnp.float32) * 0.25,
        0.0).astype(bf)
    v_s = (v * (_col(fe[0]) * (1.0 / 32.0))).astype(bf)
    h_rep = jnp.dot(h, r, preferred_element_type=jnp.float32)
    v_tile = jnp.dot(v_s, s, preferred_element_type=jnp.float32)
    p = (h_rep * v_tile).astype(bf)
    heu = jnp.dot(p, w2r, preferred_element_type=jnp.float32)
    hen = he + heu
    return hen, hen * _col(nm[0])


def _edge_body0(he_r, hns_r, hnd_r, fesT_r, fe_r, nm_r,
                w1_r, b1_r, w2_r, b2_r, fw1_r, r_r, s_r, w2r_r,
                hen_r, henw_r):
    hen, henw = _edge_math(he_r[:], hns_r[:], hnd_r[:], fesT_r[:], fe_r[:],
                           nm_r[:], w1_r[:], b1_r[:], w2_r[:], b2_r[:],
                           fw1_r[:], r_r[:], s_r[:], w2r_r[:])
    hen_r[:] = hen
    henw_r[:] = henw


def _edge_body1(he_r, hns_r, hnd_r, fesT_r, fe_r, nm_r,
                w1_r, b1_r, w2_r, b2_r, fw1_r, r_r, s_r, w2r_r, prev_r,
                hen_r, henw_r):
    hen, henw = _edge_math(he_r[:], hns_r[:], hnd_r[:], fesT_r[:], fe_r[:],
                           nm_r[:], w1_r[:], b1_r[:], w2_r[:], b2_r[:],
                           fw1_r[:], r_r[:], s_r[:], w2r_r[:])
    hen_r[:] = hen
    henw_r[:] = henw


def _edge_call(half, he, hns, hnd, fesT, fe, nm, w1, b1, w2, b2, fw1, r, s,
               w2r, hen_prev=None):
    off = half * NBLK_H
    blk_g = lambda rr, c: pl.BlockSpec((rr, c), lambda i: (i + off, 0))
    blk_l = lambda rr, c: pl.BlockSpec((rr, c), lambda i: (i, 0))
    full = lambda rr, c: pl.BlockSpec((rr, c), lambda i: (0, 0))
    in_specs = [
        blk_g(BE, D), blk_l(BE, D), blk_l(BE, D),
        pl.BlockSpec((NUM_FES, BE), lambda i: (0, i + off)),
        pl.BlockSpec((1, D, BE // D), lambda i: (i + off, 0, 0)),
        pl.BlockSpec((1, D, BE // D), lambda i: (i + off, 0, 0)),
        full(3 * D, H1), full(1, H1),
        full(H1, D_VAL), full(1, D_VAL),
        full(NUM_FES, H_FC),
        full(H_FC, H_FC * D_VAL), full(D_VAL, H_FC * D_VAL),
        full(H_FC * D_VAL, D),
    ]
    args = [he, hns, hnd, fesT, fe, nm, w1, b1, w2, b2, fw1, r, s, w2r]
    if half == 0:
        body = _edge_body0
        aliases = {}
    else:
        body = _edge_body1
        in_specs.append(pl.BlockSpec((8, D), lambda i: (0, 0)))
        args.append(hen_prev)
        aliases = {14: 0}
    return pl.pallas_call(
        body,
        grid=(NBLK_H,),
        in_specs=in_specs,
        out_specs=[pl.BlockSpec((BE, D), lambda i: (i + off, 0)),
                   pl.BlockSpec((BE, D), lambda i: (i, 0))],
        out_shape=[jax.ShapeDtypeStruct((E, D), jnp.float32),
                   jax.ShapeDtypeStruct((EH, D), jnp.float32)],
        input_output_aliases=aliases,
    )(*args)


BN = 1000


def _node_body(hn_r, p0_r, p1_r, w1a_r, w1b_r, b1_r, w2_r, b2_r, hnn_r):
    nt = p0_r[0] + p0_r[1] + p1_r[0] + p1_r[1]
    u = jnp.dot(hn_r[:], w1a_r[:], preferred_element_type=jnp.float32)
    u = u + jnp.dot(nt, w1b_r[:], preferred_element_type=jnp.float32)
    u = jnp.maximum(u + b1_r[:], 0.0)
    hnn_r[:] = hn_r[:] + jnp.dot(u, w2_r[:],
                                 preferred_element_type=jnp.float32) + b2_r[:]


def _node_call(hn, part0, part1, w1a, w1b, b1, w2, b2):
    return pl.pallas_call(
        _node_body,
        grid=(N_NODES // BN,),
        in_specs=[
            pl.BlockSpec((BN, D), lambda i: (i, 0)),
            pl.BlockSpec((NC, BN, D), lambda i: (0, i, 0)),
            pl.BlockSpec((NC, BN, D), lambda i: (0, i, 0)),
            pl.BlockSpec((D, H1), lambda i: (0, 0)),
            pl.BlockSpec((D, H1), lambda i: (0, 0)),
            pl.BlockSpec((1, H1), lambda i: (0, 0)),
            pl.BlockSpec((H1, D), lambda i: (0, 0)),
            pl.BlockSpec((1, D), lambda i: (0, 0)),
        ],
        out_specs=pl.BlockSpec((BN, D), lambda i: (i, 0)),
        out_shape=jax.ShapeDtypeStruct((N_NODES, D), jnp.float32),
    )(hn, part0, part1, w1a, w1b, b1, w2, b2)


@jax.jit
def kernel(hn, he, edge_index, fe, fes, norm,
           ev_W1, ev_b1, ev_W2, ev_b2, fc_W1, fc_W2,
           nu_W1, nu_b1, nu_W2, nu_b2):
    src = edge_index[0]
    dst = edge_index[1]
    fesT = fes.T
    fe2 = fe.reshape(E // BE, BE // D, D).transpose(0, 2, 1)
    nm2 = norm.reshape(E // BE, BE // D, D).transpose(0, 2, 1)
    bf = jnp.bfloat16
    ew = dict(
        w1=ev_W1.astype(bf), b1=ev_b1.reshape(1, H1),
        w2=ev_W2.astype(bf), b2=ev_b2.reshape(1, D_VAL),
        fw1=fc_W1.astype(bf),
        r=jnp.kron(jnp.eye(H_FC, dtype=jnp.float32),
                   jnp.ones((1, D_VAL), jnp.float32)).astype(bf),
        s=jnp.tile(jnp.eye(D_VAL, dtype=jnp.float32), (1, H_FC)).astype(bf),
        w2r=fc_W2.reshape(H_FC * D_VAL, D).astype(bf))
    zeros = jnp.zeros((NR_CHUNK, D), jnp.float32)

    hns0, hnd0 = _gathers[0](hn, src, dst)
    hns1, hnd1 = _gathers[1](hn, src, dst)
    hen0, henw0 = _edge_call(0, he, hns0, hnd0, fesT, fe2, nm2, **ew)
    part0 = _scatters[0](henw0, dst, zeros)
    hen, henw1 = _edge_call(1, he, hns1, hnd1, fesT, fe2, nm2, **ew,
                            hen_prev=hen0)
    part1 = _scatters[1](henw1, dst, zeros)
    hnn = _node_call(hn, part0, part1,
                     nu_W1[:D], nu_W1[D:], nu_b1.reshape(1, H1),
                     nu_W2, nu_b2.reshape(1, D))
    return hnn, hen

# --- scband reference (transcript-rebuilt; emitter-appended) ---
"""Pipeline reference for scband-eq-nlmp-17368847745645 (READ-ONLY COPY).

The authoritative reference and input builder live on the scoring server;
editing this copy changes nothing except your own understanding.
"""

import jax, jax.numpy as jnp
import numpy as np

N_NODES = 10000
E = 160000
D = 128       # irreps_input = irreps_output = '128x0e' (scalar-only specialization)
D_VAL = 16    # irreps_val = '16x0e'
D_FE = 1      # irreps_fe = '1x0e'
NUM_FES = 16
HX = 4
H_FC = HX * NUM_FES  # 64


def setup_inputs(seed: int = 0):
    key = jax.random.key(seed)
    ks = jax.random.split(key, 14)
    hn = jax.random.normal(ks[0], (N_NODES, D), dtype=jnp.float32)
    he = jax.random.normal(ks[1], (E, D), dtype=jnp.float32)
    edge_index = jax.random.randint(ks[2], (2, E), 0, N_NODES, dtype=jnp.int32)
    fe = jax.random.normal(ks[3], (E, D_FE), dtype=jnp.float32)
    fes = jax.random.normal(ks[4], (E, NUM_FES), dtype=jnp.float32)
    norm = jax.random.uniform(ks[5], (E,), dtype=jnp.float32)
    # edge_val LinNet: (3*D) -> (HX*D) -> D_VAL, with bias + ReLU
    ev_W1 = jax.random.normal(ks[6], (3 * D, HX * D), dtype=jnp.float32) / np.sqrt(3 * D)
    ev_b1 = jnp.zeros((HX * D,), dtype=jnp.float32)
    ev_W2 = jax.random.normal(ks[7], (HX * D, D_VAL), dtype=jnp.float32) / np.sqrt(HX * D)
    ev_b2 = jnp.zeros((D_VAL,), dtype=jnp.float32)
    # e3nn FullyConnectedNet([NUM_FES, HX*NUM_FES, tp.weight_numel], ReLU): no bias, 1/sqrt(fan_in) norm
    fc_W1 = jax.random.normal(ks[8], (NUM_FES, H_FC), dtype=jnp.float32)
    fc_W2 = jax.random.normal(ks[9], (H_FC, D_VAL * D_FE * D), dtype=jnp.float32)
    # node_upd LinNet: (2*D) -> (HX*D) -> D
    nu_W1 = jax.random.normal(ks[10], (2 * D, HX * D), dtype=jnp.float32) / np.sqrt(2 * D)
    nu_b1 = jnp.zeros((HX * D,), dtype=jnp.float32)
    nu_W2 = jax.random.normal(ks[11], (HX * D, D), dtype=jnp.float32) / np.sqrt(HX * D)
    nu_b2 = jnp.zeros((D,), dtype=jnp.float32)
    return {"hn": hn, "he": he, "edge_index": edge_index, "fe": fe, "fes": fes, "norm": norm,
            "ev_W1": ev_W1, "ev_b1": ev_b1, "ev_W2": ev_W2, "ev_b2": ev_b2,
            "fc_W1": fc_W1, "fc_W2": fc_W2,
            "nu_W1": nu_W1, "nu_b1": nu_b1, "nu_W2": nu_W2, "nu_b2": nu_b2}


def reference(hn, he, edge_index, fe, fes, norm, ev_W1, ev_b1, ev_W2, ev_b2, fc_W1, fc_W2, nu_W1, nu_b1, nu_W2, nu_b2):
    src = edge_index[0]
    dst = edge_index[1]
    # edge_val(cat([he, hn[src], hn[dst]]))
    z = jnp.concatenate([he, jnp.take(hn, src, axis=0), jnp.take(hn, dst, axis=0)], axis=1)
    v = jax.nn.relu(z @ ev_W1 + ev_b1) @ ev_W2 + ev_b2
    # fc(fes): e3nn FullyConnectedNet with 1/sqrt(fan_in) normalization, no bias
    h = jax.nn.relu((fes @ fc_W1) / np.sqrt(NUM_FES))
    # FullyConnectedTensorProduct (all-scalar irreps, shared_weights=False):
    #   w[e] = (h[e] @ fc_W2)/sqrt(H_FC) viewed as [D_VAL, D]
    #   heu[e,k] = fe[e,0] * sum_i v[e,i] * w[e,i,k] / sqrt(D_VAL*D_FE)
    # fused via outer product to avoid materializing [E, D_VAL*D]:
    p = (h[:, :, None] * v[:, None, :]).reshape(h.shape[0], H_FC * D_VAL)
    W2r = fc_W2.reshape(H_FC * D_VAL, D)
    heu = fe[:, 0:1] * (p @ W2r) / (np.sqrt(H_FC) * np.sqrt(D_VAL * D_FE))
    hen = he + heu  # residual (irreps_input == irreps_output)
    node_tmp = jax.ops.segment_sum(hen * norm[:, None], dst, num_segments=N_NODES)
    hnu = jax.nn.relu(jnp.concatenate([hn, node_tmp], axis=1) @ nu_W1 + nu_b1) @ nu_W2 + nu_b2
    hnn = hn + hnu
    return (hnn, hen)

if __name__ == "__main__":
    import jax
    _d = setup_inputs()
    print(jax.jit(kernel)(*tuple(_d.values())))

</pallas_src>

<mosaic_0001>
#map = affine_map<(d0, d1) -> (0, 0)>
#map1 = affine_map<(d0, d1) -> (0)>
module attributes {stable_mosaic.version = 14 : i64} {
  func.func @_gather_body(%arg0: i32, %arg1: i32, %arg2: memref<10000x128xf32, #tpu.memory_space<hbm>>, %arg3: memref<160000xi32, #tpu.memory_space<hbm>>, %arg4: memref<160000xi32, #tpu.memory_space<hbm>>, %arg5: memref<80000x128xf32, #tpu.memory_space<hbm>>, %arg6: memref<80000x128xf32, #tpu.memory_space<hbm>>, %arg7: memref<2x128xi32, #tpu.memory_space<vmem>>, %arg8: memref<2x128xi32, #tpu.memory_space<vmem>>, %arg9: memref<2x128x128xf32, #tpu.memory_space<vmem>>, %arg10: memref<2x128x128xf32, #tpu.memory_space<vmem>>, %arg11: memref<!tpu.dma_semaphore, #tpu.memory_space<semaphore_mem>>, %arg12: memref<!tpu.dma_semaphore, #tpu.memory_space<semaphore_mem>>) attributes {dimension_semantics = [#tpu.dimension_semantics<core_parallel>, #tpu.dimension_semantics<subcore_parallel>], iteration_bounds = array<i64: 2, 16>, scalar_prefetch = 0 : i64, scratch_operands = 6 : i64, tpu.core_type = #tpu.core_type<sc_vector_subcore>, window_params = [{transform_indices = #map}, {transform_indices = #map1}, {transform_indices = #map1}, {transform_indices = #map}, {transform_indices = #map}]} {
    %mul3A = arith.constant 2 : i32
    %mul3A_0 = arith.muli %arg1, %mul3A : i32
    %add3A = arith.addi %mul3A_0, %arg0 : i32
    %scan3A = arith.constant 0 : i32
    %scan3A_1 = arith.constant 0 : i32
    %scan3A_2 = arith.constant 10 : i32
    %scan3A_3 = arith.addi %scan3A_1, %scan3A_2 : i32
    %scan3A_4 = arith.constant 1 : i32
    scf.for %scan3A_35 = %scan3A_1 to %scan3A_3 step %scan3A_4  : i32 {
      %mul3A_36 = arith.constant 2 : i32
      %mul3A_37 = arith.muli %mul3A_36, %scan3A_35 : i32
      %mul3A_38 = arith.constant 32 : i32
      %mul3A_39 = arith.muli %mul3A_37, %mul3A_38 : i32
      %add3A_40 = arith.addi %add3A, %mul3A_39 : i32
      %min3A_41 = arith.constant 624 : i32
      %min3A_42 = arith.minsi %add3A_40, %min3A_41 : i32
      %add3A_43 = arith.constant 0 : i32
      %add3A_44 = arith.addi %min3A_42, %add3A_43 : i32
      %mul3A_45 = arith.constant 128 : i32
      %mul3A_46 = arith.muli %add3A_44, %mul3A_45 : i32
      %run_scoped3A_47 = arith.constant 0 : i32
      "tpu.region"() ({
        %run_scoped3A_144 = tpu.sem_alloc : memref<!tpu.dma_semaphore, #tpu.memory_space<semaphore_mem>>
        %dma_start3A_145 = arith.constant 0 : i32
        %dma_start3A_146 = tpu.memref_slice %arg7[%run_scoped3A_47, %dma_start3A_145] : memref<2x128xi32, #tpu.memory_space<vmem>> -> memref<1x128xi32, #tpu.memory_space<vmem>>
        %dma_start3A_147 = tpu.memref_squeeze %dma_start3A_146 : memref<1x128xi32, #tpu.memory_space<vmem>> -> memref<128xi32, #tpu.memory_space<vmem>>
        %dma_start3A_148 = tpu.memref_slice %arg3[%mul3A_46] : memref<160000xi32, #tpu.memory_space<hbm>> -> memref<128xi32, #tpu.memory_space<hbm>>
        %dma_start3A_149 = arith.constant 0 : i32
        %dma_start3A_150 = tpu.memref_slice %arg7[%run_scoped3A_47, %dma_start3A_149] : memref<2x128xi32, #tpu.memory_space<vmem>> -> memref<1x128xi32, #tpu.memory_space<vmem>>
        %dma_start3A_151 = tpu.memref_squeeze %dma_start3A_150 : memref<1x128xi32, #tpu.memory_space<vmem>> -> memref<128xi32, #tpu.memory_space<vmem>>
        %dma_start3A_152 = tpu.memref_slice %arg3[%mul3A_46] : memref<160000xi32, #tpu.memory_space<hbm>> -> memref<128xi32, #tpu.memory_space<hbm>>
        tpu.enqueue_dma source(%dma_start3A_152 : memref<128xi32, #tpu.memory_space<hbm>>) target(%dma_start3A_151 : memref<128xi32, #tpu.memory_space<vmem>>) target_semaphore(%run_scoped3A_144 : memref<!tpu.dma_semaphore, #tpu.memory_space<semaphore_mem>>)
        %dma_wait3A_153 = arith.constant 0 : i32
        %dma_wait3A_154 = tpu.memref_slice %arg7[%run_scoped3A_47, %dma_wait3A_153] : memref<2x128xi32, #tpu.memory_space<vmem>> -> memref<1x128xi32, #tpu.memory_space<vmem>>
        %dma_wait3A_155 = tpu.memref_squeeze %dma_wait3A_154 : memref<1x128xi32, #tpu.memory_space<vmem>> -> memref<128xi32, #tpu.memory_space<vmem>>
        %dma_wait3A_156 = tpu.memref_slice %arg3[%mul3A_46] : memref<160000xi32, #tpu.memory_space<hbm>> -> memref<128xi32, #tpu.memory_space<hbm>>
        %dma_wait3A_157 = arith.constant 0 : i32
        %dma_wait3A_158 = tpu.memref_slice %arg7[%run_scoped3A_47, %dma_wait3A_157] : memref<2x128xi32, #tpu.memory_space<vmem>> -> memref<1x128xi32, #tpu.memory_space<vmem>>
        %dma_wait3A_159 = tpu.memref_squeeze %dma_wait3A_158 : memref<1x128xi32, #tpu.memory_space<vmem>> -> memref<128xi32, #tpu.memory_space<vmem>>
        %dma_wait3A_160 = tpu.memref_slice %arg3[%mul3A_46] : memref<160000xi32, #tpu.memory_space<hbm>> -> memref<128xi32, #tpu.memory_space<hbm>>
        tpu.wait_dma2 semaphore(%run_scoped3A_144 : memref<!tpu.dma_semaphore, #tpu.memory_space<semaphore_mem>>) src(%dma_wait3A_160 : memref<128xi32, #tpu.memory_space<hbm>>) dst(%dma_wait3A_159 : memref<128xi32, #tpu.memory_space<vmem>>)
        tpu.yield
      }) : () -> ()
      %run_scoped3A_48 = arith.constant 0 : i32
      "tpu.region"() ({
        %run_scoped3A_144 = tpu.sem_alloc : memref<!tpu.dma_semaphore, #tpu.memory_space<semaphore_mem>>
        %dma_start3A_145 = arith.constant 0 : i32
        %dma_start3A_146 = tpu.memref_slice %arg8[%run_scoped3A_48, %dma_start3A_145] : memref<2x128xi32, #tpu.memory_space<vmem>> -> memref<1x128xi32, #tpu.memory_space<vmem>>
        %dma_start3A_147 = tpu.memref_squeeze %dma_start3A_146 : memref<1x128xi32, #tpu.memory_space<vmem>> -> memref<128xi32, #tpu.memory_space<vmem>>
        %dma_start3A_148 = tpu.memref_slice %arg4[%mul3A_46] : memref<160000xi32, #tpu.memory_space<hbm>> -> memref<128xi32, #tpu.memory_space<hbm>>
        %dma_start3A_149 = arith.constant 0 : i32
        %dma_start3A_150 = tpu.memref_slice %arg8[%run_scoped3A_48, %dma_start3A_149] : memref<2x128xi32, #tpu.memory_space<vmem>> -> memref<1x128xi32, #tpu.memory_space<vmem>>
        %dma_start3A_151 = tpu.memref_squeeze %dma_start3A_150 : memref<1x128xi32, #tpu.memory_space<vmem>> -> memref<128xi32, #tpu.memory_space<vmem>>
        %dma_start3A_152 = tpu.memref_slice %arg4[%mul3A_46] : memref<160000xi32, #tpu.memory_space<hbm>> -> memref<128xi32, #tpu.memory_space<hbm>>
        tpu.enqueue_dma source(%dma_start3A_152 : memref<128xi32, #tpu.memory_space<hbm>>) target(%dma_start3A_151 : memref<128xi32, #tpu.memory_space<vmem>>) target_semaphore(%run_scoped3A_144 : memref<!tpu.dma_semaphore, #tpu.memory_space<semaphore_mem>>)
        %dma_wait3A_153 = arith.constant 0 : i32
        %dma_wait3A_154 = tpu.memref_slice %arg8[%run_scoped3A_48, %dma_wait3A_153] : memref<2x128xi32, #tpu.memory_space<vmem>> -> memref<1x128xi32, #tpu.memory_space<vmem>>
        %dma_wait3A_155 = tpu.memref_squeeze %dma_wait3A_154 : memref<1x128xi32, #tpu.memory_space<vmem>> -> memref<128xi32, #tpu.memory_space<vmem>>
        %dma_wait3A_156 = tpu.memref_slice %arg4[%mul3A_46] : memref<160000xi32, #tpu.memory_space<hbm>> -> memref<128xi32, #tpu.memory_space<hbm>>
        %dma_wait3A_157 = arith.constant 0 : i32
        %dma_wait3A_158 = tpu.memref_slice %arg8[%run_scoped3A_48, %dma_wait3A_157] : memref<2x128xi32, #tpu.memory_space<vmem>> -> memref<1x128xi32, #tpu.memory_space<vmem>>
        %dma_wait3A_159 = tpu.memref_squeeze %dma_wait3A_158 : memref<1x128xi32, #tpu.memory_space<vmem>> -> memref<128xi32, #tpu.memory_space<vmem>>
        %dma_wait3A_160 = tpu.memref_slice %arg4[%mul3A_46] : memref<160000xi32, #tpu.memory_space<hbm>> -> memref<128xi32, #tpu.memory_space<hbm>>
        tpu.wait_dma2 semaphore(%run_scoped3A_144 : memref<!tpu.dma_semaphore, #tpu.memory_space<semaphore_mem>>) src(%dma_wait3A_160 : memref<128xi32, #tpu.memory_space<hbm>>) dst(%dma_wait3A_159 : memref<128xi32, #tpu.memory_space<vmem>>)
        tpu.yield
      }) : () -> ()
      %dma_start3A = arith.constant 0 : i32
      %dma_start3A_49 = arith.constant 0 : i32
      %dma_start3A_50 = arith.constant 0 : i32
      %dma_start3A_51 = arith.constant 0 : i32
      %dma_start3A_52 = tpu.memref_slice %arg9[%dma_start3A_49, %dma_start3A_50, %dma_start3A_51] : memref<2x128x128xf32, #tpu.memory_space<vmem>> -> memref<1x128x128xf32, #tpu.memory_space<vmem>>
      %dma_start3A_53 = tpu.memref_squeeze %dma_start3A_52 : memref<1x128x128xf32, #tpu.memory_space<vmem>> -> memref<128x128xf32, #tpu.memory_space<vmem>>
      %dma_start3A_54 = arith.constant 0 : i32
      %dma_start3A_55 = tpu.memref_slice %arg7[%dma_start3A, %dma_start3A_54] : memref<2x128xi32, #tpu.memory_space<vmem>> -> memref<1x128xi32, #tpu.memory_space<vmem>>
      %dma_start3A_56 = tpu.memref_squeeze %dma_start3A_55 : memref<1x128xi32, #tpu.memory_space<vmem>> -> memref<128xi32, #tpu.memory_space<vmem>>
      %dma_start3A_57 = arith.constant 0 : i32
      %dma_start3A_58 = arith.constant 0 : i32
      %dma_start3A_59 = tpu.memref_slice %arg2[%dma_start3A_57, %dma_start3A_58] : memref<10000x128xf32, #tpu.memory_space<hbm>> -> memref<10000x128xf32, #tpu.memory_space<hbm>>
      tpu.enqueue_indirect_dma source(%dma_start3A_59 : memref<10000x128xf32, #tpu.memory_space<hbm>>) target(%dma_start3A_53 : memref<128x128xf32, #tpu.memory_space<vmem>>) offsets(%dma_start3A_56 : memref<128xi32, #tpu.memory_space<vmem>>) semaphore(%arg11 : memref<!tpu.dma_semaphore, #tpu.memory_space<semaphore_mem>>)
      %dma_start3A_60 = arith.constant 0 : i32
      %dma_start3A_61 = arith.constant 0 : i32
      %dma_start3A_62 = arith.constant 0 : i32
      %dma_start3A_63 = arith.constant 0 : i32
      %dma_start3A_64 = tpu.memref_slice %arg10[%dma_start3A_61, %dma_start3A_62, %dma_start3A_63] : memref<2x128x128xf32, #tpu.memory_space<vmem>> -> memref<1x128x128xf32, #tpu.memory_space<vmem>>
      %dma_start3A_65 = tpu.memref_squeeze %dma_start3A_64 : memref<1x128x128xf32, #tpu.memory_space<vmem>> -> memref<128x128xf32, #tpu.memory_space<vmem>>
      %dma_start3A_66 = arith.constant 0 : i32
      %dma_start3A_67 = tpu.memref_slice %arg8[%dma_start3A_60, %dma_start3A_66] : memref<2x128xi32, #tpu.memory_space<vmem>> -> memref<1x128xi32, #tpu.memory_space<vmem>>
      %dma_start3A_68 = tpu.memref_squeeze %dma_start3A_67 : memref<1x128xi32, #tpu.memory_space<vmem>> -> memref<128xi32, #tpu.memory_space<vmem>>
      %dma_start3A_69 = arith.constant 0 : i32
      %dma_start3A_70 = arith.constant 0 : i32
      %dma_start3A_71 = tpu.memref_slice %arg2[%dma_start3A_69, %dma_start3A_70] : memref<10000x128xf32, #tpu.memory_space<hbm>> -> memref<10000x128xf32, #tpu.memory_space<hbm>>
      tpu.enqueue_indirect_dma source(%dma_start3A_71 : memref<10000x128xf32, #tpu.memory_space<hbm>>) target(%dma_start3A_65 : memref<128x128xf32, #tpu.memory_space<vmem>>) offsets(%dma_start3A_68 : memref<128xi32, #tpu.memory_space<vmem>>) semaphore(%arg11 : memref<!tpu.dma_semaphore, #tpu.memory_space<semaphore_mem>>)
      %gt3A = arith.constant 0 : i32
      %gt3A_72 = arith.cmpi sgt, %scan3A_35, %gt3A : i32
      %convert_element_type3A = arith.extui %gt3A_72 : i1 to i32
      %cond3A = arith.constant 0 : i32
      %cond3A_73 = arith.cmpi ne, %convert_element_type3A, %cond3A : i32
      scf.if %cond3A_73 {
        %sub3A = arith.constant 1 : i32
        %sub3A_144 = arith.subi %mul3A_37, %sub3A : i32
        %mul3A_145 = arith.constant 32 : i32
        %mul3A_146 = arith.muli %sub3A_144, %mul3A_145 : i32
        %add3A_147 = arith.addi %add3A, %mul3A_146 : i32
        %min3A_148 = arith.constant 624 : i32
        %min3A_149 = arith.minsi %add3A_147, %min3A_148 : i32
        %mul3A_150 = arith.constant 128 : i32
        %mul3A_151 = arith.muli %min3A_149, %mul3A_150 : i32
        %dma_wait3A_152 = arith.constant 1 : i32
        %dma_wait3A_153 = arith.constant 1 : i32
        %dma_wait3A_154 = arith.constant 0 : i32
        %dma_wait3A_155 = arith.constant 0 : i32
        %dma_wait3A_156 = tpu.memref_slice %arg9[%dma_wait3A_153, %dma_wait3A_154, %dma_wait3A_155] : memref<2x128x128xf32, #tpu.memory_space<vmem>> -> memref<1x128x128xf32, #tpu.memory_space<vmem>>
        %dma_wait3A_157 = tpu.memref_squeeze %dma_wait3A_156 : memref<1x128x128xf32, #tpu.memory_space<vmem>> -> memref<128x128xf32, #tpu.memory_space<vmem>>
        %dma_wait3A_158 = arith.constant 0 : i32
        %dma_wait3A_159 = tpu.memref_slice %arg7[%dma_wait3A_152, %dma_wait3A_158] : memref<2x128xi32, #tpu.memory_space<vmem>> -> memref<1x128xi32, #tpu.memory_space<vmem>>
        %dma_wait3A_160 = tpu.memref_squeeze %dma_wait3A_159 : memref<1x128xi32, #tpu.memory_space<vmem>> -> memref<128xi32, #tpu.memory_space<vmem>>
        %dma_wait3A_161 = arith.constant 0 : i32
        %dma_wait3A_162 = arith.constant 0 : i32
        %dma_wait3A_163 = tpu.memref_slice %arg2[%dma_wait3A_161, %dma_wait3A_162] : memref<10000x128xf32, #tpu.memory_space<hbm>> -> memref<10000x128xf32, #tpu.memory_space<hbm>>
        tpu.wait_indirect_dma semaphore(%arg12 : memref<!tpu.dma_semaphore, #tpu.memory_space<semaphore_mem>>) src(%dma_wait3A_163 : memref<10000x128xf32, #tpu.memory_space<hbm>>) dst(%dma_wait3A_157 : memref<128x128xf32, #tpu.memory_space<vmem>>)
        %dma_wait3A_164 = arith.constant 1 : i32
        %dma_wait3A_165 = arith.constant 1 : i32
        %dma_wait3A_166 = arith.constant 0 : i32
        %dma_wait3A_167 = arith.constant 0 : i32
        %dma_wait3A_168 = tpu.memref_slice %arg10[%dma_wait3A_165, %dma_wait3A_166, %dma_wait3A_167] : memref<2x128x128xf32, #tpu.memory_space<vmem>> -> memref<1x128x128xf32, #tpu.memory_space<vmem>>
        %dma_wait3A_169 = tpu.memref_squeeze %dma_wait3A_168 : memref<1x128x128xf32, #tpu.memory_space<vmem>> -> memref<128x128xf32, #tpu.memory_space<vmem>>
        %dma_wait3A_170 = arith.constant 0 : i32
        %dma_wait3A_171 = tpu.memref_slice %arg8[%dma_wait3A_164, %dma_wait3A_170] : memref<2x128xi32, #tpu.memory_space<vmem>> -> memref<1x128xi32, #tpu.memory_space<vmem>>
        %dma_wait3A_172 = tpu.memref_squeeze %dma_wait3A_171 : memref<1x128xi32, #tpu.memory_space<vmem>> -> memref<128xi32, #tpu.memory_space<vmem>>
        %dma_wait3A_173 = arith.constant 0 : i32
        %dma_wait3A_174 = arith.constant 0 : i32
        %dma_wait3A_175 = tpu.memref_slice %arg2[%dma_wait3A_173, %dma_wait3A_174] : memref<10000x128xf32, #tpu.memory_space<hbm>> -> memref<10000x128xf32, #tpu.memory_space<hbm>>
        tpu.wait_indirect_dma semaphore(%arg12 : memref<!tpu.dma_semaphore, #tpu.memory_space<semaphore_mem>>) src(%dma_wait3A_175 : memref<10000x128xf32, #tpu.memory_space<hbm>>) dst(%dma_wait3A_169 : memref<128x128xf32, #tpu.memory_space<vmem>>)
        %run_scoped3A_176 = arith.constant 1 : i32
        "tpu.region"() ({
          %run_scoped3A_178 = tpu.sem_alloc : memref<!tpu.dma_semaphore, #tpu.memory_space<semaphore_mem>>
          %dma_start3A_179 = arith.constant 0 : i32
          %dma_start3A_180 = arith.constant 0 : i32
          %dma_start3A_181 = tpu.memref_slice %arg9[%run_scoped3A_176, %dma_start3A_179, %dma_start3A_180] : memref<2x128x128xf32, #tpu.memory_space<vmem>> -> memref<1x128x128xf32, #tpu.memory_space<vmem>>
          %dma_start3A_182 = tpu.memref_squeeze %dma_start3A_181 : memref<1x128x128xf32, #tpu.memory_space<vmem>> -> memref<128x128xf32, #tpu.memory_space<vmem>>
          %dma_start3A_183 = arith.constant 0 : i32
          %dma_start3A_184 = tpu.memref_slice %arg5[%mul3A_151, %dma_start3A_183] : memref<80000x128xf32, #tpu.memory_space<hbm>> -> memref<128x128xf32, #tpu.memory_space<hbm>>
          %dma_start3A_185 = arith.constant 0 : i32
          %dma_start3A_186 = tpu.memref_slice %arg5[%mul3A_151, %dma_start3A_185] : memref<80000x128xf32, #tpu.memory_space<hbm>> -> memref<128x128xf32, #tpu.memory_space<hbm>>
          %dma_start3A_187 = arith.constant 0 : i32
          %dma_start3A_188 = arith.constant 0 : i32
          %dma_start3A_189 = tpu.memref_slice %arg9[%run_scoped3A_176, %dma_start3A_187, %dma_start3A_188] : memref<2x128x128xf32, #tpu.memory_space<vmem>> -> memref<1x128x128xf32, #tpu.memory_space<vmem>>
          %dma_start3A_190 = tpu.memref_squeeze %dma_start3A_189 : memref<1x128x128xf32, #tpu.memory_space<vmem>> -> memref<128x128xf32, #tpu.memory_space<vmem>>
          tpu.enqueue_dma source(%dma_start3A_190 : memref<128x128xf32, #tpu.memory_space<vmem>>) target(%dma_start3A_186 : memref<128x128xf32, #tpu.memory_space<hbm>>) target_semaphore(%run_scoped3A_178 : memref<!tpu.dma_semaphore, #tpu.memory_space<semaphore_mem>>)
          %dma_wait3A_191 = arith.constant 0 : i32
          %dma_wait3A_192 = arith.constant 0 : i32
          %dma_wait3A_193 = tpu.memref_slice %arg9[%run_scoped3A_176, %dma_wait3A_191, %dma_wait3A_192] : memref<2x128x128xf32, #tpu.memory_space<vmem>> -> memref<1x128x128xf32, #tpu.memory_space<vmem>>
          %dma_wait3A_194 = tpu.memref_squeeze %dma_wait3A_193 : memref<1x128x128xf32, #tpu.memory_space<vmem>> -> memref<128x128xf32, #tpu.memory_space<vmem>>
          %dma_wait3A_195 = arith.constant 0 : i32
          %dma_wait3A_196 = tpu.memref_slice %arg5[%mul3A_151, %dma_wait3A_195] : memref<80000x128xf32, #tpu.memory_space<hbm>> -> memref<128x128xf32, #tpu.memory_space<hbm>>
          %dma_wait3A_197 = arith.constant 0 : i32
          %dma_wait3A_198 = tpu.memref_slice %arg5[%mul3A_151, %dma_wait3A_197] : memref<80000x128xf32, #tpu.memory_space<hbm>> -> memref<128x128xf32, #tpu.memory_space<hbm>>
          %dma_wait3A_199 = arith.constant 0 : i32
          %dma_wait3A_200 = arith.constant 0 : i32
          %dma_wait3A_201 = tpu.memref_slice %arg9[%run_scoped3A_176, %dma_wait3A_199, %dma_wait3A_200] : memref<2x128x128xf32, #tpu.memory_space<vmem>> -> memref<1x128x128xf32, #tpu.memory_space<vmem>>
          %dma_wait3A_202 = tpu.memref_squeeze %dma_wait3A_201 : memref<1x128x128xf32, #tpu.memory_space<vmem>> -> memref<128x128xf32, #tpu.memory_space<vmem>>
          tpu.wait_dma2 semaphore(%run_scoped3A_178 : memref<!tpu.dma_semaphore, #tpu.memory_space<semaphore_mem>>) src(%dma_wait3A_202 : memref<128x128xf32, #tpu.memory_space<vmem>>) dst(%dma_wait3A_198 : memref<128x128xf32, #tpu.memory_space<hbm>>)
          tpu.yield
        }) : () -> ()
        %run_scoped3A_177 = arith.constant 1 : i32
        "tpu.region"() ({
          %run_scoped3A_178 = tpu.sem_alloc : memref<!tpu.dma_semaphore, #tpu.memory_space<semaphore_mem>>
          %dma_start3A_179 = arith.constant 0 : i32
          %dma_start3A_180 = arith.constant 0 : i32
          %dma_start3A_181 = tpu.memref_slice %arg10[%run_scoped3A_177, %dma_start3A_179, %dma_start3A_180] : memref<2x128x128xf32, #tpu.memory_space<vmem>> -> memref<1x128x128xf32, #tpu.memory_space<vmem>>
          %dma_start3A_182 = tpu.memref_squeeze %dma_start3A_181 : memref<1x128x128xf32, #tpu.memory_space<vmem>> -> memref<128x128xf32, #tpu.memory_space<vmem>>
          %dma_start3A_183 = arith.constant 0 : i32
          %dma_start3A_184 = tpu.memref_slice %arg6[%mul3A_151, %dma_start3A_183] : memref<80000x128xf32, #tpu.memory_space<hbm>> -> memref<128x128xf32, #tpu.memory_space<hbm>>
          %dma_start3A_185 = arith.constant 0 : i32
          %dma_start3A_186 = tpu.memref_slice %arg6[%mul3A_151, %dma_start3A_185] : memref<80000x128xf32, #tpu.memory_space<hbm>> -> memref<128x128xf32, #tpu.memory_space<hbm>>
          %dma_start3A_187 = arith.constant 0 : i32
          %dma_start3A_188 = arith.constant 0 : i32
          %dma_start3A_189 = tpu.memref_slice %arg10[%run_scoped3A_177, %dma_start3A_187, %dma_start3A_188] : memref<2x128x128xf32, #tpu.memory_space<vmem>> -> memref<1x128x128xf32, #tpu.memory_space<vmem>>
          %dma_start3A_190 = tpu.memref_squeeze %dma_start3A_189 : memref<1x128x128xf32, #tpu.memory_space<vmem>> -> memref<128x128xf32, #tpu.memory_space<vmem>>
          tpu.enqueue_dma source(%dma_start3A_190 : memref<128x128xf32, #tpu.memory_space<vmem>>) target(%dma_start3A_186 : memref<128x128xf32, #tpu.memory_space<hbm>>) target_semaphore(%run_scoped3A_178 : memref<!tpu.dma_semaphore, #tpu.memory_space<semaphore_mem>>)
          %dma_wait3A_191 = arith.constant 0 : i32
          %dma_wait3A_192 = arith.constant 0 : i32
          %dma_wait3A_193 = tpu.memref_slice %arg10[%run_scoped3A_177, %dma_wait3A_191, %dma_wait3A_192] : memref<2x128x128xf32, #tpu.memory_space<vmem>> -> memref<1x128x128xf32, #tpu.memory_space<vmem>>
          %dma_wait3A_194 = tpu.memref_squeeze %dma_wait3A_193 : memref<1x128x128xf32, #tpu.memory_space<vmem>> -> memref<128x128xf32, #tpu.memory_space<vmem>>
          %dma_wait3A_195 = arith.constant 0 : i32
          %dma_wait3A_196 = tpu.memref_slice %arg6[%mul3A_151, %dma_wait3A_195] : memref<80000x128xf32, #tpu.memory_space<hbm>> -> memref<128x128xf32, #tpu.memory_space<hbm>>
          %dma_wait3A_197 = arith.constant 0 : i32
          %dma_wait3A_198 = tpu.memref_slice %arg6[%mul3A_151, %dma_wait3A_197] : memref<80000x128xf32, #tpu.memory_space<hbm>> -> memref<128x128xf32, #tpu.memory_space<hbm>>
          %dma_wait3A_199 = arith.constant 0 : i32
          %dma_wait3A_200 = arith.constant 0 : i32
          %dma_wait3A_201 = tpu.memref_slice %arg10[%run_scoped3A_177, %dma_wait3A_199, %dma_wait3A_200] : memref<2x128x128xf32, #tpu.memory_space<vmem>> -> memref<1x128x128xf32, #tpu.memory_space<vmem>>
          %dma_wait3A_202 = tpu.memref_squeeze %dma_wait3A_201 : memref<1x128x128xf32, #tpu.memory_space<vmem>> -> memref<128x128xf32, #tpu.memory_space<vmem>>
          tpu.wait_dma2 semaphore(%run_scoped3A_178 : memref<!tpu.dma_semaphore, #tpu.memory_space<semaphore_mem>>) src(%dma_wait3A_202 : memref<128x128xf32, #tpu.memory_space<vmem>>) dst(%dma_wait3A_198 : memref<128x128xf32, #tpu.memory_space<hbm>>)
          tpu.yield
        }) : () -> ()
      } else {
      }
      %add3A_74 = arith.constant 1 : i32
      %add3A_75 = arith.addi %mul3A_37, %add3A_74 : i32
      %mul3A_76 = arith.constant 32 : i32
      %mul3A_77 = arith.muli %add3A_75, %mul3A_76 : i32
      %add3A_78 = arith.addi %add3A, %mul3A_77 : i32
      %min3A_79 = arith.constant 624 : i32
      %min3A_80 = arith.minsi %add3A_78, %min3A_79 : i32
      %add3A_81 = arith.constant 0 : i32
      %add3A_82 = arith.addi %min3A_80, %add3A_81 : i32
      %mul3A_83 = arith.constant 128 : i32
      %mul3A_84 = arith.muli %add3A_82, %mul3A_83 : i32
      %run_scoped3A_85 = arith.constant 1 : i32
      "tpu.region"() ({
        %run_scoped3A_144 = tpu.sem_alloc : memref<!tpu.dma_semaphore, #tpu.memory_space<semaphore_mem>>
        %dma_start3A_145 = arith.constant 0 : i32
        %dma_start3A_146 = tpu.memref_slice %arg7[%run_scoped3A_85, %dma_start3A_145] : memref<2x128xi32, #tpu.memory_space<vmem>> -> memref<1x128xi32, #tpu.memory_space<vmem>>
        %dma_start3A_147 = tpu.memref_squeeze %dma_start3A_146 : memref<1x128xi32, #tpu.memory_space<vmem>> -> memref<128xi32, #tpu.memory_space<vmem>>
        %dma_start3A_148 = tpu.memref_slice %arg3[%mul3A_84] : memref<160000xi32, #tpu.memory_space<hbm>> -> memref<128xi32, #tpu.memory_space<hbm>>
        %dma_start3A_149 = arith.constant 0 : i32
        %dma_start3A_150 = tpu.memref_slice %arg7[%run_scoped3A_85, %dma_start3A_149] : memref<2x128xi32, #tpu.memory_space<vmem>> -> memref<1x128xi32, #tpu.memory_space<vmem>>
        %dma_start3A_151 = tpu.memref_squeeze %dma_start3A_150 : memref<1x128xi32, #tpu.memory_space<vmem>> -> memref<128xi32, #tpu.memory_space<vmem>>
        %dma_start3A_152 = tpu.memref_slice %arg3[%mul3A_84] : memref<160000xi32, #tpu.memory_space<hbm>> -> memref<128xi32, #tpu.memory_space<hbm>>
        tpu.enqueue_dma source(%dma_start3A_152 : memref<128xi32, #tpu.memory_space<hbm>>) target(%dma_start3A_151 : memref<128xi32, #tpu.memory_space<vmem>>) target_semaphore(%run_scoped3A_144 : memref<!tpu.dma_semaphore, #tpu.memory_space<semaphore_mem>>)
        %dma_wait3A_153 = arith.constant 0 : i32
        %dma_wait3A_154 = tpu.memref_slice %arg7[%run_scoped3A_85, %dma_wait3A_153] : memref<2x128xi32, #tpu.memory_space<vmem>> -> memref<1x128xi32, #tpu.memory_space<vmem>>
        %dma_wait3A_155 = tpu.memref_squeeze %dma_wait3A_154 : memref<1x128xi32, #tpu.memory_space<vmem>> -> memref<128xi32, #tpu.memory_space<vmem>>
        %dma_wait3A_156 = tpu.memref_slice %arg3[%mul3A_84] : memref<160000xi32, #tpu.memory_space<hbm>> -> memref<128xi32, #tpu.memory_space<hbm>>
        %dma_wait3A_157 = arith.constant 0 : i32
        %dma_wait3A_158 = tpu.memref_slice %arg7[%run_scoped3A_85, %dma_wait3A_157] : memref<2x128xi32, #tpu.memory_space<vmem>> -> memref<1x128xi32, #tpu.memory_space<vmem>>
        %dma_wait3A_159 = tpu.memref_squeeze %dma_wait3A_158 : memref<1x128xi32, #tpu.memory_space<vmem>> -> memref<128xi32, #tpu.memory_space<vmem>>
        %dma_wait3A_160 = tpu.memref_slice %arg3[%mul3A_84] : memref<160000xi32, #tpu.memory_space<hbm>> -> memref<128xi32, #tpu.memory_space<hbm>>
        tpu.wait_dma2 semaphore(%run_scoped3A_144 : memref<!tpu.dma_semaphore, #tpu.memory_space<semaphore_mem>>) src(%dma_wait3A_160 : memref<128xi32, #tpu.memory_space<hbm>>) dst(%dma_wait3A_159 : memref<128xi32, #tpu.memory_space<vmem>>)
        tpu.yield
      }) : () -> ()
      %run_scoped3A_86 = arith.constant 1 : i32
      "tpu.region"() ({
        %run_scoped3A_144 = tpu.sem_alloc : memref<!tpu.dma_semaphore, #tpu.memory_space<semaphore_mem>>
        %dma_start3A_145 = arith.constant 0 : i32
        %dma_start3A_146 = tpu.memref_slice %arg8[%run_scoped3A_86, %dma_start3A_145] : memref<2x128xi32, #tpu.memory_space<vmem>> -> memref<1x128xi32, #tpu.memory_space<vmem>>
        %dma_start3A_147 = tpu.memref_squeeze %dma_start3A_146 : memref<1x128xi32, #tpu.memory_space<vmem>> -> memref<128xi32, #tpu.memory_space<vmem>>
        %dma_start3A_148 = tpu.memref_slice %arg4[%mul3A_84] : memref<160000xi32, #tpu.memory_space<hbm>> -> memref<128xi32, #tpu.memory_space<hbm>>
        %dma_start3A_149 = arith.constant 0 : i32
        %dma_start3A_150 = tpu.memref_slice %arg8[%run_scoped3A_86, %dma_start3A_149] : memref<2x128xi32, #tpu.memory_space<vmem>> -> memref<1x128xi32, #tpu.memory_space<vmem>>
        %dma_start3A_151 = tpu.memref_squeeze %dma_start3A_150 : memref<1x128xi32, #tpu.memory_space<vmem>> -> memref<128xi32, #tpu.memory_space<vmem>>
        %dma_start3A_152 = tpu.memref_slice %arg4[%mul3A_84] : memref<160000xi32, #tpu.memory_space<hbm>> -> memref<128xi32, #tpu.memory_space<hbm>>
        tpu.enqueue_dma source(%dma_start3A_152 : memref<128xi32, #tpu.memory_space<hbm>>) target(%dma_start3A_151 : memref<128xi32, #tpu.memory_space<vmem>>) target_semaphore(%run_scoped3A_144 : memref<!tpu.dma_semaphore, #tpu.memory_space<semaphore_mem>>)
        %dma_wait3A_153 = arith.constant 0 : i32
        %dma_wait3A_154 = tpu.memref_slice %arg8[%run_scoped3A_86, %dma_wait3A_153] : memref<2x128xi32, #tpu.memory_space<vmem>> -> memref<1x128xi32, #tpu.memory_space<vmem>>
        %dma_wait3A_155 = tpu.memref_squeeze %dma_wait3A_154 : memref<1x128xi32, #tpu.memory_space<vmem>> -> memref<128xi32, #tpu.memory_space<vmem>>
        %dma_wait3A_156 = tpu.memref_slice %arg4[%mul3A_84] : memref<160000xi32, #tpu.memory_space<hbm>> -> memref<128xi32, #tpu.memory_space<hbm>>
        %dma_wait3A_157 = arith.constant 0 : i32
        %dma_wait3A_158 = tpu.memref_slice %arg8[%run_scoped3A_86, %dma_wait3A_157] : memref<2x128xi32, #tpu.memory_space<vmem>> -> memref<1x128xi32, #tpu.memory_space<vmem>>
        %dma_wait3A_159 = tpu.memref_squeeze %dma_wait3A_158 : memref<1x128xi32, #tpu.memory_space<vmem>> -> memref<128xi32, #tpu.memory_space<vmem>>
        %dma_wait3A_160 = tpu.memref_slice %arg4[%mul3A_84] : memref<160000xi32, #tpu.memory_space<hbm>> -> memref<128xi32, #tpu.memory_space<hbm>>
        tpu.wait_dma2 semaphore(%run_scoped3A_144 : memref<!tpu.dma_semaphore, #tpu.memory_space<semaphore_mem>>) src(%dma_wait3A_160 : memref<128xi32, #tpu.memory_space<hbm>>) dst(%dma_wait3A_159 : memref<128xi32, #tpu.memory_space<vmem>>)
        tpu.yield
      }) : () -> ()
      %dma_start3A_87 = arith.constant 1 : i32
      %dma_start3A_88 = arith.constant 1 : i32
      %dma_start3A_89 = arith.constant 0 : i32
      %dma_start3A_90 = arith.constant 0 : i32
      %dma_start3A_91 = tpu.memref_slice %arg9[%dma_start3A_88, %dma_start3A_89, %dma_start3A_90] : memref<2x128x128xf32, #tpu.memory_space<vmem>> -> memref<1x128x128xf32, #tpu.memory_space<vmem>>
      %dma_start3A_92 = tpu.memref_squeeze %dma_start3A_91 : memref<1x128x128xf32, #tpu.memory_space<vmem>> -> memref<128x128xf32, #tpu.memory_space<vmem>>
      %dma_start3A_93 = arith.constant 0 : i32
      %dma_start3A_94 = tpu.memref_slice %arg7[%dma_start3A_87, %dma_start3A_93] : memref<2x128xi32, #tpu.memory_space<vmem>> -> memref<1x128xi32, #tpu.memory_space<vmem>>
      %dma_start3A_95 = tpu.memref_squeeze %dma_start3A_94 : memref<1x128xi32, #tpu.memory_space<vmem>> -> memref<128xi32, #tpu.memory_space<vmem>>
      %dma_start3A_96 = arith.constant 0 : i32
      %dma_start3A_97 = arith.constant 0 : i32
      %dma_start3A_98 = tpu.memref_slice %arg2[%dma_start3A_96, %dma_start3A_97] : memref<10000x128xf32, #tpu.memory_space<hbm>> -> memref<10000x128xf32, #tpu.memory_space<hbm>>
      tpu.enqueue_indirect_dma source(%dma_start3A_98 : memref<10000x128xf32, #tpu.memory_space<hbm>>) target(%dma_start3A_92 : memref<128x128xf32, #tpu.memory_space<vmem>>) offsets(%dma_start3A_95 : memref<128xi32, #tpu.memory_space<vmem>>) semaphore(%arg12 : memref<!tpu.dma_semaphore, #tpu.memory_space<semaphore_mem>>)
      %dma_start3A_99 = arith.constant 1 : i32
      %dma_start3A_100 = arith.constant 1 : i32
      %dma_start3A_101 = arith.constant 0 : i32
      %dma_start3A_102 = arith.constant 0 : i32
      %dma_start3A_103 = tpu.memref_slice %arg10[%dma_start3A_100, %dma_start3A_101, %dma_start3A_102] : memref<2x128x128xf32, #tpu.memory_space<vmem>> -> memref<1x128x128xf32, #tpu.memory_space<vmem>>
      %dma_start3A_104 = tpu.memref_squeeze %dma_start3A_103 : memref<1x128x128xf32, #tpu.memory_space<vmem>> -> memref<128x128xf32, #tpu.memory_space<vmem>>
      %dma_start3A_105 = arith.constant 0 : i32
      %dma_start3A_106 = tpu.memref_slice %arg8[%dma_start3A_99, %dma_start3A_105] : memref<2x128xi32, #tpu.memory_space<vmem>> -> memref<1x128xi32, #tpu.memory_space<vmem>>
      %dma_start3A_107 = tpu.memref_squeeze %dma_start3A_106 : memref<1x128xi32, #tpu.memory_space<vmem>> -> memref<128xi32, #tpu.memory_space<vmem>>
      %dma_start3A_108 = arith.constant 0 : i32
      %dma_start3A_109 = arith.constant 0 : i32
      %dma_start3A_110 = tpu.memref_slice %arg2[%dma_start3A_108, %dma_start3A_109] : memref<10000x128xf32, #tpu.memory_space<hbm>> -> memref<10000x128xf32, #tpu.memory_space<hbm>>
      tpu.enqueue_indirect_dma source(%dma_start3A_110 : memref<10000x128xf32, #tpu.memory_space<hbm>>) target(%dma_start3A_104 : memref<128x128xf32, #tpu.memory_space<vmem>>) offsets(%dma_start3A_107 : memref<128xi32, #tpu.memory_space<vmem>>) semaphore(%arg12 : memref<!tpu.dma_semaphore, #tpu.memory_space<semaphore_mem>>)
      %mul3A_111 = arith.constant 32 : i32
      %mul3A_112 = arith.muli %mul3A_37, %mul3A_111 : i32
      %add3A_113 = arith.addi %add3A, %mul3A_112 : i32
      %min3A_114 = arith.constant 624 : i32
      %min3A_115 = arith.minsi %add3A_113, %min3A_114 : i32
      %mul3A_116 = arith.constant 128 : i32
      %mul3A_117 = arith.muli %min3A_115, %mul3A_116 : i32
      %dma_wait3A_118 = arith.constant 0 : i32
      %dma_wait3A_119 = arith.constant 0 : i32
      %dma_wait3A_120 = arith.constant 0 : i32
      %dma_wait3A_121 = arith.constant 0 : i32
      %dma_wait3A_122 = tpu.memref_slice %arg9[%dma_wait3A_119, %dma_wait3A_120, %dma_wait3A_121] : memref<2x128x128xf32, #tpu.memory_space<vmem>> -> memref<1x128x128xf32, #tpu.memory_space<vmem>>
      %dma_wait3A_123 = tpu.memref_squeeze %dma_wait3A_122 : memref<1x128x128xf32, #tpu.memory_space<vmem>> -> memref<128x128xf32, #tpu.memory_space<vmem>>
      %dma_wait3A_124 = arith.constant 0 : i32
      %dma_wait3A_125 = tpu.memref_slice %arg7[%dma_wait3A_118, %dma_wait3A_124] : memref<2x128xi32, #tpu.memory_space<vmem>> -> memref<1x128xi32, #tpu.memory_space<vmem>>
      %dma_wait3A_126 = tpu.memref_squeeze %dma_wait3A_125 : memref<1x128xi32, #tpu.memory_space<vmem>> -> memref<128xi32, #tpu.memory_space<vmem>>
      %dma_wait3A_127 = arith.constant 0 : i32
      %dma_wait3A_128 = arith.constant 0 : i32
      %dma_wait3A_129 = tpu.memref_slice %arg2[%dma_wait3A_127, %dma_wait3A_128] : memref<10000x128xf32, #tpu.memory_space<hbm>> -> memref<10000x128xf32, #tpu.memory_space<hbm>>
      tpu.wait_indirect_dma semaphore(%arg11 : memref<!tpu.dma_semaphore, #tpu.memory_space<semaphore_mem>>) src(%dma_wait3A_129 : memref<10000x128xf32, #tpu.memory_space<hbm>>) dst(%dma_wait3A_123 : memref<128x128xf32, #tpu.memory_space<vmem>>)
      %dma_wait3A_130 = arith.constant 0 : i32
      %dma_wait3A_131 = arith.constant 0 : i32
      %dma_wait3A_132 = arith.constant 0 : i32
      %dma_wait3A_133 = arith.constant 0 : i32
      %dma_wait3A_134 = tpu.memref_slice %arg10[%dma_wait3A_131, %dma_wait3A_132, %dma_wait3A_133] : memref<2x128x128xf32, #tpu.memory_space<vmem>> -> memref<1x128x128xf32, #tpu.memory_space<vmem>>
      %dma_wait3A_135 = tpu.memref_squeeze %dma_wait3A_134 : memref<1x128x128xf32, #tpu.memory_space<vmem>> -> memref<128x128xf32, #tpu.memory_space<vmem>>
      %dma_wait3A_136 = arith.constant 0 : i32
      %dma_wait3A_137 = tpu.memref_slice %arg8[%dma_wait3A_130, %dma_wait3A_136] : memref<2x128xi32, #tpu.memory_space<vmem>> -> memref<1x128xi32, #tpu.memory_space<vmem>>
      %dma_wait3A_138 = tpu.memref_squeeze %dma_wait3A_137 : memref<1x128xi32, #tpu.memory_space<vmem>> -> memref<128xi32, #tpu.memory_space<vmem>>
      %dma_wait3A_139 = arith.constant 0 : i32
      %dma_wait3A_140 = arith.constant 0 : i32
      %dma_wait3A_141 = tpu.memref_slice %arg2[%dma_wait3A_139, %dma_wait3A_140] : memref<10000x128xf32, #tpu.memory_space<hbm>> -> memref<10000x128xf32, #tpu.memory_space<hbm>>
      tpu.wait_indirect_dma semaphore(%arg11 : memref<!tpu.dma_semaphore, #tpu.memory_space<semaphore_mem>>) src(%dma_wait3A_141 : memref<10000x128xf32, #tpu.memory_space<hbm>>) dst(%dma_wait3A_135 : memref<128x128xf32, #tpu.memory_space<vmem>>)
      %run_scoped3A_142 = arith.constant 0 : i32
      "tpu.region"() ({
        %run_scoped3A_144 = tpu.sem_alloc : memref<!tpu.dma_semaphore, #tpu.memory_space<semaphore_mem>>
        %dma_start3A_145 = arith.constant 0 : i32
        %dma_start3A_146 = arith.constant 0 : i32
        %dma_start3A_147 = tpu.memref_slice %arg9[%run_scoped3A_142, %dma_start3A_145, %dma_start3A_146] : memref<2x128x128xf32, #tpu.memory_space<vmem>> -> memref<1x128x128xf32, #tpu.memory_space<vmem>>
        %dma_start3A_148 = tpu.memref_squeeze %dma_start3A_147 : memref<1x128x128xf32, #tpu.memory_space<vmem>> -> memref<128x128xf32, #tpu.memory_space<vmem>>
        %dma_start3A_149 = arith.constant 0 : i32
        %dma_start3A_150 = tpu.memref_slice %arg5[%mul3A_117, %dma_start3A_149] : memref<80000x128xf32, #tpu.memory_space<hbm>> -> memref<128x128xf32, #tpu.memory_space<hbm>>
        %dma_start3A_151 = arith.constant 0 : i32
        %dma_start3A_152 = tpu.memref_slice %arg5[%mul3A_117, %dma_start3A_151] : memref<80000x128xf32, #tpu.memory_space<hbm>> -> memref<128x128xf32, #tpu.memory_space<hbm>>
        %dma_start3A_153 = arith.constant 0 : i32
        %dma_start3A_154 = arith.constant 0 : i32
        %dma_start3A_155 = tpu.memref_slice %arg9[%run_scoped3A_142, %dma_start3A_153, %dma_start3A_154] : memref<2x128x128xf32, #tpu.memory_space<vmem>> -> memref<1x128x128xf32, #tpu.memory_space<vmem>>
        %dma_start3A_156 = tpu.memref_squeeze %dma_start3A_155 : memref<1x128x128xf32, #tpu.memory_space<vmem>> -> memref<128x128xf32, #tpu.memory_space<vmem>>
        tpu.enqueue_dma source(%dma_start3A_156 : memref<128x128xf32, #tpu.memory_space<vmem>>) target(%dma_start3A_152 : memref<128x128xf32, #tpu.memory_space<hbm>>) target_semaphore(%run_scoped3A_144 : memref<!tpu.dma_semaphore, #tpu.memory_space<semaphore_mem>>)
        %dma_wait3A_157 = arith.constant 0 : i32
        %dma_wait3A_158 = arith.constant 0 : i32
        %dma_wait3A_159 = tpu.memref_slice %arg9[%run_scoped3A_142, %dma_wait3A_157, %dma_wait3A_158] : memref<2x128x128xf32, #tpu.memory_space<vmem>> -> memref<1x128x128xf32, #tpu.memory_space<vmem>>
        %dma_wait3A_160 = tpu.memref_squeeze %dma_wait3A_159 : memref<1x128x128xf32, #tpu.memory_space<vmem>> -> memref<128x128xf32, #tpu.memory_space<vmem>>
        %dma_wait3A_161 = arith.constant 0 : i32
        %dma_wait3A_162 = tpu.memref_slice %arg5[%mul3A_117, %dma_wait3A_161] : memref<80000x128xf32, #tpu.memory_space<hbm>> -> memref<128x128xf32, #tpu.memory_space<hbm>>
        %dma_wait3A_163 = arith.constant 0 : i32
        %dma_wait3A_164 = tpu.memref_slice %arg5[%mul3A_117, %dma_wait3A_163] : memref<80000x128xf32, #tpu.memory_space<hbm>> -> memref<128x128xf32, #tpu.memory_space<hbm>>
        %dma_wait3A_165 = arith.constant 0 : i32
        %dma_wait3A_166 = arith.constant 0 : i32
        %dma_wait3A_167 = tpu.memref_slice %arg9[%run_scoped3A_142, %dma_wait3A_165, %dma_wait3A_166] : memref<2x128x128xf32, #tpu.memory_space<vmem>> -> memref<1x128x128xf32, #tpu.memory_space<vmem>>
        %dma_wait3A_168 = tpu.memref_squeeze %dma_wait3A_167 : memref<1x128x128xf32, #tpu.memory_space<vmem>> -> memref<128x128xf32, #tpu.memory_space<vmem>>
        tpu.wait_dma2 semaphore(%run_scoped3A_144 : memref<!tpu.dma_semaphore, #tpu.memory_space<semaphore_mem>>) src(%dma_wait3A_168 : memref<128x128xf32, #tpu.memory_space<vmem>>) dst(%dma_wait3A_164 : memref<128x128xf32, #tpu.memory_space<hbm>>)
        tpu.yield
      }) : () -> ()
      %run_scoped3A_143 = arith.constant 0 : i32
      "tpu.region"() ({
        %run_scoped3A_144 = tpu.sem_alloc : memref<!tpu.dma_semaphore, #tpu.memory_space<semaphore_mem>>
        %dma_start3A_145 = arith.constant 0 : i32
        %dma_start3A_146 = arith.constant 0 : i32
        %dma_start3A_147 = tpu.memref_slice %arg10[%run_scoped3A_143, %dma_start3A_145, %dma_start3A_146] : memref<2x128x128xf32, #tpu.memory_space<vmem>> -> memref<1x128x128xf32, #tpu.memory_space<vmem>>
        %dma_start3A_148 = tpu.memref_squeeze %dma_start3A_147 : memref<1x128x128xf32, #tpu.memory_space<vmem>> -> memref<128x128xf32, #tpu.memory_space<vmem>>
        %dma_start3A_149 = arith.constant 0 : i32
        %dma_start3A_150 = tpu.memref_slice %arg6[%mul3A_117, %dma_start3A_149] : memref<80000x128xf32, #tpu.memory_space<hbm>> -> memref<128x128xf32, #tpu.memory_space<hbm>>
        %dma_start3A_151 = arith.constant 0 : i32
        %dma_start3A_152 = tpu.memref_slice %arg6[%mul3A_117, %dma_start3A_151] : memref<80000x128xf32, #tpu.memory_space<hbm>> -> memref<128x128xf32, #tpu.memory_space<hbm>>
        %dma_start3A_153 = arith.constant 0 : i32
        %dma_start3A_154 = arith.constant 0 : i32
        %dma_start3A_155 = tpu.memref_slice %arg10[%run_scoped3A_143, %dma_start3A_153, %dma_start3A_154] : memref<2x128x128xf32, #tpu.memory_space<vmem>> -> memref<1x128x128xf32, #tpu.memory_space<vmem>>
        %dma_start3A_156 = tpu.memref_squeeze %dma_start3A_155 : memref<1x128x128xf32, #tpu.memory_space<vmem>> -> memref<128x128xf32, #tpu.memory_space<vmem>>
        tpu.enqueue_dma source(%dma_start3A_156 : memref<128x128xf32, #tpu.memory_space<vmem>>) target(%dma_start3A_152 : memref<128x128xf32, #tpu.memory_space<hbm>>) target_semaphore(%run_scoped3A_144 : memref<!tpu.dma_semaphore, #tpu.memory_space<semaphore_mem>>)
        %dma_wait3A_157 = arith.constant 0 : i32
        %dma_wait3A_158 = arith.constant 0 : i32
        %dma_wait3A_159 = tpu.memref_slice %arg10[%run_scoped3A_143, %dma_wait3A_157, %dma_wait3A_158] : memref<2x128x128xf32, #tpu.memory_space<vmem>> -> memref<1x128x128xf32, #tpu.memory_space<vmem>>
        %dma_wait3A_160 = tpu.memref_squeeze %dma_wait3A_159 : memref<1x128x128xf32, #tpu.memory_space<vmem>> -> memref<128x128xf32, #tpu.memory_space<vmem>>
        %dma_wait3A_161 = arith.constant 0 : i32
        %dma_wait3A_162 = tpu.memref_slice %arg6[%mul3A_117, %dma_wait3A_161] : memref<80000x128xf32, #tpu.memory_space<hbm>> -> memref<128x128xf32, #tpu.memory_space<hbm>>
        %dma_wait3A_163 = arith.constant 0 : i32
        %dma_wait3A_164 = tpu.memref_slice %arg6[%mul3A_117, %dma_wait3A_163] : memref<80000x128xf32, #tpu.memory_space<hbm>> -> memref<128x128xf32, #tpu.memory_space<hbm>>
        %dma_wait3A_165 = arith.constant 0 : i32
        %dma_wait3A_166 = arith.constant 0 : i32
        %dma_wait3A_167 = tpu.memref_slice %arg10[%run_scoped3A_143, %dma_wait3A_165, %dma_wait3A_166] : memref<2x128x128xf32, #tpu.memory_space<vmem>> -> memref<1x128x128xf32, #tpu.memory_space<vmem>>
        %dma_wait3A_168 = tpu.memref_squeeze %dma_wait3A_167 : memref<1x128x128xf32, #tpu.memory_space<vmem>> -> memref<128x128xf32, #tpu.memory_space<vmem>>
        tpu.wait_dma2 semaphore(%run_scoped3A_144 : memref<!tpu.dma_semaphore, #tpu.memory_space<semaphore_mem>>) src(%dma_wait3A_168 : memref<128x128xf32, #tpu.memory_space<vmem>>) dst(%dma_wait3A_164 : memref<128x128xf32, #tpu.memory_space<hbm>>)
        tpu.yield
      }) : () -> ()
    }
    %scan3A_5 = arith.constant 10 : i32
    %add3A_6 = arith.constant 608 : i32
    %add3A_7 = arith.addi %add3A, %add3A_6 : i32
    %min3A = arith.constant 624 : i32
    %min3A_8 = arith.minsi %add3A_7, %min3A : i32
    %mul3A_9 = arith.constant 128 : i32
    %mul3A_10 = arith.muli %min3A_8, %mul3A_9 : i32
    %dma_wait3A = arith.constant 1 : i32
    %dma_wait3A_11 = arith.constant 1 : i32
    %dma_wait3A_12 = arith.constant 0 : i32
    %dma_wait3A_13 = arith.constant 0 : i32
    %dma_wait3A_14 = tpu.memref_slice %arg9[%dma_wait3A_11, %dma_wait3A_12, %dma_wait3A_13] : memref<2x128x128xf32, #tpu.memory_space<vmem>> -> memref<1x128x128xf32, #tpu.memory_space<vmem>>
    %dma_wait3A_15 = tpu.memref_squeeze %dma_wait3A_14 : memref<1x128x128xf32, #tpu.memory_space<vmem>> -> memref<128x128xf32, #tpu.memory_space<vmem>>
    %dma_wait3A_16 = arith.constant 0 : i32
    %dma_wait3A_17 = tpu.memref_slice %arg7[%dma_wait3A, %dma_wait3A_16] : memref<2x128xi32, #tpu.memory_space<vmem>> -> memref<1x128xi32, #tpu.memory_space<vmem>>
    %dma_wait3A_18 = tpu.memref_squeeze %dma_wait3A_17 : memref<1x128xi32, #tpu.memory_space<vmem>> -> memref<128xi32, #tpu.memory_space<vmem>>
    %dma_wait3A_19 = arith.constant 0 : i32
    %dma_wait3A_20 = arith.constant 0 : i32
    %dma_wait3A_21 = tpu.memref_slice %arg2[%dma_wait3A_19, %dma_wait3A_20] : memref<10000x128xf32, #tpu.memory_space<hbm>> -> memref<10000x128xf32, #tpu.memory_space<hbm>>
    tpu.wait_indirect_dma semaphore(%arg12 : memref<!tpu.dma_semaphore, #tpu.memory_space<semaphore_mem>>) src(%dma_wait3A_21 : memref<10000x128xf32, #tpu.memory_space<hbm>>) dst(%dma_wait3A_15 : memref<128x128xf32, #tpu.memory_space<vmem>>)
    %dma_wait3A_22 = arith.constant 1 : i32
    %dma_wait3A_23 = arith.constant 1 : i32
    %dma_wait3A_24 = arith.constant 0 : i32
    %dma_wait3A_25 = arith.constant 0 : i32
    %dma_wait3A_26 = tpu.memref_slice %arg10[%dma_wait3A_23, %dma_wait3A_24, %dma_wait3A_25] : memref<2x128x128xf32, #tpu.memory_space<vmem>> -> memref<1x128x128xf32, #tpu.memory_space<vmem>>
    %dma_wait3A_27 = tpu.memref_squeeze %dma_wait3A_26 : memref<1x128x128xf32, #tpu.memory_space<vmem>> -> memref<128x128xf32, #tpu.memory_space<vmem>>
    %dma_wait3A_28 = arith.constant 0 : i32
    %dma_wait3A_29 = tpu.memref_slice %arg8[%dma_wait3A_22, %dma_wait3A_28] : memref<2x128xi32, #tpu.memory_space<vmem>> -> memref<1x128xi32, #tpu.memory_space<vmem>>
    %dma_wait3A_30 = tpu.memref_squeeze %dma_wait3A_29 : memref<1x128xi32, #tpu.memory_space<vmem>> -> memref<128xi32, #tpu.memory_space<vmem>>
    %dma_wait3A_31 = arith.constant 0 : i32
    %dma_wait3A_32 = arith.constant 0 : i32
    %dma_wait3A_33 = tpu.memref_slice %arg2[%dma_wait3A_31, %dma_wait3A_32] : memref<10000x128xf32, #tpu.memory_space<hbm>> -> memref<10000x128xf32, #tpu.memory_space<hbm>>
    tpu.wait_indirect_dma semaphore(%arg12 : memref<!tpu.dma_semaphore, #tpu.memory_space<semaphore_mem>>) src(%dma_wait3A_33 : memref<10000x128xf32, #tpu.memory_space<hbm>>) dst(%dma_wait3A_27 : memref<128x128xf32, #tpu.memory_space<vmem>>)
    %run_scoped3A = arith.constant 1 : i32
    "tpu.region"() ({
      %run_scoped3A_35 = tpu.sem_alloc : memref<!tpu.dma_semaphore, #tpu.memory_space<semaphore_mem>>
      %dma_start3A = arith.constant 0 : i32
      %dma_start3A_36 = arith.constant 0 : i32
      %dma_start3A_37 = tpu.memref_slice %arg9[%run_scoped3A, %dma_start3A, %dma_start3A_36] : memref<2x128x128xf32, #tpu.memory_space<vmem>> -> memref<1x128x128xf32, #tpu.memory_space<vmem>>
      %dma_start3A_38 = tpu.memref_squeeze %dma_start3A_37 : memref<1x128x128xf32, #tpu.memory_space<vmem>> -> memref<128x128xf32, #tpu.memory_space<vmem>>
      %dma_start3A_39 = arith.constant 0 : i32
      %dma_start3A_40 = tpu.memref_slice %arg5[%mul3A_10, %dma_start3A_39] : memref<80000x128xf32, #tpu.memory_space<hbm>> -> memref<128x128xf32, #tpu.memory_space<hbm>>
      %dma_start3A_41 = arith.constant 0 : i32
      %dma_start3A_42 = tpu.memref_slice %arg5[%mul3A_10, %dma_start3A_41] : memref<80000x128xf32, #tpu.memory_space<hbm>> -> memref<128x128xf32, #tpu.memory_space<hbm>>
      %dma_start3A_43 = arith.constant 0 : i32
      %dma_start3A_44 = arith.constant 0 : i32
      %dma_start3A_45 = tpu.memref_slice %arg9[%run_scoped3A, %dma_start3A_43, %dma_start3A_44] : memref<2x128x128xf32, #tpu.memory_space<vmem>> -> memref<1x128x128xf32, #tpu.memory_space<vmem>>
      %dma_start3A_46 = tpu.memref_squeeze %dma_start3A_45 : memref<1x128x128xf32, #tpu.memory_space<vmem>> -> memref<128x128xf32, #tpu.memory_space<vmem>>
      tpu.enqueue_dma source(%dma_start3A_46 : memref<128x128xf32, #tpu.memory_space<vmem>>) target(%dma_start3A_42 : memref<128x128xf32, #tpu.memory_space<hbm>>) target_semaphore(%run_scoped3A_35 : memref<!tpu.dma_semaphore, #tpu.memory_space<semaphore_mem>>)
      %dma_wait3A_47 = arith.constant 0 : i32
      %dma_wait3A_48 = arith.constant 0 : i32
      %dma_wait3A_49 = tpu.memref_slice %arg9[%run_scoped3A, %dma_wait3A_47, %dma_wait3A_48] : memref<2x128x128xf32, #tpu.memory_space<vmem>> -> memref<1x128x128xf32, #tpu.memory_space<vmem>>
      %dma_wait3A_50 = tpu.memref_squeeze %dma_wait3A_49 : memref<1x128x128xf32, #tpu.memory_space<vmem>> -> memref<128x128xf32, #tpu.memory_space<vmem>>
      %dma_wait3A_51 = arith.constant 0 : i32
      %dma_wait3A_52 = tpu.memref_slice %arg5[%mul3A_10, %dma_wait3A_51] : memref<80000x128xf32, #tpu.memory_space<hbm>> -> memref<128x128xf32, #tpu.memory_space<hbm>>
      %dma_wait3A_53 = arith.constant 0 : i32
      %dma_wait3A_54 = tpu.memref_slice %arg5[%mul3A_10, %dma_wait3A_53] : memref<80000x128xf32, #tpu.memory_space<hbm>> -> memref<128x128xf32, #tpu.memory_space<hbm>>
      %dma_wait3A_55 = arith.constant 0 : i32
      %dma_wait3A_56 = arith.constant 0 : i32
      %dma_wait3A_57 = tpu.memref_slice %arg9[%run_scoped3A, %dma_wait3A_55, %dma_wait3A_56] : memref<2x128x128xf32, #tpu.memory_space<vmem>> -> memref<1x128x128xf32, #tpu.memory_space<vmem>>
      %dma_wait3A_58 = tpu.memref_squeeze %dma_wait3A_57 : memref<1x128x128xf32, #tpu.memory_space<vmem>> -> memref<128x128xf32, #tpu.memory_space<vmem>>
      tpu.wait_dma2 semaphore(%run_scoped3A_35 : memref<!tpu.dma_semaphore, #tpu.memory_space<semaphore_mem>>) src(%dma_wait3A_58 : memref<128x128xf32, #tpu.memory_space<vmem>>) dst(%dma_wait3A_54 : memref<128x128xf32, #tpu.memory_space<hbm>>)
      tpu.yield
    }) : () -> ()
    %run_scoped3A_34 = arith.constant 1 : i32
    "tpu.region"() ({
      %run_scoped3A_35 = tpu.sem_alloc : memref<!tpu.dma_semaphore, #tpu.memory_space<semaphore_mem>>
      %dma_start3A = arith.constant 0 : i32
      %dma_start3A_36 = arith.constant 0 : i32
      %dma_start3A_37 = tpu.memref_slice %arg10[%run_scoped3A_34, %dma_start3A, %dma_start3A_36] : memref<2x128x128xf32, #tpu.memory_space<vmem>> -> memref<1x128x128xf32, #tpu.memory_space<vmem>>
      %dma_start3A_38 = tpu.memref_squeeze %dma_start3A_37 : memref<1x128x128xf32, #tpu.memory_space<vmem>> -> memref<128x128xf32, #tpu.memory_space<vmem>>
      %dma_start3A_39 = arith.constant 0 : i32
      %dma_start3A_40 = tpu.memref_slice %arg6[%mul3A_10, %dma_start3A_39] : memref<80000x128xf32, #tpu.memory_space<hbm>> -> memref<128x128xf32, #tpu.memory_space<hbm>>
      %dma_start3A_41 = arith.constant 0 : i32
      %dma_start3A_42 = tpu.memref_slice %arg6[%mul3A_10, %dma_start3A_41] : memref<80000x128xf32, #tpu.memory_space<hbm>> -> memref<128x128xf32, #tpu.memory_space<hbm>>
      %dma_start3A_43 = arith.constant 0 : i32
      %dma_start3A_44 = arith.constant 0 : i32
      %dma_start3A_45 = tpu.memref_slice %arg10[%run_scoped3A_34, %dma_start3A_43, %dma_start3A_44] : memref<2x128x128xf32, #tpu.memory_space<vmem>> -> memref<1x128x128xf32, #tpu.memory_space<vmem>>
      %dma_start3A_46 = tpu.memref_squeeze %dma_start3A_45 : memref<1x128x128xf32, #tpu.memory_space<vmem>> -> memref<128x128xf32, #tpu.memory_space<vmem>>
      tpu.enqueue_dma source(%dma_start3A_46 : memref<128x128xf32, #tpu.memory_space<vmem>>) target(%dma_start3A_42 : memref<128x128xf32, #tpu.memory_space<hbm>>) target_semaphore(%run_scoped3A_35 : memref<!tpu.dma_semaphore, #tpu.memory_space<semaphore_mem>>)
      %dma_wait3A_47 = arith.constant 0 : i32
      %dma_wait3A_48 = arith.constant 0 : i32
      %dma_wait3A_49 = tpu.memref_slice %arg10[%run_scoped3A_34, %dma_wait3A_47, %dma_wait3A_48] : memref<2x128x128xf32, #tpu.memory_space<vmem>> -> memref<1x128x128xf32, #tpu.memory_space<vmem>>
      %dma_wait3A_50 = tpu.memref_squeeze %dma_wait3A_49 : memref<1x128x128xf32, #tpu.memory_space<vmem>> -> memref<128x128xf32, #tpu.memory_space<vmem>>
      %dma_wait3A_51 = arith.constant 0 : i32
      %dma_wait3A_52 = tpu.memref_slice %arg6[%mul3A_10, %dma_wait3A_51] : memref<80000x128xf32, #tpu.memory_space<hbm>> -> memref<128x128xf32, #tpu.memory_space<hbm>>
      %dma_wait3A_53 = arith.constant 0 : i32
      %dma_wait3A_54 = tpu.memref_slice %arg6[%mul3A_10, %dma_wait3A_53] : memref<80000x128xf32, #tpu.memory_space<hbm>> -> memref<128x128xf32, #tpu.memory_space<hbm>>
      %dma_wait3A_55 = arith.constant 0 : i32
      %dma_wait3A_56 = arith.constant 0 : i32
      %dma_wait3A_57 = tpu.memref_slice %arg10[%run_scoped3A_34, %dma_wait3A_55, %dma_wait3A_56] : memref<2x128x128xf32, #tpu.memory_space<vmem>> -> memref<1x128x128xf32, #tpu.memory_space<vmem>>
      %dma_wait3A_58 = tpu.memref_squeeze %dma_wait3A_57 : memref<1x128x128xf32, #tpu.memory_space<vmem>> -> memref<128x128xf32, #tpu.memory_space<vmem>>
      tpu.wait_dma2 semaphore(%run_scoped3A_35 : memref<!tpu.dma_semaphore, #tpu.memory_space<semaphore_mem>>) src(%dma_wait3A_58 : memref<128x128xf32, #tpu.memory_space<vmem>>) dst(%dma_wait3A_54 : memref<128x128xf32, #tpu.memory_space<hbm>>)
      tpu.yield
    }) : () -> ()
    return
  }
}

#map = affine_map<(d0, d1) -> (0, 0)>
#map1 = affine_map<(d0, d1) -> (0)>
#map2 = affine_map<(d0, d1) -> (0, 0, 0)>
module attributes {stable_mosaic.version = 14 : i64} {
  func.func @_scatter_body(%arg0: i32, %arg1: i32, %arg2: memref<80000x128xf32, #tpu.memory_space<hbm>>, %arg3: memref<160000xi32, #tpu.memory_space<hbm>>, %arg4: memref<80x128xf32, #tpu.memory_space<hbm>>, %arg5: memref<2x10000x128xf32, #tpu.memory_space<hbm>>, %arg6: memref<2x128xi32, #tpu.memory_space<vmem>>, %arg7: memref<2x128x128xf32, #tpu.memory_space<vmem>>, %arg8: memref<!tpu.dma_semaphore, #tpu.memory_space<semaphore_mem>>, %arg9: memref<!tpu.dma_semaphore, #tpu.memory_space<semaphore_mem>>, %arg10: memref<10000x128xf32, #tpu.memory_space<vmem_shared>>) attributes {dimension_semantics = [#tpu.dimension_semantics<core_parallel>, #tpu.dimension_semantics<subcore_parallel>], iteration_bounds = array<i64: 2, 16>, scalar_prefetch = 0 : i64, scratch_operands = 5 : i64, tpu.core_type = #tpu.core_type<sc_vector_subcore>, window_params = [{transform_indices = #map}, {transform_indices = #map1}, {transform_indices = #map}, {transform_indices = #map2}]} {
    %mul3A = arith.constant 2 : i32
    %mul3A_0 = arith.muli %arg1, %mul3A : i32
    %add3A = arith.addi %mul3A_0, %arg0 : i32
    %scan3A = arith.constant 0 : i32
    %scan3A_1 = arith.constant 0 : i32
    %scan3A_2 = arith.constant 8 : i32
    %scan3A_3 = arith.addi %scan3A_1, %scan3A_2 : i32
    %scan3A_4 = arith.constant 1 : i32
    scf.for %scan3A_23 = %scan3A_1 to %scan3A_3 step %scan3A_4  : i32 {
      %mul3A_24 = arith.constant 16 : i32
      %mul3A_25 = arith.muli %scan3A_23, %mul3A_24 : i32
      %add3A_26 = arith.addi %arg1, %mul3A_25 : i32
      %lt3A_27 = arith.constant 125 : i32
      %lt3A_28 = arith.cmpi slt, %add3A_26, %lt3A_27 : i32
      %convert_element_type3A_29 = arith.extui %lt3A_28 : i1 to i32
      %cond3A_30 = arith.constant 0 : i32
      %cond3A_31 = arith.cmpi ne, %convert_element_type3A_29, %cond3A_30 : i32
      scf.if %cond3A_31 {
        %mul3A_32 = arith.constant 80 : i32
        %mul3A_33 = arith.muli %add3A_26, %mul3A_32 : i32
        "tpu.region"() ({
          %run_scoped3A = tpu.sem_alloc : memref<!tpu.dma_semaphore, #tpu.memory_space<semaphore_mem>>
          %dma_start3A = arith.constant 0 : i32
          %dma_start3A_34 = tpu.memref_slice %arg10[%mul3A_33, %dma_start3A] : memref<10000x128xf32, #tpu.memory_space<vmem_shared>> -> memref<80x128xf32, #tpu.memory_space<vmem_shared>>
          tpu.enqueue_dma source(%arg4 : memref<80x128xf32, #tpu.memory_space<hbm>>) target(%dma_start3A_34 : memref<80x128xf32, #tpu.memory_space<vmem_shared>>) target_semaphore(%run_scoped3A : memref<!tpu.dma_semaphore, #tpu.memory_space<semaphore_mem>>)
          %dma_wait3A = arith.constant 0 : i32
          %dma_wait3A_35 = tpu.memref_slice %arg10[%mul3A_33, %dma_wait3A] : memref<10000x128xf32, #tpu.memory_space<vmem_shared>> -> memref<80x128xf32, #tpu.memory_space<vmem_shared>>
          tpu.wait_dma2 semaphore(%run_scoped3A : memref<!tpu.dma_semaphore, #tpu.memory_space<semaphore_mem>>) src(%arg4 : memref<80x128xf32, #tpu.memory_space<hbm>>) dst(%dma_wait3A_35 : memref<80x128xf32, #tpu.memory_space<vmem_shared>>)
          tpu.yield
        }) : () -> ()
      } else {
      }
    }
    %scan3A_5 = arith.constant 8 : i32
    %barrier3A = arith.constant 0 : index
    tpu.barrier barrier_id(%barrier3A)
    %scan3A_6 = arith.constant 0 : i32
    %scan3A_7 = arith.constant 0 : i32
    %scan3A_8 = arith.constant 10 : i32
    %scan3A_9 = arith.addi %scan3A_7, %scan3A_8 : i32
    %scan3A_10 = arith.constant 1 : i32
    scf.for %scan3A_23 = %scan3A_7 to %scan3A_9 step %scan3A_10  : i32 {
      %mul3A_24 = arith.constant 2 : i32
      %mul3A_25 = arith.muli %mul3A_24, %scan3A_23 : i32
      %mul3A_26 = arith.constant 32 : i32
      %mul3A_27 = arith.muli %mul3A_25, %mul3A_26 : i32
      %add3A_28 = arith.addi %add3A, %mul3A_27 : i32
      %lt3A_29 = arith.constant 625 : i32
      %lt3A_30 = arith.cmpi slt, %add3A_28, %lt3A_29 : i32
      %convert_element_type3A_31 = arith.extui %lt3A_30 : i1 to i32
      %cond3A_32 = arith.constant 0 : i32
      %cond3A_33 = arith.cmpi ne, %convert_element_type3A_31, %cond3A_32 : i32
      scf.if %cond3A_33 {
        %add3A_56 = arith.constant 625 : i32
        %add3A_57 = arith.addi %add3A_28, %add3A_56 : i32
        %mul3A_58 = arith.constant 128 : i32
        %mul3A_59 = arith.muli %add3A_57, %mul3A_58 : i32
        %dma_start3A = arith.constant 0 : i32
        %dma_start3A_60 = arith.constant 0 : i32
        %dma_start3A_61 = tpu.memref_slice %arg6[%dma_start3A, %dma_start3A_60] : memref<2x128xi32, #tpu.memory_space<vmem>> -> memref<1x128xi32, #tpu.memory_space<vmem>>
        %dma_start3A_62 = tpu.memref_squeeze %dma_start3A_61 : memref<1x128xi32, #tpu.memory_space<vmem>> -> memref<128xi32, #tpu.memory_space<vmem>>
        %dma_start3A_63 = tpu.memref_slice %arg3[%mul3A_59] : memref<160000xi32, #tpu.memory_space<hbm>> -> memref<128xi32, #tpu.memory_space<hbm>>
        %dma_start3A_64 = arith.constant 0 : i32
        %dma_start3A_65 = tpu.memref_slice %arg6[%dma_start3A, %dma_start3A_64] : memref<2x128xi32, #tpu.memory_space<vmem>> -> memref<1x128xi32, #tpu.memory_space<vmem>>
        %dma_start3A_66 = tpu.memref_squeeze %dma_start3A_65 : memref<1x128xi32, #tpu.memory_space<vmem>> -> memref<128xi32, #tpu.memory_space<vmem>>
        %dma_start3A_67 = tpu.memref_slice %arg3[%mul3A_59] : memref<160000xi32, #tpu.memory_space<hbm>> -> memref<128xi32, #tpu.memory_space<hbm>>
        tpu.enqueue_dma source(%dma_start3A_67 : memref<128xi32, #tpu.memory_space<hbm>>) target(%dma_start3A_66 : memref<128xi32, #tpu.memory_space<vmem>>) target_semaphore(%arg8 : memref<!tpu.dma_semaphore, #tpu.memory_space<semaphore_mem>>)
        %mul3A_68 = arith.constant 128 : i32
        %mul3A_69 = arith.muli %add3A_28, %mul3A_68 : i32
        %dma_start3A_70 = arith.constant 0 : i32
        %dma_start3A_71 = arith.constant 0 : i32
        %dma_start3A_72 = arith.constant 0 : i32
        %dma_start3A_73 = tpu.memref_slice %arg7[%dma_start3A_70, %dma_start3A_71, %dma_start3A_72] : memref<2x128x128xf32, #tpu.memory_space<vmem>> -> memref<1x128x128xf32, #tpu.memory_space<vmem>>
        %dma_start3A_74 = tpu.memref_squeeze %dma_start3A_73 : memref<1x128x128xf32, #tpu.memory_space<vmem>> -> memref<128x128xf32, #tpu.memory_space<vmem>>
        %dma_start3A_75 = arith.constant 0 : i32
        %dma_start3A_76 = tpu.memref_slice %arg2[%mul3A_69, %dma_start3A_75] : memref<80000x128xf32, #tpu.memory_space<hbm>> -> memref<128x128xf32, #tpu.memory_space<hbm>>
        %dma_start3A_77 = arith.constant 0 : i32
        %dma_start3A_78 = arith.constant 0 : i32
        %dma_start3A_79 = tpu.memref_slice %arg7[%dma_start3A_70, %dma_start3A_77, %dma_start3A_78] : memref<2x128x128xf32, #tpu.memory_space<vmem>> -> memref<1x128x128xf32, #tpu.memory_space<vmem>>
        %dma_start3A_80 = tpu.memref_squeeze %dma_start3A_79 : memref<1x128x128xf32, #tpu.memory_space<vmem>> -> memref<128x128xf32, #tpu.memory_space<vmem>>
        %dma_start3A_81 = arith.constant 0 : i32
        %dma_start3A_82 = tpu.memref_slice %arg2[%mul3A_69, %dma_start3A_81] : memref<80000x128xf32, #tpu.memory_space<hbm>> -> memref<128x128xf32, #tpu.memory_space<hbm>>
        tpu.enqueue_dma source(%dma_start3A_82 : memref<128x128xf32, #tpu.memory_space<hbm>>) target(%dma_start3A_80 : memref<128x128xf32, #tpu.memory_space<vmem>>) target_semaphore(%arg8 : memref<!tpu.dma_semaphore, #tpu.memory_space<semaphore_mem>>)
      } else {
      }
      %gt3A = arith.constant 0 : i32
      %gt3A_34 = arith.cmpi sgt, %scan3A_23, %gt3A : i32
      %convert_element_type3A_35 = arith.extui %gt3A_34 : i1 to i32
      %cond3A_36 = arith.constant 0 : i32
      %cond3A_37 = arith.cmpi ne, %convert_element_type3A_35, %cond3A_36 : i32
      scf.if %cond3A_37 {
        %sub3A = arith.constant 1 : i32
        %sub3A_56 = arith.subi %mul3A_25, %sub3A : i32
        %mul3A_57 = arith.constant 32 : i32
        %mul3A_58 = arith.muli %sub3A_56, %mul3A_57 : i32
        %add3A_59 = arith.addi %add3A, %mul3A_58 : i32
        %lt3A_60 = arith.constant 625 : i32
        %lt3A_61 = arith.cmpi slt, %add3A_59, %lt3A_60 : i32
        %convert_element_type3A_62 = arith.extui %lt3A_61 : i1 to i32
        %cond3A_63 = arith.constant 0 : i32
        %cond3A_64 = arith.cmpi ne, %convert_element_type3A_62, %cond3A_63 : i32
        scf.if %cond3A_64 {
          %dma_wait3A = arith.constant 1 : i32
          %dma_wait3A_65 = arith.constant 0 : i32
          %dma_wait3A_66 = tpu.memref_slice %arg6[%dma_wait3A, %dma_wait3A_65] : memref<2x128xi32, #tpu.memory_space<vmem>> -> memref<1x128xi32, #tpu.memory_space<vmem>>
          %dma_wait3A_67 = tpu.memref_squeeze %dma_wait3A_66 : memref<1x128xi32, #tpu.memory_space<vmem>> -> memref<128xi32, #tpu.memory_space<vmem>>
          %dma_wait3A_68 = arith.constant 0 : i32
          %dma_wait3A_69 = tpu.memref_slice %arg3[%dma_wait3A_68] : memref<160000xi32, #tpu.memory_space<hbm>> -> memref<128xi32, #tpu.memory_space<hbm>>
          %dma_wait3A_70 = arith.constant 0 : i32
          %dma_wait3A_71 = tpu.memref_slice %arg6[%dma_wait3A, %dma_wait3A_70] : memref<2x128xi32, #tpu.memory_space<vmem>> -> memref<1x128xi32, #tpu.memory_space<vmem>>
          %dma_wait3A_72 = tpu.memref_squeeze %dma_wait3A_71 : memref<1x128xi32, #tpu.memory_space<vmem>> -> memref<128xi32, #tpu.memory_space<vmem>>
          %dma_wait3A_73 = arith.constant 0 : i32
          %dma_wait3A_74 = tpu.memref_slice %arg3[%dma_wait3A_73] : memref<160000xi32, #tpu.memory_space<hbm>> -> memref<128xi32, #tpu.memory_space<hbm>>
          tpu.wait_dma2 semaphore(%arg9 : memref<!tpu.dma_semaphore, #tpu.memory_space<semaphore_mem>>) src(%dma_wait3A_74 : memref<128xi32, #tpu.memory_space<hbm>>) dst(%dma_wait3A_72 : memref<128xi32, #tpu.memory_space<vmem>>)
          %dma_wait3A_75 = arith.constant 1 : i32
          %dma_wait3A_76 = arith.constant 0 : i32
          %dma_wait3A_77 = arith.constant 0 : i32
          %dma_wait3A_78 = tpu.memref_slice %arg7[%dma_wait3A_75, %dma_wait3A_76, %dma_wait3A_77] : memref<2x128x128xf32, #tpu.memory_space<vmem>> -> memref<1x128x128xf32, #tpu.memory_space<vmem>>
          %dma_wait3A_79 = tpu.memref_squeeze %dma_wait3A_78 : memref<1x128x128xf32, #tpu.memory_space<vmem>> -> memref<128x128xf32, #tpu.memory_space<vmem>>
          %dma_wait3A_80 = arith.constant 0 : i32
          %dma_wait3A_81 = arith.constant 0 : i32
          %dma_wait3A_82 = tpu.memref_slice %arg2[%dma_wait3A_80, %dma_wait3A_81] : memref<80000x128xf32, #tpu.memory_space<hbm>> -> memref<128x128xf32, #tpu.memory_space<hbm>>
          %dma_wait3A_83 = arith.constant 0 : i32
          %dma_wait3A_84 = arith.constant 0 : i32
          %dma_wait3A_85 = tpu.memref_slice %arg7[%dma_wait3A_75, %dma_wait3A_83, %dma_wait3A_84] : memref<2x128x128xf32, #tpu.memory_space<vmem>> -> memref<1x128x128xf32, #tpu.memory_space<vmem>>
          %dma_wait3A_86 = tpu.memref_squeeze %dma_wait3A_85 : memref<1x128x128xf32, #tpu.memory_space<vmem>> -> memref<128x128xf32, #tpu.memory_space<vmem>>
          %dma_wait3A_87 = arith.constant 0 : i32
          %dma_wait3A_88 = arith.constant 0 : i32
          %dma_wait3A_89 = tpu.memref_slice %arg2[%dma_wait3A_87, %dma_wait3A_88] : memref<80000x128xf32, #tpu.memory_space<hbm>> -> memref<128x128xf32, #tpu.memory_space<hbm>>
          tpu.wait_dma2 semaphore(%arg9 : memref<!tpu.dma_semaphore, #tpu.memory_space<semaphore_mem>>) src(%dma_wait3A_89 : memref<128x128xf32, #tpu.memory_space<hbm>>) dst(%dma_wait3A_86 : memref<128x128xf32, #tpu.memory_space<vmem>>)
          %run_scoped3A = arith.constant 1 : i32
          %run_scoped3A_90 = arith.constant 1 : i32
          "tpu.region"() ({
            %run_scoped3A_91 = tpu.sem_alloc : memref<!tpu.dma_semaphore, #tpu.memory_space<semaphore_mem>>
            %dma_start3A = arith.constant 0 : i32
            %dma_start3A_92 = arith.constant 0 : i32
            %dma_start3A_93 = tpu.memref_slice %arg7[%run_scoped3A, %dma_start3A, %dma_start3A_92] : memref<2x128x128xf32, #tpu.memory_space<vmem>> -> memref<1x128x128xf32, #tpu.memory_space<vmem>>
            %dma_start3A_94 = tpu.memref_squeeze %dma_start3A_93 : memref<1x128x128xf32, #tpu.memory_space<vmem>> -> memref<128x128xf32, #tpu.memory_space<vmem>>
            %dma_start3A_95 = arith.constant 0 : i32
            %dma_start3A_96 = tpu.memref_slice %arg6[%run_scoped3A_90, %dma_start3A_95] : memref<2x128xi32, #tpu.memory_space<vmem>> -> memref<1x128xi32, #tpu.memory_space<vmem>>
            %dma_start3A_97 = tpu.memref_squeeze %dma_start3A_96 : memref<1x128xi32, #tpu.memory_space<vmem>> -> memref<128xi32, #tpu.memory_space<vmem>>
            %dma_start3A_98 = arith.constant 0 : i32
            %dma_start3A_99 = arith.constant 0 : i32
            %dma_start3A_100 = tpu.memref_slice %arg10[%dma_start3A_98, %dma_start3A_99] : memref<10000x128xf32, #tpu.memory_space<vmem_shared>> -> memref<10000x128xf32, #tpu.memory_space<vmem_shared>>
            tpu.enqueue_indirect_dma source(%dma_start3A_94 : memref<128x128xf32, #tpu.memory_space<vmem>>) target(%dma_start3A_100 : memref<10000x128xf32, #tpu.memory_space<vmem_shared>>) offsets(%dma_start3A_97 : memref<128xi32, #tpu.memory_space<vmem>>) semaphore(%run_scoped3A_91 : memref<!tpu.dma_semaphore, #tpu.memory_space<semaphore_mem>>) {add = true}
            %dma_wait3A_101 = arith.constant 0 : i32
            %dma_wait3A_102 = arith.constant 0 : i32
            %dma_wait3A_103 = tpu.memref_slice %arg7[%run_scoped3A, %dma_wait3A_101, %dma_wait3A_102] : memref<2x128x128xf32, #tpu.memory_space<vmem>> -> memref<1x128x128xf32, #tpu.memory_space<vmem>>
            %dma_wait3A_104 = tpu.memref_squeeze %dma_wait3A_103 : memref<1x128x128xf32, #tpu.memory_space<vmem>> -> memref<128x128xf32, #tpu.memory_space<vmem>>
            %dma_wait3A_105 = arith.constant 0 : i32
            %dma_wait3A_106 = tpu.memref_slice %arg6[%run_scoped3A_90, %dma_wait3A_105] : memref<2x128xi32, #tpu.memory_space<vmem>> -> memref<1x128xi32, #tpu.memory_space<vmem>>
            %dma_wait3A_107 = tpu.memref_squeeze %dma_wait3A_106 : memref<1x128xi32, #tpu.memory_space<vmem>> -> memref<128xi32, #tpu.memory_space<vmem>>
            %dma_wait3A_108 = arith.constant 0 : i32
            %dma_wait3A_109 = arith.constant 0 : i32
            %dma_wait3A_110 = tpu.memref_slice %arg10[%dma_wait3A_108, %dma_wait3A_109] : memref<10000x128xf32, #tpu.memory_space<vmem_shared>> -> memref<10000x128xf32, #tpu.memory_space<vmem_shared>>
            tpu.wait_indirect_dma semaphore(%run_scoped3A_91 : memref<!tpu.dma_semaphore, #tpu.memory_space<semaphore_mem>>) src(%dma_wait3A_104 : memref<128x128xf32, #tpu.memory_space<vmem>>) dst(%dma_wait3A_110 : memref<10000x128xf32, #tpu.memory_space<vmem_shared>>)
            tpu.yield
          }) : () -> ()
        } else {
        }
      } else {
      }
      %add3A_38 = arith.constant 1 : i32
      %add3A_39 = arith.addi %mul3A_25, %add3A_38 : i32
      %mul3A_40 = arith.constant 32 : i32
      %mul3A_41 = arith.muli %add3A_39, %mul3A_40 : i32
      %add3A_42 = arith.addi %add3A, %mul3A_41 : i32
      %lt3A_43 = arith.constant 625 : i32
      %lt3A_44 = arith.cmpi slt, %add3A_42, %lt3A_43 : i32
      %convert_element_type3A_45 = arith.extui %lt3A_44 : i1 to i32
      %cond3A_46 = arith.constant 0 : i32
      %cond3A_47 = arith.cmpi ne, %convert_element_type3A_45, %cond3A_46 : i32
      scf.if %cond3A_47 {
        %add3A_56 = arith.constant 625 : i32
        %add3A_57 = arith.addi %add3A_42, %add3A_56 : i32
        %mul3A_58 = arith.constant 128 : i32
        %mul3A_59 = arith.muli %add3A_57, %mul3A_58 : i32
        %dma_start3A = arith.constant 1 : i32
        %dma_start3A_60 = arith.constant 0 : i32
        %dma_start3A_61 = tpu.memref_slice %arg6[%dma_start3A, %dma_start3A_60] : memref<2x128xi32, #tpu.memory_space<vmem>> -> memref<1x128xi32, #tpu.memory_space<vmem>>
        %dma_start3A_62 = tpu.memref_squeeze %dma_start3A_61 : memref<1x128xi32, #tpu.memory_space<vmem>> -> memref<128xi32, #tpu.memory_space<vmem>>
        %dma_start3A_63 = tpu.memref_slice %arg3[%mul3A_59] : memref<160000xi32, #tpu.memory_space<hbm>> -> memref<128xi32, #tpu.memory_space<hbm>>
        %dma_start3A_64 = arith.constant 0 : i32
        %dma_start3A_65 = tpu.memref_slice %arg6[%dma_start3A, %dma_start3A_64] : memref<2x128xi32, #tpu.memory_space<vmem>> -> memref<1x128xi32, #tpu.memory_space<vmem>>
        %dma_start3A_66 = tpu.memref_squeeze %dma_start3A_65 : memref<1x128xi32, #tpu.memory_space<vmem>> -> memref<128xi32, #tpu.memory_space<vmem>>
        %dma_start3A_67 = tpu.memref_slice %arg3[%mul3A_59] : memref<160000xi32, #tpu.memory_space<hbm>> -> memref<128xi32, #tpu.memory_space<hbm>>
        tpu.enqueue_dma source(%dma_start3A_67 : memref<128xi32, #tpu.memory_space<hbm>>) target(%dma_start3A_66 : memref<128xi32, #tpu.memory_space<vmem>>) target_semaphore(%arg9 : memref<!tpu.dma_semaphore, #tpu.memory_space<semaphore_mem>>)
        %mul3A_68 = arith.constant 128 : i32
        %mul3A_69 = arith.muli %add3A_42, %mul3A_68 : i32
        %dma_start3A_70 = arith.constant 1 : i32
        %dma_start3A_71 = arith.constant 0 : i32
        %dma_start3A_72 = arith.constant 0 : i32
        %dma_start3A_73 = tpu.memref_slice %arg7[%dma_start3A_70, %dma_start3A_71, %dma_start3A_72] : memref<2x128x128xf32, #tpu.memory_space<vmem>> -> memref<1x128x128xf32, #tpu.memory_space<vmem>>
        %dma_start3A_74 = tpu.memref_squeeze %dma_start3A_73 : memref<1x128x128xf32, #tpu.memory_space<vmem>> -> memref<128x128xf32, #tpu.memory_space<vmem>>
        %dma_start3A_75 = arith.constant 0 : i32
        %dma_start3A_76 = tpu.memref_slice %arg2[%mul3A_69, %dma_start3A_75] : memref<80000x128xf32, #tpu.memory_space<hbm>> -> memref<128x128xf32, #tpu.memory_space<hbm>>
        %dma_start3A_77 = arith.constant 0 : i32
        %dma_start3A_78 = arith.constant 0 : i32
        %dma_start3A_79 = tpu.memref_slice %arg7[%dma_start3A_70, %dma_start3A_77, %dma_start3A_78] : memref<2x128x128xf32, #tpu.memory_space<vmem>> -> memref<1x128x128xf32, #tpu.memory_space<vmem>>
        %dma_start3A_80 = tpu.memref_squeeze %dma_start3A_79 : memref<1x128x128xf32, #tpu.memory_space<vmem>> -> memref<128x128xf32, #tpu.memory_space<vmem>>
        %dma_start3A_81 = arith.constant 0 : i32
        %dma_start3A_82 = tpu.memref_slice %arg2[%mul3A_69, %dma_start3A_81] : memref<80000x128xf32, #tpu.memory_space<hbm>> -> memref<128x128xf32, #tpu.memory_space<hbm>>
        tpu.enqueue_dma source(%dma_start3A_82 : memref<128x128xf32, #tpu.memory_space<hbm>>) target(%dma_start3A_80 : memref<128x128xf32, #tpu.memory_space<vmem>>) target_semaphore(%arg9 : memref<!tpu.dma_semaphore, #tpu.memory_space<semaphore_mem>>)
      } else {
      }
      %mul3A_48 = arith.constant 32 : i32
      %mul3A_49 = arith.muli %mul3A_25, %mul3A_48 : i32
      %add3A_50 = arith.addi %add3A, %mul3A_49 : i32
      %lt3A_51 = arith.constant 625 : i32
      %lt3A_52 = arith.cmpi slt, %add3A_50, %lt3A_51 : i32
      %convert_element_type3A_53 = arith.extui %lt3A_52 : i1 to i32
      %cond3A_54 = arith.constant 0 : i32
      %cond3A_55 = arith.cmpi ne, %convert_element_type3A_53, %cond3A_54 : i32
      scf.if %cond3A_55 {
        %dma_wait3A = arith.constant 0 : i32
        %dma_wait3A_56 = arith.constant 0 : i32
        %dma_wait3A_57 = tpu.memref_slice %arg6[%dma_wait3A, %dma_wait3A_56] : memref<2x128xi32, #tpu.memory_space<vmem>> -> memref<1x128xi32, #tpu.memory_space<vmem>>
        %dma_wait3A_58 = tpu.memref_squeeze %dma_wait3A_57 : memref<1x128xi32, #tpu.memory_space<vmem>> -> memref<128xi32, #tpu.memory_space<vmem>>
        %dma_wait3A_59 = arith.constant 0 : i32
        %dma_wait3A_60 = tpu.memref_slice %arg3[%dma_wait3A_59] : memref<160000xi32, #tpu.memory_space<hbm>> -> memref<128xi32, #tpu.memory_space<hbm>>
        %dma_wait3A_61 = arith.constant 0 : i32
        %dma_wait3A_62 = tpu.memref_slice %arg6[%dma_wait3A, %dma_wait3A_61] : memref<2x128xi32, #tpu.memory_space<vmem>> -> memref<1x128xi32, #tpu.memory_space<vmem>>
        %dma_wait3A_63 = tpu.memref_squeeze %dma_wait3A_62 : memref<1x128xi32, #tpu.memory_space<vmem>> -> memref<128xi32, #tpu.memory_space<vmem>>
        %dma_wait3A_64 = arith.constant 0 : i32
        %dma_wait3A_65 = tpu.memref_slice %arg3[%dma_wait3A_64] : memref<160000xi32, #tpu.memory_space<hbm>> -> memref<128xi32, #tpu.memory_space<hbm>>
        tpu.wait_dma2 semaphore(%arg8 : memref<!tpu.dma_semaphore, #tpu.memory_space<semaphore_mem>>) src(%dma_wait3A_65 : memref<128xi32, #tpu.memory_space<hbm>>) dst(%dma_wait3A_63 : memref<128xi32, #tpu.memory_space<vmem>>)
        %dma_wait3A_66 = arith.constant 0 : i32
        %dma_wait3A_67 = arith.constant 0 : i32
        %dma_wait3A_68 = arith.constant 0 : i32
        %dma_wait3A_69 = tpu.memref_slice %arg7[%dma_wait3A_66, %dma_wait3A_67, %dma_wait3A_68] : memref<2x128x128xf32, #tpu.memory_space<vmem>> -> memref<1x128x128xf32, #tpu.memory_space<vmem>>
        %dma_wait3A_70 = tpu.memref_squeeze %dma_wait3A_69 : memref<1x128x128xf32, #tpu.memory_space<vmem>> -> memref<128x128xf32, #tpu.memory_space<vmem>>
        %dma_wait3A_71 = arith.constant 0 : i32
        %dma_wait3A_72 = arith.constant 0 : i32
        %dma_wait3A_73 = tpu.memref_slice %arg2[%dma_wait3A_71, %dma_wait3A_72] : memref<80000x128xf32, #tpu.memory_space<hbm>> -> memref<128x128xf32, #tpu.memory_space<hbm>>
        %dma_wait3A_74 = arith.constant 0 : i32
        %dma_wait3A_75 = arith.constant 0 : i32
        %dma_wait3A_76 = tpu.memref_slice %arg7[%dma_wait3A_66, %dma_wait3A_74, %dma_wait3A_75] : memref<2x128x128xf32, #tpu.memory_space<vmem>> -> memref<1x128x128xf32, #tpu.memory_space<vmem>>
        %dma_wait3A_77 = tpu.memref_squeeze %dma_wait3A_76 : memref<1x128x128xf32, #tpu.memory_space<vmem>> -> memref<128x128xf32, #tpu.memory_space<vmem>>
        %dma_wait3A_78 = arith.constant 0 : i32
        %dma_wait3A_79 = arith.constant 0 : i32
        %dma_wait3A_80 = tpu.memref_slice %arg2[%dma_wait3A_78, %dma_wait3A_79] : memref<80000x128xf32, #tpu.memory_space<hbm>> -> memref<128x128xf32, #tpu.memory_space<hbm>>
        tpu.wait_dma2 semaphore(%arg8 : memref<!tpu.dma_semaphore, #tpu.memory_space<semaphore_mem>>) src(%dma_wait3A_80 : memref<128x128xf32, #tpu.memory_space<hbm>>) dst(%dma_wait3A_77 : memref<128x128xf32, #tpu.memory_space<vmem>>)
        %run_scoped3A = arith.constant 0 : i32
        %run_scoped3A_81 = arith.constant 0 : i32
        "tpu.region"() ({
          %run_scoped3A_82 = tpu.sem_alloc : memref<!tpu.dma_semaphore, #tpu.memory_space<semaphore_mem>>
          %dma_start3A = arith.constant 0 : i32
          %dma_start3A_83 = arith.constant 0 : i32
          %dma_start3A_84 = tpu.memref_slice %arg7[%run_scoped3A, %dma_start3A, %dma_start3A_83] : memref<2x128x128xf32, #tpu.memory_space<vmem>> -> memref<1x128x128xf32, #tpu.memory_space<vmem>>
          %dma_start3A_85 = tpu.memref_squeeze %dma_start3A_84 : memref<1x128x128xf32, #tpu.memory_space<vmem>> -> memref<128x128xf32, #tpu.memory_space<vmem>>
          %dma_start3A_86 = arith.constant 0 : i32
          %dma_start3A_87 = tpu.memref_slice %arg6[%run_scoped3A_81, %dma_start3A_86] : memref<2x128xi32, #tpu.memory_space<vmem>> -> memref<1x128xi32, #tpu.memory_space<vmem>>
          %dma_start3A_88 = tpu.memref_squeeze %dma_start3A_87 : memref<1x128xi32, #tpu.memory_space<vmem>> -> memref<128xi32, #tpu.memory_space<vmem>>
          %dma_start3A_89 = arith.constant 0 : i32
          %dma_start3A_90 = arith.constant 0 : i32
          %dma_start3A_91 = tpu.memref_slice %arg10[%dma_start3A_89, %dma_start3A_90] : memref<10000x128xf32, #tpu.memory_space<vmem_shared>> -> memref<10000x128xf32, #tpu.memory_space<vmem_shared>>
          tpu.enqueue_indirect_dma source(%dma_start3A_85 : memref<128x128xf32, #tpu.memory_space<vmem>>) target(%dma_start3A_91 : memref<10000x128xf32, #tpu.memory_space<vmem_shared>>) offsets(%dma_start3A_88 : memref<128xi32, #tpu.memory_space<vmem>>) semaphore(%run_scoped3A_82 : memref<!tpu.dma_semaphore, #tpu.memory_space<semaphore_mem>>) {add = true}
          %dma_wait3A_92 = arith.constant 0 : i32
          %dma_wait3A_93 = arith.constant 0 : i32
          %dma_wait3A_94 = tpu.memref_slice %arg7[%run_scoped3A, %dma_wait3A_92, %dma_wait3A_93] : memref<2x128x128xf32, #tpu.memory_space<vmem>> -> memref<1x128x128xf32, #tpu.memory_space<vmem>>
          %dma_wait3A_95 = tpu.memref_squeeze %dma_wait3A_94 : memref<1x128x128xf32, #tpu.memory_space<vmem>> -> memref<128x128xf32, #tpu.memory_space<vmem>>
          %dma_wait3A_96 = arith.constant 0 : i32
          %dma_wait3A_97 = tpu.memref_slice %arg6[%run_scoped3A_81, %dma_wait3A_96] : memref<2x128xi32, #tpu.memory_space<vmem>> -> memref<1x128xi32, #tpu.memory_space<vmem>>
          %dma_wait3A_98 = tpu.memref_squeeze %dma_wait3A_97 : memref<1x128xi32, #tpu.memory_space<vmem>> -> memref<128xi32, #tpu.memory_space<vmem>>
          %dma_wait3A_99 = arith.constant 0 : i32
          %dma_wait3A_100 = arith.constant 0 : i32
          %dma_wait3A_101 = tpu.memref_slice %arg10[%dma_wait3A_99, %dma_wait3A_100] : memref<10000x128xf32, #tpu.memory_space<vmem_shared>> -> memref<10000x128xf32, #tpu.memory_space<vmem_shared>>
          tpu.wait_indirect_dma semaphore(%run_scoped3A_82 : memref<!tpu.dma_semaphore, #tpu.memory_space<semaphore_mem>>) src(%dma_wait3A_95 : memref<128x128xf32, #tpu.memory_space<vmem>>) dst(%dma_wait3A_101 : memref<10000x128xf32, #tpu.memory_space<vmem_shared>>)
          tpu.yield
        }) : () -> ()
      } else {
      }
    }
    %scan3A_11 = arith.constant 10 : i32
    %add3A_12 = arith.constant 608 : i32
    %add3A_13 = arith.addi %add3A, %add3A_12 : i32
    %lt3A = arith.constant 625 : i32
    %lt3A_14 = arith.cmpi slt, %add3A_13, %lt3A : i32
    %convert_element_type3A = arith.extui %lt3A_14 : i1 to i32
    %cond3A = arith.constant 0 : i32
    %cond3A_15 = arith.cmpi ne, %convert_element_type3A, %cond3A : i32
    scf.if %cond3A_15 {
      %dma_wait3A = arith.constant 1 : i32
      %dma_wait3A_23 = arith.constant 0 : i32
      %dma_wait3A_24 = tpu.memref_slice %arg6[%dma_wait3A, %dma_wait3A_23] : memref<2x128xi32, #tpu.memory_space<vmem>> -> memref<1x128xi32, #tpu.memory_space<vmem>>
      %dma_wait3A_25 = tpu.memref_squeeze %dma_wait3A_24 : memref<1x128xi32, #tpu.memory_space<vmem>> -> memref<128xi32, #tpu.memory_space<vmem>>
      %dma_wait3A_26 = arith.constant 0 : i32
      %dma_wait3A_27 = tpu.memref_slice %arg3[%dma_wait3A_26] : memref<160000xi32, #tpu.memory_space<hbm>> -> memref<128xi32, #tpu.memory_space<hbm>>
      %dma_wait3A_28 = arith.constant 0 : i32
      %dma_wait3A_29 = tpu.memref_slice %arg6[%dma_wait3A, %dma_wait3A_28] : memref<2x128xi32, #tpu.memory_space<vmem>> -> memref<1x128xi32, #tpu.memory_space<vmem>>
      %dma_wait3A_30 = tpu.memref_squeeze %dma_wait3A_29 : memref<1x128xi32, #tpu.memory_space<vmem>> -> memref<128xi32, #tpu.memory_space<vmem>>
      %dma_wait3A_31 = arith.constant 0 : i32
      %dma_wait3A_32 = tpu.memref_slice %arg3[%dma_wait3A_31] : memref<160000xi32, #tpu.memory_space<hbm>> -> memref<128xi32, #tpu.memory_space<hbm>>
      tpu.wait_dma2 semaphore(%arg9 : memref<!tpu.dma_semaphore, #tpu.memory_space<semaphore_mem>>) src(%dma_wait3A_32 : memref<128xi32, #tpu.memory_space<hbm>>) dst(%dma_wait3A_30 : memref<128xi32, #tpu.memory_space<vmem>>)
      %dma_wait3A_33 = arith.constant 1 : i32
      %dma_wait3A_34 = arith.constant 0 : i32
      %dma_wait3A_35 = arith.constant 0 : i32
      %dma_wait3A_36 = tpu.memref_slice %arg7[%dma_wait3A_33, %dma_wait3A_34, %dma_wait3A_35] : memref<2x128x128xf32, #tpu.memory_space<vmem>> -> memref<1x128x128xf32, #tpu.memory_space<vmem>>
      %dma_wait3A_37 = tpu.memref_squeeze %dma_wait3A_36 : memref<1x128x128xf32, #tpu.memory_space<vmem>> -> memref<128x128xf32, #tpu.memory_space<vmem>>
      %dma_wait3A_38 = arith.constant 0 : i32
      %dma_wait3A_39 = arith.constant 0 : i32
      %dma_wait3A_40 = tpu.memref_slice %arg2[%dma_wait3A_38, %dma_wait3A_39] : memref<80000x128xf32, #tpu.memory_space<hbm>> -> memref<128x128xf32, #tpu.memory_space<hbm>>
      %dma_wait3A_41 = arith.constant 0 : i32
      %dma_wait3A_42 = arith.constant 0 : i32
      %dma_wait3A_43 = tpu.memref_slice %arg7[%dma_wait3A_33, %dma_wait3A_41, %dma_wait3A_42] : memref<2x128x128xf32, #tpu.memory_space<vmem>> -> memref<1x128x128xf32, #tpu.memory_space<vmem>>
      %dma_wait3A_44 = tpu.memref_squeeze %dma_wait3A_43 : memref<1x128x128xf32, #tpu.memory_space<vmem>> -> memref<128x128xf32, #tpu.memory_space<vmem>>
      %dma_wait3A_45 = arith.constant 0 : i32
      %dma_wait3A_46 = arith.constant 0 : i32
      %dma_wait3A_47 = tpu.memref_slice %arg2[%dma_wait3A_45, %dma_wait3A_46] : memref<80000x128xf32, #tpu.memory_space<hbm>> -> memref<128x128xf32, #tpu.memory_space<hbm>>
      tpu.wait_dma2 semaphore(%arg9 : memref<!tpu.dma_semaphore, #tpu.memory_space<semaphore_mem>>) src(%dma_wait3A_47 : memref<128x128xf32, #tpu.memory_space<hbm>>) dst(%dma_wait3A_44 : memref<128x128xf32, #tpu.memory_space<vmem>>)
      %run_scoped3A = arith.constant 1 : i32
      %run_scoped3A_48 = arith.constant 1 : i32
      "tpu.region"() ({
        %run_scoped3A_49 = tpu.sem_alloc : memref<!tpu.dma_semaphore, #tpu.memory_space<semaphore_mem>>
        %dma_start3A = arith.constant 0 : i32
        %dma_start3A_50 = arith.constant 0 : i32
        %dma_start3A_51 = tpu.memref_slice %arg7[%run_scoped3A, %dma_start3A, %dma_start3A_50] : memref<2x128x128xf32, #tpu.memory_space<vmem>> -> memref<1x128x128xf32, #tpu.memory_space<vmem>>
        %dma_start3A_52 = tpu.memref_squeeze %dma_start3A_51 : memref<1x128x128xf32, #tpu.memory_space<vmem>> -> memref<128x128xf32, #tpu.memory_space<vmem>>
        %dma_start3A_53 = arith.constant 0 : i32
        %dma_start3A_54 = tpu.memref_slice %arg6[%run_scoped3A_48, %dma_start3A_53] : memref<2x128xi32, #tpu.memory_space<vmem>> -> memref<1x128xi32, #tpu.memory_space<vmem>>
        %dma_start3A_55 = tpu.memref_squeeze %dma_start3A_54 : memref<1x128xi32, #tpu.memory_space<vmem>> -> memref<128xi32, #tpu.memory_space<vmem>>
        %dma_start3A_56 = arith.constant 0 : i32
        %dma_start3A_57 = arith.constant 0 : i32
        %dma_start3A_58 = tpu.memref_slice %arg10[%dma_start3A_56, %dma_start3A_57] : memref<10000x128xf32, #tpu.memory_space<vmem_shared>> -> memref<10000x128xf32, #tpu.memory_space<vmem_shared>>
        tpu.enqueue_indirect_dma source(%dma_start3A_52 : memref<128x128xf32, #tpu.memory_space<vmem>>) target(%dma_start3A_58 : memref<10000x128xf32, #tpu.memory_space<vmem_shared>>) offsets(%dma_start3A_55 : memref<128xi32, #tpu.memory_space<vmem>>) semaphore(%run_scoped3A_49 : memref<!tpu.dma_semaphore, #tpu.memory_space<semaphore_mem>>) {add = true}
        %dma_wait3A_59 = arith.constant 0 : i32
        %dma_wait3A_60 = arith.constant 0 : i32
        %dma_wait3A_61 = tpu.memref_slice %arg7[%run_scoped3A, %dma_wait3A_59, %dma_wait3A_60] : memref<2x128x128xf32, #tpu.memory_space<vmem>> -> memref<1x128x128xf32, #tpu.memory_space<vmem>>
        %dma_wait3A_62 = tpu.memref_squeeze %dma_wait3A_61 : memref<1x128x128xf32, #tpu.memory_space<vmem>> -> memref<128x128xf32, #tpu.memory_space<vmem>>
        %dma_wait3A_63 = arith.constant 0 : i32
        %dma_wait3A_64 = tpu.memref_slice %arg6[%run_scoped3A_48, %dma_wait3A_63] : memref<2x128xi32, #tpu.memory_space<vmem>> -> memref<1x128xi32, #tpu.memory_space<vmem>>
        %dma_wait3A_65 = tpu.memref_squeeze %dma_wait3A_64 : memref<1x128xi32, #tpu.memory_space<vmem>> -> memref<128xi32, #tpu.memory_space<vmem>>
        %dma_wait3A_66 = arith.constant 0 : i32
        %dma_wait3A_67 = arith.constant 0 : i32
        %dma_wait3A_68 = tpu.memref_slice %arg10[%dma_wait3A_66, %dma_wait3A_67] : memref<10000x128xf32, #tpu.memory_space<vmem_shared>> -> memref<10000x128xf32, #tpu.memory_space<vmem_shared>>
        tpu.wait_indirect_dma semaphore(%run_scoped3A_49 : memref<!tpu.dma_semaphore, #tpu.memory_space<semaphore_mem>>) src(%dma_wait3A_62 : memref<128x128xf32, #tpu.memory_space<vmem>>) dst(%dma_wait3A_68 : memref<10000x128xf32, #tpu.memory_space<vmem_shared>>)
        tpu.yield
      }) : () -> ()
    } else {
    }
    %barrier3A_16 = arith.constant 0 : index
    tpu.barrier barrier_id(%barrier3A_16)
    %scan3A_17 = arith.constant 0 : i32
    %scan3A_18 = arith.constant 0 : i32
    %scan3A_19 = arith.constant 8 : i32
    %scan3A_20 = arith.addi %scan3A_18, %scan3A_19 : i32
    %scan3A_21 = arith.constant 1 : i32
    scf.for %scan3A_23 = %scan3A_18 to %scan3A_20 step %scan3A_21  : i32 {
      %mul3A_24 = arith.constant 16 : i32
      %mul3A_25 = arith.muli %scan3A_23, %mul3A_24 : i32
      %add3A_26 = arith.addi %arg1, %mul3A_25 : i32
      %lt3A_27 = arith.constant 125 : i32
      %lt3A_28 = arith.cmpi slt, %add3A_26, %lt3A_27 : i32
      %convert_element_type3A_29 = arith.extui %lt3A_28 : i1 to i32
      %cond3A_30 = arith.constant 0 : i32
      %cond3A_31 = arith.cmpi ne, %convert_element_type3A_29, %cond3A_30 : i32
      scf.if %cond3A_31 {
        %mul3A_32 = arith.constant 80 : i32
        %mul3A_33 = arith.muli %add3A_26, %mul3A_32 : i32
        %mul3A_34 = arith.constant 80 : i32
        %mul3A_35 = arith.muli %add3A_26, %mul3A_34 : i32
        "tpu.region"() ({
          %run_scoped3A = tpu.sem_alloc : memref<!tpu.dma_semaphore, #tpu.memory_space<semaphore_mem>>
          %dma_start3A = arith.constant 0 : i32
          %dma_start3A_36 = tpu.memref_slice %arg5[%arg0, %mul3A_35, %dma_start3A] : memref<2x10000x128xf32, #tpu.memory_space<hbm>> -> memref<1x80x128xf32, #tpu.memory_space<hbm>>
          %dma_start3A_37 = tpu.memref_squeeze %dma_start3A_36 : memref<1x80x128xf32, #tpu.memory_space<hbm>> -> memref<80x128xf32, #tpu.memory_space<hbm>>
          %dma_start3A_38 = arith.constant 0 : i32
          %dma_start3A_39 = tpu.memref_slice %arg10[%mul3A_33, %dma_start3A_38] : memref<10000x128xf32, #tpu.memory_space<vmem_shared>> -> memref<80x128xf32, #tpu.memory_space<vmem_shared>>
          tpu.enqueue_dma source(%dma_start3A_39 : memref<80x128xf32, #tpu.memory_space<vmem_shared>>) target(%dma_start3A_37 : memref<80x128xf32, #tpu.memory_space<hbm>>) target_semaphore(%run_scoped3A : memref<!tpu.dma_semaphore, #tpu.memory_space<semaphore_mem>>)
          %dma_wait3A = arith.constant 0 : i32
          %dma_wait3A_40 = tpu.memref_slice %arg5[%arg0, %mul3A_35, %dma_wait3A] : memref<2x10000x128xf32, #tpu.memory_space<hbm>> -> memref<1x80x128xf32, #tpu.memory_space<hbm>>
          %dma_wait3A_41 = tpu.memref_squeeze %dma_wait3A_40 : memref<1x80x128xf32, #tpu.memory_space<hbm>> -> memref<80x128xf32, #tpu.memory_space<hbm>>
          %dma_wait3A_42 = arith.constant 0 : i32
          %dma_wait3A_43 = tpu.memref_slice %arg10[%mul3A_33, %dma_wait3A_42] : memref<10000x128xf32, #tpu.memory_space<vmem_shared>> -> memref<80x128xf32, #tpu.memory_space<vmem_shared>>
          tpu.wait_dma2 semaphore(%run_scoped3A : memref<!tpu.dma_semaphore, #tpu.memory_space<semaphore_mem>>) src(%dma_wait3A_43 : memref<80x128xf32, #tpu.memory_space<vmem_shared>>) dst(%dma_wait3A_41 : memref<80x128xf32, #tpu.memory_space<hbm>>)
          tpu.yield
        }) : () -> ()
      } else {
      }
    }
    %scan3A_22 = arith.constant 8 : i32
    return
  }
}

#map = affine_map<(d0, d1) -> (0, 0)>
#map1 = affine_map<(d0, d1) -> (0)>
#map2 = affine_map<(d0, d1) -> (0, 0, 0)>
module attributes {stable_mosaic.version = 14 : i64} {
  func.func @_scatter_body(%arg0: i32, %arg1: i32, %arg2: memref<80000x128xf32, #tpu.memory_space<hbm>>, %arg3: memref<160000xi32, #tpu.memory_space<hbm>>, %arg4: memref<80x128xf32, #tpu.memory_space<hbm>>, %arg5: memref<2x10000x128xf32, #tpu.memory_space<hbm>>, %arg6: memref<2x128xi32, #tpu.memory_space<vmem>>, %arg7: memref<2x128x128xf32, #tpu.memory_space<vmem>>, %arg8: memref<!tpu.dma_semaphore, #tpu.memory_space<semaphore_mem>>, %arg9: memref<!tpu.dma_semaphore, #tpu.memory_space<semaphore_mem>>, %arg10: memref<10000x128xf32, #tpu.memory_space<vmem_shared>>) attributes {dimension_semantics = [#tpu.dimension_semantics<core_parallel>, #tpu.dimension_semantics<subcore_parallel>], iteration_bounds = array<i64: 2, 16>, scalar_prefetch = 0 : i64, scratch_operands = 5 : i64, tpu.core_type = #tpu.core_type<sc_vector_subcore>, window_params = [{transform_indices = #map}, {transform_indices = #map1}, {transform_indices = #map}, {transform_indices = #map2}]} {
    %mul3A = arith.constant 2 : i32
    %mul3A_0 = arith.muli %arg1, %mul3A : i32
    %add3A = arith.addi %mul3A_0, %arg0 : i32
    %scan3A = arith.constant 0 : i32
    %scan3A_1 = arith.constant 0 : i32
    %scan3A_2 = arith.constant 8 : i32
    %scan3A_3 = arith.addi %scan3A_1, %scan3A_2 : i32
    %scan3A_4 = arith.constant 1 : i32
    scf.for %scan3A_23 = %scan3A_1 to %scan3A_3 step %scan3A_4  : i32 {
      %mul3A_24 = arith.constant 16 : i32
      %mul3A_25 = arith.muli %scan3A_23, %mul3A_24 : i32
      %add3A_26 = arith.addi %arg1, %mul3A_25 : i32
      %lt3A_27 = arith.constant 125 : i32
      %lt3A_28 = arith.cmpi slt, %add3A_26, %lt3A_27 : i32
      %convert_element_type3A_29 = arith.extui %lt3A_28 : i1 to i32
      %cond3A_30 = arith.constant 0 : i32
      %cond3A_31 = arith.cmpi ne, %convert_element_type3A_29, %cond3A_30 : i32
      scf.if %cond3A_31 {
        %mul3A_32 = arith.constant 80 : i32
        %mul3A_33 = arith.muli %add3A_26, %mul3A_32 : i32
        "tpu.region"() ({
          %run_scoped3A = tpu.sem_alloc : memref<!tpu.dma_semaphore, #tpu.memory_space<semaphore_mem>>
          %dma_start3A = arith.constant 0 : i32
          %dma_start3A_34 = tpu.memref_slice %arg10[%mul3A_33, %dma_start3A] : memref<10000x128xf32, #tpu.memory_space<vmem_shared>> -> memref<80x128xf32, #tpu.memory_space<vmem_shared>>
          tpu.enqueue_dma source(%arg4 : memref<80x128xf32, #tpu.memory_space<hbm>>) target(%dma_start3A_34 : memref<80x128xf32, #tpu.memory_space<vmem_shared>>) target_semaphore(%run_scoped3A : memref<!tpu.dma_semaphore, #tpu.memory_space<semaphore_mem>>)
          %dma_wait3A = arith.constant 0 : i32
          %dma_wait3A_35 = tpu.memref_slice %arg10[%mul3A_33, %dma_wait3A] : memref<10000x128xf32, #tpu.memory_space<vmem_shared>> -> memref<80x128xf32, #tpu.memory_space<vmem_shared>>
          tpu.wait_dma2 semaphore(%run_scoped3A : memref<!tpu.dma_semaphore, #tpu.memory_space<semaphore_mem>>) src(%arg4 : memref<80x128xf32, #tpu.memory_space<hbm>>) dst(%dma_wait3A_35 : memref<80x128xf32, #tpu.memory_space<vmem_shared>>)
          tpu.yield
        }) : () -> ()
      } else {
      }
    }
    %scan3A_5 = arith.constant 8 : i32
    %barrier3A = arith.constant 0 : index
    tpu.barrier barrier_id(%barrier3A)
    %scan3A_6 = arith.constant 0 : i32
    %scan3A_7 = arith.constant 0 : i32
    %scan3A_8 = arith.constant 10 : i32
    %scan3A_9 = arith.addi %scan3A_7, %scan3A_8 : i32
    %scan3A_10 = arith.constant 1 : i32
    scf.for %scan3A_23 = %scan3A_7 to %scan3A_9 step %scan3A_10  : i32 {
      %mul3A_24 = arith.constant 2 : i32
      %mul3A_25 = arith.muli %mul3A_24, %scan3A_23 : i32
      %mul3A_26 = arith.constant 32 : i32
      %mul3A_27 = arith.muli %mul3A_25, %mul3A_26 : i32
      %add3A_28 = arith.addi %add3A, %mul3A_27 : i32
      %lt3A_29 = arith.constant 625 : i32
      %lt3A_30 = arith.cmpi slt, %add3A_28, %lt3A_29 : i32
      %convert_element_type3A_31 = arith.extui %lt3A_30 : i1 to i32
      %cond3A_32 = arith.constant 0 : i32
      %cond3A_33 = arith.cmpi ne, %convert_element_type3A_31, %cond3A_32 : i32
      scf.if %cond3A_33 {
        %add3A_56 = arith.constant 0 : i32
        %add3A_57 = arith.addi %add3A_28, %add3A_56 : i32
        %mul3A_58 = arith.constant 128 : i32
        %mul3A_59 = arith.muli %add3A_57, %mul3A_58 : i32
        %dma_start3A = arith.constant 0 : i32
        %dma_start3A_60 = arith.constant 0 : i32
        %dma_start3A_61 = tpu.memref_slice %arg6[%dma_start3A, %dma_start3A_60] : memref<2x128xi32, #tpu.memory_space<vmem>> -> memref<1x128xi32, #tpu.memory_space<vmem>>
        %dma_start3A_62 = tpu.memref_squeeze %dma_start3A_61 : memref<1x128xi32, #tpu.memory_space<vmem>> -> memref<128xi32, #tpu.memory_space<vmem>>
        %dma_start3A_63 = tpu.memref_slice %arg3[%mul3A_59] : memref<160000xi32, #tpu.memory_space<hbm>> -> memref<128xi32, #tpu.memory_space<hbm>>
        %dma_start3A_64 = arith.constant 0 : i32
        %dma_start3A_65 = tpu.memref_slice %arg6[%dma_start3A, %dma_start3A_64] : memref<2x128xi32, #tpu.memory_space<vmem>> -> memref<1x128xi32, #tpu.memory_space<vmem>>
        %dma_start3A_66 = tpu.memref_squeeze %dma_start3A_65 : memref<1x128xi32, #tpu.memory_space<vmem>> -> memref<128xi32, #tpu.memory_space<vmem>>
        %dma_start3A_67 = tpu.memref_slice %arg3[%mul3A_59] : memref<160000xi32, #tpu.memory_space<hbm>> -> memref<128xi32, #tpu.memory_space<hbm>>
        tpu.enqueue_dma source(%dma_start3A_67 : memref<128xi32, #tpu.memory_space<hbm>>) target(%dma_start3A_66 : memref<128xi32, #tpu.memory_space<vmem>>) target_semaphore(%arg8 : memref<!tpu.dma_semaphore, #tpu.memory_space<semaphore_mem>>)
        %mul3A_68 = arith.constant 128 : i32
        %mul3A_69 = arith.muli %add3A_28, %mul3A_68 : i32
        %dma_start3A_70 = arith.constant 0 : i32
        %dma_start3A_71 = arith.constant 0 : i32
        %dma_start3A_72 = arith.constant 0 : i32
        %dma_start3A_73 = tpu.memref_slice %arg7[%dma_start3A_70, %dma_start3A_71, %dma_start3A_72] : memref<2x128x128xf32, #tpu.memory_space<vmem>> -> memref<1x128x128xf32, #tpu.memory_space<vmem>>
        %dma_start3A_74 = tpu.memref_squeeze %dma_start3A_73 : memref<1x128x128xf32, #tpu.memory_space<vmem>> -> memref<128x128xf32, #tpu.memory_space<vmem>>
        %dma_start3A_75 = arith.constant 0 : i32
        %dma_start3A_76 = tpu.memref_slice %arg2[%mul3A_69, %dma_start3A_75] : memref<80000x128xf32, #tpu.memory_space<hbm>> -> memref<128x128xf32, #tpu.memory_space<hbm>>
        %dma_start3A_77 = arith.constant 0 : i32
        %dma_start3A_78 = arith.constant 0 : i32
        %dma_start3A_79 = tpu.memref_slice %arg7[%dma_start3A_70, %dma_start3A_77, %dma_start3A_78] : memref<2x128x128xf32, #tpu.memory_space<vmem>> -> memref<1x128x128xf32, #tpu.memory_space<vmem>>
        %dma_start3A_80 = tpu.memref_squeeze %dma_start3A_79 : memref<1x128x128xf32, #tpu.memory_space<vmem>> -> memref<128x128xf32, #tpu.memory_space<vmem>>
        %dma_start3A_81 = arith.constant 0 : i32
        %dma_start3A_82 = tpu.memref_slice %arg2[%mul3A_69, %dma_start3A_81] : memref<80000x128xf32, #tpu.memory_space<hbm>> -> memref<128x128xf32, #tpu.memory_space<hbm>>
        tpu.enqueue_dma source(%dma_start3A_82 : memref<128x128xf32, #tpu.memory_space<hbm>>) target(%dma_start3A_80 : memref<128x128xf32, #tpu.memory_space<vmem>>) target_semaphore(%arg8 : memref<!tpu.dma_semaphore, #tpu.memory_space<semaphore_mem>>)
      } else {
      }
      %gt3A = arith.constant 0 : i32
      %gt3A_34 = arith.cmpi sgt, %scan3A_23, %gt3A : i32
      %convert_element_type3A_35 = arith.extui %gt3A_34 : i1 to i32
      %cond3A_36 = arith.constant 0 : i32
      %cond3A_37 = arith.cmpi ne, %convert_element_type3A_35, %cond3A_36 : i32
      scf.if %cond3A_37 {
        %sub3A = arith.constant 1 : i32
        %sub3A_56 = arith.subi %mul3A_25, %sub3A : i32
        %mul3A_57 = arith.constant 32 : i32
        %mul3A_58 = arith.muli %sub3A_56, %mul3A_57 : i32
        %add3A_59 = arith.addi %add3A, %mul3A_58 : i32
        %lt3A_60 = arith.constant 625 : i32
        %lt3A_61 = arith.cmpi slt, %add3A_59, %lt3A_60 : i32
        %convert_element_type3A_62 = arith.extui %lt3A_61 : i1 to i32
        %cond3A_63 = arith.constant 0 : i32
        %cond3A_64 = arith.cmpi ne, %convert_element_type3A_62, %cond3A_63 : i32
        scf.if %cond3A_64 {
          %dma_wait3A = arith.constant 1 : i32
          %dma_wait3A_65 = arith.constant 0 : i32
          %dma_wait3A_66 = tpu.memref_slice %arg6[%dma_wait3A, %dma_wait3A_65] : memref<2x128xi32, #tpu.memory_space<vmem>> -> memref<1x128xi32, #tpu.memory_space<vmem>>
          %dma_wait3A_67 = tpu.memref_squeeze %dma_wait3A_66 : memref<1x128xi32, #tpu.memory_space<vmem>> -> memref<128xi32, #tpu.memory_space<vmem>>
          %dma_wait3A_68 = arith.constant 0 : i32
          %dma_wait3A_69 = tpu.memref_slice %arg3[%dma_wait3A_68] : memref<160000xi32, #tpu.memory_space<hbm>> -> memref<128xi32, #tpu.memory_space<hbm>>
          %dma_wait3A_70 = arith.constant 0 : i32
          %dma_wait3A_71 = tpu.memref_slice %arg6[%dma_wait3A, %dma_wait3A_70] : memref<2x128xi32, #tpu.memory_space<vmem>> -> memref<1x128xi32, #tpu.memory_space<vmem>>
          %dma_wait3A_72 = tpu.memref_squeeze %dma_wait3A_71 : memref<1x128xi32, #tpu.memory_space<vmem>> -> memref<128xi32, #tpu.memory_space<vmem>>
          %dma_wait3A_73 = arith.constant 0 : i32
          %dma_wait3A_74 = tpu.memref_slice %arg3[%dma_wait3A_73] : memref<160000xi32, #tpu.memory_space<hbm>> -> memref<128xi32, #tpu.memory_space<hbm>>
          tpu.wait_dma2 semaphore(%arg9 : memref<!tpu.dma_semaphore, #tpu.memory_space<semaphore_mem>>) src(%dma_wait3A_74 : memref<128xi32, #tpu.memory_space<hbm>>) dst(%dma_wait3A_72 : memref<128xi32, #tpu.memory_space<vmem>>)
          %dma_wait3A_75 = arith.constant 1 : i32
          %dma_wait3A_76 = arith.constant 0 : i32
          %dma_wait3A_77 = arith.constant 0 : i32
          %dma_wait3A_78 = tpu.memref_slice %arg7[%dma_wait3A_75, %dma_wait3A_76, %dma_wait3A_77] : memref<2x128x128xf32, #tpu.memory_space<vmem>> -> memref<1x128x128xf32, #tpu.memory_space<vmem>>
          %dma_wait3A_79 = tpu.memref_squeeze %dma_wait3A_78 : memref<1x128x128xf32, #tpu.memory_space<vmem>> -> memref<128x128xf32, #tpu.memory_space<vmem>>
          %dma_wait3A_80 = arith.constant 0 : i32
          %dma_wait3A_81 = arith.constant 0 : i32
          %dma_wait3A_82 = tpu.memref_slice %arg2[%dma_wait3A_80, %dma_wait3A_81] : memref<80000x128xf32, #tpu.memory_space<hbm>> -> memref<128x128xf32, #tpu.memory_space<hbm>>
          %dma_wait3A_83 = arith.constant 0 : i32
          %dma_wait3A_84 = arith.constant 0 : i32
          %dma_wait3A_85 = tpu.memref_slice %arg7[%dma_wait3A_75, %dma_wait3A_83, %dma_wait3A_84] : memref<2x128x128xf32, #tpu.memory_space<vmem>> -> memref<1x128x128xf32, #tpu.memory_space<vmem>>
          %dma_wait3A_86 = tpu.memref_squeeze %dma_wait3A_85 : memref<1x128x128xf32, #tpu.memory_space<vmem>> -> memref<128x128xf32, #tpu.memory_space<vmem>>
          %dma_wait3A_87 = arith.constant 0 : i32
          %dma_wait3A_88 = arith.constant 0 : i32
          %dma_wait3A_89 = tpu.memref_slice %arg2[%dma_wait3A_87, %dma_wait3A_88] : memref<80000x128xf32, #tpu.memory_space<hbm>> -> memref<128x128xf32, #tpu.memory_space<hbm>>
          tpu.wait_dma2 semaphore(%arg9 : memref<!tpu.dma_semaphore, #tpu.memory_space<semaphore_mem>>) src(%dma_wait3A_89 : memref<128x128xf32, #tpu.memory_space<hbm>>) dst(%dma_wait3A_86 : memref<128x128xf32, #tpu.memory_space<vmem>>)
          %run_scoped3A = arith.constant 1 : i32
          %run_scoped3A_90 = arith.constant 1 : i32
          "tpu.region"() ({
            %run_scoped3A_91 = tpu.sem_alloc : memref<!tpu.dma_semaphore, #tpu.memory_space<semaphore_mem>>
            %dma_start3A = arith.constant 0 : i32
            %dma_start3A_92 = arith.constant 0 : i32
            %dma_start3A_93 = tpu.memref_slice %arg7[%run_scoped3A, %dma_start3A, %dma_start3A_92] : memref<2x128x128xf32, #tpu.memory_space<vmem>> -> memref<1x128x128xf32, #tpu.memory_space<vmem>>
            %dma_start3A_94 = tpu.memref_squeeze %dma_start3A_93 : memref<1x128x128xf32, #tpu.memory_space<vmem>> -> memref<128x128xf32, #tpu.memory_space<vmem>>
            %dma_start3A_95 = arith.constant 0 : i32
            %dma_start3A_96 = tpu.memref_slice %arg6[%run_scoped3A_90, %dma_start3A_95] : memref<2x128xi32, #tpu.memory_space<vmem>> -> memref<1x128xi32, #tpu.memory_space<vmem>>
            %dma_start3A_97 = tpu.memref_squeeze %dma_start3A_96 : memref<1x128xi32, #tpu.memory_space<vmem>> -> memref<128xi32, #tpu.memory_space<vmem>>
            %dma_start3A_98 = arith.constant 0 : i32
            %dma_start3A_99 = arith.constant 0 : i32
            %dma_start3A_100 = tpu.memref_slice %arg10[%dma_start3A_98, %dma_start3A_99] : memref<10000x128xf32, #tpu.memory_space<vmem_shared>> -> memref<10000x128xf32, #tpu.memory_space<vmem_shared>>
            tpu.enqueue_indirect_dma source(%dma_start3A_94 : memref<128x128xf32, #tpu.memory_space<vmem>>) target(%dma_start3A_100 : memref<10000x128xf32, #tpu.memory_space<vmem_shared>>) offsets(%dma_start3A_97 : memref<128xi32, #tpu.memory_space<vmem>>) semaphore(%run_scoped3A_91 : memref<!tpu.dma_semaphore, #tpu.memory_space<semaphore_mem>>) {add = true}
            %dma_wait3A_101 = arith.constant 0 : i32
            %dma_wait3A_102 = arith.constant 0 : i32
            %dma_wait3A_103 = tpu.memref_slice %arg7[%run_scoped3A, %dma_wait3A_101, %dma_wait3A_102] : memref<2x128x128xf32, #tpu.memory_space<vmem>> -> memref<1x128x128xf32, #tpu.memory_space<vmem>>
            %dma_wait3A_104 = tpu.memref_squeeze %dma_wait3A_103 : memref<1x128x128xf32, #tpu.memory_space<vmem>> -> memref<128x128xf32, #tpu.memory_space<vmem>>
            %dma_wait3A_105 = arith.constant 0 : i32
            %dma_wait3A_106 = tpu.memref_slice %arg6[%run_scoped3A_90, %dma_wait3A_105] : memref<2x128xi32, #tpu.memory_space<vmem>> -> memref<1x128xi32, #tpu.memory_space<vmem>>
            %dma_wait3A_107 = tpu.memref_squeeze %dma_wait3A_106 : memref<1x128xi32, #tpu.memory_space<vmem>> -> memref<128xi32, #tpu.memory_space<vmem>>
            %dma_wait3A_108 = arith.constant 0 : i32
            %dma_wait3A_109 = arith.constant 0 : i32
            %dma_wait3A_110 = tpu.memref_slice %arg10[%dma_wait3A_108, %dma_wait3A_109] : memref<10000x128xf32, #tpu.memory_space<vmem_shared>> -> memref<10000x128xf32, #tpu.memory_space<vmem_shared>>
            tpu.wait_indirect_dma semaphore(%run_scoped3A_91 : memref<!tpu.dma_semaphore, #tpu.memory_space<semaphore_mem>>) src(%dma_wait3A_104 : memref<128x128xf32, #tpu.memory_space<vmem>>) dst(%dma_wait3A_110 : memref<10000x128xf32, #tpu.memory_space<vmem_shared>>)
            tpu.yield
          }) : () -> ()
        } else {
        }
      } else {
      }
      %add3A_38 = arith.constant 1 : i32
      %add3A_39 = arith.addi %mul3A_25, %add3A_38 : i32
      %mul3A_40 = arith.constant 32 : i32
      %mul3A_41 = arith.muli %add3A_39, %mul3A_40 : i32
      %add3A_42 = arith.addi %add3A, %mul3A_41 : i32
      %lt3A_43 = arith.constant 625 : i32
      %lt3A_44 = arith.cmpi slt, %add3A_42, %lt3A_43 : i32
      %convert_element_type3A_45 = arith.extui %lt3A_44 : i1 to i32
      %cond3A_46 = arith.constant 0 : i32
      %cond3A_47 = arith.cmpi ne, %convert_element_type3A_45, %cond3A_46 : i32
      scf.if %cond3A_47 {
        %add3A_56 = arith.constant 0 : i32
        %add3A_57 = arith.addi %add3A_42, %add3A_56 : i32
        %mul3A_58 = arith.constant 128 : i32
        %mul3A_59 = arith.muli %add3A_57, %mul3A_58 : i32
        %dma_start3A = arith.constant 1 : i32
        %dma_start3A_60 = arith.constant 0 : i32
        %dma_start3A_61 = tpu.memref_slice %arg6[%dma_start3A, %dma_start3A_60] : memref<2x128xi32, #tpu.memory_space<vmem>> -> memref<1x128xi32, #tpu.memory_space<vmem>>
        %dma_start3A_62 = tpu.memref_squeeze %dma_start3A_61 : memref<1x128xi32, #tpu.memory_space<vmem>> -> memref<128xi32, #tpu.memory_space<vmem>>
        %dma_start3A_63 = tpu.memref_slice %arg3[%mul3A_59] : memref<160000xi32, #tpu.memory_space<hbm>> -> memref<128xi32, #tpu.memory_space<hbm>>
        %dma_start3A_64 = arith.constant 0 : i32
        %dma_start3A_65 = tpu.memref_slice %arg6[%dma_start3A, %dma_start3A_64] : memref<2x128xi32, #tpu.memory_space<vmem>> -> memref<1x128xi32, #tpu.memory_space<vmem>>
        %dma_start3A_66 = tpu.memref_squeeze %dma_start3A_65 : memref<1x128xi32, #tpu.memory_space<vmem>> -> memref<128xi32, #tpu.memory_space<vmem>>
        %dma_start3A_67 = tpu.memref_slice %arg3[%mul3A_59] : memref<160000xi32, #tpu.memory_space<hbm>> -> memref<128xi32, #tpu.memory_space<hbm>>
        tpu.enqueue_dma source(%dma_start3A_67 : memref<128xi32, #tpu.memory_space<hbm>>) target(%dma_start3A_66 : memref<128xi32, #tpu.memory_space<vmem>>) target_semaphore(%arg9 : memref<!tpu.dma_semaphore, #tpu.memory_space<semaphore_mem>>)
        %mul3A_68 = arith.constant 128 : i32
        %mul3A_69 = arith.muli %add3A_42, %mul3A_68 : i32
        %dma_start3A_70 = arith.constant 1 : i32
        %dma_start3A_71 = arith.constant 0 : i32
        %dma_start3A_72 = arith.constant 0 : i32
        %dma_start3A_73 = tpu.memref_slice %arg7[%dma_start3A_70, %dma_start3A_71, %dma_start3A_72] : memref<2x128x128xf32, #tpu.memory_space<vmem>> -> memref<1x128x128xf32, #tpu.memory_space<vmem>>
        %dma_start3A_74 = tpu.memref_squeeze %dma_start3A_73 : memref<1x128x128xf32, #tpu.memory_space<vmem>> -> memref<128x128xf32, #tpu.memory_space<vmem>>
        %dma_start3A_75 = arith.constant 0 : i32
        %dma_start3A_76 = tpu.memref_slice %arg2[%mul3A_69, %dma_start3A_75] : memref<80000x128xf32, #tpu.memory_space<hbm>> -> memref<128x128xf32, #tpu.memory_space<hbm>>
        %dma_start3A_77 = arith.constant 0 : i32
        %dma_start3A_78 = arith.constant 0 : i32
        %dma_start3A_79 = tpu.memref_slice %arg7[%dma_start3A_70, %dma_start3A_77, %dma_start3A_78] : memref<2x128x128xf32, #tpu.memory_space<vmem>> -> memref<1x128x128xf32, #tpu.memory_space<vmem>>
        %dma_start3A_80 = tpu.memref_squeeze %dma_start3A_79 : memref<1x128x128xf32, #tpu.memory_space<vmem>> -> memref<128x128xf32, #tpu.memory_space<vmem>>
        %dma_start3A_81 = arith.constant 0 : i32
        %dma_start3A_82 = tpu.memref_slice %arg2[%mul3A_69, %dma_start3A_81] : memref<80000x128xf32, #tpu.memory_space<hbm>> -> memref<128x128xf32, #tpu.memory_space<hbm>>
        tpu.enqueue_dma source(%dma_start3A_82 : memref<128x128xf32, #tpu.memory_space<hbm>>) target(%dma_start3A_80 : memref<128x128xf32, #tpu.memory_space<vmem>>) target_semaphore(%arg9 : memref<!tpu.dma_semaphore, #tpu.memory_space<semaphore_mem>>)
      } else {
      }
      %mul3A_48 = arith.constant 32 : i32
      %mul3A_49 = arith.muli %mul3A_25, %mul3A_48 : i32
      %add3A_50 = arith.addi %add3A, %mul3A_49 : i32
      %lt3A_51 = arith.constant 625 : i32
      %lt3A_52 = arith.cmpi slt, %add3A_50, %lt3A_51 : i32
      %convert_element_type3A_53 = arith.extui %lt3A_52 : i1 to i32
      %cond3A_54 = arith.constant 0 : i32
      %cond3A_55 = arith.cmpi ne, %convert_element_type3A_53, %cond3A_54 : i32
      scf.if %cond3A_55 {
        %dma_wait3A = arith.constant 0 : i32
        %dma_wait3A_56 = arith.constant 0 : i32
        %dma_wait3A_57 = tpu.memref_slice %arg6[%dma_wait3A, %dma_wait3A_56] : memref<2x128xi32, #tpu.memory_space<vmem>> -> memref<1x128xi32, #tpu.memory_space<vmem>>
        %dma_wait3A_58 = tpu.memref_squeeze %dma_wait3A_57 : memref<1x128xi32, #tpu.memory_space<vmem>> -> memref<128xi32, #tpu.memory_space<vmem>>
        %dma_wait3A_59 = arith.constant 0 : i32
        %dma_wait3A_60 = tpu.memref_slice %arg3[%dma_wait3A_59] : memref<160000xi32, #tpu.memory_space<hbm>> -> memref<128xi32, #tpu.memory_space<hbm>>
        %dma_wait3A_61 = arith.constant 0 : i32
        %dma_wait3A_62 = tpu.memref_slice %arg6[%dma_wait3A, %dma_wait3A_61] : memref<2x128xi32, #tpu.memory_space<vmem>> -> memref<1x128xi32, #tpu.memory_space<vmem>>
        %dma_wait3A_63 = tpu.memref_squeeze %dma_wait3A_62 : memref<1x128xi32, #tpu.memory_space<vmem>> -> memref<128xi32, #tpu.memory_space<vmem>>
        %dma_wait3A_64 = arith.constant 0 : i32
        %dma_wait3A_65 = tpu.memref_slice %arg3[%dma_wait3A_64] : memref<160000xi32, #tpu.memory_space<hbm>> -> memref<128xi32, #tpu.memory_space<hbm>>
        tpu.wait_dma2 semaphore(%arg8 : memref<!tpu.dma_semaphore, #tpu.memory_space<semaphore_mem>>) src(%dma_wait3A_65 : memref<128xi32, #tpu.memory_space<hbm>>) dst(%dma_wait3A_63 : memref<128xi32, #tpu.memory_space<vmem>>)
        %dma_wait3A_66 = arith.constant 0 : i32
        %dma_wait3A_67 = arith.constant 0 : i32
        %dma_wait3A_68 = arith.constant 0 : i32
        %dma_wait3A_69 = tpu.memref_slice %arg7[%dma_wait3A_66, %dma_wait3A_67, %dma_wait3A_68] : memref<2x128x128xf32, #tpu.memory_space<vmem>> -> memref<1x128x128xf32, #tpu.memory_space<vmem>>
        %dma_wait3A_70 = tpu.memref_squeeze %dma_wait3A_69 : memref<1x128x128xf32, #tpu.memory_space<vmem>> -> memref<128x128xf32, #tpu.memory_space<vmem>>
        %dma_wait3A_71 = arith.constant 0 : i32
        %dma_wait3A_72 = arith.constant 0 : i32
        %dma_wait3A_73 = tpu.memref_slice %arg2[%dma_wait3A_71, %dma_wait3A_72] : memref<80000x128xf32, #tpu.memory_space<hbm>> -> memref<128x128xf32, #tpu.memory_space<hbm>>
        %dma_wait3A_74 = arith.constant 0 : i32
        %dma_wait3A_75 = arith.constant 0 : i32
        %dma_wait3A_76 = tpu.memref_slice %arg7[%dma_wait3A_66, %dma_wait3A_74, %dma_wait3A_75] : memref<2x128x128xf32, #tpu.memory_space<vmem>> -> memref<1x128x128xf32, #tpu.memory_space<vmem>>
        %dma_wait3A_77 = tpu.memref_squeeze %dma_wait3A_76 : memref<1x128x128xf32, #tpu.memory_space<vmem>> -> memref<128x128xf32, #tpu.memory_space<vmem>>
        %dma_wait3A_78 = arith.constant 0 : i32
        %dma_wait3A_79 = arith.constant 0 : i32
        %dma_wait3A_80 = tpu.memref_slice %arg2[%dma_wait3A_78, %dma_wait3A_79] : memref<80000x128xf32, #tpu.memory_space<hbm>> -> memref<128x128xf32, #tpu.memory_space<hbm>>
        tpu.wait_dma2 semaphore(%arg8 : memref<!tpu.dma_semaphore, #tpu.memory_space<semaphore_mem>>) src(%dma_wait3A_80 : memref<128x128xf32, #tpu.memory_space<hbm>>) dst(%dma_wait3A_77 : memref<128x128xf32, #tpu.memory_space<vmem>>)
        %run_scoped3A = arith.constant 0 : i32
        %run_scoped3A_81 = arith.constant 0 : i32
        "tpu.region"() ({
          %run_scoped3A_82 = tpu.sem_alloc : memref<!tpu.dma_semaphore, #tpu.memory_space<semaphore_mem>>
          %dma_start3A = arith.constant 0 : i32
          %dma_start3A_83 = arith.constant 0 : i32
          %dma_start3A_84 = tpu.memref_slice %arg7[%run_scoped3A, %dma_start3A, %dma_start3A_83] : memref<2x128x128xf32, #tpu.memory_space<vmem>> -> memref<1x128x128xf32, #tpu.memory_space<vmem>>
          %dma_start3A_85 = tpu.memref_squeeze %dma_start3A_84 : memref<1x128x128xf32, #tpu.memory_space<vmem>> -> memref<128x128xf32, #tpu.memory_space<vmem>>
          %dma_start3A_86 = arith.constant 0 : i32
          %dma_start3A_87 = tpu.memref_slice %arg6[%run_scoped3A_81, %dma_start3A_86] : memref<2x128xi32, #tpu.memory_space<vmem>> -> memref<1x128xi32, #tpu.memory_space<vmem>>
          %dma_start3A_88 = tpu.memref_squeeze %dma_start3A_87 : memref<1x128xi32, #tpu.memory_space<vmem>> -> memref<128xi32, #tpu.memory_space<vmem>>
          %dma_start3A_89 = arith.constant 0 : i32
          %dma_start3A_90 = arith.constant 0 : i32
          %dma_start3A_91 = tpu.memref_slice %arg10[%dma_start3A_89, %dma_start3A_90] : memref<10000x128xf32, #tpu.memory_space<vmem_shared>> -> memref<10000x128xf32, #tpu.memory_space<vmem_shared>>
          tpu.enqueue_indirect_dma source(%dma_start3A_85 : memref<128x128xf32, #tpu.memory_space<vmem>>) target(%dma_start3A_91 : memref<10000x128xf32, #tpu.memory_space<vmem_shared>>) offsets(%dma_start3A_88 : memref<128xi32, #tpu.memory_space<vmem>>) semaphore(%run_scoped3A_82 : memref<!tpu.dma_semaphore, #tpu.memory_space<semaphore_mem>>) {add = true}
          %dma_wait3A_92 = arith.constant 0 : i32
          %dma_wait3A_93 = arith.constant 0 : i32
          %dma_wait3A_94 = tpu.memref_slice %arg7[%run_scoped3A, %dma_wait3A_92, %dma_wait3A_93] : memref<2x128x128xf32, #tpu.memory_space<vmem>> -> memref<1x128x128xf32, #tpu.memory_space<vmem>>
          %dma_wait3A_95 = tpu.memref_squeeze %dma_wait3A_94 : memref<1x128x128xf32, #tpu.memory_space<vmem>> -> memref<128x128xf32, #tpu.memory_space<vmem>>
          %dma_wait3A_96 = arith.constant 0 : i32
          %dma_wait3A_97 = tpu.memref_slice %arg6[%run_scoped3A_81, %dma_wait3A_96] : memref<2x128xi32, #tpu.memory_space<vmem>> -> memref<1x128xi32, #tpu.memory_space<vmem>>
          %dma_wait3A_98 = tpu.memref_squeeze %dma_wait3A_97 : memref<1x128xi32, #tpu.memory_space<vmem>> -> memref<128xi32, #tpu.memory_space<vmem>>
          %dma_wait3A_99 = arith.constant 0 : i32
          %dma_wait3A_100 = arith.constant 0 : i32
          %dma_wait3A_101 = tpu.memref_slice %arg10[%dma_wait3A_99, %dma_wait3A_100] : memref<10000x128xf32, #tpu.memory_space<vmem_shared>> -> memref<10000x128xf32, #tpu.memory_space<vmem_shared>>
          tpu.wait_indirect_dma semaphore(%run_scoped3A_82 : memref<!tpu.dma_semaphore, #tpu.memory_space<semaphore_mem>>) src(%dma_wait3A_95 : memref<128x128xf32, #tpu.memory_space<vmem>>) dst(%dma_wait3A_101 : memref<10000x128xf32, #tpu.memory_space<vmem_shared>>)
          tpu.yield
        }) : () -> ()
      } else {
      }
    }
    %scan3A_11 = arith.constant 10 : i32
    %add3A_12 = arith.constant 608 : i32
    %add3A_13 = arith.addi %add3A, %add3A_12 : i32
    %lt3A = arith.constant 625 : i32
    %lt3A_14 = arith.cmpi slt, %add3A_13, %lt3A : i32
    %convert_element_type3A = arith.extui %lt3A_14 : i1 to i32
    %cond3A = arith.constant 0 : i32
    %cond3A_15 = arith.cmpi ne, %convert_element_type3A, %cond3A : i32
    scf.if %cond3A_15 {
      %dma_wait3A = arith.constant 1 : i32
      %dma_wait3A_23 = arith.constant 0 : i32
      %dma_wait3A_24 = tpu.memref_slice %arg6[%dma_wait3A, %dma_wait3A_23] : memref<2x128xi32, #tpu.memory_space<vmem>> -> memref<1x128xi32, #tpu.memory_space<vmem>>
      %dma_wait3A_25 = tpu.memref_squeeze %dma_wait3A_24 : memref<1x128xi32, #tpu.memory_space<vmem>> -> memref<128xi32, #tpu.memory_space<vmem>>
      %dma_wait3A_26 = arith.constant 0 : i32
      %dma_wait3A_27 = tpu.memref_slice %arg3[%dma_wait3A_26] : memref<160000xi32, #tpu.memory_space<hbm>> -> memref<128xi32, #tpu.memory_space<hbm>>
      %dma_wait3A_28 = arith.constant 0 : i32
      %dma_wait3A_29 = tpu.memref_slice %arg6[%dma_wait3A, %dma_wait3A_28] : memref<2x128xi32, #tpu.memory_space<vmem>> -> memref<1x128xi32, #tpu.memory_space<vmem>>
      %dma_wait3A_30 = tpu.memref_squeeze %dma_wait3A_29 : memref<1x128xi32, #tpu.memory_space<vmem>> -> memref<128xi32, #tpu.memory_space<vmem>>
      %dma_wait3A_31 = arith.constant 0 : i32
      %dma_wait3A_32 = tpu.memref_slice %arg3[%dma_wait3A_31] : memref<160000xi32, #tpu.memory_space<hbm>> -> memref<128xi32, #tpu.memory_space<hbm>>
      tpu.wait_dma2 semaphore(%arg9 : memref<!tpu.dma_semaphore, #tpu.memory_space<semaphore_mem>>) src(%dma_wait3A_32 : memref<128xi32, #tpu.memory_space<hbm>>) dst(%dma_wait3A_30 : memref<128xi32, #tpu.memory_space<vmem>>)
      %dma_wait3A_33 = arith.constant 1 : i32
      %dma_wait3A_34 = arith.constant 0 : i32
      %dma_wait3A_35 = arith.constant 0 : i32
      %dma_wait3A_36 = tpu.memref_slice %arg7[%dma_wait3A_33, %dma_wait3A_34, %dma_wait3A_35] : memref<2x128x128xf32, #tpu.memory_space<vmem>> -> memref<1x128x128xf32, #tpu.memory_space<vmem>>
      %dma_wait3A_37 = tpu.memref_squeeze %dma_wait3A_36 : memref<1x128x128xf32, #tpu.memory_space<vmem>> -> memref<128x128xf32, #tpu.memory_space<vmem>>
      %dma_wait3A_38 = arith.constant 0 : i32
      %dma_wait3A_39 = arith.constant 0 : i32
      %dma_wait3A_40 = tpu.memref_slice %arg2[%dma_wait3A_38, %dma_wait3A_39] : memref<80000x128xf32, #tpu.memory_space<hbm>> -> memref<128x128xf32, #tpu.memory_space<hbm>>
      %dma_wait3A_41 = arith.constant 0 : i32
      %dma_wait3A_42 = arith.constant 0 : i32
      %dma_wait3A_43 = tpu.memref_slice %arg7[%dma_wait3A_33, %dma_wait3A_41, %dma_wait3A_42] : memref<2x128x128xf32, #tpu.memory_space<vmem>> -> memref<1x128x128xf32, #tpu.memory_space<vmem>>
      %dma_wait3A_44 = tpu.memref_squeeze %dma_wait3A_43 : memref<1x128x128xf32, #tpu.memory_space<vmem>> -> memref<128x128xf32, #tpu.memory_space<vmem>>
      %dma_wait3A_45 = arith.constant 0 : i32
      %dma_wait3A_46 = arith.constant 0 : i32
      %dma_wait3A_47 = tpu.memref_slice %arg2[%dma_wait3A_45, %dma_wait3A_46] : memref<80000x128xf32, #tpu.memory_space<hbm>> -> memref<128x128xf32, #tpu.memory_space<hbm>>
      tpu.wait_dma2 semaphore(%arg9 : memref<!tpu.dma_semaphore, #tpu.memory_space<semaphore_mem>>) src(%dma_wait3A_47 : memref<128x128xf32, #tpu.memory_space<hbm>>) dst(%dma_wait3A_44 : memref<128x128xf32, #tpu.memory_space<vmem>>)
      %run_scoped3A = arith.constant 1 : i32
      %run_scoped3A_48 = arith.constant 1 : i32
      "tpu.region"() ({
        %run_scoped3A_49 = tpu.sem_alloc : memref<!tpu.dma_semaphore, #tpu.memory_space<semaphore_mem>>
        %dma_start3A = arith.constant 0 : i32
        %dma_start3A_50 = arith.constant 0 : i32
        %dma_start3A_51 = tpu.memref_slice %arg7[%run_scoped3A, %dma_start3A, %dma_start3A_50] : memref<2x128x128xf32, #tpu.memory_space<vmem>> -> memref<1x128x128xf32, #tpu.memory_space<vmem>>
        %dma_start3A_52 = tpu.memref_squeeze %dma_start3A_51 : memref<1x128x128xf32, #tpu.memory_space<vmem>> -> memref<128x128xf32, #tpu.memory_space<vmem>>
        %dma_start3A_53 = arith.constant 0 : i32
        %dma_start3A_54 = tpu.memref_slice %arg6[%run_scoped3A_48, %dma_start3A_53] : memref<2x128xi32, #tpu.memory_space<vmem>> -> memref<1x128xi32, #tpu.memory_space<vmem>>
        %dma_start3A_55 = tpu.memref_squeeze %dma_start3A_54 : memref<1x128xi32, #tpu.memory_space<vmem>> -> memref<128xi32, #tpu.memory_space<vmem>>
        %dma_start3A_56 = arith.constant 0 : i32
        %dma_start3A_57 = arith.constant 0 : i32
        %dma_start3A_58 = tpu.memref_slice %arg10[%dma_start3A_56, %dma_start3A_57] : memref<10000x128xf32, #tpu.memory_space<vmem_shared>> -> memref<10000x128xf32, #tpu.memory_space<vmem_shared>>
        tpu.enqueue_indirect_dma source(%dma_start3A_52 : memref<128x128xf32, #tpu.memory_space<vmem>>) target(%dma_start3A_58 : memref<10000x128xf32, #tpu.memory_space<vmem_shared>>) offsets(%dma_start3A_55 : memref<128xi32, #tpu.memory_space<vmem>>) semaphore(%run_scoped3A_49 : memref<!tpu.dma_semaphore, #tpu.memory_space<semaphore_mem>>) {add = true}
        %dma_wait3A_59 = arith.constant 0 : i32
        %dma_wait3A_60 = arith.constant 0 : i32
        %dma_wait3A_61 = tpu.memref_slice %arg7[%run_scoped3A, %dma_wait3A_59, %dma_wait3A_60] : memref<2x128x128xf32, #tpu.memory_space<vmem>> -> memref<1x128x128xf32, #tpu.memory_space<vmem>>
        %dma_wait3A_62 = tpu.memref_squeeze %dma_wait3A_61 : memref<1x128x128xf32, #tpu.memory_space<vmem>> -> memref<128x128xf32, #tpu.memory_space<vmem>>
        %dma_wait3A_63 = arith.constant 0 : i32
        %dma_wait3A_64 = tpu.memref_slice %arg6[%run_scoped3A_48, %dma_wait3A_63] : memref<2x128xi32, #tpu.memory_space<vmem>> -> memref<1x128xi32, #tpu.memory_space<vmem>>
        %dma_wait3A_65 = tpu.memref_squeeze %dma_wait3A_64 : memref<1x128xi32, #tpu.memory_space<vmem>> -> memref<128xi32, #tpu.memory_space<vmem>>
        %dma_wait3A_66 = arith.constant 0 : i32
        %dma_wait3A_67 = arith.constant 0 : i32
        %dma_wait3A_68 = tpu.memref_slice %arg10[%dma_wait3A_66, %dma_wait3A_67] : memref<10000x128xf32, #tpu.memory_space<vmem_shared>> -> memref<10000x128xf32, #tpu.memory_space<vmem_shared>>
        tpu.wait_indirect_dma semaphore(%run_scoped3A_49 : memref<!tpu.dma_semaphore, #tpu.memory_space<semaphore_mem>>) src(%dma_wait3A_62 : memref<128x128xf32, #tpu.memory_space<vmem>>) dst(%dma_wait3A_68 : memref<10000x128xf32, #tpu.memory_space<vmem_shared>>)
        tpu.yield
      }) : () -> ()
    } else {
    }
    %barrier3A_16 = arith.constant 0 : index
    tpu.barrier barrier_id(%barrier3A_16)
    %scan3A_17 = arith.constant 0 : i32
    %scan3A_18 = arith.constant 0 : i32
    %scan3A_19 = arith.constant 8 : i32
    %scan3A_20 = arith.addi %scan3A_18, %scan3A_19 : i32
    %scan3A_21 = arith.constant 1 : i32
    scf.for %scan3A_23 = %scan3A_18 to %scan3A_20 step %scan3A_21  : i32 {
      %mul3A_24 = arith.constant 16 : i32
      %mul3A_25 = arith.muli %scan3A_23, %mul3A_24 : i32
      %add3A_26 = arith.addi %arg1, %mul3A_25 : i32
      %lt3A_27 = arith.constant 125 : i32
      %lt3A_28 = arith.cmpi slt, %add3A_26, %lt3A_27 : i32
      %convert_element_type3A_29 = arith.extui %lt3A_28 : i1 to i32
      %cond3A_30 = arith.constant 0 : i32
      %cond3A_31 = arith.cmpi ne, %convert_element_type3A_29, %cond3A_30 : i32
      scf.if %cond3A_31 {
        %mul3A_32 = arith.constant 80 : i32
        %mul3A_33 = arith.muli %add3A_26, %mul3A_32 : i32
        %mul3A_34 = arith.constant 80 : i32
        %mul3A_35 = arith.muli %add3A_26, %mul3A_34 : i32
        "tpu.region"() ({
          %run_scoped3A = tpu.sem_alloc : memref<!tpu.dma_semaphore, #tpu.memory_space<semaphore_mem>>
          %dma_start3A = arith.constant 0 : i32
          %dma_start3A_36 = tpu.memref_slice %arg5[%arg0, %mul3A_35, %dma_start3A] : memref<2x10000x128xf32, #tpu.memory_space<hbm>> -> memref<1x80x128xf32, #tpu.memory_space<hbm>>
          %dma_start3A_37 = tpu.memref_squeeze %dma_start3A_36 : memref<1x80x128xf32, #tpu.memory_space<hbm>> -> memref<80x128xf32, #tpu.memory_space<hbm>>
          %dma_start3A_38 = arith.constant 0 : i32
          %dma_start3A_39 = tpu.memref_slice %arg10[%mul3A_33, %dma_start3A_38] : memref<10000x128xf32, #tpu.memory_space<vmem_shared>> -> memref<80x128xf32, #tpu.memory_space<vmem_shared>>
          tpu.enqueue_dma source(%dma_start3A_39 : memref<80x128xf32, #tpu.memory_space<vmem_shared>>) target(%dma_start3A_37 : memref<80x128xf32, #tpu.memory_space<hbm>>) target_semaphore(%run_scoped3A : memref<!tpu.dma_semaphore, #tpu.memory_space<semaphore_mem>>)
          %dma_wait3A = arith.constant 0 : i32
          %dma_wait3A_40 = tpu.memref_slice %arg5[%arg0, %mul3A_35, %dma_wait3A] : memref<2x10000x128xf32, #tpu.memory_space<hbm>> -> memref<1x80x128xf32, #tpu.memory_space<hbm>>
          %dma_wait3A_41 = tpu.memref_squeeze %dma_wait3A_40 : memref<1x80x128xf32, #tpu.memory_space<hbm>> -> memref<80x128xf32, #tpu.memory_space<hbm>>
          %dma_wait3A_42 = arith.constant 0 : i32
          %dma_wait3A_43 = tpu.memref_slice %arg10[%mul3A_33, %dma_wait3A_42] : memref<10000x128xf32, #tpu.memory_space<vmem_shared>> -> memref<80x128xf32, #tpu.memory_space<vmem_shared>>
          tpu.wait_dma2 semaphore(%run_scoped3A : memref<!tpu.dma_semaphore, #tpu.memory_space<semaphore_mem>>) src(%dma_wait3A_43 : memref<80x128xf32, #tpu.memory_space<vmem_shared>>) dst(%dma_wait3A_41 : memref<80x128xf32, #tpu.memory_space<hbm>>)
          tpu.yield
        }) : () -> ()
      } else {
      }
    }
    %scan3A_22 = arith.constant 8 : i32
    return
  }
}

#map = affine_map<(d0, d1) -> (0, 0)>
#map1 = affine_map<(d0, d1) -> (0)>
module attributes {stable_mosaic.version = 14 : i64} {
  func.func @_gather_body(%arg0: i32, %arg1: i32, %arg2: memref<10000x128xf32, #tpu.memory_space<hbm>>, %arg3: memref<160000xi32, #tpu.memory_space<hbm>>, %arg4: memref<160000xi32, #tpu.memory_space<hbm>>, %arg5: memref<80000x128xf32, #tpu.memory_space<hbm>>, %arg6: memref<80000x128xf32, #tpu.memory_space<hbm>>, %arg7: memref<2x128xi32, #tpu.memory_space<vmem>>, %arg8: memref<2x128xi32, #tpu.memory_space<vmem>>, %arg9: memref<2x128x128xf32, #tpu.memory_space<vmem>>, %arg10: memref<2x128x128xf32, #tpu.memory_space<vmem>>, %arg11: memref<!tpu.dma_semaphore, #tpu.memory_space<semaphore_mem>>, %arg12: memref<!tpu.dma_semaphore, #tpu.memory_space<semaphore_mem>>) attributes {dimension_semantics = [#tpu.dimension_semantics<core_parallel>, #tpu.dimension_semantics<subcore_parallel>], iteration_bounds = array<i64: 2, 16>, scalar_prefetch = 0 : i64, scratch_operands = 6 : i64, tpu.core_type = #tpu.core_type<sc_vector_subcore>, window_params = [{transform_indices = #map}, {transform_indices = #map1}, {transform_indices = #map1}, {transform_indices = #map}, {transform_indices = #map}]} {
    %mul3A = arith.constant 2 : i32
    %mul3A_0 = arith.muli %arg1, %mul3A : i32
    %add3A = arith.addi %mul3A_0, %arg0 : i32
    %scan3A = arith.constant 0 : i32
    %scan3A_1 = arith.constant 0 : i32
    %scan3A_2 = arith.constant 10 : i32
    %scan3A_3 = arith.addi %scan3A_1, %scan3A_2 : i32
    %scan3A_4 = arith.constant 1 : i32
    scf.for %scan3A_35 = %scan3A_1 to %scan3A_3 step %scan3A_4  : i32 {
      %mul3A_36 = arith.constant 2 : i32
      %mul3A_37 = arith.muli %mul3A_36, %scan3A_35 : i32
      %mul3A_38 = arith.constant 32 : i32
      %mul3A_39 = arith.muli %mul3A_37, %mul3A_38 : i32
      %add3A_40 = arith.addi %add3A, %mul3A_39 : i32
      %min3A_41 = arith.constant 624 : i32
      %min3A_42 = arith.minsi %add3A_40, %min3A_41 : i32
      %add3A_43 = arith.constant 625 : i32
      %add3A_44 = arith.addi %min3A_42, %add3A_43 : i32
      %mul3A_45 = arith.constant 128 : i32
      %mul3A_46 = arith.muli %add3A_44, %mul3A_45 : i32
      %run_scoped3A_47 = arith.constant 0 : i32
      "tpu.region"() ({
        %run_scoped3A_144 = tpu.sem_alloc : memref<!tpu.dma_semaphore, #tpu.memory_space<semaphore_mem>>
        %dma_start3A_145 = arith.constant 0 : i32
        %dma_start3A_146 = tpu.memref_slice %arg7[%run_scoped3A_47, %dma_start3A_145] : memref<2x128xi32, #tpu.memory_space<vmem>> -> memref<1x128xi32, #tpu.memory_space<vmem>>
        %dma_start3A_147 = tpu.memref_squeeze %dma_start3A_146 : memref<1x128xi32, #tpu.memory_space<vmem>> -> memref<128xi32, #tpu.memory_space<vmem>>
        %dma_start3A_148 = tpu.memref_slice %arg3[%mul3A_46] : memref<160000xi32, #tpu.memory_space<hbm>> -> memref<128xi32, #tpu.memory_space<hbm>>
        %dma_start3A_149 = arith.constant 0 : i32
        %dma_start3A_150 = tpu.memref_slice %arg7[%run_scoped3A_47, %dma_start3A_149] : memref<2x128xi32, #tpu.memory_space<vmem>> -> memref<1x128xi32, #tpu.memory_space<vmem>>
        %dma_start3A_151 = tpu.memref_squeeze %dma_start3A_150 : memref<1x128xi32, #tpu.memory_space<vmem>> -> memref<128xi32, #tpu.memory_space<vmem>>
        %dma_start3A_152 = tpu.memref_slice %arg3[%mul3A_46] : memref<160000xi32, #tpu.memory_space<hbm>> -> memref<128xi32, #tpu.memory_space<hbm>>
        tpu.enqueue_dma source(%dma_start3A_152 : memref<128xi32, #tpu.memory_space<hbm>>) target(%dma_start3A_151 : memref<128xi32, #tpu.memory_space<vmem>>) target_semaphore(%run_scoped3A_144 : memref<!tpu.dma_semaphore, #tpu.memory_space<semaphore_mem>>)
        %dma_wait3A_153 = arith.constant 0 : i32
        %dma_wait3A_154 = tpu.memref_slice %arg7[%run_scoped3A_47, %dma_wait3A_153] : memref<2x128xi32, #tpu.memory_space<vmem>> -> memref<1x128xi32, #tpu.memory_space<vmem>>
        %dma_wait3A_155 = tpu.memref_squeeze %dma_wait3A_154 : memref<1x128xi32, #tpu.memory_space<vmem>> -> memref<128xi32, #tpu.memory_space<vmem>>
        %dma_wait3A_156 = tpu.memref_slice %arg3[%mul3A_46] : memref<160000xi32, #tpu.memory_space<hbm>> -> memref<128xi32, #tpu.memory_space<hbm>>
        %dma_wait3A_157 = arith.constant 0 : i32
        %dma_wait3A_158 = tpu.memref_slice %arg7[%run_scoped3A_47, %dma_wait3A_157] : memref<2x128xi32, #tpu.memory_space<vmem>> -> memref<1x128xi32, #tpu.memory_space<vmem>>
        %dma_wait3A_159 = tpu.memref_squeeze %dma_wait3A_158 : memref<1x128xi32, #tpu.memory_space<vmem>> -> memref<128xi32, #tpu.memory_space<vmem>>
        %dma_wait3A_160 = tpu.memref_slice %arg3[%mul3A_46] : memref<160000xi32, #tpu.memory_space<hbm>> -> memref<128xi32, #tpu.memory_space<hbm>>
        tpu.wait_dma2 semaphore(%run_scoped3A_144 : memref<!tpu.dma_semaphore, #tpu.memory_space<semaphore_mem>>) src(%dma_wait3A_160 : memref<128xi32, #tpu.memory_space<hbm>>) dst(%dma_wait3A_159 : memref<128xi32, #tpu.memory_space<vmem>>)
        tpu.yield
      }) : () -> ()
      %run_scoped3A_48 = arith.constant 0 : i32
      "tpu.region"() ({
        %run_scoped3A_144 = tpu.sem_alloc : memref<!tpu.dma_semaphore, #tpu.memory_space<semaphore_mem>>
        %dma_start3A_145 = arith.constant 0 : i32
        %dma_start3A_146 = tpu.memref_slice %arg8[%run_scoped3A_48, %dma_start3A_145] : memref<2x128xi32, #tpu.memory_space<vmem>> -> memref<1x128xi32, #tpu.memory_space<vmem>>
        %dma_start3A_147 = tpu.memref_squeeze %dma_start3A_146 : memref<1x128xi32, #tpu.memory_space<vmem>> -> memref<128xi32, #tpu.memory_space<vmem>>
        %dma_start3A_148 = tpu.memref_slice %arg4[%mul3A_46] : memref<160000xi32, #tpu.memory_space<hbm>> -> memref<128xi32, #tpu.memory_space<hbm>>
        %dma_start3A_149 = arith.constant 0 : i32
        %dma_start3A_150 = tpu.memref_slice %arg8[%run_scoped3A_48, %dma_start3A_149] : memref<2x128xi32, #tpu.memory_space<vmem>> -> memref<1x128xi32, #tpu.memory_space<vmem>>
        %dma_start3A_151 = tpu.memref_squeeze %dma_start3A_150 : memref<1x128xi32, #tpu.memory_space<vmem>> -> memref<128xi32, #tpu.memory_space<vmem>>
        %dma_start3A_152 = tpu.memref_slice %arg4[%mul3A_46] : memref<160000xi32, #tpu.memory_space<hbm>> -> memref<128xi32, #tpu.memory_space<hbm>>
        tpu.enqueue_dma source(%dma_start3A_152 : memref<128xi32, #tpu.memory_space<hbm>>) target(%dma_start3A_151 : memref<128xi32, #tpu.memory_space<vmem>>) target_semaphore(%run_scoped3A_144 : memref<!tpu.dma_semaphore, #tpu.memory_space<semaphore_mem>>)
        %dma_wait3A_153 = arith.constant 0 : i32
        %dma_wait3A_154 = tpu.memref_slice %arg8[%run_scoped3A_48, %dma_wait3A_153] : memref<2x128xi32, #tpu.memory_space<vmem>> -> memref<1x128xi32, #tpu.memory_space<vmem>>
        %dma_wait3A_155 = tpu.memref_squeeze %dma_wait3A_154 : memref<1x128xi32, #tpu.memory_space<vmem>> -> memref<128xi32, #tpu.memory_space<vmem>>
        %dma_wait3A_156 = tpu.memref_slice %arg4[%mul3A_46] : memref<160000xi32, #tpu.memory_space<hbm>> -> memref<128xi32, #tpu.memory_space<hbm>>
        %dma_wait3A_157 = arith.constant 0 : i32
        %dma_wait3A_158 = tpu.memref_slice %arg8[%run_scoped3A_48, %dma_wait3A_157] : memref<2x128xi32, #tpu.memory_space<vmem>> -> memref<1x128xi32, #tpu.memory_space<vmem>>
        %dma_wait3A_159 = tpu.memref_squeeze %dma_wait3A_158 : memref<1x128xi32, #tpu.memory_space<vmem>> -> memref<128xi32, #tpu.memory_space<vmem>>
        %dma_wait3A_160 = tpu.memref_slice %arg4[%mul3A_46] : memref<160000xi32, #tpu.memory_space<hbm>> -> memref<128xi32, #tpu.memory_space<hbm>>
        tpu.wait_dma2 semaphore(%run_scoped3A_144 : memref<!tpu.dma_semaphore, #tpu.memory_space<semaphore_mem>>) src(%dma_wait3A_160 : memref<128xi32, #tpu.memory_space<hbm>>) dst(%dma_wait3A_159 : memref<128xi32, #tpu.memory_space<vmem>>)
        tpu.yield
      }) : () -> ()
      %dma_start3A = arith.constant 0 : i32
      %dma_start3A_49 = arith.constant 0 : i32
      %dma_start3A_50 = arith.constant 0 : i32
      %dma_start3A_51 = arith.constant 0 : i32
      %dma_start3A_52 = tpu.memref_slice %arg9[%dma_start3A_49, %dma_start3A_50, %dma_start3A_51] : memref<2x128x128xf32, #tpu.memory_space<vmem>> -> memref<1x128x128xf32, #tpu.memory_space<vmem>>
      %dma_start3A_53 = tpu.memref_squeeze %dma_start3A_52 : memref<1x128x128xf32, #tpu.memory_space<vmem>> -> memref<128x128xf32, #tpu.memory_space<vmem>>
      %dma_start3A_54 = arith.constant 0 : i32
      %dma_start3A_55 = tpu.memref_slice %arg7[%dma_start3A, %dma_start3A_54] : memref<2x128xi32, #tpu.memory_space<vmem>> -> memref<1x128xi32, #tpu.memory_space<vmem>>
      %dma_start3A_56 = tpu.memref_squeeze %dma_start3A_55 : memref<1x128xi32, #tpu.memory_space<vmem>> -> memref<128xi32, #tpu.memory_space<vmem>>
      %dma_start3A_57 = arith.constant 0 : i32
      %dma_start3A_58 = arith.constant 0 : i32
      %dma_start3A_59 = tpu.memref_slice %arg2[%dma_start3A_57, %dma_start3A_58] : memref<10000x128xf32, #tpu.memory_space<hbm>> -> memref<10000x128xf32, #tpu.memory_space<hbm>>
      tpu.enqueue_indirect_dma source(%dma_start3A_59 : memref<10000x128xf32, #tpu.memory_space<hbm>>) target(%dma_start3A_53 : memref<128x128xf32, #tpu.memory_space<vmem>>) offsets(%dma_start3A_56 : memref<128xi32, #tpu.memory_space<vmem>>) semaphore(%arg11 : memref<!tpu.dma_semaphore, #tpu.memory_space<semaphore_mem>>)
      %dma_start3A_60 = arith.constant 0 : i32
      %dma_start3A_61 = arith.constant 0 : i32
      %dma_start3A_62 = arith.constant 0 : i32
      %dma_start3A_63 = arith.constant 0 : i32
      %dma_start3A_64 = tpu.memref_slice %arg10[%dma_start3A_61, %dma_start3A_62, %dma_start3A_63] : memref<2x128x128xf32, #tpu.memory_space<vmem>> -> memref<1x128x128xf32, #tpu.memory_space<vmem>>
      %dma_start3A_65 = tpu.memref_squeeze %dma_start3A_64 : memref<1x128x128xf32, #tpu.memory_space<vmem>> -> memref<128x128xf32, #tpu.memory_space<vmem>>
      %dma_start3A_66 = arith.constant 0 : i32
      %dma_start3A_67 = tpu.memref_slice %arg8[%dma_start3A_60, %dma_start3A_66] : memref<2x128xi32, #tpu.memory_space<vmem>> -> memref<1x128xi32, #tpu.memory_space<vmem>>
      %dma_start3A_68 = tpu.memref_squeeze %dma_start3A_67 : memref<1x128xi32, #tpu.memory_space<vmem>> -> memref<128xi32, #tpu.memory_space<vmem>>
      %dma_start3A_69 = arith.constant 0 : i32
      %dma_start3A_70 = arith.constant 0 : i32
      %dma_start3A_71 = tpu.memref_slice %arg2[%dma_start3A_69, %dma_start3A_70] : memref<10000x128xf32, #tpu.memory_space<hbm>> -> memref<10000x128xf32, #tpu.memory_space<hbm>>
      tpu.enqueue_indirect_dma source(%dma_start3A_71 : memref<10000x128xf32, #tpu.memory_space<hbm>>) target(%dma_start3A_65 : memref<128x128xf32, #tpu.memory_space<vmem>>) offsets(%dma_start3A_68 : memref<128xi32, #tpu.memory_space<vmem>>) semaphore(%arg11 : memref<!tpu.dma_semaphore, #tpu.memory_space<semaphore_mem>>)
      %gt3A = arith.constant 0 : i32
      %gt3A_72 = arith.cmpi sgt, %scan3A_35, %gt3A : i32
      %convert_element_type3A = arith.extui %gt3A_72 : i1 to i32
      %cond3A = arith.constant 0 : i32
      %cond3A_73 = arith.cmpi ne, %convert_element_type3A, %cond3A : i32
      scf.if %cond3A_73 {
        %sub3A = arith.constant 1 : i32
        %sub3A_144 = arith.subi %mul3A_37, %sub3A : i32
        %mul3A_145 = arith.constant 32 : i32
        %mul3A_146 = arith.muli %sub3A_144, %mul3A_145 : i32
        %add3A_147 = arith.addi %add3A, %mul3A_146 : i32
        %min3A_148 = arith.constant 624 : i32
        %min3A_149 = arith.minsi %add3A_147, %min3A_148 : i32
        %mul3A_150 = arith.constant 128 : i32
        %mul3A_151 = arith.muli %min3A_149, %mul3A_150 : i32
        %dma_wait3A_152 = arith.constant 1 : i32
        %dma_wait3A_153 = arith.constant 1 : i32
        %dma_wait3A_154 = arith.constant 0 : i32
        %dma_wait3A_155 = arith.constant 0 : i32
        %dma_wait3A_156 = tpu.memref_slice %arg9[%dma_wait3A_153, %dma_wait3A_154, %dma_wait3A_155] : memref<2x128x128xf32, #tpu.memory_space<vmem>> -> memref<1x128x128xf32, #tpu.memory_space<vmem>>
        %dma_wait3A_157 = tpu.memref_squeeze %dma_wait3A_156 : memref<1x128x128xf32, #tpu.memory_space<vmem>> -> memref<128x128xf32, #tpu.memory_space<vmem>>
        %dma_wait3A_158 = arith.constant 0 : i32
        %dma_wait3A_159 = tpu.memref_slice %arg7[%dma_wait3A_152, %dma_wait3A_158] : memref<2x128xi32, #tpu.memory_space<vmem>> -> memref<1x128xi32, #tpu.memory_space<vmem>>
        %dma_wait3A_160 = tpu.memref_squeeze %dma_wait3A_159 : memref<1x128xi32, #tpu.memory_space<vmem>> -> memref<128xi32, #tpu.memory_space<vmem>>
        %dma_wait3A_161 = arith.constant 0 : i32
        %dma_wait3A_162 = arith.constant 0 : i32
        %dma_wait3A_163 = tpu.memref_slice %arg2[%dma_wait3A_161, %dma_wait3A_162] : memref<10000x128xf32, #tpu.memory_space<hbm>> -> memref<10000x128xf32, #tpu.memory_space<hbm>>
        tpu.wait_indirect_dma semaphore(%arg12 : memref<!tpu.dma_semaphore, #tpu.memory_space<semaphore_mem>>) src(%dma_wait3A_163 : memref<10000x128xf32, #tpu.memory_space<hbm>>) dst(%dma_wait3A_157 : memref<128x128xf32, #tpu.memory_space<vmem>>)
        %dma_wait3A_164 = arith.constant 1 : i32
        %dma_wait3A_165 = arith.constant 1 : i32
        %dma_wait3A_166 = arith.constant 0 : i32
        %dma_wait3A_167 = arith.constant 0 : i32
        %dma_wait3A_168 = tpu.memref_slice %arg10[%dma_wait3A_165, %dma_wait3A_166, %dma_wait3A_167] : memref<2x128x128xf32, #tpu.memory_space<vmem>> -> memref<1x128x128xf32, #tpu.memory_space<vmem>>
        %dma_wait3A_169 = tpu.memref_squeeze %dma_wait3A_168 : memref<1x128x128xf32, #tpu.memory_space<vmem>> -> memref<128x128xf32, #tpu.memory_space<vmem>>
        %dma_wait3A_170 = arith.constant 0 : i32
        %dma_wait3A_171 = tpu.memref_slice %arg8[%dma_wait3A_164, %dma_wait3A_170] : memref<2x128xi32, #tpu.memory_space<vmem>> -> memref<1x128xi32, #tpu.memory_space<vmem>>
        %dma_wait3A_172 = tpu.memref_squeeze %dma_wait3A_171 : memref<1x128xi32, #tpu.memory_space<vmem>> -> memref<128xi32, #tpu.memory_space<vmem>>
        %dma_wait3A_173 = arith.constant 0 : i32
        %dma_wait3A_174 = arith.constant 0 : i32
        %dma_wait3A_175 = tpu.memref_slice %arg2[%dma_wait3A_173, %dma_wait3A_174] : memref<10000x128xf32, #tpu.memory_space<hbm>> -> memref<10000x128xf32, #tpu.memory_space<hbm>>
        tpu.wait_indirect_dma semaphore(%arg12 : memref<!tpu.dma_semaphore, #tpu.memory_space<semaphore_mem>>) src(%dma_wait3A_175 : memref<10000x128xf32, #tpu.memory_space<hbm>>) dst(%dma_wait3A_169 : memref<128x128xf32, #tpu.memory_space<vmem>>)
        %run_scoped3A_176 = arith.constant 1 : i32
        "tpu.region"() ({
          %run_scoped3A_178 = tpu.sem_alloc : memref<!tpu.dma_semaphore, #tpu.memory_space<semaphore_mem>>
          %dma_start3A_179 = arith.constant 0 : i32
          %dma_start3A_180 = arith.constant 0 : i32
          %dma_start3A_181 = tpu.memref_slice %arg9[%run_scoped3A_176, %dma_start3A_179, %dma_start3A_180] : memref<2x128x128xf32, #tpu.memory_space<vmem>> -> memref<1x128x128xf32, #tpu.memory_space<vmem>>
          %dma_start3A_182 = tpu.memref_squeeze %dma_start3A_181 : memref<1x128x128xf32, #tpu.memory_space<vmem>> -> memref<128x128xf32, #tpu.memory_space<vmem>>
          %dma_start3A_183 = arith.constant 0 : i32
          %dma_start3A_184 = tpu.memref_slice %arg5[%mul3A_151, %dma_start3A_183] : memref<80000x128xf32, #tpu.memory_space<hbm>> -> memref<128x128xf32, #tpu.memory_space<hbm>>
          %dma_start3A_185 = arith.constant 0 : i32
          %dma_start3A_186 = tpu.memref_slice %arg5[%mul3A_151, %dma_start3A_185] : memref<80000x128xf32, #tpu.memory_space<hbm>> -> memref<128x128xf32, #tpu.memory_space<hbm>>
          %dma_start3A_187 = arith.constant 0 : i32
          %dma_start3A_188 = arith.constant 0 : i32
          %dma_start3A_189 = tpu.memref_slice %arg9[%run_scoped3A_176, %dma_start3A_187, %dma_start3A_188] : memref<2x128x128xf32, #tpu.memory_space<vmem>> -> memref<1x128x128xf32, #tpu.memory_space<vmem>>
          %dma_start3A_190 = tpu.memref_squeeze %dma_start3A_189 : memref<1x128x128xf32, #tpu.memory_space<vmem>> -> memref<128x128xf32, #tpu.memory_space<vmem>>
          tpu.enqueue_dma source(%dma_start3A_190 : memref<128x128xf32, #tpu.memory_space<vmem>>) target(%dma_start3A_186 : memref<128x128xf32, #tpu.memory_space<hbm>>) target_semaphore(%run_scoped3A_178 : memref<!tpu.dma_semaphore, #tpu.memory_space<semaphore_mem>>)
          %dma_wait3A_191 = arith.constant 0 : i32
          %dma_wait3A_192 = arith.constant 0 : i32
          %dma_wait3A_193 = tpu.memref_slice %arg9[%run_scoped3A_176, %dma_wait3A_191, %dma_wait3A_192] : memref<2x128x128xf32, #tpu.memory_space<vmem>> -> memref<1x128x128xf32, #tpu.memory_space<vmem>>
          %dma_wait3A_194 = tpu.memref_squeeze %dma_wait3A_193 : memref<1x128x128xf32, #tpu.memory_space<vmem>> -> memref<128x128xf32, #tpu.memory_space<vmem>>
          %dma_wait3A_195 = arith.constant 0 : i32
          %dma_wait3A_196 = tpu.memref_slice %arg5[%mul3A_151, %dma_wait3A_195] : memref<80000x128xf32, #tpu.memory_space<hbm>> -> memref<128x128xf32, #tpu.memory_space<hbm>>
          %dma_wait3A_197 = arith.constant 0 : i32
          %dma_wait3A_198 = tpu.memref_slice %arg5[%mul3A_151, %dma_wait3A_197] : memref<80000x128xf32, #tpu.memory_space<hbm>> -> memref<128x128xf32, #tpu.memory_space<hbm>>
          %dma_wait3A_199 = arith.constant 0 : i32
          %dma_wait3A_200 = arith.constant 0 : i32
          %dma_wait3A_201 = tpu.memref_slice %arg9[%run_scoped3A_176, %dma_wait3A_199, %dma_wait3A_200] : memref<2x128x128xf32, #tpu.memory_space<vmem>> -> memref<1x128x128xf32, #tpu.memory_space<vmem>>
          %dma_wait3A_202 = tpu.memref_squeeze %dma_wait3A_201 : memref<1x128x128xf32, #tpu.memory_space<vmem>> -> memref<128x128xf32, #tpu.memory_space<vmem>>
          tpu.wait_dma2 semaphore(%run_scoped3A_178 : memref<!tpu.dma_semaphore, #tpu.memory_space<semaphore_mem>>) src(%dma_wait3A_202 : memref<128x128xf32, #tpu.memory_space<vmem>>) dst(%dma_wait3A_198 : memref<128x128xf32, #tpu.memory_space<hbm>>)
          tpu.yield
        }) : () -> ()
        %run_scoped3A_177 = arith.constant 1 : i32
        "tpu.region"() ({
          %run_scoped3A_178 = tpu.sem_alloc : memref<!tpu.dma_semaphore, #tpu.memory_space<semaphore_mem>>
          %dma_start3A_179 = arith.constant 0 : i32
          %dma_start3A_180 = arith.constant 0 : i32
          %dma_start3A_181 = tpu.memref_slice %arg10[%run_scoped3A_177, %dma_start3A_179, %dma_start3A_180] : memref<2x128x128xf32, #tpu.memory_space<vmem>> -> memref<1x128x128xf32, #tpu.memory_space<vmem>>
          %dma_start3A_182 = tpu.memref_squeeze %dma_start3A_181 : memref<1x128x128xf32, #tpu.memory_space<vmem>> -> memref<128x128xf32, #tpu.memory_space<vmem>>
          %dma_start3A_183 = arith.constant 0 : i32
          %dma_start3A_184 = tpu.memref_slice %arg6[%mul3A_151, %dma_start3A_183] : memref<80000x128xf32, #tpu.memory_space<hbm>> -> memref<128x128xf32, #tpu.memory_space<hbm>>
          %dma_start3A_185 = arith.constant 0 : i32
          %dma_start3A_186 = tpu.memref_slice %arg6[%mul3A_151, %dma_start3A_185] : memref<80000x128xf32, #tpu.memory_space<hbm>> -> memref<128x128xf32, #tpu.memory_space<hbm>>
          %dma_start3A_187 = arith.constant 0 : i32
          %dma_start3A_188 = arith.constant 0 : i32
          %dma_start3A_189 = tpu.memref_slice %arg10[%run_scoped3A_177, %dma_start3A_187, %dma_start3A_188] : memref<2x128x128xf32, #tpu.memory_space<vmem>> -> memref<1x128x128xf32, #tpu.memory_space<vmem>>
          %dma_start3A_190 = tpu.memref_squeeze %dma_start3A_189 : memref<1x128x128xf32, #tpu.memory_space<vmem>> -> memref<128x128xf32, #tpu.memory_space<vmem>>
          tpu.enqueue_dma source(%dma_start3A_190 : memref<128x128xf32, #tpu.memory_space<vmem>>) target(%dma_start3A_186 : memref<128x128xf32, #tpu.memory_space<hbm>>) target_semaphore(%run_scoped3A_178 : memref<!tpu.dma_semaphore, #tpu.memory_space<semaphore_mem>>)
          %dma_wait3A_191 = arith.constant 0 : i32
          %dma_wait3A_192 = arith.constant 0 : i32
          %dma_wait3A_193 = tpu.memref_slice %arg10[%run_scoped3A_177, %dma_wait3A_191, %dma_wait3A_192] : memref<2x128x128xf32, #tpu.memory_space<vmem>> -> memref<1x128x128xf32, #tpu.memory_space<vmem>>
          %dma_wait3A_194 = tpu.memref_squeeze %dma_wait3A_193 : memref<1x128x128xf32, #tpu.memory_space<vmem>> -> memref<128x128xf32, #tpu.memory_space<vmem>>
          %dma_wait3A_195 = arith.constant 0 : i32
          %dma_wait3A_196 = tpu.memref_slice %arg6[%mul3A_151, %dma_wait3A_195] : memref<80000x128xf32, #tpu.memory_space<hbm>> -> memref<128x128xf32, #tpu.memory_space<hbm>>
          %dma_wait3A_197 = arith.constant 0 : i32
          %dma_wait3A_198 = tpu.memref_slice %arg6[%mul3A_151, %dma_wait3A_197] : memref<80000x128xf32, #tpu.memory_space<hbm>> -> memref<128x128xf32, #tpu.memory_space<hbm>>
          %dma_wait3A_199 = arith.constant 0 : i32
          %dma_wait3A_200 = arith.constant 0 : i32
          %dma_wait3A_201 = tpu.memref_slice %arg10[%run_scoped3A_177, %dma_wait3A_199, %dma_wait3A_200] : memref<2x128x128xf32, #tpu.memory_space<vmem>> -> memref<1x128x128xf32, #tpu.memory_space<vmem>>
          %dma_wait3A_202 = tpu.memref_squeeze %dma_wait3A_201 : memref<1x128x128xf32, #tpu.memory_space<vmem>> -> memref<128x128xf32, #tpu.memory_space<vmem>>
          tpu.wait_dma2 semaphore(%run_scoped3A_178 : memref<!tpu.dma_semaphore, #tpu.memory_space<semaphore_mem>>) src(%dma_wait3A_202 : memref<128x128xf32, #tpu.memory_space<vmem>>) dst(%dma_wait3A_198 : memref<128x128xf32, #tpu.memory_space<hbm>>)
          tpu.yield
        }) : () -> ()
      } else {
      }
      %add3A_74 = arith.constant 1 : i32
      %add3A_75 = arith.addi %mul3A_37, %add3A_74 : i32
      %mul3A_76 = arith.constant 32 : i32
      %mul3A_77 = arith.muli %add3A_75, %mul3A_76 : i32
      %add3A_78 = arith.addi %add3A, %mul3A_77 : i32
      %min3A_79 = arith.constant 624 : i32
      %min3A_80 = arith.minsi %add3A_78, %min3A_79 : i32
      %add3A_81 = arith.constant 625 : i32
      %add3A_82 = arith.addi %min3A_80, %add3A_81 : i32
      %mul3A_83 = arith.constant 128 : i32
      %mul3A_84 = arith.muli %add3A_82, %mul3A_83 : i32
      %run_scoped3A_85 = arith.constant 1 : i32
      "tpu.region"() ({
        %run_scoped3A_144 = tpu.sem_alloc : memref<!tpu.dma_semaphore, #tpu.memory_space<semaphore_mem>>
        %dma_start3A_145 = arith.constant 0 : i32
        %dma_start3A_146 = tpu.memref_slice %arg7[%run_scoped3A_85, %dma_start3A_145] : memref<2x128xi32, #tpu.memory_space<vmem>> -> memref<1x128xi32, #tpu.memory_space<vmem>>
        %dma_start3A_147 = tpu.memref_squeeze %dma_start3A_146 : memref<1x128xi32, #tpu.memory_space<vmem>> -> memref<128xi32, #tpu.memory_space<vmem>>
        %dma_start3A_148 = tpu.memref_slice %arg3[%mul3A_84] : memref<160000xi32, #tpu.memory_space<hbm>> -> memref<128xi32, #tpu.memory_space<hbm>>
        %dma_start3A_149 = arith.constant 0 : i32
        %dma_start3A_150 = tpu.memref_slice %arg7[%run_scoped3A_85, %dma_start3A_149] : memref<2x128xi32, #tpu.memory_space<vmem>> -> memref<1x128xi32, #tpu.memory_space<vmem>>
        %dma_start3A_151 = tpu.memref_squeeze %dma_start3A_150 : memref<1x128xi32, #tpu.memory_space<vmem>> -> memref<128xi32, #tpu.memory_space<vmem>>
        %dma_start3A_152 = tpu.memref_slice %arg3[%mul3A_84] : memref<160000xi32, #tpu.memory_space<hbm>> -> memref<128xi32, #tpu.memory_space<hbm>>
        tpu.enqueue_dma source(%dma_start3A_152 : memref<128xi32, #tpu.memory_space<hbm>>) target(%dma_start3A_151 : memref<128xi32, #tpu.memory_space<vmem>>) target_semaphore(%run_scoped3A_144 : memref<!tpu.dma_semaphore, #tpu.memory_space<semaphore_mem>>)
        %dma_wait3A_153 = arith.constant 0 : i32
        %dma_wait3A_154 = tpu.memref_slice %arg7[%run_scoped3A_85, %dma_wait3A_153] : memref<2x128xi32, #tpu.memory_space<vmem>> -> memref<1x128xi32, #tpu.memory_space<vmem>>
        %dma_wait3A_155 = tpu.memref_squeeze %dma_wait3A_154 : memref<1x128xi32, #tpu.memory_space<vmem>> -> memref<128xi32, #tpu.memory_space<vmem>>
        %dma_wait3A_156 = tpu.memref_slice %arg3[%mul3A_84] : memref<160000xi32, #tpu.memory_space<hbm>> -> memref<128xi32, #tpu.memory_space<hbm>>
        %dma_wait3A_157 = arith.constant 0 : i32
        %dma_wait3A_158 = tpu.memref_slice %arg7[%run_scoped3A_85, %dma_wait3A_157] : memref<2x128xi32, #tpu.memory_space<vmem>> -> memref<1x128xi32, #tpu.memory_space<vmem>>
        %dma_wait3A_159 = tpu.memref_squeeze %dma_wait3A_158 : memref<1x128xi32, #tpu.memory_space<vmem>> -> memref<128xi32, #tpu.memory_space<vmem>>
        %dma_wait3A_160 = tpu.memref_slice %arg3[%mul3A_84] : memref<160000xi32, #tpu.memory_space<hbm>> -> memref<128xi32, #tpu.memory_space<hbm>>
        tpu.wait_dma2 semaphore(%run_scoped3A_144 : memref<!tpu.dma_semaphore, #tpu.memory_space<semaphore_mem>>) src(%dma_wait3A_160 : memref<128xi32, #tpu.memory_space<hbm>>) dst(%dma_wait3A_159 : memref<128xi32, #tpu.memory_space<vmem>>)
        tpu.yield
      }) : () -> ()
      %run_scoped3A_86 = arith.constant 1 : i32
      "tpu.region"() ({
        %run_scoped3A_144 = tpu.sem_alloc : memref<!tpu.dma_semaphore, #tpu.memory_space<semaphore_mem>>
        %dma_start3A_145 = arith.constant 0 : i32
        %dma_start3A_146 = tpu.memref_slice %arg8[%run_scoped3A_86, %dma_start3A_145] : memref<2x128xi32, #tpu.memory_space<vmem>> -> memref<1x128xi32, #tpu.memory_space<vmem>>
        %dma_start3A_147 = tpu.memref_squeeze %dma_start3A_146 : memref<1x128xi32, #tpu.memory_space<vmem>> -> memref<128xi32, #tpu.memory_space<vmem>>
        %dma_start3A_148 = tpu.memref_slice %arg4[%mul3A_84] : memref<160000xi32, #tpu.memory_space<hbm>> -> memref<128xi32, #tpu.memory_space<hbm>>
        %dma_start3A_149 = arith.constant 0 : i32
        %dma_start3A_150 = tpu.memref_slice %arg8[%run_scoped3A_86, %dma_start3A_149] : memref<2x128xi32, #tpu.memory_space<vmem>> -> memref<1x128xi32, #tpu.memory_space<vmem>>
        %dma_start3A_151 = tpu.memref_squeeze %dma_start3A_150 : memref<1x128xi32, #tpu.memory_space<vmem>> -> memref<128xi32, #tpu.memory_space<vmem>>
        %dma_start3A_152 = tpu.memref_slice %arg4[%mul3A_84] : memref<160000xi32, #tpu.memory_space<hbm>> -> memref<128xi32, #tpu.memory_space<hbm>>
        tpu.enqueue_dma source(%dma_start3A_152 : memref<128xi32, #tpu.memory_space<hbm>>) target(%dma_start3A_151 : memref<128xi32, #tpu.memory_space<vmem>>) target_semaphore(%run_scoped3A_144 : memref<!tpu.dma_semaphore, #tpu.memory_space<semaphore_mem>>)
        %dma_wait3A_153 = arith.constant 0 : i32
        %dma_wait3A_154 = tpu.memref_slice %arg8[%run_scoped3A_86, %dma_wait3A_153] : memref<2x128xi32, #tpu.memory_space<vmem>> -> memref<1x128xi32, #tpu.memory_space<vmem>>
        %dma_wait3A_155 = tpu.memref_squeeze %dma_wait3A_154 : memref<1x128xi32, #tpu.memory_space<vmem>> -> memref<128xi32, #tpu.memory_space<vmem>>
        %dma_wait3A_156 = tpu.memref_slice %arg4[%mul3A_84] : memref<160000xi32, #tpu.memory_space<hbm>> -> memref<128xi32, #tpu.memory_space<hbm>>
        %dma_wait3A_157 = arith.constant 0 : i32
        %dma_wait3A_158 = tpu.memref_slice %arg8[%run_scoped3A_86, %dma_wait3A_157] : memref<2x128xi32, #tpu.memory_space<vmem>> -> memref<1x128xi32, #tpu.memory_space<vmem>>
        %dma_wait3A_159 = tpu.memref_squeeze %dma_wait3A_158 : memref<1x128xi32, #tpu.memory_space<vmem>> -> memref<128xi32, #tpu.memory_space<vmem>>
        %dma_wait3A_160 = tpu.memref_slice %arg4[%mul3A_84] : memref<160000xi32, #tpu.memory_space<hbm>> -> memref<128xi32, #tpu.memory_space<hbm>>
        tpu.wait_dma2 semaphore(%run_scoped3A_144 : memref<!tpu.dma_semaphore, #tpu.memory_space<semaphore_mem>>) src(%dma_wait3A_160 : memref<128xi32, #tpu.memory_space<hbm>>) dst(%dma_wait3A_159 : memref<128xi32, #tpu.memory_space<vmem>>)
        tpu.yield
      }) : () -> ()
      %dma_start3A_87 = arith.constant 1 : i32
      %dma_start3A_88 = arith.constant 1 : i32
      %dma_start3A_89 = arith.constant 0 : i32
      %dma_start3A_90 = arith.constant 0 : i32
      %dma_start3A_91 = tpu.memref_slice %arg9[%dma_start3A_88, %dma_start3A_89, %dma_start3A_90] : memref<2x128x128xf32, #tpu.memory_space<vmem>> -> memref<1x128x128xf32, #tpu.memory_space<vmem>>
      %dma_start3A_92 = tpu.memref_squeeze %dma_start3A_91 : memref<1x128x128xf32, #tpu.memory_space<vmem>> -> memref<128x128xf32, #tpu.memory_space<vmem>>
      %dma_start3A_93 = arith.constant 0 : i32
      %dma_start3A_94 = tpu.memref_slice %arg7[%dma_start3A_87, %dma_start3A_93] : memref<2x128xi32, #tpu.memory_space<vmem>> -> memref<1x128xi32, #tpu.memory_space<vmem>>
      %dma_start3A_95 = tpu.memref_squeeze %dma_start3A_94 : memref<1x128xi32, #tpu.memory_space<vmem>> -> memref<128xi32, #tpu.memory_space<vmem>>
      %dma_start3A_96 = arith.constant 0 : i32
      %dma_start3A_97 = arith.constant 0 : i32
      %dma_start3A_98 = tpu.memref_slice %arg2[%dma_start3A_96, %dma_start3A_97] : memref<10000x128xf32, #tpu.memory_space<hbm>> -> memref<10000x128xf32, #tpu.memory_space<hbm>>
      tpu.enqueue_indirect_dma source(%dma_start3A_98 : memref<10000x128xf32, #tpu.memory_space<hbm>>) target(%dma_start3A_92 : memref<128x128xf32, #tpu.memory_space<vmem>>) offsets(%dma_start3A_95 : memref<128xi32, #tpu.memory_space<vmem>>) semaphore(%arg12 : memref<!tpu.dma_semaphore, #tpu.memory_space<semaphore_mem>>)
      %dma_start3A_99 = arith.constant 1 : i32
      %dma_start3A_100 = arith.constant 1 : i32
      %dma_start3A_101 = arith.constant 0 : i32
      %dma_start3A_102 = arith.constant 0 : i32
      %dma_start3A_103 = tpu.memref_slice %arg10[%dma_start3A_100, %dma_start3A_101, %dma_start3A_102] : memref<2x128x128xf32, #tpu.memory_space<vmem>> -> memref<1x128x128xf32, #tpu.memory_space<vmem>>
      %dma_start3A_104 = tpu.memref_squeeze %dma_start3A_103 : memref<1x128x128xf32, #tpu.memory_space<vmem>> -> memref<128x128xf32, #tpu.memory_space<vmem>>
      %dma_start3A_105 = arith.constant 0 : i32
      %dma_start3A_106 = tpu.memref_slice %arg8[%dma_start3A_99, %dma_start3A_105] : memref<2x128xi32, #tpu.memory_space<vmem>> -> memref<1x128xi32, #tpu.memory_space<vmem>>
      %dma_start3A_107 = tpu.memref_squeeze %dma_start3A_106 : memref<1x128xi32, #tpu.memory_space<vmem>> -> memref<128xi32, #tpu.memory_space<vmem>>
      %dma_start3A_108 = arith.constant 0 : i32
      %dma_start3A_109 = arith.constant 0 : i32
      %dma_start3A_110 = tpu.memref_slice %arg2[%dma_start3A_108, %dma_start3A_109] : memref<10000x128xf32, #tpu.memory_space<hbm>> -> memref<10000x128xf32, #tpu.memory_space<hbm>>
      tpu.enqueue_indirect_dma source(%dma_start3A_110 : memref<10000x128xf32, #tpu.memory_space<hbm>>) target(%dma_start3A_104 : memref<128x128xf32, #tpu.memory_space<vmem>>) offsets(%dma_start3A_107 : memref<128xi32, #tpu.memory_space<vmem>>) semaphore(%arg12 : memref<!tpu.dma_semaphore, #tpu.memory_space<semaphore_mem>>)
      %mul3A_111 = arith.constant 32 : i32
      %mul3A_112 = arith.muli %mul3A_37, %mul3A_111 : i32
      %add3A_113 = arith.addi %add3A, %mul3A_112 : i32
      %min3A_114 = arith.constant 624 : i32
      %min3A_115 = arith.minsi %add3A_113, %min3A_114 : i32
      %mul3A_116 = arith.constant 128 : i32
      %mul3A_117 = arith.muli %min3A_115, %mul3A_116 : i32
      %dma_wait3A_118 = arith.constant 0 : i32
      %dma_wait3A_119 = arith.constant 0 : i32
      %dma_wait3A_120 = arith.constant 0 : i32
      %dma_wait3A_121 = arith.constant 0 : i32
      %dma_wait3A_122 = tpu.memref_slice %arg9[%dma_wait3A_119, %dma_wait3A_120, %dma_wait3A_121] : memref<2x128x128xf32, #tpu.memory_space<vmem>> -> memref<1x128x128xf32, #tpu.memory_space<vmem>>
      %dma_wait3A_123 = tpu.memref_squeeze %dma_wait3A_122 : memref<1x128x128xf32, #tpu.memory_space<vmem>> -> memref<128x128xf32, #tpu.memory_space<vmem>>
      %dma_wait3A_124 = arith.constant 0 : i32
      %dma_wait3A_125 = tpu.memref_slice %arg7[%dma_wait3A_118, %dma_wait3A_124] : memref<2x128xi32, #tpu.memory_space<vmem>> -> memref<1x128xi32, #tpu.memory_space<vmem>>
      %dma_wait3A_126 = tpu.memref_squeeze %dma_wait3A_125 : memref<1x128xi32, #tpu.memory_space<vmem>> -> memref<128xi32, #tpu.memory_space<vmem>>
      %dma_wait3A_127 = arith.constant 0 : i32
      %dma_wait3A_128 = arith.constant 0 : i32
      %dma_wait3A_129 = tpu.memref_slice %arg2[%dma_wait3A_127, %dma_wait3A_128] : memref<10000x128xf32, #tpu.memory_space<hbm>> -> memref<10000x128xf32, #tpu.memory_space<hbm>>
      tpu.wait_indirect_dma semaphore(%arg11 : memref<!tpu.dma_semaphore, #tpu.memory_space<semaphore_mem>>) src(%dma_wait3A_129 : memref<10000x128xf32, #tpu.memory_space<hbm>>) dst(%dma_wait3A_123 : memref<128x128xf32, #tpu.memory_space<vmem>>)
      %dma_wait3A_130 = arith.constant 0 : i32
      %dma_wait3A_131 = arith.constant 0 : i32
      %dma_wait3A_132 = arith.constant 0 : i32
      %dma_wait3A_133 = arith.constant 0 : i32
      %dma_wait3A_134 = tpu.memref_slice %arg10[%dma_wait3A_131, %dma_wait3A_132, %dma_wait3A_133] : memref<2x128x128xf32, #tpu.memory_space<vmem>> -> memref<1x128x128xf32, #tpu.memory_space<vmem>>
      %dma_wait3A_135 = tpu.memref_squeeze %dma_wait3A_134 : memref<1x128x128xf32, #tpu.memory_space<vmem>> -> memref<128x128xf32, #tpu.memory_space<vmem>>
      %dma_wait3A_136 = arith.constant 0 : i32
      %dma_wait3A_137 = tpu.memref_slice %arg8[%dma_wait3A_130, %dma_wait3A_136] : memref<2x128xi32, #tpu.memory_space<vmem>> -> memref<1x128xi32, #tpu.memory_space<vmem>>
      %dma_wait3A_138 = tpu.memref_squeeze %dma_wait3A_137 : memref<1x128xi32, #tpu.memory_space<vmem>> -> memref<128xi32, #tpu.memory_space<vmem>>
      %dma_wait3A_139 = arith.constant 0 : i32
      %dma_wait3A_140 = arith.constant 0 : i32
      %dma_wait3A_141 = tpu.memref_slice %arg2[%dma_wait3A_139, %dma_wait3A_140] : memref<10000x128xf32, #tpu.memory_space<hbm>> -> memref<10000x128xf32, #tpu.memory_space<hbm>>
      tpu.wait_indirect_dma semaphore(%arg11 : memref<!tpu.dma_semaphore, #tpu.memory_space<semaphore_mem>>) src(%dma_wait3A_141 : memref<10000x128xf32, #tpu.memory_space<hbm>>) dst(%dma_wait3A_135 : memref<128x128xf32, #tpu.memory_space<vmem>>)
      %run_scoped3A_142 = arith.constant 0 : i32
      "tpu.region"() ({
        %run_scoped3A_144 = tpu.sem_alloc : memref<!tpu.dma_semaphore, #tpu.memory_space<semaphore_mem>>
        %dma_start3A_145 = arith.constant 0 : i32
        %dma_start3A_146 = arith.constant 0 : i32
        %dma_start3A_147 = tpu.memref_slice %arg9[%run_scoped3A_142, %dma_start3A_145, %dma_start3A_146] : memref<2x128x128xf32, #tpu.memory_space<vmem>> -> memref<1x128x128xf32, #tpu.memory_space<vmem>>
        %dma_start3A_148 = tpu.memref_squeeze %dma_start3A_147 : memref<1x128x128xf32, #tpu.memory_space<vmem>> -> memref<128x128xf32, #tpu.memory_space<vmem>>
        %dma_start3A_149 = arith.constant 0 : i32
        %dma_start3A_150 = tpu.memref_slice %arg5[%mul3A_117, %dma_start3A_149] : memref<80000x128xf32, #tpu.memory_space<hbm>> -> memref<128x128xf32, #tpu.memory_space<hbm>>
        %dma_start3A_151 = arith.constant 0 : i32
        %dma_start3A_152 = tpu.memref_slice %arg5[%mul3A_117, %dma_start3A_151] : memref<80000x128xf32, #tpu.memory_space<hbm>> -> memref<128x128xf32, #tpu.memory_space<hbm>>
        %dma_start3A_153 = arith.constant 0 : i32
        %dma_start3A_154 = arith.constant 0 : i32
        %dma_start3A_155 = tpu.memref_slice %arg9[%run_scoped3A_142, %dma_start3A_153, %dma_start3A_154] : memref<2x128x128xf32, #tpu.memory_space<vmem>> -> memref<1x128x128xf32, #tpu.memory_space<vmem>>
        %dma_start3A_156 = tpu.memref_squeeze %dma_start3A_155 : memref<1x128x128xf32, #tpu.memory_space<vmem>> -> memref<128x128xf32, #tpu.memory_space<vmem>>
        tpu.enqueue_dma source(%dma_start3A_156 : memref<128x128xf32, #tpu.memory_space<vmem>>) target(%dma_start3A_152 : memref<128x128xf32, #tpu.memory_space<hbm>>) target_semaphore(%run_scoped3A_144 : memref<!tpu.dma_semaphore, #tpu.memory_space<semaphore_mem>>)
        %dma_wait3A_157 = arith.constant 0 : i32
        %dma_wait3A_158 = arith.constant 0 : i32
        %dma_wait3A_159 = tpu.memref_slice %arg9[%run_scoped3A_142, %dma_wait3A_157, %dma_wait3A_158] : memref<2x128x128xf32, #tpu.memory_space<vmem>> -> memref<1x128x128xf32, #tpu.memory_space<vmem>>
        %dma_wait3A_160 = tpu.memref_squeeze %dma_wait3A_159 : memref<1x128x128xf32, #tpu.memory_space<vmem>> -> memref<128x128xf32, #tpu.memory_space<vmem>>
        %dma_wait3A_161 = arith.constant 0 : i32
        %dma_wait3A_162 = tpu.memref_slice %arg5[%mul3A_117, %dma_wait3A_161] : memref<80000x128xf32, #tpu.memory_space<hbm>> -> memref<128x128xf32, #tpu.memory_space<hbm>>
        %dma_wait3A_163 = arith.constant 0 : i32
        %dma_wait3A_164 = tpu.memref_slice %arg5[%mul3A_117, %dma_wait3A_163] : memref<80000x128xf32, #tpu.memory_space<hbm>> -> memref<128x128xf32, #tpu.memory_space<hbm>>
        %dma_wait3A_165 = arith.constant 0 : i32
        %dma_wait3A_166 = arith.constant 0 : i32
        %dma_wait3A_167 = tpu.memref_slice %arg9[%run_scoped3A_142, %dma_wait3A_165, %dma_wait3A_166] : memref<2x128x128xf32, #tpu.memory_space<vmem>> -> memref<1x128x128xf32, #tpu.memory_space<vmem>>
        %dma_wait3A_168 = tpu.memref_squeeze %dma_wait3A_167 : memref<1x128x128xf32, #tpu.memory_space<vmem>> -> memref<128x128xf32, #tpu.memory_space<vmem>>
        tpu.wait_dma2 semaphore(%run_scoped3A_144 : memref<!tpu.dma_semaphore, #tpu.memory_space<semaphore_mem>>) src(%dma_wait3A_168 : memref<128x128xf32, #tpu.memory_space<vmem>>) dst(%dma_wait3A_164 : memref<128x128xf32, #tpu.memory_space<hbm>>)
        tpu.yield
      }) : () -> ()
      %run_scoped3A_143 = arith.constant 0 : i32
      "tpu.region"() ({
        %run_scoped3A_144 = tpu.sem_alloc : memref<!tpu.dma_semaphore, #tpu.memory_space<semaphore_mem>>
        %dma_start3A_145 = arith.constant 0 : i32
        %dma_start3A_146 = arith.constant 0 : i32
        %dma_start3A_147 = tpu.memref_slice %arg10[%run_scoped3A_143, %dma_start3A_145, %dma_start3A_146] : memref<2x128x128xf32, #tpu.memory_space<vmem>> -> memref<1x128x128xf32, #tpu.memory_space<vmem>>
        %dma_start3A_148 = tpu.memref_squeeze %dma_start3A_147 : memref<1x128x128xf32, #tpu.memory_space<vmem>> -> memref<128x128xf32, #tpu.memory_space<vmem>>
        %dma_start3A_149 = arith.constant 0 : i32
        %dma_start3A_150 = tpu.memref_slice %arg6[%mul3A_117, %dma_start3A_149] : memref<80000x128xf32, #tpu.memory_space<hbm>> -> memref<128x128xf32, #tpu.memory_space<hbm>>
        %dma_start3A_151 = arith.constant 0 : i32
        %dma_start3A_152 = tpu.memref_slice %arg6[%mul3A_117, %dma_start3A_151] : memref<80000x128xf32, #tpu.memory_space<hbm>> -> memref<128x128xf32, #tpu.memory_space<hbm>>
        %dma_start3A_153 = arith.constant 0 : i32
        %dma_start3A_154 = arith.constant 0 : i32
        %dma_start3A_155 = tpu.memref_slice %arg10[%run_scoped3A_143, %dma_start3A_153, %dma_start3A_154] : memref<2x128x128xf32, #tpu.memory_space<vmem>> -> memref<1x128x128xf32, #tpu.memory_space<vmem>>
        %dma_start3A_156 = tpu.memref_squeeze %dma_start3A_155 : memref<1x128x128xf32, #tpu.memory_space<vmem>> -> memref<128x128xf32, #tpu.memory_space<vmem>>
        tpu.enqueue_dma source(%dma_start3A_156 : memref<128x128xf32, #tpu.memory_space<vmem>>) target(%dma_start3A_152 : memref<128x128xf32, #tpu.memory_space<hbm>>) target_semaphore(%run_scoped3A_144 : memref<!tpu.dma_semaphore, #tpu.memory_space<semaphore_mem>>)
        %dma_wait3A_157 = arith.constant 0 : i32
        %dma_wait3A_158 = arith.constant 0 : i32
        %dma_wait3A_159 = tpu.memref_slice %arg10[%run_scoped3A_143, %dma_wait3A_157, %dma_wait3A_158] : memref<2x128x128xf32, #tpu.memory_space<vmem>> -> memref<1x128x128xf32, #tpu.memory_space<vmem>>
        %dma_wait3A_160 = tpu.memref_squeeze %dma_wait3A_159 : memref<1x128x128xf32, #tpu.memory_space<vmem>> -> memref<128x128xf32, #tpu.memory_space<vmem>>
        %dma_wait3A_161 = arith.constant 0 : i32
        %dma_wait3A_162 = tpu.memref_slice %arg6[%mul3A_117, %dma_wait3A_161] : memref<80000x128xf32, #tpu.memory_space<hbm>> -> memref<128x128xf32, #tpu.memory_space<hbm>>
        %dma_wait3A_163 = arith.constant 0 : i32
        %dma_wait3A_164 = tpu.memref_slice %arg6[%mul3A_117, %dma_wait3A_163] : memref<80000x128xf32, #tpu.memory_space<hbm>> -> memref<128x128xf32, #tpu.memory_space<hbm>>
        %dma_wait3A_165 = arith.constant 0 : i32
        %dma_wait3A_166 = arith.constant 0 : i32
        %dma_wait3A_167 = tpu.memref_slice %arg10[%run_scoped3A_143, %dma_wait3A_165, %dma_wait3A_166] : memref<2x128x128xf32, #tpu.memory_space<vmem>> -> memref<1x128x128xf32, #tpu.memory_space<vmem>>
        %dma_wait3A_168 = tpu.memref_squeeze %dma_wait3A_167 : memref<1x128x128xf32, #tpu.memory_space<vmem>> -> memref<128x128xf32, #tpu.memory_space<vmem>>
        tpu.wait_dma2 semaphore(%run_scoped3A_144 : memref<!tpu.dma_semaphore, #tpu.memory_space<semaphore_mem>>) src(%dma_wait3A_168 : memref<128x128xf32, #tpu.memory_space<vmem>>) dst(%dma_wait3A_164 : memref<128x128xf32, #tpu.memory_space<hbm>>)
        tpu.yield
      }) : () -> ()
    }
    %scan3A_5 = arith.constant 10 : i32
    %add3A_6 = arith.constant 608 : i32
    %add3A_7 = arith.addi %add3A, %add3A_6 : i32
    %min3A = arith.constant 624 : i32
    %min3A_8 = arith.minsi %add3A_7, %min3A : i32
    %mul3A_9 = arith.constant 128 : i32
    %mul3A_10 = arith.muli %min3A_8, %mul3A_9 : i32
    %dma_wait3A = arith.constant 1 : i32
    %dma_wait3A_11 = arith.constant 1 : i32
    %dma_wait3A_12 = arith.constant 0 : i32
    %dma_wait3A_13 = arith.constant 0 : i32
    %dma_wait3A_14 = tpu.memref_slice %arg9[%dma_wait3A_11, %dma_wait3A_12, %dma_wait3A_13] : memref<2x128x128xf32, #tpu.memory_space<vmem>> -> memref<1x128x128xf32, #tpu.memory_space<vmem>>
    %dma_wait3A_15 = tpu.memref_squeeze %dma_wait3A_14 : memref<1x128x128xf32, #tpu.memory_space<vmem>> -> memref<128x128xf32, #tpu.memory_space<vmem>>
    %dma_wait3A_16 = arith.constant 0 : i32
    %dma_wait3A_17 = tpu.memref_slice %arg7[%dma_wait3A, %dma_wait3A_16] : memref<2x128xi32, #tpu.memory_space<vmem>> -> memref<1x128xi32, #tpu.memory_space<vmem>>
    %dma_wait3A_18 = tpu.memref_squeeze %dma_wait3A_17 : memref<1x128xi32, #tpu.memory_space<vmem>> -> memref<128xi32, #tpu.memory_space<vmem>>
    %dma_wait3A_19 = arith.constant 0 : i32
    %dma_wait3A_20 = arith.constant 0 : i32
    %dma_wait3A_21 = tpu.memref_slice %arg2[%dma_wait3A_19, %dma_wait3A_20] : memref<10000x128xf32, #tpu.memory_space<hbm>> -> memref<10000x128xf32, #tpu.memory_space<hbm>>
    tpu.wait_indirect_dma semaphore(%arg12 : memref<!tpu.dma_semaphore, #tpu.memory_space<semaphore_mem>>) src(%dma_wait3A_21 : memref<10000x128xf32, #tpu.memory_space<hbm>>) dst(%dma_wait3A_15 : memref<128x128xf32, #tpu.memory_space<vmem>>)
    %dma_wait3A_22 = arith.constant 1 : i32
    %dma_wait3A_23 = arith.constant 1 : i32
    %dma_wait3A_24 = arith.constant 0 : i32
    %dma_wait3A_25 = arith.constant 0 : i32
    %dma_wait3A_26 = tpu.memref_slice %arg10[%dma_wait3A_23, %dma_wait3A_24, %dma_wait3A_25] : memref<2x128x128xf32, #tpu.memory_space<vmem>> -> memref<1x128x128xf32, #tpu.memory_space<vmem>>
    %dma_wait3A_27 = tpu.memref_squeeze %dma_wait3A_26 : memref<1x128x128xf32, #tpu.memory_space<vmem>> -> memref<128x128xf32, #tpu.memory_space<vmem>>
    %dma_wait3A_28 = arith.constant 0 : i32
    %dma_wait3A_29 = tpu.memref_slice %arg8[%dma_wait3A_22, %dma_wait3A_28] : memref<2x128xi32, #tpu.memory_space<vmem>> -> memref<1x128xi32, #tpu.memory_space<vmem>>
    %dma_wait3A_30 = tpu.memref_squeeze %dma_wait3A_29 : memref<1x128xi32, #tpu.memory_space<vmem>> -> memref<128xi32, #tpu.memory_space<vmem>>
    %dma_wait3A_31 = arith.constant 0 : i32
    %dma_wait3A_32 = arith.constant 0 : i32
    %dma_wait3A_33 = tpu.memref_slice %arg2[%dma_wait3A_31, %dma_wait3A_32] : memref<10000x128xf32, #tpu.memory_space<hbm>> -> memref<10000x128xf32, #tpu.memory_space<hbm>>
    tpu.wait_indirect_dma semaphore(%arg12 : memref<!tpu.dma_semaphore, #tpu.memory_space<semaphore_mem>>) src(%dma_wait3A_33 : memref<10000x128xf32, #tpu.memory_space<hbm>>) dst(%dma_wait3A_27 : memref<128x128xf32, #tpu.memory_space<vmem>>)
    %run_scoped3A = arith.constant 1 : i32
    "tpu.region"() ({
      %run_scoped3A_35 = tpu.sem_alloc : memref<!tpu.dma_semaphore, #tpu.memory_space<semaphore_mem>>
      %dma_start3A = arith.constant 0 : i32
      %dma_start3A_36 = arith.constant 0 : i32
      %dma_start3A_37 = tpu.memref_slice %arg9[%run_scoped3A, %dma_start3A, %dma_start3A_36] : memref<2x128x128xf32, #tpu.memory_space<vmem>> -> memref<1x128x128xf32, #tpu.memory_space<vmem>>
      %dma_start3A_38 = tpu.memref_squeeze %dma_start3A_37 : memref<1x128x128xf32, #tpu.memory_space<vmem>> -> memref<128x128xf32, #tpu.memory_space<vmem>>
      %dma_start3A_39 = arith.constant 0 : i32
      %dma_start3A_40 = tpu.memref_slice %arg5[%mul3A_10, %dma_start3A_39] : memref<80000x128xf32, #tpu.memory_space<hbm>> -> memref<128x128xf32, #tpu.memory_space<hbm>>
      %dma_start3A_41 = arith.constant 0 : i32
      %dma_start3A_42 = tpu.memref_slice %arg5[%mul3A_10, %dma_start3A_41] : memref<80000x128xf32, #tpu.memory_space<hbm>> -> memref<128x128xf32, #tpu.memory_space<hbm>>
      %dma_start3A_43 = arith.constant 0 : i32
      %dma_start3A_44 = arith.constant 0 : i32
      %dma_start3A_45 = tpu.memref_slice %arg9[%run_scoped3A, %dma_start3A_43, %dma_start3A_44] : memref<2x128x128xf32, #tpu.memory_space<vmem>> -> memref<1x128x128xf32, #tpu.memory_space<vmem>>
      %dma_start3A_46 = tpu.memref_squeeze %dma_start3A_45 : memref<1x128x128xf32, #tpu.memory_space<vmem>> -> memref<128x128xf32, #tpu.memory_space<vmem>>
      tpu.enqueue_dma source(%dma_start3A_46 : memref<128x128xf32, #tpu.memory_space<vmem>>) target(%dma_start3A_42 : memref<128x128xf32, #tpu.memory_space<hbm>>) target_semaphore(%run_scoped3A_35 : memref<!tpu.dma_semaphore, #tpu.memory_space<semaphore_mem>>)
      %dma_wait3A_47 = arith.constant 0 : i32
      %dma_wait3A_48 = arith.constant 0 : i32
      %dma_wait3A_49 = tpu.memref_slice %arg9[%run_scoped3A, %dma_wait3A_47, %dma_wait3A_48] : memref<2x128x128xf32, #tpu.memory_space<vmem>> -> memref<1x128x128xf32, #tpu.memory_space<vmem>>
      %dma_wait3A_50 = tpu.memref_squeeze %dma_wait3A_49 : memref<1x128x128xf32, #tpu.memory_space<vmem>> -> memref<128x128xf32, #tpu.memory_space<vmem>>
      %dma_wait3A_51 = arith.constant 0 : i32
      %dma_wait3A_52 = tpu.memref_slice %arg5[%mul3A_10, %dma_wait3A_51] : memref<80000x128xf32, #tpu.memory_space<hbm>> -> memref<128x128xf32, #tpu.memory_space<hbm>>
      %dma_wait3A_53 = arith.constant 0 : i32
      %dma_wait3A_54 = tpu.memref_slice %arg5[%mul3A_10, %dma_wait3A_53] : memref<80000x128xf32, #tpu.memory_space<hbm>> -> memref<128x128xf32, #tpu.memory_space<hbm>>
      %dma_wait3A_55 = arith.constant 0 : i32
      %dma_wait3A_56 = arith.constant 0 : i32
      %dma_wait3A_57 = tpu.memref_slice %arg9[%run_scoped3A, %dma_wait3A_55, %dma_wait3A_56] : memref<2x128x128xf32, #tpu.memory_space<vmem>> -> memref<1x128x128xf32, #tpu.memory_space<vmem>>
      %dma_wait3A_58 = tpu.memref_squeeze %dma_wait3A_57 : memref<1x128x128xf32, #tpu.memory_space<vmem>> -> memref<128x128xf32, #tpu.memory_space<vmem>>
      tpu.wait_dma2 semaphore(%run_scoped3A_35 : memref<!tpu.dma_semaphore, #tpu.memory_space<semaphore_mem>>) src(%dma_wait3A_58 : memref<128x128xf32, #tpu.memory_space<vmem>>) dst(%dma_wait3A_54 : memref<128x128xf32, #tpu.memory_space<hbm>>)
      tpu.yield
    }) : () -> ()
    %run_scoped3A_34 = arith.constant 1 : i32
    "tpu.region"() ({
      %run_scoped3A_35 = tpu.sem_alloc : memref<!tpu.dma_semaphore, #tpu.memory_space<semaphore_mem>>
      %dma_start3A = arith.constant 0 : i32
      %dma_start3A_36 = arith.constant 0 : i32
      %dma_start3A_37 = tpu.memref_slice %arg10[%run_scoped3A_34, %dma_start3A, %dma_start3A_36] : memref<2x128x128xf32, #tpu.memory_space<vmem>> -> memref<1x128x128xf32, #tpu.memory_space<vmem>>
      %dma_start3A_38 = tpu.memref_squeeze %dma_start3A_37 : memref<1x128x128xf32, #tpu.memory_space<vmem>> -> memref<128x128xf32, #tpu.memory_space<vmem>>
      %dma_start3A_39 = arith.constant 0 : i32
      %dma_start3A_40 = tpu.memref_slice %arg6[%mul3A_10, %dma_start3A_39] : memref<80000x128xf32, #tpu.memory_space<hbm>> -> memref<128x128xf32, #tpu.memory_space<hbm>>
      %dma_start3A_41 = arith.constant 0 : i32
      %dma_start3A_42 = tpu.memref_slice %arg6[%mul3A_10, %dma_start3A_41] : memref<80000x128xf32, #tpu.memory_space<hbm>> -> memref<128x128xf32, #tpu.memory_space<hbm>>
      %dma_start3A_43 = arith.constant 0 : i32
      %dma_start3A_44 = arith.constant 0 : i32
      %dma_start3A_45 = tpu.memref_slice %arg10[%run_scoped3A_34, %dma_start3A_43, %dma_start3A_44] : memref<2x128x128xf32, #tpu.memory_space<vmem>> -> memref<1x128x128xf32, #tpu.memory_space<vmem>>
      %dma_start3A_46 = tpu.memref_squeeze %dma_start3A_45 : memref<1x128x128xf32, #tpu.memory_space<vmem>> -> memref<128x128xf32, #tpu.memory_space<vmem>>
      tpu.enqueue_dma source(%dma_start3A_46 : memref<128x128xf32, #tpu.memory_space<vmem>>) target(%dma_start3A_42 : memref<128x128xf32, #tpu.memory_space<hbm>>) target_semaphore(%run_scoped3A_35 : memref<!tpu.dma_semaphore, #tpu.memory_space<semaphore_mem>>)
      %dma_wait3A_47 = arith.constant 0 : i32
      %dma_wait3A_48 = arith.constant 0 : i32
      %dma_wait3A_49 = tpu.memref_slice %arg10[%run_scoped3A_34, %dma_wait3A_47, %dma_wait3A_48] : memref<2x128x128xf32, #tpu.memory_space<vmem>> -> memref<1x128x128xf32, #tpu.memory_space<vmem>>
      %dma_wait3A_50 = tpu.memref_squeeze %dma_wait3A_49 : memref<1x128x128xf32, #tpu.memory_space<vmem>> -> memref<128x128xf32, #tpu.memory_space<vmem>>
      %dma_wait3A_51 = arith.constant 0 : i32
      %dma_wait3A_52 = tpu.memref_slice %arg6[%mul3A_10, %dma_wait3A_51] : memref<80000x128xf32, #tpu.memory_space<hbm>> -> memref<128x128xf32, #tpu.memory_space<hbm>>
      %dma_wait3A_53 = arith.constant 0 : i32
      %dma_wait3A_54 = tpu.memref_slice %arg6[%mul3A_10, %dma_wait3A_53] : memref<80000x128xf32, #tpu.memory_space<hbm>> -> memref<128x128xf32, #tpu.memory_space<hbm>>
      %dma_wait3A_55 = arith.constant 0 : i32
      %dma_wait3A_56 = arith.constant 0 : i32
      %dma_wait3A_57 = tpu.memref_slice %arg10[%run_scoped3A_34, %dma_wait3A_55, %dma_wait3A_56] : memref<2x128x128xf32, #tpu.memory_space<vmem>> -> memref<1x128x128xf32, #tpu.memory_space<vmem>>
      %dma_wait3A_58 = tpu.memref_squeeze %dma_wait3A_57 : memref<1x128x128xf32, #tpu.memory_space<vmem>> -> memref<128x128xf32, #tpu.memory_space<vmem>>
      tpu.wait_dma2 semaphore(%run_scoped3A_35 : memref<!tpu.dma_semaphore, #tpu.memory_space<semaphore_mem>>) src(%dma_wait3A_58 : memref<128x128xf32, #tpu.memory_space<vmem>>) dst(%dma_wait3A_54 : memref<128x128xf32, #tpu.memory_space<hbm>>)
      tpu.yield
    }) : () -> ()
    return
  }
}

module attributes {stable_mosaic.version = 14 : i64} {
  func.func @_edge_body0(%arg0: i32, %arg1: memref<3200x128xf32, #tpu.memory_space<vmem>>, %arg2: memref<3200x128xf32, #tpu.memory_space<vmem>>, %arg3: memref<3200x128xf32, #tpu.memory_space<vmem>>, %arg4: memref<16x3200xf32, #tpu.memory_space<vmem>>, %arg5: memref<1x128x25xf32, #tpu.memory_space<vmem>>, %arg6: memref<1x128x25xf32, #tpu.memory_space<vmem>>, %arg7: memref<384x512xbf16, #tpu.memory_space<vmem>>, %arg8: memref<1x512xf32, #tpu.memory_space<vmem>>, %arg9: memref<512x16xbf16, #tpu.memory_space<vmem>>, %arg10: memref<1x16xf32, #tpu.memory_space<vmem>>, %arg11: memref<16x64xbf16, #tpu.memory_space<vmem>>, %arg12: memref<64x1024xbf16, #tpu.memory_space<vmem>>, %arg13: memref<16x1024xbf16, #tpu.memory_space<vmem>>, %arg14: memref<1024x128xbf16, #tpu.memory_space<vmem>>, %arg15: memref<3200x128xf32, #tpu.memory_space<vmem>>, %arg16: memref<3200x128xf32, #tpu.memory_space<vmem>>) attributes {dimension_semantics = [#tpu.dimension_semantics<arbitrary>], iteration_bounds = array<i64: 25>, scalar_prefetch = 0 : i64, scratch_operands = 0 : i64, tpu.core_type = #tpu.core_type<tc>, window_params = [{transform_indices = @transform_0, window_bounds = array<i64: 3200, 128>}, {transform_indices = @transform_1, window_bounds = array<i64: 3200, 128>}, {transform_indices = @transform_2, window_bounds = array<i64: 3200, 128>}, {transform_indices = @transform_3, window_bounds = array<i64: 16, 3200>}, {transform_indices = @transform_4, window_bounds = array<i64: 1, 128, 25>}, {transform_indices = @transform_5, window_bounds = array<i64: 1, 128, 25>}, {pipeline_mode = #tpu.pipeline_mode<synchronous>, transform_indices = @transform_6, window_bounds = array<i64: 384, 512>}, {pipeline_mode = #tpu.pipeline_mode<synchronous>, transform_indices = @transform_7, window_bounds = array<i64: 1, 512>}, {pipeline_mode = #tpu.pipeline_mode<synchronous>, transform_indices = @transform_8, window_bounds = array<i64: 512, 16>}, {pipeline_mode = #tpu.pipeline_mode<synchronous>, transform_indices = @transform_9, window_bounds = array<i64: 1, 16>}, {pipeline_mode = #tpu.pipeline_mode<synchronous>, transform_indices = @transform_10, window_bounds = array<i64: 16, 64>}, {pipeline_mode = #tpu.pipeline_mode<synchronous>, transform_indices = @transform_11, window_bounds = array<i64: 64, 1024>}, {pipeline_mode = #tpu.pipeline_mode<synchronous>, transform_indices = @transform_12, window_bounds = array<i64: 16, 1024>}, {pipeline_mode = #tpu.pipeline_mode<synchronous>, transform_indices = @transform_13, window_bounds = array<i64: 1024, 128>}, {transform_indices = @transform_14, window_bounds = array<i64: 3200, 128>}, {transform_indices = @transform_15, window_bounds = array<i64: 3200, 128>}]} {
    %get3A = arith.constant 0 : index
    %get3A_0 = arith.constant 0 : index
    %get3A_1 = vector.load %arg1[%get3A, %get3A_0] : memref<3200x128xf32, #tpu.memory_space<vmem>>, vector<3200x128xf32>
    %get3A_2 = arith.constant 0 : index
    %get3A_3 = arith.constant 0 : index
    %get3A_4 = vector.load %arg2[%get3A_2, %get3A_3] : memref<3200x128xf32, #tpu.memory_space<vmem>>, vector<3200x128xf32>
    %get3A_5 = arith.constant 0 : index
    %get3A_6 = arith.constant 0 : index
    %get3A_7 = vector.load %arg3[%get3A_5, %get3A_6] : memref<3200x128xf32, #tpu.memory_space<vmem>>, vector<3200x128xf32>
    %get3A_8 = arith.constant 0 : index
    %get3A_9 = arith.constant 0 : index
    %get3A_10 = vector.load %arg4[%get3A_8, %get3A_9] : memref<16x3200xf32, #tpu.memory_space<vmem>>, vector<16x3200xf32>
    %get3A_11 = arith.constant 0 : index
    %get3A_12 = arith.constant 0 : index
    %get3A_13 = arith.constant 0 : index
    %get3A_14 = vector.load %arg5[%get3A_11, %get3A_12, %get3A_13] : memref<1x128x25xf32, #tpu.memory_space<vmem>>, vector<1x128x25xf32>
    %get3A_15 = arith.constant 0 : index
    %get3A_16 = arith.constant 0 : index
    %get3A_17 = arith.constant 0 : index
    %get3A_18 = vector.load %arg6[%get3A_15, %get3A_16, %get3A_17] : memref<1x128x25xf32, #tpu.memory_space<vmem>>, vector<1x128x25xf32>
    %get3A_19 = arith.constant 0 : index
    %get3A_20 = arith.constant 0 : index
    %get3A_21 = vector.load %arg7[%get3A_19, %get3A_20] : memref<384x512xbf16, #tpu.memory_space<vmem>>, vector<384x512xbf16>
    %get3A_22 = arith.constant 0 : index
    %get3A_23 = arith.constant 0 : index
    %get3A_24 = vector.load %arg8[%get3A_22, %get3A_23] : memref<1x512xf32, #tpu.memory_space<vmem>>, vector<1x512xf32>
    %get3A_25 = arith.constant 0 : index
    %get3A_26 = arith.constant 0 : index
    %get3A_27 = vector.load %arg9[%get3A_25, %get3A_26] : memref<512x16xbf16, #tpu.memory_space<vmem>>, vector<512x16xbf16>
    %get3A_28 = arith.constant 0 : index
    %get3A_29 = arith.constant 0 : index
    %get3A_30 = vector.load %arg10[%get3A_28, %get3A_29] : memref<1x16xf32, #tpu.memory_space<vmem>>, vector<1x16xf32>
    %get3A_31 = arith.constant 0 : index
    %get3A_32 = arith.constant 0 : index
    %get3A_33 = vector.load %arg11[%get3A_31, %get3A_32] : memref<16x64xbf16, #tpu.memory_space<vmem>>, vector<16x64xbf16>
    %get3A_34 = arith.constant 0 : index
    %get3A_35 = arith.constant 0 : index
    %get3A_36 = vector.load %arg12[%get3A_34, %get3A_35] : memref<64x1024xbf16, #tpu.memory_space<vmem>>, vector<64x1024xbf16>
    %get3A_37 = arith.constant 0 : index
    %get3A_38 = arith.constant 0 : index
    %get3A_39 = vector.load %arg13[%get3A_37, %get3A_38] : memref<16x1024xbf16, #tpu.memory_space<vmem>>, vector<16x1024xbf16>
    %get3A_40 = arith.constant 0 : index
    %get3A_41 = arith.constant 0 : index
    %get3A_42 = vector.load %arg14[%get3A_40, %get3A_41] : memref<1024x128xbf16, #tpu.memory_space<vmem>>, vector<1024x128xbf16>
    %convert_element_type3A = arith.truncf %get3A_1 : vector<3200x128xf32> to vector<3200x128xbf16>
    %convert_element_type3A_43 = arith.truncf %get3A_4 : vector<3200x128xf32> to vector<3200x128xbf16>
    %convert_element_type3A_44 = arith.truncf %get3A_7 : vector<3200x128xf32> to vector<3200x128xbf16>
    %concatenate3A = tpu.concatenate %convert_element_type3A, %convert_element_type3A_43, %convert_element_type3A_44 in 1 : vector<3200x128xbf16>, vector<3200x128xbf16>, vector<3200x128xbf16> -> vector<3200x384xbf16>
    %dot_general3A = arith.constant dense<0.000000e+00> : vector<3200x512xf32>
    %dot_general3A_45 = tpu.matmul %concatenate3A, %get3A_21, %dot_general3A {dimension_numbers = #tpu.dot_dimension_numbers<[1], [0], [0], [1], [0, 0, 1, 1], [], []>, transpose_lhs_hint = false} : vector<3200x384xbf16>, vector<384x512xbf16>, vector<3200x512xf32> -> vector<3200x512xf32>
    %add3A = vector.broadcast %get3A_24 : vector<1x512xf32> to vector<3200x512xf32>
    %add3A_46 = arith.addf %dot_general3A_45, %add3A : vector<3200x512xf32>
    %max3A = arith.constant 0.000000e+00 : f32
    %max3A_47 = vector.broadcast %max3A : f32 to vector<3200x512xf32>
    %max3A_48 = arith.maximumf %add3A_46, %max3A_47 : vector<3200x512xf32>
    %convert_element_type3A_49 = arith.truncf %max3A_48 : vector<3200x512xf32> to vector<3200x512xbf16>
    %dot_general3A_50 = arith.constant dense<0.000000e+00> : vector<3200x16xf32>
    %dot_general3A_51 = tpu.matmul %convert_element_type3A_49, %get3A_27, %dot_general3A_50 {dimension_numbers = #tpu.dot_dimension_numbers<[1], [0], [0], [1], [0, 0, 1, 1], [], []>, transpose_lhs_hint = false} : vector<3200x512xbf16>, vector<512x16xbf16>, vector<3200x16xf32> -> vector<3200x16xf32>
    %add3A_52 = vector.broadcast %get3A_30 : vector<1x16xf32> to vector<3200x16xf32>
    %add3A_53 = arith.addf %dot_general3A_51, %add3A_52 : vector<3200x16xf32>
    %convert_element_type3A_54 = arith.truncf %get3A_10 : vector<16x3200xf32> to vector<16x3200xbf16>
    %dot_general3A_55 = arith.constant dense<0.000000e+00> : vector<3200x64xf32>
    %dot_general3A_56 = tpu.matmul %convert_element_type3A_54, %get3A_33, %dot_general3A_55 {dimension_numbers = #tpu.dot_dimension_numbers<[0], [0], [1], [1], [0, 1, 1, 1], [], []>, transpose_lhs_hint = false} : vector<16x3200xbf16>, vector<16x64xbf16>, vector<3200x64xf32> -> vector<3200x64xf32>
    %mul3A = arith.constant 2.500000e-01 : f32
    %mul3A_57 = vector.broadcast %mul3A : f32 to vector<3200x64xf32>
    %mul3A_58 = arith.mulf %dot_general3A_56, %mul3A_57 : vector<3200x64xf32>
    %max3A_59 = arith.constant 0.000000e+00 : f32
    %max3A_60 = vector.broadcast %max3A_59 : f32 to vector<3200x64xf32>
    %max3A_61 = arith.maximumf %mul3A_58, %max3A_60 : vector<3200x64xf32>
    %convert_element_type3A_62 = arith.truncf %max3A_61 : vector<3200x64xf32> to vector<3200x64xbf16>
    %squeeze3A = vector.shape_cast %get3A_14 : vector<1x128x25xf32> to vector<128x25xf32>
    %slice3A = vector.extract_strided_slice %squeeze3A {offsets = [0, 0], sizes = [128, 1], strides = [1, 1]} : vector<128x25xf32> to vector<128x1xf32>
    %slice3A_63 = vector.extract_strided_slice %squeeze3A {offsets = [0, 1], sizes = [128, 1], strides = [1, 1]} : vector<128x25xf32> to vector<128x1xf32>
    %slice3A_64 = vector.extract_strided_slice %squeeze3A {offsets = [0, 2], sizes = [128, 1], strides = [1, 1]} : vector<128x25xf32> to vector<128x1xf32>
    %slice3A_65 = vector.extract_strided_slice %squeeze3A {offsets = [0, 3], sizes = [128, 1], strides = [1, 1]} : vector<128x25xf32> to vector<128x1xf32>
    %slice3A_66 = vector.extract_strided_slice %squeeze3A {offsets = [0, 4], sizes = [128, 1], strides = [1, 1]} : vector<128x25xf32> to vector<128x1xf32>
    %slice3A_67 = vector.extract_strided_slice %squeeze3A {offsets = [0, 5], sizes = [128, 1], strides = [1, 1]} : vector<128x25xf32> to vector<128x1xf32>
    %slice3A_68 = vector.extract_strided_slice %squeeze3A {offsets = [0, 6], sizes = [128, 1], strides = [1, 1]} : vector<128x25xf32> to vector<128x1xf32>
    %slice3A_69 = vector.extract_strided_slice %squeeze3A {offsets = [0, 7], sizes = [128, 1], strides = [1, 1]} : vector<128x25xf32> to vector<128x1xf32>
    %slice3A_70 = vector.extract_strided_slice %squeeze3A {offsets = [0, 8], sizes = [128, 1], strides = [1, 1]} : vector<128x25xf32> to vector<128x1xf32>
    %slice3A_71 = vector.extract_strided_slice %squeeze3A {offsets = [0, 9], sizes = [128, 1], strides = [1, 1]} : vector<128x25xf32> to vector<128x1xf32>
    %slice3A_72 = vector.extract_strided_slice %squeeze3A {offsets = [0, 10], sizes = [128, 1], strides = [1, 1]} : vector<128x25xf32> to vector<128x1xf32>
    %slice3A_73 = vector.extract_strided_slice %squeeze3A {offsets = [0, 11], sizes = [128, 1], strides = [1, 1]} : vector<128x25xf32> to vector<128x1xf32>
    %slice3A_74 = vector.extract_strided_slice %squeeze3A {offsets = [0, 12], sizes = [128, 1], strides = [1, 1]} : vector<128x25xf32> to vector<128x1xf32>
    %slice3A_75 = vector.extract_strided_slice %squeeze3A {offsets = [0, 13], sizes = [128, 1], strides = [1, 1]} : vector<128x25xf32> to vector<128x1xf32>
    %slice3A_76 = vector.extract_strided_slice %squeeze3A {offsets = [0, 14], sizes = [128, 1], strides = [1, 1]} : vector<128x25xf32> to vector<128x1xf32>
    %slice3A_77 = vector.extract_strided_slice %squeeze3A {offsets = [0, 15], sizes = [128, 1], strides = [1, 1]} : vector<128x25xf32> to vector<128x1xf32>
    %slice3A_78 = vector.extract_strided_slice %squeeze3A {offsets = [0, 16], sizes = [128, 1], strides = [1, 1]} : vector<128x25xf32> to vector<128x1xf32>
    %slice3A_79 = vector.extract_strided_slice %squeeze3A {offsets = [0, 17], sizes = [128, 1], strides = [1, 1]} : vector<128x25xf32> to vector<128x1xf32>
    %slice3A_80 = vector.extract_strided_slice %squeeze3A {offsets = [0, 18], sizes = [128, 1], strides = [1, 1]} : vector<128x25xf32> to vector<128x1xf32>
    %slice3A_81 = vector.extract_strided_slice %squeeze3A {offsets = [0, 19], sizes = [128, 1], strides = [1, 1]} : vector<128x25xf32> to vector<128x1xf32>
    %slice3A_82 = vector.extract_strided_slice %squeeze3A {offsets = [0, 20], sizes = [128, 1], strides = [1, 1]} : vector<128x25xf32> to vector<128x1xf32>
    %slice3A_83 = vector.extract_strided_slice %squeeze3A {offsets = [0, 21], sizes = [128, 1], strides = [1, 1]} : vector<128x25xf32> to vector<128x1xf32>
    %slice3A_84 = vector.extract_strided_slice %squeeze3A {offsets = [0, 22], sizes = [128, 1], strides = [1, 1]} : vector<128x25xf32> to vector<128x1xf32>
    %slice3A_85 = vector.extract_strided_slice %squeeze3A {offsets = [0, 23], sizes = [128, 1], strides = [1, 1]} : vector<128x25xf32> to vector<128x1xf32>
    %slice3A_86 = vector.extract_strided_slice %squeeze3A {offsets = [0, 24], sizes = [128, 1], strides = [1, 1]} : vector<128x25xf32> to vector<128x1xf32>
    %concatenate3A_87 = tpu.concatenate %slice3A, %slice3A_63, %slice3A_64, %slice3A_65, %slice3A_66, %slice3A_67, %slice3A_68, %slice3A_69, %slice3A_70, %slice3A_71, %slice3A_72, %slice3A_73, %slice3A_74, %slice3A_75, %slice3A_76, %slice3A_77, %slice3A_78, %slice3A_79, %slice3A_80, %slice3A_81, %slice3A_82, %slice3A_83, %slice3A_84, %slice3A_85, %slice3A_86 in 0 : vector<128x1xf32>, vector<128x1xf32>, vector<128x1xf32>, vector<128x1xf32>, vector<128x1xf32>, vector<128x1xf32>, vector<128x1xf32>, vector<128x1xf32>, vector<128x1xf32>, vector<128x1xf32>, vector<128x1xf32>, vector<128x1xf32>, vector<128x1xf32>, vector<128x1xf32>, vector<128x1xf32>, vector<128x1xf32>, vector<128x1xf32>, vector<128x1xf32>, vector<128x1xf32>, vector<128x1xf32>, vector<128x1xf32>, vector<128x1xf32>, vector<128x1xf32>, vector<128x1xf32>, vector<128x1xf32> -> vector<3200x1xf32>
    %mul3A_88 = arith.constant 3.125000e-02 : f32
    %mul3A_89 = vector.broadcast %mul3A_88 : f32 to vector<3200x1xf32>
    %mul3A_90 = arith.mulf %concatenate3A_87, %mul3A_89 : vector<3200x1xf32>
    %mul3A_91 = vector.broadcast %mul3A_90 : vector<3200x1xf32> to vector<3200x16xf32>
    %mul3A_92 = arith.mulf %add3A_53, %mul3A_91 : vector<3200x16xf32>
    %convert_element_type3A_93 = arith.truncf %mul3A_92 : vector<3200x16xf32> to vector<3200x16xbf16>
    %dot_general3A_94 = arith.constant dense<0.000000e+00> : vector<3200x1024xf32>
    %dot_general3A_95 = tpu.matmul %convert_element_type3A_62, %get3A_36, %dot_general3A_94 {dimension_numbers = #tpu.dot_dimension_numbers<[1], [0], [0], [1], [0, 0, 1, 1], [], []>, transpose_lhs_hint = false} : vector<3200x64xbf16>, vector<64x1024xbf16>, vector<3200x1024xf32> -> vector<3200x1024xf32>
    %dot_general3A_96 = arith.constant dense<0.000000e+00> : vector<3200x1024xf32>
    %dot_general3A_97 = tpu.matmul %convert_element_type3A_93, %get3A_39, %dot_general3A_96 {dimension_numbers = #tpu.dot_dimension_numbers<[1], [0], [0], [1], [0, 0, 1, 1], [], []>, transpose_lhs_hint = false} : vector<3200x16xbf16>, vector<16x1024xbf16>, vector<3200x1024xf32> -> vector<3200x1024xf32>
    %mul3A_98 = arith.mulf %dot_general3A_95, %dot_general3A_97 : vector<3200x1024xf32>
    %convert_element_type3A_99 = arith.truncf %mul3A_98 : vector<3200x1024xf32> to vector<3200x1024xbf16>
    %dot_general3A_100 = arith.constant dense<0.000000e+00> : vector<3200x128xf32>
    %dot_general3A_101 = tpu.matmul %convert_element_type3A_99, %get3A_42, %dot_general3A_100 {dimension_numbers = #tpu.dot_dimension_numbers<[1], [0], [0], [1], [0, 0, 1, 1], [], []>, transpose_lhs_hint = false} : vector<3200x1024xbf16>, vector<1024x128xbf16>, vector<3200x128xf32> -> vector<3200x128xf32>
    %add3A_102 = arith.addf %get3A_1, %dot_general3A_101 : vector<3200x128xf32>
    %squeeze3A_103 = vector.shape_cast %get3A_18 : vector<1x128x25xf32> to vector<128x25xf32>
    %slice3A_104 = vector.extract_strided_slice %squeeze3A_103 {offsets = [0, 0], sizes = [128, 1], strides = [1, 1]} : vector<128x25xf32> to vector<128x1xf32>
    %slice3A_105 = vector.extract_strided_slice %squeeze3A_103 {offsets = [0, 1], sizes = [128, 1], strides = [1, 1]} : vector<128x25xf32> to vector<128x1xf32>
    %slice3A_106 = vector.extract_strided_slice %squeeze3A_103 {offsets = [0, 2], sizes = [128, 1], strides = [1, 1]} : vector<128x25xf32> to vector<128x1xf32>
    %slice3A_107 = vector.extract_strided_slice %squeeze3A_103 {offsets = [0, 3], sizes = [128, 1], strides = [1, 1]} : vector<128x25xf32> to vector<128x1xf32>
    %slice3A_108 = vector.extract_strided_slice %squeeze3A_103 {offsets = [0, 4], sizes = [128, 1], strides = [1, 1]} : vector<128x25xf32> to vector<128x1xf32>
    %slice3A_109 = vector.extract_strided_slice %squeeze3A_103 {offsets = [0, 5], sizes = [128, 1], strides = [1, 1]} : vector<128x25xf32> to vector<128x1xf32>
    %slice3A_110 = vector.extract_strided_slice %squeeze3A_103 {offsets = [0, 6], sizes = [128, 1], strides = [1, 1]} : vector<128x25xf32> to vector<128x1xf32>
    %slice3A_111 = vector.extract_strided_slice %squeeze3A_103 {offsets = [0, 7], sizes = [128, 1], strides = [1, 1]} : vector<128x25xf32> to vector<128x1xf32>
    %slice3A_112 = vector.extract_strided_slice %squeeze3A_103 {offsets = [0, 8], sizes = [128, 1], strides = [1, 1]} : vector<128x25xf32> to vector<128x1xf32>
    %slice3A_113 = vector.extract_strided_slice %squeeze3A_103 {offsets = [0, 9], sizes = [128, 1], strides = [1, 1]} : vector<128x25xf32> to vector<128x1xf32>
    %slice3A_114 = vector.extract_strided_slice %squeeze3A_103 {offsets = [0, 10], sizes = [128, 1], strides = [1, 1]} : vector<128x25xf32> to vector<128x1xf32>
    %slice3A_115 = vector.extract_strided_slice %squeeze3A_103 {offsets = [0, 11], sizes = [128, 1], strides = [1, 1]} : vector<128x25xf32> to vector<128x1xf32>
    %slice3A_116 = vector.extract_strided_slice %squeeze3A_103 {offsets = [0, 12], sizes = [128, 1], strides = [1, 1]} : vector<128x25xf32> to vector<128x1xf32>
    %slice3A_117 = vector.extract_strided_slice %squeeze3A_103 {offsets = [0, 13], sizes = [128, 1], strides = [1, 1]} : vector<128x25xf32> to vector<128x1xf32>
    %slice3A_118 = vector.extract_strided_slice %squeeze3A_103 {offsets = [0, 14], sizes = [128, 1], strides = [1, 1]} : vector<128x25xf32> to vector<128x1xf32>
    %slice3A_119 = vector.extract_strided_slice %squeeze3A_103 {offsets = [0, 15], sizes = [128, 1], strides = [1, 1]} : vector<128x25xf32> to vector<128x1xf32>
    %slice3A_120 = vector.extract_strided_slice %squeeze3A_103 {offsets = [0, 16], sizes = [128, 1], strides = [1, 1]} : vector<128x25xf32> to vector<128x1xf32>
    %slice3A_121 = vector.extract_strided_slice %squeeze3A_103 {offsets = [0, 17], sizes = [128, 1], strides = [1, 1]} : vector<128x25xf32> to vector<128x1xf32>
    %slice3A_122 = vector.extract_strided_slice %squeeze3A_103 {offsets = [0, 18], sizes = [128, 1], strides = [1, 1]} : vector<128x25xf32> to vector<128x1xf32>
    %slice3A_123 = vector.extract_strided_slice %squeeze3A_103 {offsets = [0, 19], sizes = [128, 1], strides = [1, 1]} : vector<128x25xf32> to vector<128x1xf32>
    %slice3A_124 = vector.extract_strided_slice %squeeze3A_103 {offsets = [0, 20], sizes = [128, 1], strides = [1, 1]} : vector<128x25xf32> to vector<128x1xf32>
    %slice3A_125 = vector.extract_strided_slice %squeeze3A_103 {offsets = [0, 21], sizes = [128, 1], strides = [1, 1]} : vector<128x25xf32> to vector<128x1xf32>
    %slice3A_126 = vector.extract_strided_slice %squeeze3A_103 {offsets = [0, 22], sizes = [128, 1], strides = [1, 1]} : vector<128x25xf32> to vector<128x1xf32>
    %slice3A_127 = vector.extract_strided_slice %squeeze3A_103 {offsets = [0, 23], sizes = [128, 1], strides = [1, 1]} : vector<128x25xf32> to vector<128x1xf32>
    %slice3A_128 = vector.extract_strided_slice %squeeze3A_103 {offsets = [0, 24], sizes = [128, 1], strides = [1, 1]} : vector<128x25xf32> to vector<128x1xf32>
    %concatenate3A_129 = tpu.concatenate %slice3A_104, %slice3A_105, %slice3A_106, %slice3A_107, %slice3A_108, %slice3A_109, %slice3A_110, %slice3A_111, %slice3A_112, %slice3A_113, %slice3A_114, %slice3A_115, %slice3A_116, %slice3A_117, %slice3A_118, %slice3A_119, %slice3A_120, %slice3A_121, %slice3A_122, %slice3A_123, %slice3A_124, %slice3A_125, %slice3A_126, %slice3A_127, %slice3A_128 in 0 : vector<128x1xf32>, vector<128x1xf32>, vector<128x1xf32>, vector<128x1xf32>, vector<128x1xf32>, vector<128x1xf32>, vector<128x1xf32>, vector<128x1xf32>, vector<128x1xf32>, vector<128x1xf32>, vector<128x1xf32>, vector<128x1xf32>, vector<128x1xf32>, vector<128x1xf32>, vector<128x1xf32>, vector<128x1xf32>, vector<128x1xf32>, vector<128x1xf32>, vector<128x1xf32>, vector<128x1xf32>, vector<128x1xf32>, vector<128x1xf32>, vector<128x1xf32>, vector<128x1xf32>, vector<128x1xf32> -> vector<3200x1xf32>
    %mul3A_130 = vector.broadcast %concatenate3A_129 : vector<3200x1xf32> to vector<3200x128xf32>
    %mul3A_131 = arith.mulf %add3A_102, %mul3A_130 : vector<3200x128xf32>
    %swap3A = arith.constant 0 : index
    %swap3A_132 = arith.constant 0 : index
    %swap3A_133 = vector.load %arg15[%swap3A, %swap3A_132] : memref<3200x128xf32, #tpu.memory_space<vmem>>, vector<3200x128xf32>
    tpu.vector_store %arg15[%swap3A, %swap3A_132], %add3A_102 {strides = array<i32>} : memref<3200x128xf32, #tpu.memory_space<vmem>>, vector<3200x128xf32>,
    %swap3A_134 = arith.constant 0 : index
    %swap3A_135 = arith.constant 0 : index
    %swap3A_136 = vector.load %arg16[%swap3A_134, %swap3A_135] : memref<3200x128xf32, #tpu.memory_space<vmem>>, vector<3200x128xf32>
    tpu.vector_store %arg16[%swap3A_134, %swap3A_135], %mul3A_131 {strides = array<i32>} : memref<3200x128xf32, #tpu.memory_space<vmem>>, vector<3200x128xf32>,
    return
  }
  func.func @transform_0(%arg0: i32) -> (i32, i32) {
    %add3A = arith.constant 0 : i32
    %add3A_0 = arith.addi %arg0, %add3A : i32
    %c0_i32 = arith.constant 0 : i32
    %c0_i32_1 = arith.constant 0 : i32
    return %add3A_0, %c0_i32 : i32, i32
  }
  func.func @transform_1(%arg0: i32) -> (i32, i32) {
    %c0_i32 = arith.constant 0 : i32
    %c0_i32_0 = arith.constant 0 : i32
    return %arg0, %c0_i32 : i32, i32
  }
  func.func @transform_2(%arg0: i32) -> (i32, i32) {
    %c0_i32 = arith.constant 0 : i32
    %c0_i32_0 = arith.constant 0 : i32
    return %arg0, %c0_i32 : i32, i32
  }
  func.func @transform_3(%arg0: i32) -> (i32, i32) {
    %add3A = arith.constant 0 : i32
    %add3A_0 = arith.addi %arg0, %add3A : i32
    %c0_i32 = arith.constant 0 : i32
    %c0_i32_1 = arith.constant 0 : i32
    return %c0_i32, %add3A_0 : i32, i32
  }
  func.func @transform_4(%arg0: i32) -> (i32, i32, i32) {
    %add3A = arith.constant 0 : i32
    %add3A_0 = arith.addi %arg0, %add3A : i32
    %c0_i32 = arith.constant 0 : i32
    %c0_i32_1 = arith.constant 0 : i32
    %c0_i32_2 = arith.constant 0 : i32
    return %add3A_0, %c0_i32, %c0_i32_1 : i32, i32, i32
  }
  func.func @transform_5(%arg0: i32) -> (i32, i32, i32) {
    %add3A = arith.constant 0 : i32
    %add3A_0 = arith.addi %arg0, %add3A : i32
    %c0_i32 = arith.constant 0 : i32
    %c0_i32_1 = arith.constant 0 : i32
    %c0_i32_2 = arith.constant 0 : i32
    return %add3A_0, %c0_i32, %c0_i32_1 : i32, i32, i32
  }
  func.func @transform_6(%arg0: i32) -> (i32, i32) {
    %c0_i32 = arith.constant 0 : i32
    %c0_i32_0 = arith.constant 0 : i32
    %c0_i32_1 = arith.constant 0 : i32
    return %c0_i32, %c0_i32_0 : i32, i32
  }
  func.func @transform_7(%arg0: i32) -> (i32, i32) {
    %c0_i32 = arith.constant 0 : i32
    %c0_i32_0 = arith.constant 0 : i32
    %c0_i32_1 = arith.constant 0 : i32
    return %c0_i32, %c0_i32_0 : i32, i32
  }
  func.func @transform_8(%arg0: i32) -> (i32, i32) {
    %c0_i32 = arith.constant 0 : i32
    %c0_i32_0 = arith.constant 0 : i32
    %c0_i32_1 = arith.constant 0 : i32
    return %c0_i32, %c0_i32_0 : i32, i32
  }
  func.func @transform_9(%arg0: i32) -> (i32, i32) {
    %c0_i32 = arith.constant 0 : i32
    %c0_i32_0 = arith.constant 0 : i32
    %c0_i32_1 = arith.constant 0 : i32
    return %c0_i32, %c0_i32_0 : i32, i32
  }
  func.func @transform_10(%arg0: i32) -> (i32, i32) {
    %c0_i32 = arith.constant 0 : i32
    %c0_i32_0 = arith.constant 0 : i32
    %c0_i32_1 = arith.constant 0 : i32
    return %c0_i32, %c0_i32_0 : i32, i32
  }
  func.func @transform_11(%arg0: i32) -> (i32, i32) {
    %c0_i32 = arith.constant 0 : i32
    %c0_i32_0 = arith.constant 0 : i32
    %c0_i32_1 = arith.constant 0 : i32
    return %c0_i32, %c0_i32_0 : i32, i32
  }
  func.func @transform_12(%arg0: i32) -> (i32, i32) {
    %c0_i32 = arith.constant 0 : i32
    %c0_i32_0 = arith.constant 0 : i32
    %c0_i32_1 = arith.constant 0 : i32
    return %c0_i32, %c0_i32_0 : i32, i32
  }
  func.func @transform_13(%arg0: i32) -> (i32, i32) {
    %c0_i32 = arith.constant 0 : i32
    %c0_i32_0 = arith.constant 0 : i32
    %c0_i32_1 = arith.constant 0 : i32
    return %c0_i32, %c0_i32_0 : i32, i32
  }
  func.func @transform_14(%arg0: i32) -> (i32, i32) {
    %add3A = arith.constant 0 : i32
    %add3A_0 = arith.addi %arg0, %add3A : i32
    %c0_i32 = arith.constant 0 : i32
    %c0_i32_1 = arith.constant 0 : i32
    return %add3A_0, %c0_i32 : i32, i32
  }
  func.func @transform_15(%arg0: i32) -> (i32, i32) {
    %c0_i32 = arith.constant 0 : i32
    %c0_i32_0 = arith.constant 0 : i32
    return %arg0, %c0_i32 : i32, i32
  }
}

module attributes {stable_mosaic.version = 14 : i64} {
  func.func @_edge_body1(%arg0: i32, %arg1: memref<3200x128xf32, #tpu.memory_space<vmem>>, %arg2: memref<3200x128xf32, #tpu.memory_space<vmem>>, %arg3: memref<3200x128xf32, #tpu.memory_space<vmem>>, %arg4: memref<16x3200xf32, #tpu.memory_space<vmem>>, %arg5: memref<1x128x25xf32, #tpu.memory_space<vmem>>, %arg6: memref<1x128x25xf32, #tpu.memory_space<vmem>>, %arg7: memref<384x512xbf16, #tpu.memory_space<vmem>>, %arg8: memref<1x512xf32, #tpu.memory_space<vmem>>, %arg9: memref<512x16xbf16, #tpu.memory_space<vmem>>, %arg10: memref<1x16xf32, #tpu.memory_space<vmem>>, %arg11: memref<16x64xbf16, #tpu.memory_space<vmem>>, %arg12: memref<64x1024xbf16, #tpu.memory_space<vmem>>, %arg13: memref<16x1024xbf16, #tpu.memory_space<vmem>>, %arg14: memref<1024x128xbf16, #tpu.memory_space<vmem>>, %arg15: memref<8x128xf32, #tpu.memory_space<vmem>>, %arg16: memref<3200x128xf32, #tpu.memory_space<vmem>>, %arg17: memref<3200x128xf32, #tpu.memory_space<vmem>>) attributes {dimension_semantics = [#tpu.dimension_semantics<arbitrary>], iteration_bounds = array<i64: 25>, scalar_prefetch = 0 : i64, scratch_operands = 0 : i64, tpu.core_type = #tpu.core_type<tc>, window_params = [{transform_indices = @transform_0, window_bounds = array<i64: 3200, 128>}, {transform_indices = @transform_1, window_bounds = array<i64: 3200, 128>}, {transform_indices = @transform_2, window_bounds = array<i64: 3200, 128>}, {transform_indices = @transform_3, window_bounds = array<i64: 16, 3200>}, {transform_indices = @transform_4, window_bounds = array<i64: 1, 128, 25>}, {transform_indices = @transform_5, window_bounds = array<i64: 1, 128, 25>}, {pipeline_mode = #tpu.pipeline_mode<synchronous>, transform_indices = @transform_6, window_bounds = array<i64: 384, 512>}, {pipeline_mode = #tpu.pipeline_mode<synchronous>, transform_indices = @transform_7, window_bounds = array<i64: 1, 512>}, {pipeline_mode = #tpu.pipeline_mode<synchronous>, transform_indices = @transform_8, window_bounds = array<i64: 512, 16>}, {pipeline_mode = #tpu.pipeline_mode<synchronous>, transform_indices = @transform_9, window_bounds = array<i64: 1, 16>}, {pipeline_mode = #tpu.pipeline_mode<synchronous>, transform_indices = @transform_10, window_bounds = array<i64: 16, 64>}, {pipeline_mode = #tpu.pipeline_mode<synchronous>, transform_indices = @transform_11, window_bounds = array<i64: 64, 1024>}, {pipeline_mode = #tpu.pipeline_mode<synchronous>, transform_indices = @transform_12, window_bounds = array<i64: 16, 1024>}, {pipeline_mode = #tpu.pipeline_mode<synchronous>, transform_indices = @transform_13, window_bounds = array<i64: 1024, 128>}, {transform_indices = @transform_14, window_bounds = array<i64: 8, 128>}, {transform_indices = @transform_15, window_bounds = array<i64: 3200, 128>}, {transform_indices = @transform_16, window_bounds = array<i64: 3200, 128>}]} {
    %get3A = arith.constant 0 : index
    %get3A_0 = arith.constant 0 : index
    %get3A_1 = vector.load %arg1[%get3A, %get3A_0] : memref<3200x128xf32, #tpu.memory_space<vmem>>, vector<3200x128xf32>
    %get3A_2 = arith.constant 0 : index
    %get3A_3 = arith.constant 0 : index
    %get3A_4 = vector.load %arg2[%get3A_2, %get3A_3] : memref<3200x128xf32, #tpu.memory_space<vmem>>, vector<3200x128xf32>
    %get3A_5 = arith.constant 0 : index
    %get3A_6 = arith.constant 0 : index
    %get3A_7 = vector.load %arg3[%get3A_5, %get3A_6] : memref<3200x128xf32, #tpu.memory_space<vmem>>, vector<3200x128xf32>
    %get3A_8 = arith.constant 0 : index
    %get3A_9 = arith.constant 0 : index
    %get3A_10 = vector.load %arg4[%get3A_8, %get3A_9] : memref<16x3200xf32, #tpu.memory_space<vmem>>, vector<16x3200xf32>
    %get3A_11 = arith.constant 0 : index
    %get3A_12 = arith.constant 0 : index
    %get3A_13 = arith.constant 0 : index
    %get3A_14 = vector.load %arg5[%get3A_11, %get3A_12, %get3A_13] : memref<1x128x25xf32, #tpu.memory_space<vmem>>, vector<1x128x25xf32>
    %get3A_15 = arith.constant 0 : index
    %get3A_16 = arith.constant 0 : index
    %get3A_17 = arith.constant 0 : index
    %get3A_18 = vector.load %arg6[%get3A_15, %get3A_16, %get3A_17] : memref<1x128x25xf32, #tpu.memory_space<vmem>>, vector<1x128x25xf32>
    %get3A_19 = arith.constant 0 : index
    %get3A_20 = arith.constant 0 : index
    %get3A_21 = vector.load %arg7[%get3A_19, %get3A_20] : memref<384x512xbf16, #tpu.memory_space<vmem>>, vector<384x512xbf16>
    %get3A_22 = arith.constant 0 : index
    %get3A_23 = arith.constant 0 : index
    %get3A_24 = vector.load %arg8[%get3A_22, %get3A_23] : memref<1x512xf32, #tpu.memory_space<vmem>>, vector<1x512xf32>
    %get3A_25 = arith.constant 0 : index
    %get3A_26 = arith.constant 0 : index
    %get3A_27 = vector.load %arg9[%get3A_25, %get3A_26] : memref<512x16xbf16, #tpu.memory_space<vmem>>, vector<512x16xbf16>
    %get3A_28 = arith.constant 0 : index
    %get3A_29 = arith.constant 0 : index
    %get3A_30 = vector.load %arg10[%get3A_28, %get3A_29] : memref<1x16xf32, #tpu.memory_space<vmem>>, vector<1x16xf32>
    %get3A_31 = arith.constant 0 : index
    %get3A_32 = arith.constant 0 : index
    %get3A_33 = vector.load %arg11[%get3A_31, %get3A_32] : memref<16x64xbf16, #tpu.memory_space<vmem>>, vector<16x64xbf16>
    %get3A_34 = arith.constant 0 : index
    %get3A_35 = arith.constant 0 : index
    %get3A_36 = vector.load %arg12[%get3A_34, %get3A_35] : memref<64x1024xbf16, #tpu.memory_space<vmem>>, vector<64x1024xbf16>
    %get3A_37 = arith.constant 0 : index
    %get3A_38 = arith.constant 0 : index
    %get3A_39 = vector.load %arg13[%get3A_37, %get3A_38] : memref<16x1024xbf16, #tpu.memory_space<vmem>>, vector<16x1024xbf16>
    %get3A_40 = arith.constant 0 : index
    %get3A_41 = arith.constant 0 : index
    %get3A_42 = vector.load %arg14[%get3A_40, %get3A_41] : memref<1024x128xbf16, #tpu.memory_space<vmem>>, vector<1024x128xbf16>
    %convert_element_type3A = arith.truncf %get3A_1 : vector<3200x128xf32> to vector<3200x128xbf16>
    %convert_element_type3A_43 = arith.truncf %get3A_4 : vector<3200x128xf32> to vector<3200x128xbf16>
    %convert_element_type3A_44 = arith.truncf %get3A_7 : vector<3200x128xf32> to vector<3200x128xbf16>
    %concatenate3A = tpu.concatenate %convert_element_type3A, %convert_element_type3A_43, %convert_element_type3A_44 in 1 : vector<3200x128xbf16>, vector<3200x128xbf16>, vector<3200x128xbf16> -> vector<3200x384xbf16>
    %dot_general3A = arith.constant dense<0.000000e+00> : vector<3200x512xf32>
    %dot_general3A_45 = tpu.matmul %concatenate3A, %get3A_21, %dot_general3A {dimension_numbers = #tpu.dot_dimension_numbers<[1], [0], [0], [1], [0, 0, 1, 1], [], []>, transpose_lhs_hint = false} : vector<3200x384xbf16>, vector<384x512xbf16>, vector<3200x512xf32> -> vector<3200x512xf32>
    %add3A = vector.broadcast %get3A_24 : vector<1x512xf32> to vector<3200x512xf32>
    %add3A_46 = arith.addf %dot_general3A_45, %add3A : vector<3200x512xf32>
    %max3A = arith.constant 0.000000e+00 : f32
    %max3A_47 = vector.broadcast %max3A : f32 to vector<3200x512xf32>
    %max3A_48 = arith.maximumf %add3A_46, %max3A_47 : vector<3200x512xf32>
    %convert_element_type3A_49 = arith.truncf %max3A_48 : vector<3200x512xf32> to vector<3200x512xbf16>
    %dot_general3A_50 = arith.constant dense<0.000000e+00> : vector<3200x16xf32>
    %dot_general3A_51 = tpu.matmul %convert_element_type3A_49, %get3A_27, %dot_general3A_50 {dimension_numbers = #tpu.dot_dimension_numbers<[1], [0], [0], [1], [0, 0, 1, 1], [], []>, transpose_lhs_hint = false} : vector<3200x512xbf16>, vector<512x16xbf16>, vector<3200x16xf32> -> vector<3200x16xf32>
    %add3A_52 = vector.broadcast %get3A_30 : vector<1x16xf32> to vector<3200x16xf32>
    %add3A_53 = arith.addf %dot_general3A_51, %add3A_52 : vector<3200x16xf32>
    %convert_element_type3A_54 = arith.truncf %get3A_10 : vector<16x3200xf32> to vector<16x3200xbf16>
    %dot_general3A_55 = arith.constant dense<0.000000e+00> : vector<3200x64xf32>
    %dot_general3A_56 = tpu.matmul %convert_element_type3A_54, %get3A_33, %dot_general3A_55 {dimension_numbers = #tpu.dot_dimension_numbers<[0], [0], [1], [1], [0, 1, 1, 1], [], []>, transpose_lhs_hint = false} : vector<16x3200xbf16>, vector<16x64xbf16>, vector<3200x64xf32> -> vector<3200x64xf32>
    %mul3A = arith.constant 2.500000e-01 : f32
    %mul3A_57 = vector.broadcast %mul3A : f32 to vector<3200x64xf32>
    %mul3A_58 = arith.mulf %dot_general3A_56, %mul3A_57 : vector<3200x64xf32>
    %max3A_59 = arith.constant 0.000000e+00 : f32
    %max3A_60 = vector.broadcast %max3A_59 : f32 to vector<3200x64xf32>
    %max3A_61 = arith.maximumf %mul3A_58, %max3A_60 : vector<3200x64xf32>
    %convert_element_type3A_62 = arith.truncf %max3A_61 : vector<3200x64xf32> to vector<3200x64xbf16>
    %squeeze3A = vector.shape_cast %get3A_14 : vector<1x128x25xf32> to vector<128x25xf32>
    %slice3A = vector.extract_strided_slice %squeeze3A {offsets = [0, 0], sizes = [128, 1], strides = [1, 1]} : vector<128x25xf32> to vector<128x1xf32>
    %slice3A_63 = vector.extract_strided_slice %squeeze3A {offsets = [0, 1], sizes = [128, 1], strides = [1, 1]} : vector<128x25xf32> to vector<128x1xf32>
    %slice3A_64 = vector.extract_strided_slice %squeeze3A {offsets = [0, 2], sizes = [128, 1], strides = [1, 1]} : vector<128x25xf32> to vector<128x1xf32>
    %slice3A_65 = vector.extract_strided_slice %squeeze3A {offsets = [0, 3], sizes = [128, 1], strides = [1, 1]} : vector<128x25xf32> to vector<128x1xf32>
    %slice3A_66 = vector.extract_strided_slice %squeeze3A {offsets = [0, 4], sizes = [128, 1], strides = [1, 1]} : vector<128x25xf32> to vector<128x1xf32>
    %slice3A_67 = vector.extract_strided_slice %squeeze3A {offsets = [0, 5], sizes = [128, 1], strides = [1, 1]} : vector<128x25xf32> to vector<128x1xf32>
    %slice3A_68 = vector.extract_strided_slice %squeeze3A {offsets = [0, 6], sizes = [128, 1], strides = [1, 1]} : vector<128x25xf32> to vector<128x1xf32>
    %slice3A_69 = vector.extract_strided_slice %squeeze3A {offsets = [0, 7], sizes = [128, 1], strides = [1, 1]} : vector<128x25xf32> to vector<128x1xf32>
    %slice3A_70 = vector.extract_strided_slice %squeeze3A {offsets = [0, 8], sizes = [128, 1], strides = [1, 1]} : vector<128x25xf32> to vector<128x1xf32>
    %slice3A_71 = vector.extract_strided_slice %squeeze3A {offsets = [0, 9], sizes = [128, 1], strides = [1, 1]} : vector<128x25xf32> to vector<128x1xf32>
    %slice3A_72 = vector.extract_strided_slice %squeeze3A {offsets = [0, 10], sizes = [128, 1], strides = [1, 1]} : vector<128x25xf32> to vector<128x1xf32>
    %slice3A_73 = vector.extract_strided_slice %squeeze3A {offsets = [0, 11], sizes = [128, 1], strides = [1, 1]} : vector<128x25xf32> to vector<128x1xf32>
    %slice3A_74 = vector.extract_strided_slice %squeeze3A {offsets = [0, 12], sizes = [128, 1], strides = [1, 1]} : vector<128x25xf32> to vector<128x1xf32>
    %slice3A_75 = vector.extract_strided_slice %squeeze3A {offsets = [0, 13], sizes = [128, 1], strides = [1, 1]} : vector<128x25xf32> to vector<128x1xf32>
    %slice3A_76 = vector.extract_strided_slice %squeeze3A {offsets = [0, 14], sizes = [128, 1], strides = [1, 1]} : vector<128x25xf32> to vector<128x1xf32>
    %slice3A_77 = vector.extract_strided_slice %squeeze3A {offsets = [0, 15], sizes = [128, 1], strides = [1, 1]} : vector<128x25xf32> to vector<128x1xf32>
    %slice3A_78 = vector.extract_strided_slice %squeeze3A {offsets = [0, 16], sizes = [128, 1], strides = [1, 1]} : vector<128x25xf32> to vector<128x1xf32>
    %slice3A_79 = vector.extract_strided_slice %squeeze3A {offsets = [0, 17], sizes = [128, 1], strides = [1, 1]} : vector<128x25xf32> to vector<128x1xf32>
    %slice3A_80 = vector.extract_strided_slice %squeeze3A {offsets = [0, 18], sizes = [128, 1], strides = [1, 1]} : vector<128x25xf32> to vector<128x1xf32>
    %slice3A_81 = vector.extract_strided_slice %squeeze3A {offsets = [0, 19], sizes = [128, 1], strides = [1, 1]} : vector<128x25xf32> to vector<128x1xf32>
    %slice3A_82 = vector.extract_strided_slice %squeeze3A {offsets = [0, 20], sizes = [128, 1], strides = [1, 1]} : vector<128x25xf32> to vector<128x1xf32>
    %slice3A_83 = vector.extract_strided_slice %squeeze3A {offsets = [0, 21], sizes = [128, 1], strides = [1, 1]} : vector<128x25xf32> to vector<128x1xf32>
    %slice3A_84 = vector.extract_strided_slice %squeeze3A {offsets = [0, 22], sizes = [128, 1], strides = [1, 1]} : vector<128x25xf32> to vector<128x1xf32>
    %slice3A_85 = vector.extract_strided_slice %squeeze3A {offsets = [0, 23], sizes = [128, 1], strides = [1, 1]} : vector<128x25xf32> to vector<128x1xf32>
    %slice3A_86 = vector.extract_strided_slice %squeeze3A {offsets = [0, 24], sizes = [128, 1], strides = [1, 1]} : vector<128x25xf32> to vector<128x1xf32>
    %concatenate3A_87 = tpu.concatenate %slice3A, %slice3A_63, %slice3A_64, %slice3A_65, %slice3A_66, %slice3A_67, %slice3A_68, %slice3A_69, %slice3A_70, %slice3A_71, %slice3A_72, %slice3A_73, %slice3A_74, %slice3A_75, %slice3A_76, %slice3A_77, %slice3A_78, %slice3A_79, %slice3A_80, %slice3A_81, %slice3A_82, %slice3A_83, %slice3A_84, %slice3A_85, %slice3A_86 in 0 : vector<128x1xf32>, vector<128x1xf32>, vector<128x1xf32>, vector<128x1xf32>, vector<128x1xf32>, vector<128x1xf32>, vector<128x1xf32>, vector<128x1xf32>, vector<128x1xf32>, vector<128x1xf32>, vector<128x1xf32>, vector<128x1xf32>, vector<128x1xf32>, vector<128x1xf32>, vector<128x1xf32>, vector<128x1xf32>, vector<128x1xf32>, vector<128x1xf32>, vector<128x1xf32>, vector<128x1xf32>, vector<128x1xf32>, vector<128x1xf32>, vector<128x1xf32>, vector<128x1xf32>, vector<128x1xf32> -> vector<3200x1xf32>
    %mul3A_88 = arith.constant 3.125000e-02 : f32
    %mul3A_89 = vector.broadcast %mul3A_88 : f32 to vector<3200x1xf32>
    %mul3A_90 = arith.mulf %concatenate3A_87, %mul3A_89 : vector<3200x1xf32>
    %mul3A_91 = vector.broadcast %mul3A_90 : vector<3200x1xf32> to vector<3200x16xf32>
    %mul3A_92 = arith.mulf %add3A_53, %mul3A_91 : vector<3200x16xf32>
    %convert_element_type3A_93 = arith.truncf %mul3A_92 : vector<3200x16xf32> to vector<3200x16xbf16>
    %dot_general3A_94 = arith.constant dense<0.000000e+00> : vector<3200x1024xf32>
    %dot_general3A_95 = tpu.matmul %convert_element_type3A_62, %get3A_36, %dot_general3A_94 {dimension_numbers = #tpu.dot_dimension_numbers<[1], [0], [0], [1], [0, 0, 1, 1], [], []>, transpose_lhs_hint = false} : vector<3200x64xbf16>, vector<64x1024xbf16>, vector<3200x1024xf32> -> vector<3200x1024xf32>
    %dot_general3A_96 = arith.constant dense<0.000000e+00> : vector<3200x1024xf32>
    %dot_general3A_97 = tpu.matmul %convert_element_type3A_93, %get3A_39, %dot_general3A_96 {dimension_numbers = #tpu.dot_dimension_numbers<[1], [0], [0], [1], [0, 0, 1, 1], [], []>, transpose_lhs_hint = false} : vector<3200x16xbf16>, vector<16x1024xbf16>, vector<3200x1024xf32> -> vector<3200x1024xf32>
    %mul3A_98 = arith.mulf %dot_general3A_95, %dot_general3A_97 : vector<3200x1024xf32>
    %convert_element_type3A_99 = arith.truncf %mul3A_98 : vector<3200x1024xf32> to vector<3200x1024xbf16>
    %dot_general3A_100 = arith.constant dense<0.000000e+00> : vector<3200x128xf32>
    %dot_general3A_101 = tpu.matmul %convert_element_type3A_99, %get3A_42, %dot_general3A_100 {dimension_numbers = #tpu.dot_dimension_numbers<[1], [0], [0], [1], [0, 0, 1, 1], [], []>, transpose_lhs_hint = false} : vector<3200x1024xbf16>, vector<1024x128xbf16>, vector<3200x128xf32> -> vector<3200x128xf32>
    %add3A_102 = arith.addf %get3A_1, %dot_general3A_101 : vector<3200x128xf32>
    %squeeze3A_103 = vector.shape_cast %get3A_18 : vector<1x128x25xf32> to vector<128x25xf32>
    %slice3A_104 = vector.extract_strided_slice %squeeze3A_103 {offsets = [0, 0], sizes = [128, 1], strides = [1, 1]} : vector<128x25xf32> to vector<128x1xf32>
    %slice3A_105 = vector.extract_strided_slice %squeeze3A_103 {offsets = [0, 1], sizes = [128, 1], strides = [1, 1]} : vector<128x25xf32> to vector<128x1xf32>
    %slice3A_106 = vector.extract_strided_slice %squeeze3A_103 {offsets = [0, 2], sizes = [128, 1], strides = [1, 1]} : vector<128x25xf32> to vector<128x1xf32>
    %slice3A_107 = vector.extract_strided_slice %squeeze3A_103 {offsets = [0, 3], sizes = [128, 1], strides = [1, 1]} : vector<128x25xf32> to vector<128x1xf32>
    %slice3A_108 = vector.extract_strided_slice %squeeze3A_103 {offsets = [0, 4], sizes = [128, 1], strides = [1, 1]} : vector<128x25xf32> to vector<128x1xf32>
    %slice3A_109 = vector.extract_strided_slice %squeeze3A_103 {offsets = [0, 5], sizes = [128, 1], strides = [1, 1]} : vector<128x25xf32> to vector<128x1xf32>
    %slice3A_110 = vector.extract_strided_slice %squeeze3A_103 {offsets = [0, 6], sizes = [128, 1], strides = [1, 1]} : vector<128x25xf32> to vector<128x1xf32>
    %slice3A_111 = vector.extract_strided_slice %squeeze3A_103 {offsets = [0, 7], sizes = [128, 1], strides = [1, 1]} : vector<128x25xf32> to vector<128x1xf32>
    %slice3A_112 = vector.extract_strided_slice %squeeze3A_103 {offsets = [0, 8], sizes = [128, 1], strides = [1, 1]} : vector<128x25xf32> to vector<128x1xf32>
    %slice3A_113 = vector.extract_strided_slice %squeeze3A_103 {offsets = [0, 9], sizes = [128, 1], strides = [1, 1]} : vector<128x25xf32> to vector<128x1xf32>
    %slice3A_114 = vector.extract_strided_slice %squeeze3A_103 {offsets = [0, 10], sizes = [128, 1], strides = [1, 1]} : vector<128x25xf32> to vector<128x1xf32>
    %slice3A_115 = vector.extract_strided_slice %squeeze3A_103 {offsets = [0, 11], sizes = [128, 1], strides = [1, 1]} : vector<128x25xf32> to vector<128x1xf32>
    %slice3A_116 = vector.extract_strided_slice %squeeze3A_103 {offsets = [0, 12], sizes = [128, 1], strides = [1, 1]} : vector<128x25xf32> to vector<128x1xf32>
    %slice3A_117 = vector.extract_strided_slice %squeeze3A_103 {offsets = [0, 13], sizes = [128, 1], strides = [1, 1]} : vector<128x25xf32> to vector<128x1xf32>
    %slice3A_118 = vector.extract_strided_slice %squeeze3A_103 {offsets = [0, 14], sizes = [128, 1], strides = [1, 1]} : vector<128x25xf32> to vector<128x1xf32>
    %slice3A_119 = vector.extract_strided_slice %squeeze3A_103 {offsets = [0, 15], sizes = [128, 1], strides = [1, 1]} : vector<128x25xf32> to vector<128x1xf32>
    %slice3A_120 = vector.extract_strided_slice %squeeze3A_103 {offsets = [0, 16], sizes = [128, 1], strides = [1, 1]} : vector<128x25xf32> to vector<128x1xf32>
    %slice3A_121 = vector.extract_strided_slice %squeeze3A_103 {offsets = [0, 17], sizes = [128, 1], strides = [1, 1]} : vector<128x25xf32> to vector<128x1xf32>
    %slice3A_122 = vector.extract_strided_slice %squeeze3A_103 {offsets = [0, 18], sizes = [128, 1], strides = [1, 1]} : vector<128x25xf32> to vector<128x1xf32>
    %slice3A_123 = vector.extract_strided_slice %squeeze3A_103 {offsets = [0, 19], sizes = [128, 1], strides = [1, 1]} : vector<128x25xf32> to vector<128x1xf32>
    %slice3A_124 = vector.extract_strided_slice %squeeze3A_103 {offsets = [0, 20], sizes = [128, 1], strides = [1, 1]} : vector<128x25xf32> to vector<128x1xf32>
    %slice3A_125 = vector.extract_strided_slice %squeeze3A_103 {offsets = [0, 21], sizes = [128, 1], strides = [1, 1]} : vector<128x25xf32> to vector<128x1xf32>
    %slice3A_126 = vector.extract_strided_slice %squeeze3A_103 {offsets = [0, 22], sizes = [128, 1], strides = [1, 1]} : vector<128x25xf32> to vector<128x1xf32>
    %slice3A_127 = vector.extract_strided_slice %squeeze3A_103 {offsets = [0, 23], sizes = [128, 1], strides = [1, 1]} : vector<128x25xf32> to vector<128x1xf32>
    %slice3A_128 = vector.extract_strided_slice %squeeze3A_103 {offsets = [0, 24], sizes = [128, 1], strides = [1, 1]} : vector<128x25xf32> to vector<128x1xf32>
    %concatenate3A_129 = tpu.concatenate %slice3A_104, %slice3A_105, %slice3A_106, %slice3A_107, %slice3A_108, %slice3A_109, %slice3A_110, %slice3A_111, %slice3A_112, %slice3A_113, %slice3A_114, %slice3A_115, %slice3A_116, %slice3A_117, %slice3A_118, %slice3A_119, %slice3A_120, %slice3A_121, %slice3A_122, %slice3A_123, %slice3A_124, %slice3A_125, %slice3A_126, %slice3A_127, %slice3A_128 in 0 : vector<128x1xf32>, vector<128x1xf32>, vector<128x1xf32>, vector<128x1xf32>, vector<128x1xf32>, vector<128x1xf32>, vector<128x1xf32>, vector<128x1xf32>, vector<128x1xf32>, vector<128x1xf32>, vector<128x1xf32>, vector<128x1xf32>, vector<128x1xf32>, vector<128x1xf32>, vector<128x1xf32>, vector<128x1xf32>, vector<128x1xf32>, vector<128x1xf32>, vector<128x1xf32>, vector<128x1xf32>, vector<128x1xf32>, vector<128x1xf32>, vector<128x1xf32>, vector<128x1xf32>, vector<128x1xf32> -> vector<3200x1xf32>
    %mul3A_130 = vector.broadcast %concatenate3A_129 : vector<3200x1xf32> to vector<3200x128xf32>
    %mul3A_131 = arith.mulf %add3A_102, %mul3A_130 : vector<3200x128xf32>
    %swap3A = arith.constant 0 : index
    %swap3A_132 = arith.constant 0 : index
    %swap3A_133 = vector.load %arg16[%swap3A, %swap3A_132] : memref<3200x128xf32, #tpu.memory_space<vmem>>, vector<3200x128xf32>
    tpu.vector_store %arg16[%swap3A, %swap3A_132], %add3A_102 {strides = array<i32>} : memref<3200x128xf32, #tpu.memory_space<vmem>>, vector<3200x128xf32>,
    %swap3A_134 = arith.constant 0 : index
    %swap3A_135 = arith.constant 0 : index
    %swap3A_136 = vector.load %arg17[%swap3A_134, %swap3A_135] : memref<3200x128xf32, #tpu.memory_space<vmem>>, vector<3200x128xf32>
    tpu.vector_store %arg17[%swap3A_134, %swap3A_135], %mul3A_131 {strides = array<i32>} : memref<3200x128xf32, #tpu.memory_space<vmem>>, vector<3200x128xf32>,
    return
  }
  func.func @transform_0(%arg0: i32) -> (i32, i32) {
    %add3A = arith.constant 25 : i32
    %add3A_0 = arith.addi %arg0, %add3A : i32
    %c0_i32 = arith.constant 0 : i32
    %c0_i32_1 = arith.constant 0 : i32
    return %add3A_0, %c0_i32 : i32, i32
  }
  func.func @transform_1(%arg0: i32) -> (i32, i32) {
    %c0_i32 = arith.constant 0 : i32
    %c0_i32_0 = arith.constant 0 : i32
    return %arg0, %c0_i32 : i32, i32
  }
  func.func @transform_2(%arg0: i32) -> (i32, i32) {
    %c0_i32 = arith.constant 0 : i32
    %c0_i32_0 = arith.constant 0 : i32
    return %arg0, %c0_i32 : i32, i32
  }
  func.func @transform_3(%arg0: i32) -> (i32, i32) {
    %add3A = arith.constant 25 : i32
    %add3A_0 = arith.addi %arg0, %add3A : i32
    %c0_i32 = arith.constant 0 : i32
    %c0_i32_1 = arith.constant 0 : i32
    return %c0_i32, %add3A_0 : i32, i32
  }
  func.func @transform_4(%arg0: i32) -> (i32, i32, i32) {
    %add3A = arith.constant 25 : i32
    %add3A_0 = arith.addi %arg0, %add3A : i32
    %c0_i32 = arith.constant 0 : i32
    %c0_i32_1 = arith.constant 0 : i32
    %c0_i32_2 = arith.constant 0 : i32
    return %add3A_0, %c0_i32, %c0_i32_1 : i32, i32, i32
  }
  func.func @transform_5(%arg0: i32) -> (i32, i32, i32) {
    %add3A = arith.constant 25 : i32
    %add3A_0 = arith.addi %arg0, %add3A : i32
    %c0_i32 = arith.constant 0 : i32
    %c0_i32_1 = arith.constant 0 : i32
    %c0_i32_2 = arith.constant 0 : i32
    return %add3A_0, %c0_i32, %c0_i32_1 : i32, i32, i32
  }
  func.func @transform_6(%arg0: i32) -> (i32, i32) {
    %c0_i32 = arith.constant 0 : i32
    %c0_i32_0 = arith.constant 0 : i32
    %c0_i32_1 = arith.constant 0 : i32
    return %c0_i32, %c0_i32_0 : i32, i32
  }
  func.func @transform_7(%arg0: i32) -> (i32, i32) {
    %c0_i32 = arith.constant 0 : i32
    %c0_i32_0 = arith.constant 0 : i32
    %c0_i32_1 = arith.constant 0 : i32
    return %c0_i32, %c0_i32_0 : i32, i32
  }
  func.func @transform_8(%arg0: i32) -> (i32, i32) {
    %c0_i32 = arith.constant 0 : i32
    %c0_i32_0 = arith.constant 0 : i32
    %c0_i32_1 = arith.constant 0 : i32
    return %c0_i32, %c0_i32_0 : i32, i32
  }
  func.func @transform_9(%arg0: i32) -> (i32, i32) {
    %c0_i32 = arith.constant 0 : i32
    %c0_i32_0 = arith.constant 0 : i32
    %c0_i32_1 = arith.constant 0 : i32
    return %c0_i32, %c0_i32_0 : i32, i32
  }
  func.func @transform_10(%arg0: i32) -> (i32, i32) {
    %c0_i32 = arith.constant 0 : i32
    %c0_i32_0 = arith.constant 0 : i32
    %c0_i32_1 = arith.constant 0 : i32
    return %c0_i32, %c0_i32_0 : i32, i32
  }
  func.func @transform_11(%arg0: i32) -> (i32, i32) {
    %c0_i32 = arith.constant 0 : i32
    %c0_i32_0 = arith.constant 0 : i32
    %c0_i32_1 = arith.constant 0 : i32
    return %c0_i32, %c0_i32_0 : i32, i32
  }
  func.func @transform_12(%arg0: i32) -> (i32, i32) {
    %c0_i32 = arith.constant 0 : i32
    %c0_i32_0 = arith.constant 0 : i32
    %c0_i32_1 = arith.constant 0 : i32
    return %c0_i32, %c0_i32_0 : i32, i32
  }
  func.func @transform_13(%arg0: i32) -> (i32, i32) {
    %c0_i32 = arith.constant 0 : i32
    %c0_i32_0 = arith.constant 0 : i32
    %c0_i32_1 = arith.constant 0 : i32
    return %c0_i32, %c0_i32_0 : i32, i32
  }
  func.func @transform_14(%arg0: i32) -> (i32, i32) {
    %c0_i32 = arith.constant 0 : i32
    %c0_i32_0 = arith.constant 0 : i32
    %c0_i32_1 = arith.constant 0 : i32
    return %c0_i32, %c0_i32_0 : i32, i32
  }
  func.func @transform_15(%arg0: i32) -> (i32, i32) {
    %add3A = arith.constant 25 : i32
    %add3A_0 = arith.addi %arg0, %add3A : i32
    %c0_i32 = arith.constant 0 : i32
    %c0_i32_1 = arith.constant 0 : i32
    return %add3A_0, %c0_i32 : i32, i32
  }
  func.func @transform_16(%arg0: i32) -> (i32, i32) {
    %c0_i32 = arith.constant 0 : i32
    %c0_i32_0 = arith.constant 0 : i32
    return %arg0, %c0_i32 : i32, i32
  }
}

module attributes {stable_mosaic.version = 14 : i64} {
  func.func @_node_body(%arg0: i32, %arg1: memref<1000x128xf32, #tpu.memory_space<vmem>>, %arg2: memref<2x1000x128xf32, #tpu.memory_space<vmem>>, %arg3: memref<2x1000x128xf32, #tpu.memory_space<vmem>>, %arg4: memref<128x512xf32, #tpu.memory_space<vmem>>, %arg5: memref<128x512xf32, #tpu.memory_space<vmem>>, %arg6: memref<1x512xf32, #tpu.memory_space<vmem>>, %arg7: memref<512x128xf32, #tpu.memory_space<vmem>>, %arg8: memref<1x128xf32, #tpu.memory_space<vmem>>, %arg9: memref<1000x128xf32, #tpu.memory_space<vmem>>) attributes {dimension_semantics = [#tpu.dimension_semantics<arbitrary>], iteration_bounds = array<i64: 10>, scalar_prefetch = 0 : i64, scratch_operands = 0 : i64, tpu.core_type = #tpu.core_type<tc>, window_params = [{transform_indices = @transform_0, window_bounds = array<i64: 1000, 128>}, {transform_indices = @transform_1, window_bounds = array<i64: 2, 1000, 128>}, {transform_indices = @transform_2, window_bounds = array<i64: 2, 1000, 128>}, {pipeline_mode = #tpu.pipeline_mode<synchronous>, transform_indices = @transform_3, window_bounds = array<i64: 128, 512>}, {pipeline_mode = #tpu.pipeline_mode<synchronous>, transform_indices = @transform_4, window_bounds = array<i64: 128, 512>}, {pipeline_mode = #tpu.pipeline_mode<synchronous>, transform_indices = @transform_5, window_bounds = array<i64: 1, 512>}, {pipeline_mode = #tpu.pipeline_mode<synchronous>, transform_indices = @transform_6, window_bounds = array<i64: 512, 128>}, {pipeline_mode = #tpu.pipeline_mode<synchronous>, transform_indices = @transform_7, window_bounds = array<i64: 1, 128>}, {transform_indices = @transform_8, window_bounds = array<i64: 1000, 128>}]} {
    %get3A = arith.constant 0 : index
    %get3A_0 = arith.constant 0 : index
    %get3A_1 = arith.constant 0 : index
    %get3A_2 = vector.load %arg2[%get3A, %get3A_0, %get3A_1] : memref<2x1000x128xf32, #tpu.memory_space<vmem>>, vector<1x1000x128xf32>
    %get3A_3 = vector.shape_cast %get3A_2 : vector<1x1000x128xf32> to vector<1000x128xf32>
    %get3A_4 = arith.constant 1 : index
    %get3A_5 = arith.constant 0 : index
    %get3A_6 = arith.constant 0 : index
    %get3A_7 = vector.load %arg2[%get3A_4, %get3A_5, %get3A_6] : memref<2x1000x128xf32, #tpu.memory_space<vmem>>, vector<1x1000x128xf32>
    %get3A_8 = vector.shape_cast %get3A_7 : vector<1x1000x128xf32> to vector<1000x128xf32>
    %add3A = arith.addf %get3A_3, %get3A_8 : vector<1000x128xf32>
    %get3A_9 = arith.constant 0 : index
    %get3A_10 = arith.constant 0 : index
    %get3A_11 = arith.constant 0 : index
    %get3A_12 = vector.load %arg3[%get3A_9, %get3A_10, %get3A_11] : memref<2x1000x128xf32, #tpu.memory_space<vmem>>, vector<1x1000x128xf32>
    %get3A_13 = vector.shape_cast %get3A_12 : vector<1x1000x128xf32> to vector<1000x128xf32>
    %add3A_14 = arith.addf %add3A, %get3A_13 : vector<1000x128xf32>
    %get3A_15 = arith.constant 1 : index
    %get3A_16 = arith.constant 0 : index
    %get3A_17 = arith.constant 0 : index
    %get3A_18 = vector.load %arg3[%get3A_15, %get3A_16, %get3A_17] : memref<2x1000x128xf32, #tpu.memory_space<vmem>>, vector<1x1000x128xf32>
    %get3A_19 = vector.shape_cast %get3A_18 : vector<1x1000x128xf32> to vector<1000x128xf32>
    %add3A_20 = arith.addf %add3A_14, %get3A_19 : vector<1000x128xf32>
    %get3A_21 = arith.constant 0 : index
    %get3A_22 = arith.constant 0 : index
    %get3A_23 = vector.load %arg1[%get3A_21, %get3A_22] : memref<1000x128xf32, #tpu.memory_space<vmem>>, vector<1000x128xf32>
    %get3A_24 = arith.constant 0 : index
    %get3A_25 = arith.constant 0 : index
    %get3A_26 = vector.load %arg4[%get3A_24, %get3A_25] : memref<128x512xf32, #tpu.memory_space<vmem>>, vector<128x512xf32>
    %dot_general3A = arith.constant dense<0.000000e+00> : vector<1000x512xf32>
    %dot_general3A_27 = tpu.matmul %get3A_23, %get3A_26, %dot_general3A {dimension_numbers = #tpu.dot_dimension_numbers<[1], [0], [0], [1], [0, 0, 1, 1], [], []>, transpose_lhs_hint = false} : vector<1000x128xf32>, vector<128x512xf32>, vector<1000x512xf32> -> vector<1000x512xf32>
    %get3A_28 = arith.constant 0 : index
    %get3A_29 = arith.constant 0 : index
    %get3A_30 = vector.load %arg5[%get3A_28, %get3A_29] : memref<128x512xf32, #tpu.memory_space<vmem>>, vector<128x512xf32>
    %dot_general3A_31 = arith.constant dense<0.000000e+00> : vector<1000x512xf32>
    %dot_general3A_32 = tpu.matmul %add3A_20, %get3A_30, %dot_general3A_31 {dimension_numbers = #tpu.dot_dimension_numbers<[1], [0], [0], [1], [0, 0, 1, 1], [], []>, transpose_lhs_hint = false} : vector<1000x128xf32>, vector<128x512xf32>, vector<1000x512xf32> -> vector<1000x512xf32>
    %add3A_33 = arith.addf %dot_general3A_27, %dot_general3A_32 : vector<1000x512xf32>
    %get3A_34 = arith.constant 0 : index
    %get3A_35 = arith.constant 0 : index
    %get3A_36 = vector.load %arg6[%get3A_34, %get3A_35] : memref<1x512xf32, #tpu.memory_space<vmem>>, vector<1x512xf32>
    %add3A_37 = vector.broadcast %get3A_36 : vector<1x512xf32> to vector<1000x512xf32>
    %add3A_38 = arith.addf %add3A_33, %add3A_37 : vector<1000x512xf32>
    %max3A = arith.constant 0.000000e+00 : f32
    %max3A_39 = vector.broadcast %max3A : f32 to vector<1000x512xf32>
    %max3A_40 = arith.maximumf %add3A_38, %max3A_39 : vector<1000x512xf32>
    %get3A_41 = arith.constant 0 : index
    %get3A_42 = arith.constant 0 : index
    %get3A_43 = vector.load %arg1[%get3A_41, %get3A_42] : memref<1000x128xf32, #tpu.memory_space<vmem>>, vector<1000x128xf32>
    %get3A_44 = arith.constant 0 : index
    %get3A_45 = arith.constant 0 : index
    %get3A_46 = vector.load %arg7[%get3A_44, %get3A_45] : memref<512x128xf32, #tpu.memory_space<vmem>>, vector<512x128xf32>
    %dot_general3A_47 = arith.constant dense<0.000000e+00> : vector<1000x128xf32>
    %dot_general3A_48 = tpu.matmul %max3A_40, %get3A_46, %dot_general3A_47 {dimension_numbers = #tpu.dot_dimension_numbers<[1], [0], [0], [1], [0, 0, 1, 1], [], []>, transpose_lhs_hint = false} : vector<1000x512xf32>, vector<512x128xf32>, vector<1000x128xf32> -> vector<1000x128xf32>
    %add3A_49 = arith.addf %get3A_43, %dot_general3A_48 : vector<1000x128xf32>
    %get3A_50 = arith.constant 0 : index
    %get3A_51 = arith.constant 0 : index
    %get3A_52 = vector.load %arg8[%get3A_50, %get3A_51] : memref<1x128xf32, #tpu.memory_space<vmem>>, vector<1x128xf32>
    %add3A_53 = vector.broadcast %get3A_52 : vector<1x128xf32> to vector<1000x128xf32>
    %add3A_54 = arith.addf %add3A_49, %add3A_53 : vector<1000x128xf32>
    %swap3A = arith.constant 0 : index
    %swap3A_55 = arith.constant 0 : index
    %swap3A_56 = vector.load %arg9[%swap3A, %swap3A_55] : memref<1000x128xf32, #tpu.memory_space<vmem>>, vector<1000x128xf32>
    tpu.vector_store %arg9[%swap3A, %swap3A_55], %add3A_54 {strides = array<i32>} : memref<1000x128xf32, #tpu.memory_space<vmem>>, vector<1000x128xf32>,
    return
  }
  func.func @transform_0(%arg0: i32) -> (i32, i32) {
    %c0_i32 = arith.constant 0 : i32
    %c0_i32_0 = arith.constant 0 : i32
    return %arg0, %c0_i32 : i32, i32
  }
  func.func @transform_1(%arg0: i32) -> (i32, i32, i32) {
    %c0_i32 = arith.constant 0 : i32
    %c0_i32_0 = arith.constant 0 : i32
    %c0_i32_1 = arith.constant 0 : i32
    return %c0_i32, %arg0, %c0_i32_0 : i32, i32, i32
  }
  func.func @transform_2(%arg0: i32) -> (i32, i32, i32) {
    %c0_i32 = arith.constant 0 : i32
    %c0_i32_0 = arith.constant 0 : i32
    %c0_i32_1 = arith.constant 0 : i32
    return %c0_i32, %arg0, %c0_i32_0 : i32, i32, i32
  }
  func.func @transform_3(%arg0: i32) -> (i32, i32) {
    %c0_i32 = arith.constant 0 : i32
    %c0_i32_0 = arith.constant 0 : i32
    %c0_i32_1 = arith.constant 0 : i32
    return %c0_i32, %c0_i32_0 : i32, i32
  }
  func.func @transform_4(%arg0: i32) -> (i32, i32) {
    %c0_i32 = arith.constant 0 : i32
    %c0_i32_0 = arith.constant 0 : i32
    %c0_i32_1 = arith.constant 0 : i32
    return %c0_i32, %c0_i32_0 : i32, i32
  }
  func.func @transform_5(%arg0: i32) -> (i32, i32) {
    %c0_i32 = arith.constant 0 : i32
    %c0_i32_0 = arith.constant 0 : i32
    %c0_i32_1 = arith.constant 0 : i32
    return %c0_i32, %c0_i32_0 : i32, i32
  }
  func.func @transform_6(%arg0: i32) -> (i32, i32) {
    %c0_i32 = arith.constant 0 : i32
    %c0_i32_0 = arith.constant 0 : i32
    %c0_i32_1 = arith.constant 0 : i32
    return %c0_i32, %c0_i32_0 : i32, i32
  }
  func.func @transform_7(%arg0: i32) -> (i32, i32) {
    %c0_i32 = arith.constant 0 : i32
    %c0_i32_0 = arith.constant 0 : i32
    %c0_i32_1 = arith.constant 0 : i32
    return %c0_i32, %c0_i32_0 : i32, i32
  }
  func.func @transform_8(%arg0: i32) -> (i32, i32) {
    %c0_i32 = arith.constant 0 : i32
    %c0_i32_0 = arith.constant 0 : i32
    return %arg0, %c0_i32 : i32, i32
  }
}

</mosaic_0001>

<sc_bundles>
// kernel: kernel.12.cloned.1.call-start
scs
__scs_entry_jumppad:
0x0: {  	(pc) =	sbr.rel $0x88, $3  }
0x1: {  	(tag) =	ssettag $0x0;
	lr =	simm.s32 $0x1  }
0x2: {  	[smem:$0x3F91] =	sst lr;
	_ =	strace $0xD0000000  }
0x3: {  	_ = 	snop  }
0x4: {  	_ = 	snop  }
0x5: {  	_ = 	snop  }
0x6: {  	_ = 	snop  }
0x7: {  	_ = 	snop  }
__scs_overlays_trampoline_lowered:
0x8: {  	[smem:$0x3FA0] =	sst s0  }
0x9: {  	[smem:$0x3FA1] =	sst s1  }
0xa: {  	[smem:$0x3FA2] =	sst s2  }
0xb: {  	[smem:$0x3FA3] =	sst s3  }
0xc: {  	[smem:$0x3FA4] =	sst s4  }
0xd: {  	[smem:$0x3FA5] =	sst s5  }
0xe: {  	[smem:$0x3FA6] =	sst s6  }
0xf: {  	[smem:$0x3FA7] =	sst s7  }
0x10: {  	[smem:$0x3FA8] =	sst s8  }
0x11: {  	[smem:$0x3FA9] =	sst s9;
	s0 =	simm.s32 @!p0 $0x0  }
0x12: {  	s1 =	sld [smem:$0x3F8F];
	s0 =	simm.s32 @p0 $0x1  }
0x13: {  	[smem:$0x3FAA] =	sst s0;
	s0 =	simm.s32 @!p1 $0x0  }
0x14: {  	s2 =	sld [smem:$0x3F8E];
	s0 =	simm.s32 @p1 $0x1  }
0x15: {  	[smem:$0x3FAB] =	sst s0;
	s0 =	simm.s32 @!p2 $0x0  }
0x16: {  	s3 =	sld [smem:$0x3FDB];
	s0 =	simm.s32 @p2 $0x1  }
0x17: {  	s4 =	simm.s32 $0x1BF5;
	[smem:$0x3FAD] =	sst s0  }
0x18: {  	s0 =	sld [smem:$0x3F90];
	_ =	swait.ge [sflag:s4], $0x0  }
0x19: {  	s7 =	sld [smem:$0x3F91]  }
0x1a: {  	s8 =	sadd.s32 $0xFFFFE003, lr  }
0x1b: {  	s9 =	sadd.s32 $0xFFFFFEF7, lr;
	s5 =	simm.s32 $0xFFFFFFFF;
	p2 =	slt.u32 s8, $0xFFFFF086  }
0x1c: {  	p1 =	slt.u32 s9, $0xF7A;
	s5 =	simm.s32 @!p2 $0x0  }
0x1d: {  	s5 =	simm.s32 @p1 $0x1;
	p0 =	seq.s32 s7, s2  }
0x1e: {  	s7 =	smul.u32 @!p0 $0xF7A, s2;
	p2 =	seq.s32 @!p0 s5, $0x0  }
0x1f: {  	s9 =	smul.u32 $0xF7A, s1;
	s8 =	simm.s32 @!p0 $0x1BF5;
	p2 =	por !p2, p0  }
0x20: {  	[sflag:s8] =	ssyncset.s32 @!p0 $0xFFFFF086;
	s6 =	sadd.s32 @!p0 s3, s7;
	s7 =	simm.s32 @!p0 $0x108  }
0x21: {  	s3 =	sadd.s32 s3, s9;
	s6 =	sadd.s32 @!p0 $0x88, s6;
	s7 =	simm.s32 @p2 $0x1082  }
0x22: {  	[simem:s7], [sflag:s8] =	dma.local @!p0 [hbm:s6], $0xF7A  }
0x23: {  	s9 =	sor.u32 $0xD0000000, s2;
	s6 =	simm.s32 $0x108;
	_ =	swait.ge @!p0 [sflag:s8], $0x0  }
0x24: {  	s3 =	sadd.s32 $0x88, s3;
	s6 =	simm.s32 @!p1 $0x1082;
	[sflag:s4] =	ssyncset.s32 $0xFFFFF086  }
0x25: {  	[simem:s6], [sflag:s4] =	dma.local [hbm:s3], $0xF7A  }
0x26: {  	[smem:$0x3F91] =	sst s1;
	(tag) =	ssettag s2;
	_ =	strace s9  }
0x27: {  	s1 =	sld [smem:$0x3FA1]  }
0x28: {  	s2 =	sld [smem:$0x3FA2]  }
0x29: {  	s4 =	sld [smem:$0x3FA4]  }
0x2a: {  	p0 =	seq.s32 s5, $0x0;
	s5 =	sld [smem:$0x3FA5]  }
0x2b: {  	s6 =	sld [smem:$0x3FA6]  }
0x2c: {  	s7 =	sld [smem:$0x3FA7]  }
0x2d: {  	s3 =	simm.s32 $0x108;
	s8 =	sld [smem:$0x3FA8]  }
0x2e: {  	s3 =	simm.s32 @!p0 $0x1082;
	s9 =	sld [smem:$0x3FA9]  }
0x2f: {  	lr =	sadd.s32 s0, s3;
	s0 =	sld [smem:$0x3FA0]  }
0x30: {  	s3 =	sld [smem:$0x3FA3]  }
0x31: {  	[smem:$0x3FAC] =	sst s10  }
0x32: {  	s10 =	sld [smem:$0x3FAA];
	_ =	sdelay $0x3  }
0x33: {  	p0 =	seq.s32 s10, $0x1;
	s10 =	sld [smem:$0x3FAC];
	_ =	sdelay $0x3  }
0x34: {  	[smem:$0x3FAC] =	sst s10  }
0x35: {  	s10 =	sld [smem:$0x3FAB];
	_ =	sdelay $0x3  }
0x36: {  	p1 =	seq.s32 s10, $0x1;
	s10 =	sld [smem:$0x3FAC];
	_ =	sdelay $0x3  }
0x37: {  	[smem:$0x3FAC] =	sst s10  }
0x38: {  	s10 =	sld [smem:$0x3FAD]  }
0x39: {  	_ = 	snop;
	(pc) =	sbr.ind lr, $3  }
0x3a: {  	_ = 	snop  }
0x3b: {  	_ = 	snop  }
0x3c: {  	p2 =	seq.s32 s10, $0x1;
	s10 =	sld [smem:$0x3FAC]  }
0x3d: {  	_ =	shalt  }
0x3e: {  	_ =	shalt  }
0x3f: {  	_ =	shalt  }
0x40: {  	_ =	shalt  }
0x41: {  	_ =	shalt  }
0x42: {  	_ =	shalt  }
0x43: {  	_ =	shalt  }
0x44: {  	_ =	shalt  }
0x45: {  	_ =	shalt  }
0x46: {  	_ =	shalt  }
0x47: {  	_ =	shalt  }
0x48: {  	_ =	shalt  }
0x49: {  	_ =	shalt  }
0x4a: {  	_ =	shalt  }
0x4b: {  	_ =	shalt  }
0x4c: {  	_ =	shalt  }
0x4d: {  	_ =	shalt  }
0x4e: {  	_ =	shalt  }
0x4f: {  	_ =	shalt  }
0x50: {  	_ =	shalt  }
0x51: {  	_ =	shalt  }
0x52: {  	_ =	shalt  }
0x53: {  	_ =	shalt  }
0x54: {  	_ =	shalt  }
0x55: {  	_ =	shalt  }
0x56: {  	_ =	shalt  }
0x57: {  	_ =	shalt  }
0x58: {  	_ =	shalt  }
0x59: {  	_ =	shalt  }
0x5a: {  	_ =	shalt  }
0x5b: {  	_ =	shalt  }
0x5c: {  	_ =	shalt  }
0x5d: {  	_ =	shalt  }
0x5e: {  	_ =	shalt  }
0x5f: {  	_ =	shalt  }
0x60: {  	_ =	shalt  }
0x61: {  	_ =	shalt  }
0x62: {  	_ =	shalt  }
0x63: {  	_ =	shalt  }
0x64: {  	_ =	shalt  }
0x65: {  	_ =	shalt  }
0x66: {  	_ =	shalt  }
0x67: {  	_ =	shalt  }
0x68: {  	_ =	shalt  }
0x69: {  	_ =	shalt  }
0x6a: {  	_ =	shalt  }
0x6b: {  	_ =	shalt  }
0x6c: {  	_ =	shalt  }
0x6d: {  	_ =	shalt  }
0x6e: {  	_ =	shalt  }
0x6f: {  	_ =	shalt  }
0x70: {  	_ =	shalt  }
0x71: {  	_ =	shalt  }
0x72: {  	_ =	shalt  }
0x73: {  	_ =	shalt  }
0x74: {  	_ =	shalt  }
0x75: {  	_ =	shalt  }
0x76: {  	_ =	shalt  }
0x77: {  	_ =	shalt  }
0x78: {  	_ =	shalt  }
0x79: {  	_ =	shalt  }
0x7a: {  	_ =	shalt  }
0x7b: {  	_ =	shalt  }
0x7c: {  	_ =	shalt  }
0x7d: {  	_ =	shalt  }
0x7e: {  	_ =	shalt  }
0x7f: {  	_ =	shalt  }
0x80: {  	_ =	shalt  }
0x81: {  	_ =	shalt  }
0x82: {  	_ =	shalt  }
0x83: {  	_ =	shalt  }
0x84: {  	_ =	shalt  }
0x85: {  	_ =	shalt  }
0x86: {  	_ =	shalt  }
0x87: {  	_ =	shalt  }
.Lfunc_end0:
.L_simem_size_0:
called_computation.1_lowered:
.L_overlay_start_0:
0x88: {  	s2 =	sld [smem:$0x3FD9]  }
0x89: {  	s3 =	sld [smem:$0x3FFE];
	_ =	sdelay $0x1  }
0x8a: {  	s1 =	srdreg.scid  }
0x8b: {  	s0 =	sand.u32 $0x1, s1  }
0x8c: {  	s15 =	sshll.u32 s0, $0xA;
	s2 =	sadd.s32 s3, s2  }
0x8d: {  	s2 =	sadd.s32 s2, s15  }
0x8e: {  	[smem:$0x3FB8] =	sst s2  }
0x8f: {  	_ = 	snop  }
0x90: {  	s16 =	sld [smem:$0x3FD0];
	_ =	sdelay $0x2  }
0x91: {  	s4 =	simm.s32 $0xB;
	s5 =	simm.s32 $0x10;
	s2 =	sld [smem:$0x3FC9]  }
0x92: {  	[smem:s5], [sflag:s4] =	dma.local [hbm:s16], $0x1  }
0x93: {  	_ =	swait.eq [sflag:s4], $0x1  }
0x94: {  	[sflag:s4] =	ssyncset.done $0x0  }
0x95: {  	[sflag:s4] =	ssyncadd.s32 $0xFFFFFFFF  }
0x96: {  	s17 =	sld [smem:$0x10];
	(tm) =	ssettm $0x1  }
0x97: {  	s18 =	sld [smem:$0x3FFB];
	_ =	sdelay $0x3  }
0x98: {  	_ =	strace s18  }
0x99: {  	s3 =	sld [smem:$0x3FFC];
	_ =	sdelay $0x3  }
0x9a: {  	_ =	strace s3  }
0x9b: {  	s3 =	sld [smem:$0x3FFD];
	_ =	sdelay $0x3  }
0x9c: {  	_ =	strace s3  }
0x9d: {  	_ =	strace $0x8FFFFFFF  }
0x9e: {  	s19 =	sld [smem:$0x3FDB];
	_ =	sdelay $0x1  }
0x9f: {  	s20 =	simm.s32 $_scs_section_size  }
0xa0: {  	s6 =	simm.s32 $_size__tile_overlayer_lowered;
	s7 =	simm.s32 $_tile_overlayer_lowered  }
0xa1: {  	s8 =	simm.s32 $0x1BFF;
	s21 =	sshll.u32 s7, $0x1;
	s5 =	sadd.s32 s20, s19  }
0xa2: {  	s22 =	simm.s32 $0x0;
	s6 =	sshll.u32 s6, $0x1;
	s7 =	sadd.s32 s21, s5  }
0xa3: {  	[timem:s22], [sflag:s8] =	dma.local [hbm:s7], s6  }
0xa4: {  	_ =	swait.ge [sflag:s8], s6  }
0xa5: {  	s6 =	ssub.s32 $0x0, s6;
	[sflag:s8] =	ssyncset.done $0x0  }
0xa6: {  	[sflag:s8] =	ssyncadd.s32 s6;
	_ =	sdelay $0x1  }
0xa7: {  	s23 =	simm.s32 $0x1B8B  }
0xa8: {  	_ =	swait.ge [sflag:s23], $0x1  }
0xa9: {  	[sflag:s23] =	ssyncset.done $0x0  }
0xaa: {  	[sflag:s23] =	ssyncadd.s32 $0xFFFFFFFF  }
0xab: {  	s6 =	sld [smem:$0x0]  }
0xac: {  	s7 =	sand.u32 $0xFFFFFFFE, s1  }
0xad: {  	p0 =	sne.s32 s1, s7  }
0xae: {  	s7 =	sshll.u32 @p0 s7, $0xE  }
0xaf: {  	s7 =	sadd.s32 @p0 $0x11B8D, s7;
	s8 =	sshll.u32 @p0 s6, $0x11  }
0xb0: {  	s7 =	sor.u32 @p0 s8, s7  }
0xb1: {  	[sflag:s7] =	ssyncadd.remote.s32 @p0 $0x1;
	_ =	sdelay $0x1  }
0xb2: {  	s7 =	simm.s32 @p0 $0x1B8D  }
0xb3: {  	_ =	swait.eq @p0 [sflag:s7], $0x1  }
0xb4: {  	[sflag:s7] =	ssyncadd.s32 @p0 $0xFFFFFFFF  }
0xb5: {  	s8 =	sshll.u32 @!p0 s1, $0xE  }
0xb6: {  	s8 =	sor.u32 @!p0 $0x4000, s8;
	s7 =	simm.s32 @!p0 $0x1B8D  }
0xb7: {  	s6 =	sshll.u32 @!p0 s6, $0x11;
	s8 =	sadd.s32 @!p0 $0x11B8D, s8;
	_ =	swait.eq @!p0 [sflag:s7], $0x1  }
0xb8: {  	s6 =	sor.u32 @!p0 s6, s8;
	[sflag:s7] =	ssyncadd.s32 @!p0 $0xFFFFFFFF  }
0xb9: {  	s25 =	simm.s32 $0x1B8E;
	s24 =	sld [smem:$0x3FFE];
	[sflag:s6] =	ssyncadd.remote.s32 @!p0 $0x1  }
0xba: {  	s26 =	simm.s32 $execute0_lowered;
	[smem:$0x3FD2] =	sst s25  }
0xbb: {  	s7 =	sshll.u32 s26, $0x1;
	_ =	strace $0x80000049;
	[dreg:$0x1] =	wrdreg $0xFFFFFFFF  }
0xbc: {  	s28 =	simm.s32 $_size_execute0_lowered;
	s5 =	sadd.s32 s5, s7;
	[dreg:$0x0] =	wrdreg $0x0  }
0xbd: {  	s7 =	sshll.u32 s28, $0x1;
	[dreg:$0x2] =	wrdreg s5  }
0xbe: {  	[dreg:$0x3] =	wrdreg s7  }
0xbf: {  	[dreg:$0x4] =	wrdreg $0xC0  }
0xc0: {  	_ =	task [dreg:s22], $0x5FFFF  }
0xc1: {  	[dreg:$0x1] =	wrdreg $0xFFFFFFFF  }
0xc2: {  	[dreg:$0x0] =	wrdreg $0x60  }
0xc3: {  	[dreg:$0x2] =	wrdreg s2  }
0xc4: {  	[dreg:$0x3] =	wrdreg s24  }
0xc5: {  	[dreg:$0x4] =	wrdreg s17  }
0xc6: {  	[dreg:$0x5] =	wrdreg $0x9  }
0xc7: {  	_ =	task.clear_ibuf [dreg:s22], $0x6FFFF;
	_ =	strace $0x90000049  }
0xc8: {  	s29 =	simm.s32 $0x9;
	_ =	strace $0x8000004B  }
0xc9: {  	_ =	swait.ge [sflag:s29], $0x1  }
0xca: {  	[sflag:s29] =	ssyncadd.s32 $0xFFFFFFFF  }
0xcb: {  	_ =	strace $0x9000004B  }
0xcc: {  	_ =	sfence  }
0xcd: {  	s30 =	sld [smem:$0x0];
	_ =	sdelay $0x2  }
0xce: {  	s31 =	sshll.u32 s1, $0xD;
	s1 =	sshrl.u32 s1, $0x2  }
0xcf: {  	s4 =	sand.u32 $0x4000, s31;
	s1 =	sadd.s32 s1, s30  }
0xd0: {  	s0 =	sor.u32 s4, s0;
	s1 =	sshll.u32 s1, $0x11  }
0xd1: {  	s0 =	sor.u32 s1, s0  }
0xd2: {  	s0 =	sadd.s32 $0x8F2B, s0  }
0xd3: {  	[sflag:s0] =	ssyncadd.remote.s32 $0x1  }
0xd4: {  	_ =	sfence.sel $0xFFFF  }
0xd5: {  	[dreg:$0x0] =	wrdreg $0xFFFFFFFF;
	(pc) =	sbr.abs _section_cstart, $3  }
0xd6: {  	[dreg:$0x1] =	wrdreg $0xFFFFFFFF  }
0xd7: {  	_ =	task.clear_ibuf [dreg:s22], $0x2FFFF;
	_ =	strace $0x9FFFFFFF  }
0xd8: {  	(tm) =	ssettm $0x7FFFFFFF  }
0xd9: {  	_ =	shalt  }
tec
execute0_lowered:
.L_overlay_start_1:
0x0: {  	(tag) =	ssettag $0x1  }
0x1: {  	s1 =	rddreg [dreg:$0x0]  }
0x2: {  	s7 =	rddreg [dreg:$0x1]  }
0x3: {  	s3 =	rddreg [dreg:$0x2];
	s4 =	simm.s32 $0x0;
	s5 =	srdreg.scid  }
0x4: {  	s0 =	stileid.u32;
	s17 =	simm.s32 $0x80;
	s18 =	simm.s32 $0x200  }
0x5: {  	s19 =	simm.s32 $0x8200;
	s20 =	simm.s32 $0x180;
	s21 =	simm.s32 $0x4200  }
0x6: {  	s22 =	simm.s32 $0xC200;
	[smem:$0x7FF] =	sst s4;
	s12 =	sand.u32 $0x1, s5  }
0x7: {  	s23 =	sshll.u32 s0, $0x1;
	s5 =	sadd.s32 $0x3800, s7;
	s6 =	sadd.s32 $0x279800, s7  }
0x8: {  	s7 =	sadd.s32 $0x3B2000, s7;
	s11 =	sshll.u32 s0, $0xC;
	s15 =	sshll.u32 s0, $0x5  }
0x9: {  	_ =	strace $0x8000004A;
	s13 =	sor.u32 s12, s23;
	s8 =	ssub.s32 $0x2, s12  }
0xa: {  	s14 =	sshll.u32 s12, $0xB;
	s26 =	sadd.s32 s15, s5;
	s16 =	sshll.u32 s12, $0x4  }
0xb: {  	s29 =	sadd.s32 s15, s3;
	s15 =	simm.s32 $0x3;
	s23 =	simm.s32 $0x1  }
0xc: {  	s9 =	smin.u32 s13, $0x10;
	s10 =	sshrl.u32 s8, $0x1;
	s11 =	sor.u32 s14, s11  }
0xd: {  	s12 =	sor.u32 $0x20, s13;
	s28 =	sadd.s32 s16, s26;
	s14 =	sadd.s32 s16, s29  }
0xe: {  	s16 =	simm.s32 $0x100;
	s9 =	sshll.u32 s9, $0xB;
	s30 =	sadd.s32 s7, s11  }
0xf: {  	s10 =	ssub.s32 s8, s10;
	s31 =	sadd.s32 s6, s11;
	[dreg:$0x4] =	wrdreg s30  }
0x10: {  	s9 =	sor.u32 $0x130000, s9;
	s25 =	smax.u32 s10, $0x1;
	[dreg:$0x5] =	wrdreg s31  }
0x11: {  	s13 =	sadd.s32 $0x2710, s28;
	s2 =	sadd.s32 s6, s9;
	[dreg:$0x8] =	wrdreg s25  }
0x12: {  	s14 =	sadd.s32 $0x2710, s14;
	s24 =	sadd.s32 s7, s9;
	[dreg:$0x6] =	wrdreg s2  }
0x13: {  	s25 =	simm.s32 $0x0;
	[dreg:$0x7] =	wrdreg s24;
	s24 =	simm.s32 $0x2  }
.LBB2_1:
0x14: {  	[tilespmem:s4], [sflag:$0x3] =	stream.linear.gather [hbm4b:s13+s4], $0x80, $0x38;
	[tilespmem:$0x10200] =	vst v63  }
0x15: {  	_ =	swait.ge [sflag:s15], $0x80  }
0x16: {  	[sflag:s15] =	ssyncset.done $0x0  }
0x17: {  	[sflag:s15] =	ssyncadd.s32 $0xFFFFFF80  }
0x18: {  	[tilespmem:s16], [sflag:$0x3] =	stream.linear.gather [hbm4b:s14+s4], $0x80, $0x38;
	[tilespmem:$0x10200] =	vst v63  }
0x19: {  	_ =	swait.ge [sflag:s15], $0x80  }
0x1a: {  	[sflag:s15] =	ssyncset.done $0x0  }
0x1b: {  	p0 =	por $0x1, $0x1;
	[sflag:s15] =	ssyncadd.s32 $0xFFFFFF80  }
0x1c: {  	[tilespmem:s18], [sflag:$0x1] =	stream.indirect.gather [hbm4b:s1+s17], $0x80, s4, s17, $0xb8;
	[tilespmem:$0x10200] =	vst v63  }
0x1d: {  	s26 =	simm.s32 @!p0 $0x2  }
0x1e: {  	[tilespmem:s19], [sflag:$0x1] =	stream.indirect.gather [hbm4b:s1+s17], $0x80, s16, s17, $0xb8;
	[tilespmem:$0x10200] =	vst v63  }
0x1f: {  	_ =	swait.ge @!p0 [sflag:s26], $0x4000  }
0x20: {  	[sflag:s26] =	ssyncset.done @!p0 $0x0  }
0x21: {  	s28 =	sadd.s32 @!p0 $0x0, s11;
	[sflag:s26] =	ssyncadd.s32 @!p0 $0xFFFFC000  }
0x22: {  	s30 =	simm.s32 @!p0 $0x0;
	s28 =	sadd.s32 @!p0 $0xFFFF0000, s28;
	_ =	swait.ge @!p0 [sflag:s26], $0x4000  }
0x23: {  	s31 =	simm.s32 @!p0 $0x4200;
	s28 =	sand.u32 @!p0 $0x1FFFF800, s28;
	[sflag:s26] =	ssyncset.done @!p0 $0x0  }
0x24: {  	s29 =	sadd.s32 @!p0 s6, s28;
	[sflag:s26] =	ssyncadd.s32 @!p0 $0xFFFFC000;
	s26 =	simm.s32 @!p0 $0x3  }
0x25: {  	[hbm4b:s29+s30] =	stream.linear.scatter @!p0 [tilespmem:s31], [sflag:$0x3], $0x4000, $0x38;
	[tilespmem:$0x10200] =	vst v63  }
0x26: {  	p1 =	slt.s32 s12, $0x270;
	_ =	swait.ge @!p0 [sflag:s26], $0x4000  }
0x27: {  	s28 =	sadd.s32 @!p0 s7, s28;
	s29 =	smov.u32 s12;
	[sflag:s26] =	ssyncset.done @!p0 $0x0  }
0x28: {  	s31 =	simm.s32 @!p0 $0xC200;
	s29 =	simm.s32 @!p1 $0x270;
	[sflag:s26] =	ssyncadd.s32 @!p0 $0xFFFFC000  }
0x29: {  	[hbm4b:s28+s30] =	stream.linear.scatter @!p0 [tilespmem:s31], [sflag:$0x3], $0x4000, $0x38;
	[tilespmem:$0x10200] =	vst v63  }
0x2a: {  	s28 =	sshll.u32 s29, $0x4;
	_ =	swait.ge @!p0 [sflag:s26], $0x4000  }
0x2b: {  	s28 =	sadd.s32 $0x2710, s28;
	[sflag:s26] =	ssyncset.done @!p0 $0x0  }
0x2c: {  	s8 =	sadd.s32 s5, s28;
	[sflag:s26] =	ssyncadd.s32 @!p0 $0xFFFFC000  }
0x2d: {  	[tilespmem:s17], [sflag:$0x3] =	stream.linear.gather [hbm4b:s8+s4], $0x80, $0x38;
	[tilespmem:$0x10200] =	vst v63  }
0x2e: {  	_ =	swait.ge [sflag:s15], $0x80  }
0x2f: {  	[sflag:s15] =	ssyncset.done $0x0  }
0x30: {  	s9 =	sadd.s32 s3, s28;
	[sflag:s15] =	ssyncadd.s32 $0xFFFFFF80  }
0x31: {  	[tilespmem:s20], [sflag:$0x3] =	stream.linear.gather [hbm4b:s9+s4], $0x80, $0x38;
	[tilespmem:$0x10200] =	vst v63  }
0x32: {  	_ =	swait.ge [sflag:s15], $0x80  }
0x33: {  	[sflag:s15] =	ssyncset.done $0x0  }
0x34: {  	[sflag:s15] =	ssyncadd.s32 $0xFFFFFF80  }
0x35: {  	[tilespmem:s21], [sflag:$0x2] =	stream.indirect.gather [hbm4b:s1+s17], $0x80, s17, s17, $0xb8;
	[tilespmem:$0x10200] =	vst v63  }
0x36: {  	_ = 	snop  }
0x37: {  	[tilespmem:s22], [sflag:$0x2] =	stream.indirect.gather [hbm4b:s1+s17], $0x80, s20, s17, $0xb8;
	[tilespmem:$0x10200] =	vst v63  }
0x38: {  	_ =	swait.ge [sflag:s23], $0x4000  }
0x39: {  	[sflag:s23] =	ssyncset.done $0x0  }
0x3a: {  	[sflag:s23] =	ssyncadd.s32 $0xFFFFC000  }
0x3b: {  	_ =	swait.ge [sflag:s23], $0x4000  }
0x3c: {  	s10 =	rddreg [dreg:$0x5];
	[sflag:s23] =	ssyncset.done $0x0  }
0x3d: {  	[sflag:s23] =	ssyncadd.s32 $0xFFFFC000;
	s26 =	sadd.s32 $0x0, s10  }
0x3e: {  	[hbm4b:s26+s4] =	stream.linear.scatter [tilespmem:s18], [sflag:$0x3], $0x4000, $0x38;
	[tilespmem:$0x10200] =	vst v63  }
0x3f: {  	_ =	swait.ge [sflag:s15], $0x4000  }
0x40: {  	s29 =	sadd.s32 $0x400, s14;
	s31 =	rddreg [dreg:$0x4];
	[sflag:s15] =	ssyncset.done $0x0  }
0x41: {  	s30 =	smov.u32 s12;
	[sflag:s15] =	ssyncadd.s32 $0xFFFFC000;
	s26 =	sadd.s32 $0x0, s31  }
0x42: {  	[hbm4b:s26+s4] =	stream.linear.scatter [tilespmem:s19], [sflag:$0x3], $0x4000, $0x38;
	[tilespmem:$0x10200] =	vst v63  }
0x43: {  	s28 =	sadd.s32 $0x400, s13;
	s26 =	simm.s32 $0x20000;
	_ =	swait.ge [sflag:s15], $0x4000  }
.LBB2_2:
0x44: {  	[sflag:s15] =	ssyncset.done $0x0  }
0x45: {  	[sflag:s15] =	ssyncadd.s32 $0xFFFFC000  }
0x46: {  	[tilespmem:s4], [sflag:$0x3] =	stream.linear.gather [hbm4b:s28+s4], $0x80, $0x38;
	[tilespmem:$0x10200] =	vst v63  }
0x47: {  	_ =	swait.ge [sflag:s15], $0x80  }
0x48: {  	[sflag:s15] =	ssyncset.done $0x0  }
0x49: {  	[sflag:s15] =	ssyncadd.s32 $0xFFFFFF80  }
0x4a: {  	[tilespmem:s16], [sflag:$0x3] =	stream.linear.gather [hbm4b:s29+s4], $0x80, $0x38;
	[tilespmem:$0x10200] =	vst v63  }
0x4b: {  	_ =	swait.ge [sflag:s15], $0x80  }
0x4c: {  	s31 =	smov.u32 s26;
	[sflag:s15] =	ssyncset.done $0x0  }
0x4d: {  	p1 =	seq.s32 s31, $0x0;
	[sflag:s15] =	ssyncadd.s32 $0xFFFFFF80  }
0x4e: {  	[tilespmem:s18], [sflag:$0x1] =	stream.indirect.gather [hbm4b:s1+s17], $0x80, s4, s17, $0xb8;
	[tilespmem:$0x10200] =	vst v63  }
0x4f: {  	s0 =	simm.s32 @!p1 $0x2  }
0x50: {  	[tilespmem:s19], [sflag:$0x1] =	stream.indirect.gather [hbm4b:s1+s17], $0x80, s16, s17, $0xb8;
	[tilespmem:$0x10200] =	vst v63  }
0x51: {  	_ =	swait.ge @!p1 [sflag:s0], $0x4000  }
0x52: {  	[sflag:s0] =	ssyncset.done @!p1 $0x0  }
0x53: {  	s30 =	sadd.s32 $0x40, s30;
	s2 =	sadd.s32 @!p1 s31, s11;
	[sflag:s0] =	ssyncadd.s32 @!p1 $0xFFFFC000  }
0x54: {  	s9 =	simm.s32 @!p1 $0x0;
	s2 =	sadd.s32 @!p1 $0xFFFF0000, s2;
	_ =	swait.ge @!p1 [sflag:s0], $0x4000  }
0x55: {  	s10 =	simm.s32 @!p1 $0x4200;
	s2 =	sand.u32 @!p1 $0x1FFFF800, s2;
	[sflag:s0] =	ssyncset.done @!p1 $0x0  }
0x56: {  	s8 =	sadd.s32 @!p1 s6, s2;
	[sflag:s0] =	ssyncadd.s32 @!p1 $0xFFFFC000;
	s0 =	simm.s32 @!p1 $0x3  }
0x57: {  	[hbm4b:s8+s9] =	stream.linear.scatter @!p1 [tilespmem:s10], [sflag:$0x3], $0x4000, $0x38;
	[tilespmem:$0x10200] =	vst v63  }
0x58: {  	p2 =	slt.s32 s30, $0x270;
	_ =	swait.ge @!p1 [sflag:s0], $0x4000  }
0x59: {  	s2 =	sadd.s32 @!p1 s7, s2;
	s10 =	smov.u32 s30;
	[sflag:s0] =	ssyncset.done @!p1 $0x0  }
0x5a: {  	s8 =	simm.s32 @!p1 $0xC200;
	s10 =	simm.s32 @!p2 $0x270;
	[sflag:s0] =	ssyncadd.s32 @!p1 $0xFFFFC000  }
0x5b: {  	[hbm4b:s2+s9] =	stream.linear.scatter @!p1 [tilespmem:s8], [sflag:$0x3], $0x4000, $0x38;
	[tilespmem:$0x10200] =	vst v63  }
0x5c: {  	s9 =	sshll.u32 s10, $0x4;
	_ =	swait.ge @!p1 [sflag:s0], $0x4000  }
0x5d: {  	s2 =	sadd.s32 $0x2710, s9;
	[sflag:s0] =	ssyncset.done @!p1 $0x0  }
0x5e: {  	s10 =	sadd.s32 s5, s2;
	[sflag:s0] =	ssyncadd.s32 @!p1 $0xFFFFC000  }
0x5f: {  	[tilespmem:s17], [sflag:$0x3] =	stream.linear.gather [hbm4b:s10+s4], $0x80, $0x38;
	[tilespmem:$0x10200] =	vst v63  }
0x60: {  	_ =	swait.ge [sflag:s15], $0x80  }
0x61: {  	[sflag:s15] =	ssyncset.done $0x0  }
0x62: {  	s8 =	sadd.s32 s3, s2;
	[sflag:s15] =	ssyncadd.s32 $0xFFFFFF80  }
0x63: {  	[tilespmem:s20], [sflag:$0x3] =	stream.linear.gather [hbm4b:s8+s4], $0x80, $0x38;
	[tilespmem:$0x10200] =	vst v63  }
0x64: {  	_ =	swait.ge [sflag:s15], $0x80  }
0x65: {  	[sflag:s15] =	ssyncset.done $0x0  }
0x66: {  	[sflag:s15] =	ssyncadd.s32 $0xFFFFFF80  }
0x67: {  	[tilespmem:s21], [sflag:$0x2] =	stream.indirect.gather [hbm4b:s1+s17], $0x80, s17, s17, $0xb8;
	[tilespmem:$0x10200] =	vst v63  }
0x68: {  	_ = 	snop  }
0x69: {  	[tilespmem:s22], [sflag:$0x2] =	stream.indirect.gather [hbm4b:s1+s17], $0x80, s20, s17, $0xb8;
	[tilespmem:$0x10200] =	vst v63  }
0x6a: {  	_ =	swait.ge [sflag:s23], $0x4000  }
0x6b: {  	[sflag:s23] =	ssyncset.done $0x0  }
0x6c: {  	[sflag:s23] =	ssyncadd.s32 $0xFFFFC000  }
0x6d: {  	_ =	swait.ge [sflag:s23], $0x4000  }
0x6e: {  	s26 =	sadd.s32 $0x20000, s26;
	s9 =	rddreg [dreg:$0x5];
	[sflag:s23] =	ssyncset.done $0x0  }
0x6f: {  	p0 =	sne.s32 s26, $0x140000;
	[sflag:s23] =	ssyncadd.s32 $0xFFFFC000;
	s0 =	sadd.s32 s31, s9  }
0x70: {  	[hbm4b:s0+s4] =	stream.linear.scatter [tilespmem:s18], [sflag:$0x3], $0x4000, $0x38;
	[tilespmem:$0x10200] =	vst v63  }
.Ltmp0:
0x71: {  	_ =	swait.ge [sflag:s15], $0x4000;
	(pc) =	sbr.rel @p0 .LBB2_2-.Ltmp0, $4  }
0x72: {  	s10 =	rddreg [dreg:$0x4];
	[sflag:s15] =	ssyncset.done $0x0  }
0x73: {  	[sflag:s15] =	ssyncadd.s32 $0xFFFFC000;
	s0 =	sadd.s32 s31, s10  }
0x74: {  	[hbm4b:s0+s4] =	stream.linear.scatter [tilespmem:s19], [sflag:$0x3], $0x4000, $0x38;
	[tilespmem:$0x10200] =	vst v63  }
0x75: {  	s28 =	sadd.s32 $0x400, s28;
	s29 =	sadd.s32 $0x400, s29;
	_ =	swait.ge [sflag:s15], $0x4000  }
0x76: {  	[sflag:s15] =	ssyncset.done $0x0  }
0x77: {  	[sflag:s15] =	ssyncadd.s32 $0xFFFFC000  }
0x78: {  	_ =	swait.ge [sflag:s24], $0x4000  }
0x79: {  	[sflag:s24] =	ssyncset.done $0x0  }
0x7a: {  	[sflag:s24] =	ssyncadd.s32 $0xFFFFC000  }
0x7b: {  	_ =	swait.ge [sflag:s24], $0x4000  }
0x7c: {  	[sflag:s24] =	ssyncset.done $0x0  }
0x7d: {  	s0 =	rddreg [dreg:$0x6];
	[sflag:s24] =	ssyncadd.s32 $0xFFFFC000  }
0x7e: {  	[hbm4b:s0+s4] =	stream.linear.scatter [tilespmem:s21], [sflag:$0x3], $0x4000, $0x38;
	[tilespmem:$0x10200] =	vst v63  }
0x7f: {  	_ =	swait.ge [sflag:s15], $0x4000  }
0x80: {  	[sflag:s15] =	ssyncset.done $0x0  }
0x81: {  	s30 =	rddreg [dreg:$0x7];
	[sflag:s15] =	ssyncadd.s32 $0xFFFFC000  }
0x82: {  	[hbm4b:s30+s4] =	stream.linear.scatter [tilespmem:s22], [sflag:$0x3], $0x4000, $0x38;
	[tilespmem:$0x10200] =	vst v63  }
0x83: {  	_ =	swait.ge [sflag:s15], $0x4000  }
0x84: {  	s25 =	sadd.s32 $0x1, s25;
	s31 =	rddreg [dreg:$0x8]  }
0x85: {  	p0 =	sne.s32 s25, s31  }
.Ltmp1:
0x86: {  	_ = 	snop;
	(pc) =	sbr.rel @p0 .LBB2_1-.Ltmp1, $3  }
0x87: {  	_ =	sdelay $0x1  }
0x88: {  	[sflag:s15] =	ssyncset.done $0x0  }
0x89: {  	[sflag:s15] =	ssyncadd.s32 $0xFFFFC000  }
0x8a: {  	_ =	sfence.sel $0x180000  }
0x8b: {  	[bflag:$0x0] =	sbarrier.arrive $0xFFFF  }
0x8c: {  	_ =	strace $0x9000004A  }
0x8d: {  	s0 =	stileid.u32;
	[bflag:$0x2] =	sbarrier.arrive $0xFFFF  }
0x8e: {  	p0 =	sne.s32 s0, $0x0;
	s0 =	rddreg [dreg:$0x3]  }
0x8f: {  	s0 =	sadd.s32 @!p0 $0x100000, s0  }
0x90: {  	[sflag:s0] =	ssyncadd.tile.s32 @!p0 $0x1;
	_ =	shalt  }
.Lfunc_end2:
_tile_overlayer_lowered:
.L_overlay_start_2:
0x91: {  	(tag) =	ssettag $0x2  }
0x92: {  	s0 =	rddreg [dreg:$0x0];
	s2 =	stileid.u32  }
0x93: {  	s1 =	rddreg [dreg:$0x1];
	p0 =	sne.s32 s2, $0x0  }
0x94: {  	s3 =	rddreg [dreg:$0x2];
	[bflag:$0x3] =	sbarrier.arrive $0xFFFF;
	s2 =	simm.s32 @!p0 $0x1C03  }
0x95: {  	[timem:s3], [sflag:s2] =	dma.local @!p0 [hbm:s0], s1  }
0x96: {  	s0 =	simm.s32 @!p0 $0x3  }
0x97: {  	_ =	swait.ge @!p0 [sflag:s0], s1  }
0x98: {  	s1 =	ssub.s32 @!p0 $0x0, s1;
	[sflag:s0] =	ssyncset.done @!p0 $0x0  }
0x99: {  	[sflag:s0] =	ssyncadd.s32 @!p0 s1  }
0x9a: {  	[bflag:$0x3] =	sbarrier.arrive $0xFFFF  }
0x9b: {  	_ =	shalt  }

// kernel: kernel.15.cloned.1.call-start
scs
__scs_entry_jumppad:
0x0: {  	(pc) =	sbr.rel $0x88, $3  }
0x1: {  	(tag) =	ssettag $0x0;
	lr =	simm.s32 $0x1  }
0x2: {  	[smem:$0x3F91] =	sst lr;
	_ =	strace $0xD0000000  }
0x3: {  	_ = 	snop  }
0x4: {  	_ = 	snop  }
0x5: {  	_ = 	snop  }
0x6: {  	_ = 	snop  }
0x7: {  	_ = 	snop  }
__scs_overlays_trampoline_lowered:
0x8: {  	[smem:$0x3FA0] =	sst s0  }
0x9: {  	[smem:$0x3FA1] =	sst s1  }
0xa: {  	[smem:$0x3FA2] =	sst s2  }
0xb: {  	[smem:$0x3FA3] =	sst s3  }
0xc: {  	[smem:$0x3FA4] =	sst s4  }
0xd: {  	[smem:$0x3FA5] =	sst s5  }
0xe: {  	[smem:$0x3FA6] =	sst s6  }
0xf: {  	[smem:$0x3FA7] =	sst s7  }
0x10: {  	[smem:$0x3FA8] =	sst s8  }
0x11: {  	[smem:$0x3FA9] =	sst s9;
	s0 =	simm.s32 @!p0 $0x0  }
0x12: {  	s1 =	sld [smem:$0x3F8F];
	s0 =	simm.s32 @p0 $0x1  }
0x13: {  	[smem:$0x3FAA] =	sst s0;
	s0 =	simm.s32 @!p1 $0x0  }
0x14: {  	s2 =	sld [smem:$0x3F8E];
	s0 =	simm.s32 @p1 $0x1  }
0x15: {  	[smem:$0x3FAB] =	sst s0;
	s0 =	simm.s32 @!p2 $0x0  }
0x16: {  	s3 =	sld [smem:$0x3FDB];
	s0 =	simm.s32 @p2 $0x1  }
0x17: {  	s4 =	simm.s32 $0x1BF5;
	[smem:$0x3FAD] =	sst s0  }
0x18: {  	s0 =	sld [smem:$0x3F90];
	_ =	swait.ge [sflag:s4], $0x0  }
0x19: {  	s7 =	sld [smem:$0x3F91]  }
0x1a: {  	s8 =	sadd.s32 $0xFFFFE003, lr  }
0x1b: {  	s9 =	sadd.s32 $0xFFFFFEF7, lr;
	s5 =	simm.s32 $0xFFFFFFFF;
	p2 =	slt.u32 s8, $0xFFFFF086  }
0x1c: {  	p1 =	slt.u32 s9, $0xF7A;
	s5 =	simm.s32 @!p2 $0x0  }
0x1d: {  	s5 =	simm.s32 @p1 $0x1;
	p0 =	seq.s32 s7, s2  }
0x1e: {  	s7 =	smul.u32 @!p0 $0xF7A, s2;
	p2 =	seq.s32 @!p0 s5, $0x0  }
0x1f: {  	s9 =	smul.u32 $0xF7A, s1;
	s8 =	simm.s32 @!p0 $0x1BF5;
	p2 =	por !p2, p0  }
0x20: {  	[sflag:s8] =	ssyncset.s32 @!p0 $0xFFFFF086;
	s6 =	sadd.s32 @!p0 s3, s7;
	s7 =	simm.s32 @!p0 $0x108  }
0x21: {  	s3 =	sadd.s32 s3, s9;
	s6 =	sadd.s32 @!p0 $0x88, s6;
	s7 =	simm.s32 @p2 $0x1082  }
0x22: {  	[simem:s7], [sflag:s8] =	dma.local @!p0 [hbm:s6], $0xF7A  }
0x23: {  	s9 =	sor.u32 $0xD0000000, s2;
	s6 =	simm.s32 $0x108;
	_ =	swait.ge @!p0 [sflag:s8], $0x0  }
0x24: {  	s3 =	sadd.s32 $0x88, s3;
	s6 =	simm.s32 @!p1 $0x1082;
	[sflag:s4] =	ssyncset.s32 $0xFFFFF086  }
0x25: {  	[simem:s6], [sflag:s4] =	dma.local [hbm:s3], $0xF7A  }
0x26: {  	[smem:$0x3F91] =	sst s1;
	(tag) =	ssettag s2;
	_ =	strace s9  }
0x27: {  	s1 =	sld [smem:$0x3FA1]  }
0x28: {  	s2 =	sld [smem:$0x3FA2]  }
0x29: {  	s4 =	sld [smem:$0x3FA4]  }
0x2a: {  	p0 =	seq.s32 s5, $0x0;
	s5 =	sld [smem:$0x3FA5]  }
0x2b: {  	s6 =	sld [smem:$0x3FA6]  }
0x2c: {  	s7 =	sld [smem:$0x3FA7]  }
0x2d: {  	s3 =	simm.s32 $0x108;
	s8 =	sld [smem:$0x3FA8]  }
0x2e: {  	s3 =	simm.s32 @!p0 $0x1082;
	s9 =	sld [smem:$0x3FA9]  }
0x2f: {  	lr =	sadd.s32 s0, s3;
	s0 =	sld [smem:$0x3FA0]  }
0x30: {  	s3 =	sld [smem:$0x3FA3]  }
0x31: {  	[smem:$0x3FAC] =	sst s10  }
0x32: {  	s10 =	sld [smem:$0x3FAA];
	_ =	sdelay $0x3  }
0x33: {  	p0 =	seq.s32 s10, $0x1;
	s10 =	sld [smem:$0x3FAC];
	_ =	sdelay $0x3  }
0x34: {  	[smem:$0x3FAC] =	sst s10  }
0x35: {  	s10 =	sld [smem:$0x3FAB];
	_ =	sdelay $0x3  }
0x36: {  	p1 =	seq.s32 s10, $0x1;
	s10 =	sld [smem:$0x3FAC];
	_ =	sdelay $0x3  }
0x37: {  	[smem:$0x3FAC] =	sst s10  }
0x38: {  	s10 =	sld [smem:$0x3FAD]  }
0x39: {  	_ = 	snop;
	(pc) =	sbr.ind lr, $3  }
0x3a: {  	_ = 	snop  }
0x3b: {  	_ = 	snop  }
0x3c: {  	p2 =	seq.s32 s10, $0x1;
	s10 =	sld [smem:$0x3FAC]  }
0x3d: {  	_ =	shalt  }
0x3e: {  	_ =	shalt  }
0x3f: {  	_ =	shalt  }
0x40: {  	_ =	shalt  }
0x41: {  	_ =	shalt  }
0x42: {  	_ =	shalt  }
0x43: {  	_ =	shalt  }
0x44: {  	_ =	shalt  }
0x45: {  	_ =	shalt  }
0x46: {  	_ =	shalt  }
0x47: {  	_ =	shalt  }
0x48: {  	_ =	shalt  }
0x49: {  	_ =	shalt  }
0x4a: {  	_ =	shalt  }
0x4b: {  	_ =	shalt  }
0x4c: {  	_ =	shalt  }
0x4d: {  	_ =	shalt  }
0x4e: {  	_ =	shalt  }
0x4f: {  	_ =	shalt  }
0x50: {  	_ =	shalt  }
0x51: {  	_ =	shalt  }
0x52: {  	_ =	shalt  }
0x53: {  	_ =	shalt  }
0x54: {  	_ =	shalt  }
0x55: {  	_ =	shalt  }
0x56: {  	_ =	shalt  }
0x57: {  	_ =	shalt  }
0x58: {  	_ =	shalt  }
0x59: {  	_ =	shalt  }
0x5a: {  	_ =	shalt  }
0x5b: {  	_ =	shalt  }
0x5c: {  	_ =	shalt  }
0x5d: {  	_ =	shalt  }
0x5e: {  	_ =	shalt  }
0x5f: {  	_ =	shalt  }
0x60: {  	_ =	shalt  }
0x61: {  	_ =	shalt  }
0x62: {  	_ =	shalt  }
0x63: {  	_ =	shalt  }
0x64: {  	_ =	shalt  }
0x65: {  	_ =	shalt  }
0x66: {  	_ =	shalt  }
0x67: {  	_ =	shalt  }
0x68: {  	_ =	shalt  }
0x69: {  	_ =	shalt  }
0x6a: {  	_ =	shalt  }
0x6b: {  	_ =	shalt  }
0x6c: {  	_ =	shalt  }
0x6d: {  	_ =	shalt  }
0x6e: {  	_ =	shalt  }
0x6f: {  	_ =	shalt  }
0x70: {  	_ =	shalt  }
0x71: {  	_ =	shalt  }
0x72: {  	_ =	shalt  }
0x73: {  	_ =	shalt  }
0x74: {  	_ =	shalt  }
0x75: {  	_ =	shalt  }
0x76: {  	_ =	shalt  }
0x77: {  	_ =	shalt  }
0x78: {  	_ =	shalt  }
0x79: {  	_ =	shalt  }
0x7a: {  	_ =	shalt  }
0x7b: {  	_ =	shalt  }
0x7c: {  	_ =	shalt  }
0x7d: {  	_ =	shalt  }
0x7e: {  	_ =	shalt  }
0x7f: {  	_ =	shalt  }
0x80: {  	_ =	shalt  }
0x81: {  	_ =	shalt  }
0x82: {  	_ =	shalt  }
0x83: {  	_ =	shalt  }
0x84: {  	_ =	shalt  }
0x85: {  	_ =	shalt  }
0x86: {  	_ =	shalt  }
0x87: {  	_ =	shalt  }
.Lfunc_end0:
.L_simem_size_0:
called_computation.2_lowered:
.L_overlay_start_0:
0x88: {  	s2 =	sld [smem:$0x3FD9]  }
0x89: {  	s3 =	sld [smem:$0x3FFE];
	_ =	sdelay $0x1  }
0x8a: {  	s1 =	srdreg.scid  }
0x8b: {  	s0 =	sand.u32 $0x1, s1  }
0x8c: {  	s15 =	sshll.u32 s0, $0xA;
	s2 =	sadd.s32 s3, s2  }
0x8d: {  	s2 =	sadd.s32 s2, s15  }
0x8e: {  	[smem:$0x3FB8] =	sst s2  }
0x8f: {  	_ = 	snop  }
0x90: {  	s2 =	sld [smem:$0x3FD0];
	_ =	sdelay $0x2  }
0x91: {  	s16 =	simm.s32 $0xB;
	s4 =	simm.s32 $0x10  }
0x92: {  	[smem:s4], [sflag:s16] =	dma.local [hbm:s2], $0x1  }
0x93: {  	_ =	swait.eq [sflag:s16], $0x1  }
0x94: {  	[sflag:s16] =	ssyncset.done $0x0  }
0x95: {  	[sflag:s16] =	ssyncadd.s32 $0xFFFFFFFF  }
0x96: {  	s17 =	sld [smem:$0x10];
	(tm) =	ssettm $0x1  }
0x97: {  	s18 =	sld [smem:$0x3FFB];
	_ =	sdelay $0x3  }
0x98: {  	_ =	strace s18  }
0x99: {  	s2 =	sld [smem:$0x3FFC];
	_ =	sdelay $0x3  }
0x9a: {  	_ =	strace s2  }
0x9b: {  	s2 =	sld [smem:$0x3FFD];
	_ =	sdelay $0x3  }
0x9c: {  	_ =	strace s2  }
0x9d: {  	_ =	strace $0x8FFFFFFF  }
0x9e: {  	s19 =	sld [smem:$0x3FDB];
	_ =	sdelay $0x1  }
0x9f: {  	s20 =	simm.s32 $_scs_section_size  }
0xa0: {  	s5 =	simm.s32 $_size__tile_overlayer_lowered;
	s6 =	simm.s32 $_tile_overlayer_lowered  }
0xa1: {  	s7 =	simm.s32 $0x1BFF;
	s21 =	sshll.u32 s6, $0x1;
	s4 =	sadd.s32 s20, s19  }
0xa2: {  	s22 =	simm.s32 $0x0;
	s5 =	sshll.u32 s5, $0x1;
	s6 =	sadd.s32 s21, s4  }
0xa3: {  	[timem:s22], [sflag:s7] =	dma.local [hbm:s6], s5  }
0xa4: {  	_ =	swait.ge [sflag:s7], s5  }
0xa5: {  	s5 =	ssub.s32 $0x0, s5;
	[sflag:s7] =	ssyncset.done $0x0  }
0xa6: {  	[sflag:s7] =	ssyncadd.s32 s5;
	_ =	sdelay $0x1  }
0xa7: {  	s23 =	simm.s32 $0x1B8B  }
0xa8: {  	_ =	swait.ge [sflag:s23], $0x1  }
0xa9: {  	[sflag:s23] =	ssyncset.done $0x0  }
0xaa: {  	[sflag:s23] =	ssyncadd.s32 $0xFFFFFFFF  }
0xab: {  	s5 =	sld [smem:$0x0]  }
0xac: {  	s6 =	sand.u32 $0xFFFFFFFE, s1  }
0xad: {  	p0 =	sne.s32 s1, s6  }
0xae: {  	s6 =	sshll.u32 @p0 s6, $0xE  }
0xaf: {  	s6 =	sadd.s32 @p0 $0x11B8D, s6;
	s7 =	sshll.u32 @p0 s5, $0x11  }
0xb0: {  	s6 =	sor.u32 @p0 s7, s6  }
0xb1: {  	[sflag:s6] =	ssyncadd.remote.s32 @p0 $0x1;
	_ =	sdelay $0x1  }
0xb2: {  	s6 =	simm.s32 @p0 $0x1B8D  }
0xb3: {  	_ =	swait.eq @p0 [sflag:s6], $0x1  }
0xb4: {  	[sflag:s6] =	ssyncadd.s32 @p0 $0xFFFFFFFF  }
0xb5: {  	s7 =	sshll.u32 @!p0 s1, $0xE  }
0xb6: {  	s7 =	sor.u32 @!p0 $0x4000, s7;
	s6 =	simm.s32 @!p0 $0x1B8D  }
0xb7: {  	s5 =	sshll.u32 @!p0 s5, $0x11;
	s7 =	sadd.s32 @!p0 $0x11B8D, s7;
	_ =	swait.eq @!p0 [sflag:s6], $0x1  }
0xb8: {  	s5 =	sor.u32 @!p0 s5, s7;
	[sflag:s6] =	ssyncadd.s32 @!p0 $0xFFFFFFFF  }
0xb9: {  	s25 =	simm.s32 $0x1B8E;
	s24 =	sld [smem:$0x3FFE];
	[sflag:s5] =	ssyncadd.remote.s32 @!p0 $0x1  }
0xba: {  	s26 =	simm.s32 $execute0_lowered;
	[smem:$0x3FD2] =	sst s25  }
0xbb: {  	s6 =	sshll.u32 s26, $0x1;
	_ =	strace $0x8000004C;
	[dreg:$0x1] =	wrdreg $0xFFFFFFFF  }
0xbc: {  	s28 =	simm.s32 $_size_execute0_lowered;
	s4 =	sadd.s32 s4, s6;
	[dreg:$0x0] =	wrdreg $0x0  }
0xbd: {  	s6 =	sshll.u32 s28, $0x1;
	[dreg:$0x2] =	wrdreg s4  }
0xbe: {  	[dreg:$0x3] =	wrdreg s6  }
0xbf: {  	[dreg:$0x4] =	wrdreg $0xC0  }
0xc0: {  	_ =	task [dreg:s22], $0x5FFFF  }
0xc1: {  	[dreg:$0x1] =	wrdreg $0xFFFFFFFF  }
0xc2: {  	[dreg:$0x0] =	wrdreg $0x60  }
0xc3: {  	[dreg:$0x2] =	wrdreg s24  }
0xc4: {  	[dreg:$0x3] =	wrdreg s17  }
0xc5: {  	[dreg:$0x4] =	wrdreg $0x81000  }
0xc6: {  	[dreg:$0x5] =	wrdreg $0xA  }
0xc7: {  	_ =	task.clear_ibuf [dreg:s22], $0x6FFFF;
	_ =	strace $0x9000004C  }
0xc8: {  	s29 =	simm.s32 $0xA;
	_ =	strace $0x8000004E  }
0xc9: {  	_ =	swait.ge [sflag:s29], $0x1  }
0xca: {  	[sflag:s29] =	ssyncadd.s32 $0xFFFFFFFF  }
0xcb: {  	_ =	strace $0x9000004E  }
0xcc: {  	_ =	sfence  }
0xcd: {  	s30 =	sld [smem:$0x0];
	_ =	sdelay $0x2  }
0xce: {  	s31 =	sshll.u32 s1, $0xD;
	s1 =	sshrl.u32 s1, $0x2  }
0xcf: {  	s4 =	sand.u32 $0x4000, s31;
	s1 =	sadd.s32 s1, s30  }
0xd0: {  	s0 =	sor.u32 s4, s0;
	s1 =	sshll.u32 s1, $0x11  }
0xd1: {  	s0 =	sor.u32 s1, s0  }
0xd2: {  	s0 =	sadd.s32 $0x8F2B, s0  }
0xd3: {  	[sflag:s0] =	ssyncadd.remote.s32 $0x1  }
0xd4: {  	_ =	sfence.sel $0xFFFF  }
0xd5: {  	[dreg:$0x0] =	wrdreg $0xFFFFFFFF;
	(pc) =	sbr.abs _section_cstart, $3  }
0xd6: {  	[dreg:$0x1] =	wrdreg $0xFFFFFFFF  }
0xd7: {  	_ =	task.clear_ibuf [dreg:s22], $0x2FFFF;
	_ =	strace $0x9FFFFFFF  }
0xd8: {  	(tm) =	ssettm $0x7FFFFFFF  }
0xd9: {  	_ =	shalt  }
tec
execute0_lowered:
.L_overlay_start_1:
0x0: {  	(tag) =	ssettag $0x1  }
0x1: {  	s1 =	srdreg.scid;
	s25 =	stileid.u32  }
0x2: {  	s10 =	sand.u32 $0x1, s1;
	s15 =	smul.u32 $0x2800, s25  }
0x3: {  	s2 =	rddreg [dreg:$0x0];
	s5 =	sor.u32 $0x10, s25;
	s14 =	smul.u32 $0x138800, s10  }
0x4: {  	s12 =	rddreg [dreg:$0x1];
	s6 =	sor.u32 $0x20, s25;
	s16 =	smul.u32 $0x2800, s5  }
0x5: {  	s0 =	simm.s32 $0x0;
	s9 =	sor.u32 $0x30, s25;
	s17 =	smul.u32 $0x2800, s6  }
0x6: {  	s31 =	simm.s32 $0x3;
	s7 =	sor.u32 $0x40, s25;
	s18 =	smul.u32 $0x2800, s9  }
0x7: {  	[smem:$0x7FF] =	sst s0;
	s8 =	sor.u32 $0x50, s25;
	s19 =	smul.u32 $0x2800, s7  }
0x8: {  	s4 =	sor.u32 $0x60, s25;
	s1 =	ssub.s32 $0x2, s10;
	s20 =	smul.u32 $0x2800, s8  }
0x9: {  	s13 =	sadd.s32 $0x8E00, s2;
	s23 =	smul.u32 $0x2800, s4;
	s3 =	sshrl.u32 s1, $0x1  }
0xa: {  	s24 =	sshll.u32 s25, $0x1;
	s5 =	smul.u32 $0xA000, s5;
	s11 =	ssub.s32 s1, s3  }
0xb: {  	s1 =	sor.u32 s10, s24;
	s3 =	sor.u32 $0x70, s25;
	s15 =	sadd.s32 s14, s15  }
0xc: {  	s16 =	sadd.s32 s14, s16;
	s17 =	sadd.s32 s14, s17;
	s18 =	sadd.s32 s14, s18  }
0xd: {  	s19 =	sadd.s32 s14, s19;
	s20 =	sadd.s32 s14, s20;
	s23 =	sadd.s32 s14, s23  }
0xe: {  	s5 =	sshrl.u32 s5, $0x2;
	s21 =	sshll.u32 s1, $0x4;
	s22 =	sor.u32 $0x20, s1  }
0xf: {  	s24 =	smul.u32 $0x2800, s3;
	s15 =	sshrl.u32 s15, $0x3;
	s16 =	sshrl.u32 s16, $0x3  }
0x10: {  	s11 =	smax.u32 s11, $0x1;
	p0 =	sgt.u32 s3, $0x7C;
	s3 =	smul.u32 $0xA000, s3  }
0x11: {  	p1 =	sgt.u32 s1, $0x10;
	s30 =	sor.u32 $0x60, s1;
	s15 =	sadd.s32 s13, s15  }
0x12: {  	s26 =	sadd.s32 s13, s16;
	s16 =	sshrl.u32 s17, $0x3;
	s17 =	sshrl.u32 s18, $0x3  }
0x13: {  	s18 =	sshrl.u32 s19, $0x3;
	s14 =	sadd.s32 s14, s24;
	[dreg:$0x4] =	wrdreg s15  }
0x14: {  	s24 =	sshll.u32 s22, $0x4;
	[dreg:$0x5] =	wrdreg s26;
	s15 =	sadd.s32 s13, s16  }
0x15: {  	s19 =	sadd.s32 s13, s18;
	s26 =	sshrl.u32 s20, $0x3;
	s16 =	sshrl.u32 s23, $0x3  }
0x16: {  	s18 =	sadd.s32 s12, s21;
	s20 =	sadd.s32 $0x4EA800, s2;
	s21 =	sshll.u32 s22, $0xB  }
0x17: {  	s22 =	sshll.u32 s1, $0xB;
	s23 =	sshll.u32 s25, $0xC;
	[dreg:$0x6] =	wrdreg s15  }
0x18: {  	s1 =	simm.s32 $0x80;
	s15 =	sadd.s32 s13, s17;
	[dreg:$0x8] =	wrdreg s19  }
0x19: {  	s14 =	sshrl.u32 s14, $0x3;
	s17 =	sshll.u32 s25, $0x5;
	[dreg:$0xc] =	wrdreg s18  }
0x1a: {  	s19 =	sadd.s32 s12, s24;
	s24 =	sshll.u32 s10, $0x4;
	s10 =	sshll.u32 s10, $0xB  }
0x1b: {  	s18 =	sshll.u32 s25, $0x6;
	[dreg:$0x7] =	wrdreg s15;
	s15 =	sadd.s32 s13, s26  }
0x1c: {  	[dreg:$0xd] =	wrdreg s19;
	s12 =	sadd.s32 s17, s12;
	s26 =	smul.u32 $0xA000, s25  }
0x1d: {  	s17 =	sadd.s32 $0x8800, s2;
	[dreg:$0x9] =	wrdreg s15;
	s15 =	sadd.s32 s13, s16  }
0x1e: {  	s19 =	smul.u32 $0xA000, s7;
	s13 =	sadd.s32 s13, s14;
	[dreg:$0xa] =	wrdreg s15  }
0x1f: {  	s14 =	sadd.s32 s20, s21;
	s16 =	sadd.s32 s24, s12;
	[dreg:$0xb] =	wrdreg s13  }
0x20: {  	s21 =	smul.u32 $0xA000, s8;
	s15 =	sadd.s32 s20, s22;
	[dreg:$0xf] =	wrdreg s14  }
0x21: {  	s13 =	sadd.s32 s23, s20;
	s12 =	sshrl.u32 s26, $0x2;
	s14 =	smul.u32 $0xA000, s9  }
0x22: {  	s20 =	sor.u32 $0x1C03, s18;
	s23 =	smul.u32 $0xA000, s4;
	s24 =	sshrl.u32 s19, $0x2  }
0x23: {  	s26 =	sshrl.u32 s3, $0x2;
	s3 =	simm.s32 $0x1;
	[dreg:$0xe] =	wrdreg s15  }
0x24: {  	s15 =	rddreg [dreg:$0x2];
	s10 =	sadd.s32 s10, s13;
	s13 =	smul.u32 $0xA000, s6  }
0x25: {  	s25 =	sshrl.u32 s21, $0x2;
	_ =	strace $0x8000004D;
	[dreg:$0x10] =	wrdreg s11  }
0x26: {  	s2 =	sadd.s32 s12, s15;
	s5 =	sadd.s32 s5, s15;
	s6 =	sshrl.u32 s14, $0x2  }
0x27: {  	s4 =	sadd.s32 s24, s15;
	s28 =	sadd.s32 s26, s15;
	[dreg:$0x11] =	wrdreg s2  }
0x28: {  	s29 =	sadd.s32 $0x30000, s10;
	[dreg:$0x12] =	wrdreg s5;
	s2 =	sshrl.u32 s13, $0x2  }
0x29: {  	s22 =	sadd.s32 s6, s15;
	[dreg:$0x15] =	wrdreg s4;
	s4 =	sadd.s32 s25, s15  }
0x2a: {  	s13 =	simm.s32 $0x100;
	s2 =	sadd.s32 s2, s15;
	[dreg:$0x14] =	wrdreg s22  }
0x2b: {  	s5 =	simm.s32 $0x4;
	[dreg:$0x13] =	wrdreg s2;
	s2 =	sshrl.u32 s23, $0x2  }
0x2c: {  	s6 =	simm.s32 $0x0;
	[dreg:$0x16] =	wrdreg s4;
	s2 =	sadd.s32 s2, s15  }
0x2d: {  	s4 =	simm.s32 $0x2;
	[dreg:$0x17] =	wrdreg s2;
	s2 =	simm.s32 $0x4100  }
.LBB2_1:
0x2e: {  	s7 =	rddreg [dreg:$0x11]  }
0x2f: {  	s7 =	sshrl.u32 s7, $0x3  }
0x30: {  	[spmem:s7], [sflag:s20] =	dma.local [hbm:s17], $0x500  }
0x31: {  	_ =	swait.ge [sflag:s31], $0x500  }
0x32: {  	[sflag:s31] =	ssyncset.done $0x0;
	s8 =	rddreg [dreg:$0x12]  }
0x33: {  	[sflag:s31] =	ssyncadd.s32 $0xFFFFFB00;
	s8 =	sshrl.u32 s8, $0x3  }
0x34: {  	[spmem:s8], [sflag:s20] =	dma.local [hbm:s17], $0x500  }
0x35: {  	_ =	swait.ge [sflag:s31], $0x500  }
0x36: {  	[sflag:s31] =	ssyncset.done $0x0;
	s9 =	rddreg [dreg:$0x13]  }
0x37: {  	[sflag:s31] =	ssyncadd.s32 $0xFFFFFB00;
	s9 =	sshrl.u32 s9, $0x3  }
0x38: {  	[spmem:s9], [sflag:s20] =	dma.local [hbm:s17], $0x500  }
0x39: {  	_ =	swait.ge [sflag:s31], $0x500  }
0x3a: {  	[sflag:s31] =	ssyncset.done $0x0;
	s10 =	rddreg [dreg:$0x14]  }
0x3b: {  	[sflag:s31] =	ssyncadd.s32 $0xFFFFFB00;
	s10 =	sshrl.u32 s10, $0x3  }
0x3c: {  	[spmem:s10], [sflag:s20] =	dma.local [hbm:s17], $0x500  }
0x3d: {  	_ =	swait.ge [sflag:s31], $0x500  }
0x3e: {  	[sflag:s31] =	ssyncset.done $0x0;
	s11 =	rddreg [dreg:$0x15]  }
0x3f: {  	[sflag:s31] =	ssyncadd.s32 $0xFFFFFB00;
	s11 =	sshrl.u32 s11, $0x3  }
0x40: {  	[spmem:s11], [sflag:s20] =	dma.local [hbm:s17], $0x500  }
0x41: {  	_ =	swait.ge [sflag:s31], $0x500  }
0x42: {  	[sflag:s31] =	ssyncset.done $0x0;
	s12 =	rddreg [dreg:$0x16]  }
0x43: {  	[sflag:s31] =	ssyncadd.s32 $0xFFFFFB00;
	s12 =	sshrl.u32 s12, $0x3  }
0x44: {  	[spmem:s12], [sflag:s20] =	dma.local [hbm:s17], $0x500  }
0x45: {  	_ =	swait.ge [sflag:s31], $0x500  }
0x46: {  	[sflag:s31] =	ssyncset.done $0x0;
	s14 =	rddreg [dreg:$0x17]  }
0x47: {  	[sflag:s31] =	ssyncadd.s32 $0xFFFFFB00;
	s14 =	sshrl.u32 s14, $0x3  }
0x48: {  	[spmem:s14], [sflag:s20] =	dma.local [hbm:s17], $0x500  }
0x49: {  	_ =	swait.ge [sflag:s31], $0x500  }
0x4a: {  	[sflag:s31] =	ssyncset.done $0x0  }
0x4b: {  	s18 =	sshrl.u32 @!p0 s28, $0x3;
	s19 =	simm.s32 @!p0 $0x3;
	[sflag:s31] =	ssyncadd.s32 $0xFFFFFB00  }
0x4c: {  	[spmem:s18], [sflag:s20] =	dma.local @!p0 [hbm:s17], $0x500  }
0x4d: {  	_ =	swait.ge @!p0 [sflag:s19], $0x500  }
0x4e: {  	[sflag:s19] =	ssyncset.done @!p0 $0x0  }
0x4f: {  	[sflag:s19] =	ssyncadd.s32 @!p0 $0xFFFFFB00  }
0x50: {  	[bflag:$0x0] =	sbarrier.arrive $0xFFFF  }
0x51: {  	s21 =	rddreg [dreg:$0xc]  }
0x52: {  	[tilespmem:s0], [sflag:$0x1] =	stream.linear.gather [hbm4b:s21+s0], $0x80, $0x38;
	[tilespmem:$0x1B980] =	vst v63  }
0x53: {  	s22 =	rddreg [dreg:$0xe]  }
0x54: {  	[tilespmem:s13], [sflag:$0x1] =	stream.linear.gather [hbm4b:s22+s0], $0x4000, $0x38;
	[tilespmem:$0x1B980] =	vst v63  }
0x55: {  	s23 =	rddreg [dreg:$0xd]  }
0x56: {  	[tilespmem:s1], [sflag:$0x2] =	stream.linear.gather [hbm4b:s23+s0], $0x80, $0x38;
	[tilespmem:$0x1B980] =	vst v63  }
0x57: {  	s24 =	rddreg [dreg:$0xf]  }
0x58: {  	[tilespmem:s2], [sflag:$0x2] =	stream.linear.gather [hbm4b:s24+s0], $0x4000, $0x38;
	[tilespmem:$0x1B980] =	vst v63  }
0x59: {  	_ =	swait.ge [sflag:s3], $0x80  }
0x5a: {  	[sflag:s3] =	ssyncset.done $0x0  }
0x5b: {  	[sflag:s3] =	ssyncadd.s32 $0xFFFFFF80  }
0x5c: {  	_ =	swait.ge [sflag:s3], $0x4000  }
0x5d: {  	[sflag:s3] =	ssyncset.done $0x0  }
0x5e: {  	[sflag:s3] =	ssyncadd.s32 $0xFFFFC000  }
0x5f: {  	[spmem:s15] =	stream.indirect.scatter.add.f32 [tilespmem:s13], [sflag:$0x3], $0x80, s0, s1, $0xb8;
	[tilespmem:$0x1B980] =	vst v63  }
0x60: {  	_ =	swait.ge [sflag:s31], $0x4000  }
0x61: {  	s25 =	sadd.s32 $0x0, s16;
	[sflag:s31] =	ssyncset.done $0x0  }
0x62: {  	s19 =	sadd.s32 $0x400, s25;
	[sflag:s31] =	ssyncadd.s32 $0xFFFFC000  }
0x63: {  	[tilespmem:s0], [sflag:$0x1] =	stream.linear.gather [hbm4b:s19+s0], $0x80, $0x38;
	[tilespmem:$0x1B980] =	vst v63  }
0x64: {  	s26 =	sadd.s32 $0xFFFF0000, s29  }
0x65: {  	[tilespmem:s13], [sflag:$0x1] =	stream.linear.gather [hbm4b:s26+s0], $0x4000, $0x38;
	[tilespmem:$0x1B980] =	vst v63  }
0x66: {  	_ =	swait.ge [sflag:s4], $0x80  }
0x67: {  	[sflag:s4] =	ssyncset.done $0x0  }
0x68: {  	[sflag:s4] =	ssyncadd.s32 $0xFFFFFF80  }
0x69: {  	_ =	swait.ge [sflag:s4], $0x4000  }
0x6a: {  	[sflag:s4] =	ssyncset.done $0x0  }
0x6b: {  	[sflag:s4] =	ssyncadd.s32 $0xFFFFC000  }
0x6c: {  	[spmem:s15] =	stream.indirect.scatter.add.f32 [tilespmem:s2], [sflag:$0x4], $0x80, s1, s1, $0xb8;
	[tilespmem:$0x1B980] =	vst v63  }
0x6d: {  	p2 =	sgt.u32 s30, $0x270;
	_ =	swait.ge [sflag:s5], $0x4000  }
0x6e: {  	s21 =	simm.s32 @!p2 $0x80;
	s19 =	sadd.s32 @!p2 $0x0, s16;
	[sflag:s5] =	ssyncset.done $0x0  }
0x6f: {  	s22 =	simm.s32 @!p2 $0x0;
	s19 =	sadd.s32 @!p2 $0x600, s19;
	[sflag:s5] =	ssyncadd.s32 $0xFFFFC000  }
0x70: {  	[tilespmem:s21], [sflag:$0x2] =	stream.linear.gather @!p2 [hbm4b:s19+s22], $0x80, $0x38;
	[tilespmem:$0x1B980] =	vst v63  }
0x71: {  	s19 =	simm.s32 @!p2 $0x4100  }
0x72: {  	[tilespmem:s19], [sflag:$0x2] =	stream.linear.gather @!p2 [hbm4b:s29+s22], $0x4000, $0x38;
	[tilespmem:$0x1B980] =	vst v63  }
0x73: {  	_ =	swait.ge [sflag:s3], $0x80  }
0x74: {  	[sflag:s3] =	ssyncset.done $0x0  }
0x75: {  	[sflag:s3] =	ssyncadd.s32 $0xFFFFFF80  }
0x76: {  	_ =	swait.ge [sflag:s3], $0x4000  }
0x77: {  	[sflag:s3] =	ssyncset.done $0x0  }
0x78: {  	s23 =	simm.s32 $0x800;
	[sflag:s3] =	ssyncadd.s32 $0xFFFFC000  }
0x79: {  	[spmem:s15] =	stream.indirect.scatter.add.f32 [tilespmem:s13], [sflag:$0x3], $0x80, s0, s1, $0xb8;
	[tilespmem:$0x1B980] =	vst v63  }
0x7a: {  	s24 =	sadd.s32 $0x400, s16;
	s21 =	sadd.s32 $0x40, s30;
	_ =	swait.ge [sflag:s31], $0x4000  }
0x7b: {  	s22 =	simm.s32 $0x400;
	s19 =	sadd.s32 $0x20000, s29;
	[sflag:s31] =	ssyncset.done $0x0  }
.LBB2_2:
0x7c: {  	s24 =	sadd.s32 $0x400, s24  }
0x7d: {  	[sflag:s31] =	ssyncadd.s32 $0xFFFFC000;
	s25 =	smov.u32 s23;
	s23 =	sadd.s32 $0x400, s23  }
0x7e: {  	[tilespmem:s0], [sflag:$0x1] =	stream.linear.gather [hbm4b:s24+s0], $0x80, $0x38;
	[tilespmem:$0x1B980] =	vst v63  }
0x7f: {  	p2 =	sne.s32 s23, $0x2400;
	s24 =	sadd.s32 $0xFFFF0000, s19  }
0x80: {  	[tilespmem:s13], [sflag:$0x1] =	stream.linear.gather [hbm4b:s24+s0], $0x4000, $0x38;
	[tilespmem:$0x1B980] =	vst v63  }
0x81: {  	_ =	swait.ge [sflag:s4], $0x80  }
0x82: {  	[sflag:s4] =	ssyncset.done $0x0  }
0x83: {  	[sflag:s4] =	ssyncadd.s32 $0xFFFFFF80  }
0x84: {  	_ =	swait.ge [sflag:s4], $0x4000  }
0x85: {  	[sflag:s4] =	ssyncset.done $0x0  }
0x86: {  	[sflag:s4] =	ssyncadd.s32 $0xFFFFC000  }
0x87: {  	[spmem:s15] =	stream.indirect.scatter.add.f32 [tilespmem:s2], [sflag:$0x4], $0x80, s1, s1, $0xb8;
	[tilespmem:$0x1B980] =	vst v63  }
0x88: {  	p3 =	sgt.u32 s21, $0x270;
	_ =	swait.ge [sflag:s5], $0x4000  }
0x89: {  	s22 =	sadd.s32 @!p3 s22, s16;
	s24 =	simm.s32 @!p3 $0x80;
	[sflag:s5] =	ssyncset.done $0x0  }
0x8a: {  	s26 =	simm.s32 @!p3 $0x0;
	s22 =	sadd.s32 @!p3 $0x600, s22;
	[sflag:s5] =	ssyncadd.s32 $0xFFFFC000  }
0x8b: {  	[tilespmem:s24], [sflag:$0x2] =	stream.linear.gather @!p3 [hbm4b:s22+s26], $0x80, $0x38;
	[tilespmem:$0x1B980] =	vst v63  }
0x8c: {  	s24 =	simm.s32 @!p3 $0x4100;
	s22 =	smov.u32 s25  }
0x8d: {  	[tilespmem:s24], [sflag:$0x2] =	stream.linear.gather @!p3 [hbm4b:s19+s26], $0x4000, $0x38;
	[tilespmem:$0x1B980] =	vst v63  }
0x8e: {  	_ =	swait.ge [sflag:s3], $0x80  }
0x8f: {  	[sflag:s3] =	ssyncset.done $0x0  }
0x90: {  	[sflag:s3] =	ssyncadd.s32 $0xFFFFFF80  }
0x91: {  	_ =	swait.ge [sflag:s3], $0x4000  }
.Ltmp0:
0x92: {  	[sflag:s3] =	ssyncset.done $0x0;
	(pc) =	sbr.rel @p2 .LBB2_2-.Ltmp0, $4  }
0x93: {  	[sflag:s3] =	ssyncadd.s32 $0xFFFFC000  }
0x94: {  	[spmem:s15] =	stream.indirect.scatter.add.f32 [tilespmem:s13], [sflag:$0x3], $0x80, s0, s1, $0xb8;
	[tilespmem:$0x1B980] =	vst v63  }
0x95: {  	s21 =	sadd.s32 $0x40, s21;
	_ =	swait.ge [sflag:s31], $0x4000  }
0x96: {  	s24 =	sadd.s32 s22, s16;
	s19 =	sadd.s32 $0x20000, s19;
	[sflag:s31] =	ssyncset.done $0x0  }
0x97: {  	s23 =	sadd.s32 $0x400, s24;
	[sflag:s31] =	ssyncadd.s32 $0xFFFFC000  }
0x98: {  	[tilespmem:s0], [sflag:$0x1] =	stream.linear.gather [hbm4b:s23+s0], $0x80, $0x38;
	[tilespmem:$0x1B980] =	vst v63  }
0x99: {  	s25 =	sadd.s32 $0xFFFF0000, s19  }
0x9a: {  	[tilespmem:s13], [sflag:$0x1] =	stream.linear.gather [hbm4b:s25+s0], $0x4000, $0x38;
	[tilespmem:$0x1B980] =	vst v63  }
0x9b: {  	_ =	swait.ge [sflag:s4], $0x80  }
0x9c: {  	[sflag:s4] =	ssyncset.done $0x0  }
0x9d: {  	[sflag:s4] =	ssyncadd.s32 $0xFFFFFF80  }
0x9e: {  	_ =	swait.ge [sflag:s4], $0x4000  }
0x9f: {  	[sflag:s4] =	ssyncset.done $0x0  }
0xa0: {  	[sflag:s4] =	ssyncadd.s32 $0xFFFFC000  }
0xa1: {  	[spmem:s15] =	stream.indirect.scatter.add.f32 [tilespmem:s2], [sflag:$0x4], $0x80, s1, s1, $0xb8;
	[tilespmem:$0x1B980] =	vst v63  }
0xa2: {  	p2 =	sgt.u32 s21, $0x270;
	_ =	swait.ge [sflag:s5], $0x4000  }
0xa3: {  	s21 =	sadd.s32 @!p2 s22, s16;
	s22 =	simm.s32 @!p2 $0x80;
	[sflag:s5] =	ssyncset.done $0x0  }
0xa4: {  	s23 =	simm.s32 @!p2 $0x0;
	s21 =	sadd.s32 @!p2 $0x600, s21;
	[sflag:s5] =	ssyncadd.s32 $0xFFFFC000  }
0xa5: {  	[tilespmem:s22], [sflag:$0x2] =	stream.linear.gather @!p2 [hbm4b:s21+s23], $0x80, $0x38;
	[tilespmem:$0x1B980] =	vst v63  }
0xa6: {  	s21 =	simm.s32 @!p2 $0x4100  }
0xa7: {  	[tilespmem:s21], [sflag:$0x2] =	stream.linear.gather @!p2 [hbm4b:s19+s23], $0x4000, $0x38;
	[tilespmem:$0x1B980] =	vst v63  }
0xa8: {  	_ =	swait.ge [sflag:s3], $0x80  }
0xa9: {  	[sflag:s3] =	ssyncset.done $0x0  }
0xaa: {  	[sflag:s3] =	ssyncadd.s32 $0xFFFFFF80  }
0xab: {  	_ =	swait.ge [sflag:s3], $0x4000  }
0xac: {  	[sflag:s3] =	ssyncset.done $0x0  }
0xad: {  	[sflag:s3] =	ssyncadd.s32 $0xFFFFC000  }
0xae: {  	[spmem:s15] =	stream.indirect.scatter.add.f32 [tilespmem:s13], [sflag:$0x3], $0x80, s0, s1, $0xb8;
	[tilespmem:$0x1B980] =	vst v63  }
0xaf: {  	_ =	swait.ge [sflag:s31], $0x4000  }
0xb0: {  	[sflag:s31] =	ssyncset.done $0x0  }
0xb1: {  	s19 =	simm.s32 @!p1 $0x2;
	[sflag:s31] =	ssyncadd.s32 $0xFFFFC000  }
0xb2: {  	_ =	swait.ge @!p1 [sflag:s19], $0x80  }
0xb3: {  	[sflag:s19] =	ssyncset.done @!p1 $0x0  }
0xb4: {  	[sflag:s19] =	ssyncadd.s32 @!p1 $0xFFFFFF80  }
0xb5: {  	_ =	swait.ge @!p1 [sflag:s19], $0x4000  }
0xb6: {  	[sflag:s19] =	ssyncset.done @!p1 $0x0  }
0xb7: {  	s21 =	simm.s32 @!p1 $0x4100;
	[sflag:s19] =	ssyncadd.s32 @!p1 $0xFFFFC000;
	s19 =	simm.s32 @!p1 $0x80  }
0xb8: {  	[spmem:s15] =	stream.indirect.scatter.add.f32 @!p1 [tilespmem:s21], [sflag:$0x3], $0x80, s19, s19, $0xb8;
	[tilespmem:$0x1B980] =	vst v63  }
0xb9: {  	s19 =	simm.s32 @!p1 $0x3  }
0xba: {  	_ =	swait.ge @!p1 [sflag:s19], $0x4000  }
0xbb: {  	[sflag:s19] =	ssyncset.done @!p1 $0x0  }
0xbc: {  	[sflag:s19] =	ssyncadd.s32 @!p1 $0xFFFFC000  }
0xbd: {  	[bflag:$0x0] =	sbarrier.arrive $0xFFFF  }
0xbe: {  	s26 =	rddreg [dreg:$0x4]  }
0xbf: {  	[hbm:s26], [sflag:s20] =	dma.local [spmem:s7], $0x500  }
0xc0: {  	_ =	swait.ge [sflag:s31], $0x500  }
0xc1: {  	[sflag:s31] =	ssyncset.done $0x0  }
0xc2: {  	s19 =	rddreg [dreg:$0x5];
	[sflag:s31] =	ssyncadd.s32 $0xFFFFFB00  }
0xc3: {  	[hbm:s19], [sflag:s20] =	dma.local [spmem:s8], $0x500  }
0xc4: {  	_ =	swait.ge [sflag:s31], $0x500  }
0xc5: {  	[sflag:s31] =	ssyncset.done $0x0  }
0xc6: {  	s21 =	rddreg [dreg:$0x6];
	[sflag:s31] =	ssyncadd.s32 $0xFFFFFB00  }
0xc7: {  	[hbm:s21], [sflag:s20] =	dma.local [spmem:s9], $0x500  }
0xc8: {  	_ =	swait.ge [sflag:s31], $0x500  }
0xc9: {  	[sflag:s31] =	ssyncset.done $0x0  }
0xca: {  	s22 =	rddreg [dreg:$0x7];
	[sflag:s31] =	ssyncadd.s32 $0xFFFFFB00  }
0xcb: {  	[hbm:s22], [sflag:s20] =	dma.local [spmem:s10], $0x500  }
0xcc: {  	_ =	swait.ge [sflag:s31], $0x500  }
0xcd: {  	[sflag:s31] =	ssyncset.done $0x0  }
0xce: {  	s23 =	rddreg [dreg:$0x8];
	[sflag:s31] =	ssyncadd.s32 $0xFFFFFB00  }
0xcf: {  	[hbm:s23], [sflag:s20] =	dma.local [spmem:s11], $0x500  }
0xd0: {  	_ =	swait.ge [sflag:s31], $0x500  }
0xd1: {  	[sflag:s31] =	ssyncset.done $0x0  }
0xd2: {  	s24 =	rddreg [dreg:$0x9];
	[sflag:s31] =	ssyncadd.s32 $0xFFFFFB00  }
0xd3: {  	[hbm:s24], [sflag:s20] =	dma.local [spmem:s12], $0x500  }
0xd4: {  	_ =	swait.ge [sflag:s31], $0x500  }
0xd5: {  	[sflag:s31] =	ssyncset.done $0x0  }
0xd6: {  	s25 =	rddreg [dreg:$0xa];
	[sflag:s31] =	ssyncadd.s32 $0xFFFFFB00  }
0xd7: {  	[hbm:s25], [sflag:s20] =	dma.local [spmem:s14], $0x500  }
0xd8: {  	_ =	swait.ge [sflag:s31], $0x500  }
0xd9: {  	[sflag:s31] =	ssyncset.done $0x0  }
0xda: {  	s7 =	rddreg [dreg:$0xb];
	[sflag:s31] =	ssyncadd.s32 $0xFFFFFB00  }
0xdb: {  	[hbm:s7], [sflag:s20] =	dma.local @!p0 [spmem:s18], $0x500  }
0xdc: {  	s7 =	simm.s32 @!p0 $0x3  }
0xdd: {  	_ =	swait.ge @!p0 [sflag:s7], $0x500  }
0xde: {  	s6 =	sadd.s32 $0x1, s6;
	s26 =	rddreg [dreg:$0x10]  }
0xdf: {  	p2 =	sne.s32 s6, s26  }
.Ltmp1:
0xe0: {  	_ = 	snop;
	(pc) =	sbr.rel @p2 .LBB2_1-.Ltmp1, $3  }
0xe1: {  	_ =	sdelay $0x1  }
0xe2: {  	[sflag:s7] =	ssyncset.done @!p0 $0x0  }
0xe3: {  	[sflag:s7] =	ssyncadd.s32 @!p0 $0xFFFFFB00  }
0xe4: {  	_ =	sfence.sel $0x180000  }
0xe5: {  	[bflag:$0x0] =	sbarrier.arrive $0xFFFF  }
0xe6: {  	_ =	strace $0x9000004D  }
0xe7: {  	s0 =	stileid.u32;
	[bflag:$0x2] =	sbarrier.arrive $0xFFFF  }
0xe8: {  	p0 =	sne.s32 s0, $0x0;
	s0 =	rddreg [dreg:$0x3]  }
0xe9: {  	s0 =	sadd.s32 @!p0 $0x100000, s0  }
0xea: {  	[sflag:s0] =	ssyncadd.tile.s32 @!p0 $0x1;
	_ =	shalt  }
.Lfunc_end2:
_tile_overlayer_lowered:
.L_overlay_start_2:
0xeb: {  	(tag) =	ssettag $0x2  }
0xec: {  	s0 =	rddreg [dreg:$0x0];
	s2 =	stileid.u32  }
0xed: {  	s1 =	rddreg [dreg:$0x1];
	p0 =	sne.s32 s2, $0x0  }
0xee: {  	s3 =	rddreg [dreg:$0x2];
	[bflag:$0x3] =	sbarrier.arrive $0xFFFF;
	s2 =	simm.s32 @!p0 $0x1C03  }
0xef: {  	[timem:s3], [sflag:s2] =	dma.local @!p0 [hbm:s0], s1  }
0xf0: {  	s0 =	simm.s32 @!p0 $0x3  }
0xf1: {  	_ =	swait.ge @!p0 [sflag:s0], s1  }
0xf2: {  	s1 =	ssub.s32 @!p0 $0x0, s1;
	[sflag:s0] =	ssyncset.done @!p0 $0x0  }
0xf3: {  	[sflag:s0] =	ssyncadd.s32 @!p0 s1  }
0xf4: {  	[bflag:$0x3] =	sbarrier.arrive $0xFFFF  }
0xf5: {  	_ =	shalt  }

// kernel: kernel.18.cloned.1.call-start
scs
__scs_entry_jumppad:
0x0: {  	(pc) =	sbr.rel $0x88, $3  }
0x1: {  	(tag) =	ssettag $0x0;
	lr =	simm.s32 $0x1  }
0x2: {  	[smem:$0x3F91] =	sst lr;
	_ =	strace $0xD0000000  }
0x3: {  	_ = 	snop  }
0x4: {  	_ = 	snop  }
0x5: {  	_ = 	snop  }
0x6: {  	_ = 	snop  }
0x7: {  	_ = 	snop  }
__scs_overlays_trampoline_lowered:
0x8: {  	[smem:$0x3FA0] =	sst s0  }
0x9: {  	[smem:$0x3FA1] =	sst s1  }
0xa: {  	[smem:$0x3FA2] =	sst s2  }
0xb: {  	[smem:$0x3FA3] =	sst s3  }
0xc: {  	[smem:$0x3FA4] =	sst s4  }
0xd: {  	[smem:$0x3FA5] =	sst s5  }
0xe: {  	[smem:$0x3FA6] =	sst s6  }
0xf: {  	[smem:$0x3FA7] =	sst s7  }
0x10: {  	[smem:$0x3FA8] =	sst s8  }
0x11: {  	[smem:$0x3FA9] =	sst s9;
	s0 =	simm.s32 @!p0 $0x0  }
0x12: {  	s1 =	sld [smem:$0x3F8F];
	s0 =	simm.s32 @p0 $0x1  }
0x13: {  	[smem:$0x3FAA] =	sst s0;
	s0 =	simm.s32 @!p1 $0x0  }
0x14: {  	s2 =	sld [smem:$0x3F8E];
	s0 =	simm.s32 @p1 $0x1  }
0x15: {  	[smem:$0x3FAB] =	sst s0;
	s0 =	simm.s32 @!p2 $0x0  }
0x16: {  	s3 =	sld [smem:$0x3FDB];
	s0 =	simm.s32 @p2 $0x1  }
0x17: {  	s4 =	simm.s32 $0x1BF5;
	[smem:$0x3FAD] =	sst s0  }
0x18: {  	s0 =	sld [smem:$0x3F90];
	_ =	swait.ge [sflag:s4], $0x0  }
0x19: {  	s7 =	sld [smem:$0x3F91]  }
0x1a: {  	s8 =	sadd.s32 $0xFFFFE003, lr  }
0x1b: {  	s9 =	sadd.s32 $0xFFFFFEF7, lr;
	s5 =	simm.s32 $0xFFFFFFFF;
	p2 =	slt.u32 s8, $0xFFFFF086  }
0x1c: {  	p1 =	slt.u32 s9, $0xF7A;
	s5 =	simm.s32 @!p2 $0x0  }
0x1d: {  	s5 =	simm.s32 @p1 $0x1;
	p0 =	seq.s32 s7, s2  }
0x1e: {  	s7 =	smul.u32 @!p0 $0xF7A, s2;
	p2 =	seq.s32 @!p0 s5, $0x0  }
0x1f: {  	s9 =	smul.u32 $0xF7A, s1;
	s8 =	simm.s32 @!p0 $0x1BF5;
	p2 =	por !p2, p0  }
0x20: {  	[sflag:s8] =	ssyncset.s32 @!p0 $0xFFFFF086;
	s6 =	sadd.s32 @!p0 s3, s7;
	s7 =	simm.s32 @!p0 $0x108  }
0x21: {  	s3 =	sadd.s32 s3, s9;
	s6 =	sadd.s32 @!p0 $0x88, s6;
	s7 =	simm.s32 @p2 $0x1082  }
0x22: {  	[simem:s7], [sflag:s8] =	dma.local @!p0 [hbm:s6], $0xF7A  }
0x23: {  	s9 =	sor.u32 $0xD0000000, s2;
	s6 =	simm.s32 $0x108;
	_ =	swait.ge @!p0 [sflag:s8], $0x0  }
0x24: {  	s3 =	sadd.s32 $0x88, s3;
	s6 =	simm.s32 @!p1 $0x1082;
	[sflag:s4] =	ssyncset.s32 $0xFFFFF086  }
0x25: {  	[simem:s6], [sflag:s4] =	dma.local [hbm:s3], $0xF7A  }
0x26: {  	[smem:$0x3F91] =	sst s1;
	(tag) =	ssettag s2;
	_ =	strace s9  }
0x27: {  	s1 =	sld [smem:$0x3FA1]  }
0x28: {  	s2 =	sld [smem:$0x3FA2]  }
0x29: {  	s4 =	sld [smem:$0x3FA4]  }
0x2a: {  	p0 =	seq.s32 s5, $0x0;
	s5 =	sld [smem:$0x3FA5]  }
0x2b: {  	s6 =	sld [smem:$0x3FA6]  }
0x2c: {  	s7 =	sld [smem:$0x3FA7]  }
0x2d: {  	s3 =	simm.s32 $0x108;
	s8 =	sld [smem:$0x3FA8]  }
0x2e: {  	s3 =	simm.s32 @!p0 $0x1082;
	s9 =	sld [smem:$0x3FA9]  }
0x2f: {  	lr =	sadd.s32 s0, s3;
	s0 =	sld [smem:$0x3FA0]  }
0x30: {  	s3 =	sld [smem:$0x3FA3]  }
0x31: {  	[smem:$0x3FAC] =	sst s10  }
0x32: {  	s10 =	sld [smem:$0x3FAA];
	_ =	sdelay $0x3  }
0x33: {  	p0 =	seq.s32 s10, $0x1;
	s10 =	sld [smem:$0x3FAC];
	_ =	sdelay $0x3  }
0x34: {  	[smem:$0x3FAC] =	sst s10  }
0x35: {  	s10 =	sld [smem:$0x3FAB];
	_ =	sdelay $0x3  }
0x36: {  	p1 =	seq.s32 s10, $0x1;
	s10 =	sld [smem:$0x3FAC];
	_ =	sdelay $0x3  }
0x37: {  	[smem:$0x3FAC] =	sst s10  }
0x38: {  	s10 =	sld [smem:$0x3FAD]  }
0x39: {  	_ = 	snop;
	(pc) =	sbr.ind lr, $3  }
0x3a: {  	_ = 	snop  }
0x3b: {  	_ = 	snop  }
0x3c: {  	p2 =	seq.s32 s10, $0x1;
	s10 =	sld [smem:$0x3FAC]  }
0x3d: {  	_ =	shalt  }
0x3e: {  	_ =	shalt  }
0x3f: {  	_ =	shalt  }
0x40: {  	_ =	shalt  }
0x41: {  	_ =	shalt  }
0x42: {  	_ =	shalt  }
0x43: {  	_ =	shalt  }
0x44: {  	_ =	shalt  }
0x45: {  	_ =	shalt  }
0x46: {  	_ =	shalt  }
0x47: {  	_ =	shalt  }
0x48: {  	_ =	shalt  }
0x49: {  	_ =	shalt  }
0x4a: {  	_ =	shalt  }
0x4b: {  	_ =	shalt  }
0x4c: {  	_ =	shalt  }
0x4d: {  	_ =	shalt  }
0x4e: {  	_ =	shalt  }
0x4f: {  	_ =	shalt  }
0x50: {  	_ =	shalt  }
0x51: {  	_ =	shalt  }
0x52: {  	_ =	shalt  }
0x53: {  	_ =	shalt  }
0x54: {  	_ =	shalt  }
0x55: {  	_ =	shalt  }
0x56: {  	_ =	shalt  }
0x57: {  	_ =	shalt  }
0x58: {  	_ =	shalt  }
0x59: {  	_ =	shalt  }
0x5a: {  	_ =	shalt  }
0x5b: {  	_ =	shalt  }
0x5c: {  	_ =	shalt  }
0x5d: {  	_ =	shalt  }
0x5e: {  	_ =	shalt  }
0x5f: {  	_ =	shalt  }
0x60: {  	_ =	shalt  }
0x61: {  	_ =	shalt  }
0x62: {  	_ =	shalt  }
0x63: {  	_ =	shalt  }
0x64: {  	_ =	shalt  }
0x65: {  	_ =	shalt  }
0x66: {  	_ =	shalt  }
0x67: {  	_ =	shalt  }
0x68: {  	_ =	shalt  }
0x69: {  	_ =	shalt  }
0x6a: {  	_ =	shalt  }
0x6b: {  	_ =	shalt  }
0x6c: {  	_ =	shalt  }
0x6d: {  	_ =	shalt  }
0x6e: {  	_ =	shalt  }
0x6f: {  	_ =	shalt  }
0x70: {  	_ =	shalt  }
0x71: {  	_ =	shalt  }
0x72: {  	_ =	shalt  }
0x73: {  	_ =	shalt  }
0x74: {  	_ =	shalt  }
0x75: {  	_ =	shalt  }
0x76: {  	_ =	shalt  }
0x77: {  	_ =	shalt  }
0x78: {  	_ =	shalt  }
0x79: {  	_ =	shalt  }
0x7a: {  	_ =	shalt  }
0x7b: {  	_ =	shalt  }
0x7c: {  	_ =	shalt  }
0x7d: {  	_ =	shalt  }
0x7e: {  	_ =	shalt  }
0x7f: {  	_ =	shalt  }
0x80: {  	_ =	shalt  }
0x81: {  	_ =	shalt  }
0x82: {  	_ =	shalt  }
0x83: {  	_ =	shalt  }
0x84: {  	_ =	shalt  }
0x85: {  	_ =	shalt  }
0x86: {  	_ =	shalt  }
0x87: {  	_ =	shalt  }
.Lfunc_end0:
.L_simem_size_0:
called_computation.3_lowered:
.L_overlay_start_0:
0x88: {  	s2 =	sld [smem:$0x3FD9]  }
0x89: {  	s3 =	sld [smem:$0x3FFE];
	_ =	sdelay $0x1  }
0x8a: {  	s1 =	srdreg.scid  }
0x8b: {  	s0 =	sand.u32 $0x1, s1  }
0x8c: {  	s15 =	sshll.u32 s0, $0xA;
	s2 =	sadd.s32 s3, s2  }
0x8d: {  	s2 =	sadd.s32 s2, s15  }
0x8e: {  	[smem:$0x3FB8] =	sst s2  }
0x8f: {  	_ = 	snop  }
0x90: {  	s2 =	sld [smem:$0x3FD0];
	_ =	sdelay $0x2  }
0x91: {  	s16 =	simm.s32 $0xB;
	s4 =	simm.s32 $0x10  }
0x92: {  	[smem:s4], [sflag:s16] =	dma.local [hbm:s2], $0x1  }
0x93: {  	_ =	swait.eq [sflag:s16], $0x1  }
0x94: {  	[sflag:s16] =	ssyncset.done $0x0  }
0x95: {  	[sflag:s16] =	ssyncadd.s32 $0xFFFFFFFF  }
0x96: {  	s17 =	sld [smem:$0x10];
	(tm) =	ssettm $0x1  }
0x97: {  	s18 =	sld [smem:$0x3FFB];
	_ =	sdelay $0x3  }
0x98: {  	_ =	strace s18  }
0x99: {  	s2 =	sld [smem:$0x3FFC];
	_ =	sdelay $0x3  }
0x9a: {  	_ =	strace s2  }
0x9b: {  	s2 =	sld [smem:$0x3FFD];
	_ =	sdelay $0x3  }
0x9c: {  	_ =	strace s2  }
0x9d: {  	_ =	strace $0x8FFFFFFF  }
0x9e: {  	s19 =	sld [smem:$0x3FDB];
	_ =	sdelay $0x1  }
0x9f: {  	s20 =	simm.s32 $_scs_section_size  }
0xa0: {  	s5 =	simm.s32 $_size__tile_overlayer_lowered;
	s6 =	simm.s32 $_tile_overlayer_lowered  }
0xa1: {  	s7 =	simm.s32 $0x1BFF;
	s21 =	sshll.u32 s6, $0x1;
	s4 =	sadd.s32 s20, s19  }
0xa2: {  	s22 =	simm.s32 $0x0;
	s5 =	sshll.u32 s5, $0x1;
	s6 =	sadd.s32 s21, s4  }
0xa3: {  	[timem:s22], [sflag:s7] =	dma.local [hbm:s6], s5  }
0xa4: {  	_ =	swait.ge [sflag:s7], s5  }
0xa5: {  	s5 =	ssub.s32 $0x0, s5;
	[sflag:s7] =	ssyncset.done $0x0  }
0xa6: {  	[sflag:s7] =	ssyncadd.s32 s5;
	_ =	sdelay $0x1  }
0xa7: {  	s23 =	simm.s32 $0x1B8B  }
0xa8: {  	_ =	swait.ge [sflag:s23], $0x1  }
0xa9: {  	[sflag:s23] =	ssyncset.done $0x0  }
0xaa: {  	[sflag:s23] =	ssyncadd.s32 $0xFFFFFFFF  }
0xab: {  	s5 =	sld [smem:$0x0]  }
0xac: {  	s6 =	sand.u32 $0xFFFFFFFE, s1  }
0xad: {  	p0 =	sne.s32 s1, s6  }
0xae: {  	s6 =	sshll.u32 @p0 s6, $0xE  }
0xaf: {  	s6 =	sadd.s32 @p0 $0x11B8D, s6;
	s7 =	sshll.u32 @p0 s5, $0x11  }
0xb0: {  	s6 =	sor.u32 @p0 s7, s6  }
0xb1: {  	[sflag:s6] =	ssyncadd.remote.s32 @p0 $0x1;
	_ =	sdelay $0x1  }
0xb2: {  	s6 =	simm.s32 @p0 $0x1B8D  }
0xb3: {  	_ =	swait.eq @p0 [sflag:s6], $0x1  }
0xb4: {  	[sflag:s6] =	ssyncadd.s32 @p0 $0xFFFFFFFF  }
0xb5: {  	s7 =	sshll.u32 @!p0 s1, $0xE  }
0xb6: {  	s7 =	sor.u32 @!p0 $0x4000, s7;
	s6 =	simm.s32 @!p0 $0x1B8D  }
0xb7: {  	s5 =	sshll.u32 @!p0 s5, $0x11;
	s7 =	sadd.s32 @!p0 $0x11B8D, s7;
	_ =	swait.eq @!p0 [sflag:s6], $0x1  }
0xb8: {  	s5 =	sor.u32 @!p0 s5, s7;
	[sflag:s6] =	ssyncadd.s32 @!p0 $0xFFFFFFFF  }
0xb9: {  	s25 =	simm.s32 $0x1B8E;
	s24 =	sld [smem:$0x3FFE];
	[sflag:s5] =	ssyncadd.remote.s32 @!p0 $0x1  }
0xba: {  	s26 =	simm.s32 $execute0_lowered;
	[smem:$0x3FD2] =	sst s25  }
0xbb: {  	s6 =	sshll.u32 s26, $0x1;
	_ =	strace $0x8000004F;
	[dreg:$0x1] =	wrdreg $0xFFFFFFFF  }
0xbc: {  	s28 =	simm.s32 $_size_execute0_lowered;
	s4 =	sadd.s32 s4, s6;
	[dreg:$0x0] =	wrdreg $0x0  }
0xbd: {  	s6 =	sshll.u32 s28, $0x1;
	[dreg:$0x2] =	wrdreg s4  }
0xbe: {  	[dreg:$0x3] =	wrdreg s6  }
0xbf: {  	[dreg:$0x4] =	wrdreg $0xC0  }
0xc0: {  	_ =	task [dreg:s22], $0x5FFFF  }
0xc1: {  	[dreg:$0x1] =	wrdreg $0xFFFFFFFF  }
0xc2: {  	[dreg:$0x0] =	wrdreg $0x60  }
0xc3: {  	[dreg:$0x2] =	wrdreg s24  }
0xc4: {  	[dreg:$0x3] =	wrdreg s17  }
0xc5: {  	[dreg:$0x4] =	wrdreg $0x81000  }
0xc6: {  	[dreg:$0x5] =	wrdreg $0x9  }
0xc7: {  	_ =	task.clear_ibuf [dreg:s22], $0x6FFFF;
	_ =	strace $0x9000004F  }
0xc8: {  	s29 =	simm.s32 $0x9;
	_ =	strace $0x80000051  }
0xc9: {  	_ =	swait.ge [sflag:s29], $0x1  }
0xca: {  	[sflag:s29] =	ssyncadd.s32 $0xFFFFFFFF  }
0xcb: {  	_ =	strace $0x90000051  }
0xcc: {  	_ =	sfence  }
0xcd: {  	s30 =	sld [smem:$0x0];
	_ =	sdelay $0x2  }
0xce: {  	s31 =	sshll.u32 s1, $0xD;
	s1 =	sshrl.u32 s1, $0x2  }
0xcf: {  	s4 =	sand.u32 $0x4000, s31;
	s1 =	sadd.s32 s1, s30  }
0xd0: {  	s0 =	sor.u32 s4, s0;
	s1 =	sshll.u32 s1, $0x11  }
0xd1: {  	s0 =	sor.u32 s1, s0  }
0xd2: {  	s0 =	sadd.s32 $0x8F2B, s0  }
0xd3: {  	[sflag:s0] =	ssyncadd.remote.s32 $0x1  }
0xd4: {  	_ =	sfence.sel $0xFFFF  }
0xd5: {  	[dreg:$0x0] =	wrdreg $0xFFFFFFFF;
	(pc) =	sbr.abs _section_cstart, $3  }
0xd6: {  	[dreg:$0x1] =	wrdreg $0xFFFFFFFF  }
0xd7: {  	_ =	task.clear_ibuf [dreg:s22], $0x2FFFF;
	_ =	strace $0x9FFFFFFF  }
0xd8: {  	(tm) =	ssettm $0x7FFFFFFF  }
0xd9: {  	_ =	shalt  }
tec
execute0_lowered:
.L_overlay_start_1:
0x0: {  	(tag) =	ssettag $0x1  }
0x1: {  	s0 =	srdreg.scid;
	s23 =	stileid.u32  }
0x2: {  	s3 =	rddreg [dreg:$0x0];
	s8 =	sand.u32 $0x1, s0;
	s15 =	smul.u32 $0x2800, s23  }
0x3: {  	s12 =	rddreg [dreg:$0x1];
	s11 =	sor.u32 $0x10, s23;
	s14 =	smul.u32 $0x138800, s8  }
0x4: {  	s1 =	simm.s32 $0x0;
	s9 =	sor.u32 $0x20, s23;
	s16 =	smul.u32 $0x2800, s11  }
0x5: {  	s31 =	simm.s32 $0x3;
	s10 =	sor.u32 $0x30, s23;
	s17 =	smul.u32 $0x2800, s9  }
0x6: {  	s22 =	sshll.u32 s23, $0x1;
	s6 =	sor.u32 $0x50, s23;
	s19 =	smul.u32 $0x2800, s10  }
0x7: {  	s13 =	sadd.s32 $0x2710, s12;
	s4 =	sor.u32 $0x60, s23;
	s24 =	smul.u32 $0x2800, s6  }
0x8: {  	s7 =	sor.u32 $0x40, s23;
	s0 =	ssub.s32 $0x2, s8;
	s25 =	smul.u32 $0x2800, s4  }
0x9: {  	[smem:$0x7FF] =	sst s1;
	s11 =	smul.u32 $0xA000, s11;
	s2 =	sshrl.u32 s0, $0x1  }
0xa: {  	s6 =	smul.u32 $0xA000, s6;
	s5 =	ssub.s32 s0, s2;
	s0 =	sor.u32 s8, s22  }
0xb: {  	s2 =	sor.u32 $0x70, s23;
	s22 =	smul.u32 $0x2800, s7;
	s15 =	sadd.s32 s14, s15  }
0xc: {  	s16 =	sadd.s32 s14, s16;
	s17 =	sadd.s32 s14, s17;
	s19 =	sadd.s32 s14, s19  }
0xd: {  	s18 =	sor.u32 $0x20, s0;
	s20 =	sshll.u32 s0, $0x4;
	s26 =	smul.u32 $0x2800, s2  }
0xe: {  	s15 =	sshrl.u32 s15, $0x3;
	s16 =	sshrl.u32 s16, $0x3;
	s17 =	sshrl.u32 s17, $0x3  }
0xf: {  	s5 =	smax.u32 s5, $0x1;
	p0 =	sgt.u32 s2, $0x7C;
	s2 =	smul.u32 $0xA000, s2  }
0x10: {  	p1 =	sgt.u32 s0, $0x10;
	s30 =	sor.u32 $0x60, s0;
	s20 =	sadd.s32 s20, s13  }
0x11: {  	s21 =	sshll.u32 s18, $0x4;
	s22 =	sadd.s32 s14, s22;
	[dreg:$0x4] =	wrdreg s20  }
0x12: {  	s13 =	sadd.s32 s21, s13;
	s20 =	sadd.s32 s14, s25;
	s21 =	sadd.s32 $0x18F800, s3  }
0x13: {  	s25 =	sshrl.u32 s19, $0x3;
	s19 =	sshll.u32 s23, $0x5;
	s2 =	sshrl.u32 s2, $0x2  }
0x14: {  	[dreg:$0x5] =	wrdreg s13;
	s13 =	sadd.s32 s14, s24;
	s14 =	sadd.s32 s14, s26  }
0x15: {  	s15 =	sadd.s32 s21, s15;
	s24 =	sadd.s32 s21, s17;
	s26 =	sshrl.u32 s22, $0x3  }
0x16: {  	s12 =	sadd.s32 s19, s12;
	s22 =	sshll.u32 s0, $0xB;
	s19 =	smul.u32 $0xA000, s10  }
0x17: {  	s0 =	simm.s32 $0x80;
	[dreg:$0x6] =	wrdreg s15;
	s15 =	sadd.s32 s21, s16  }
0x18: {  	[dreg:$0x8] =	wrdreg s24;
	s13 =	sshrl.u32 s13, $0x3;
	s16 =	sshrl.u32 s20, $0x3  }
0x19: {  	s17 =	sshrl.u32 s14, $0x3;
	s20 =	sadd.s32 $0x57000, s3;
	s24 =	sshll.u32 s23, $0xC  }
0x1a: {  	[dreg:$0x7] =	wrdreg s15;
	s15 =	sadd.s32 s21, s25;
	s13 =	sadd.s32 s21, s13  }
0x1b: {  	s25 =	sshll.u32 s8, $0x4;
	s8 =	sshll.u32 s8, $0xB;
	[dreg:$0x9] =	wrdreg s15  }
0x1c: {  	s15 =	sadd.s32 s21, s26;
	[dreg:$0xb] =	wrdreg s13;
	s13 =	sadd.s32 s21, s16  }
0x1d: {  	s26 =	smul.u32 $0xA000, s23;
	s16 =	sadd.s32 s25, s12;
	[dreg:$0xa] =	wrdreg s15  }
0x1e: {  	[dreg:$0xc] =	wrdreg s13;
	s13 =	sadd.s32 s21, s17;
	s21 =	sshll.u32 s18, $0xB  }
0x1f: {  	s15 =	sadd.s32 s20, s22;
	s17 =	sadd.s32 $0x8800, s3;
	[dreg:$0xd] =	wrdreg s13  }
0x20: {  	s18 =	sshrl.u32 s11, $0x2;
	s22 =	sshrl.u32 s19, $0x2;
	[dreg:$0xe] =	wrdreg s15  }
0x21: {  	s14 =	sadd.s32 s20, s21;
	s13 =	sadd.s32 s24, s20;
	s21 =	smul.u32 $0xA000, s7  }
0x22: {  	s15 =	rddreg [dreg:$0x2];
	s20 =	sshll.u32 s23, $0x6;
	s24 =	smul.u32 $0xA000, s4  }
0x23: {  	[dreg:$0xf] =	wrdreg s14;
	s8 =	sadd.s32 s8, s13;
	s13 =	sshrl.u32 s26, $0x2  }
0x24: {  	s14 =	smul.u32 $0xA000, s9;
	s20 =	sor.u32 $0x1C03, s20;
	s23 =	sadd.s32 s22, s15  }
0x25: {  	s26 =	sshrl.u32 s6, $0x2;
	s28 =	sadd.s32 s2, s15;
	s2 =	simm.s32 $0x4100  }
0x26: {  	s6 =	simm.s32 $0x0;
	_ =	strace $0x80000050;
	[dreg:$0x10] =	wrdreg s5  }
0x27: {  	s3 =	sadd.s32 s13, s15;
	s5 =	sadd.s32 s18, s15;
	[dreg:$0x14] =	wrdreg s23  }
0x28: {  	s25 =	sshrl.u32 s21, $0x2;
	s29 =	sadd.s32 $0x30000, s8;
	[dreg:$0x11] =	wrdreg s3  }
0x29: {  	[dreg:$0x12] =	wrdreg s5;
	s3 =	sshrl.u32 s14, $0x2;
	s4 =	sadd.s32 s25, s15  }
0x2a: {  	s13 =	simm.s32 $0x100;
	s3 =	sadd.s32 s3, s15;
	[dreg:$0x15] =	wrdreg s4  }
0x2b: {  	s4 =	sadd.s32 s26, s15;
	[dreg:$0x13] =	wrdreg s3;
	s3 =	sshrl.u32 s24, $0x2  }
0x2c: {  	s5 =	simm.s32 $0x4;
	[dreg:$0x16] =	wrdreg s4;
	s3 =	sadd.s32 s3, s15  }
0x2d: {  	s4 =	simm.s32 $0x2;
	[dreg:$0x17] =	wrdreg s3;
	s3 =	simm.s32 $0x1  }
.LBB2_1:
0x2e: {  	s7 =	rddreg [dreg:$0x11]  }
0x2f: {  	s7 =	sshrl.u32 s7, $0x3  }
0x30: {  	[spmem:s7], [sflag:s20] =	dma.local [hbm:s17], $0x500  }
0x31: {  	_ =	swait.ge [sflag:s31], $0x500  }
0x32: {  	[sflag:s31] =	ssyncset.done $0x0;
	s8 =	rddreg [dreg:$0x12]  }
0x33: {  	[sflag:s31] =	ssyncadd.s32 $0xFFFFFB00;
	s8 =	sshrl.u32 s8, $0x3  }
0x34: {  	[spmem:s8], [sflag:s20] =	dma.local [hbm:s17], $0x500  }
0x35: {  	_ =	swait.ge [sflag:s31], $0x500  }
0x36: {  	[sflag:s31] =	ssyncset.done $0x0;
	s9 =	rddreg [dreg:$0x13]  }
0x37: {  	[sflag:s31] =	ssyncadd.s32 $0xFFFFFB00;
	s9 =	sshrl.u32 s9, $0x3  }
0x38: {  	[spmem:s9], [sflag:s20] =	dma.local [hbm:s17], $0x500  }
0x39: {  	_ =	swait.ge [sflag:s31], $0x500  }
0x3a: {  	[sflag:s31] =	ssyncset.done $0x0;
	s10 =	rddreg [dreg:$0x14]  }
0x3b: {  	[sflag:s31] =	ssyncadd.s32 $0xFFFFFB00;
	s10 =	sshrl.u32 s10, $0x3  }
0x3c: {  	[spmem:s10], [sflag:s20] =	dma.local [hbm:s17], $0x500  }
0x3d: {  	_ =	swait.ge [sflag:s31], $0x500  }
0x3e: {  	[sflag:s31] =	ssyncset.done $0x0;
	s11 =	rddreg [dreg:$0x15]  }
0x3f: {  	[sflag:s31] =	ssyncadd.s32 $0xFFFFFB00;
	s11 =	sshrl.u32 s11, $0x3  }
0x40: {  	[spmem:s11], [sflag:s20] =	dma.local [hbm:s17], $0x500  }
0x41: {  	_ =	swait.ge [sflag:s31], $0x500  }
0x42: {  	[sflag:s31] =	ssyncset.done $0x0;
	s12 =	rddreg [dreg:$0x16]  }
0x43: {  	[sflag:s31] =	ssyncadd.s32 $0xFFFFFB00;
	s12 =	sshrl.u32 s12, $0x3  }
0x44: {  	[spmem:s12], [sflag:s20] =	dma.local [hbm:s17], $0x500  }
0x45: {  	_ =	swait.ge [sflag:s31], $0x500  }
0x46: {  	[sflag:s31] =	ssyncset.done $0x0;
	s14 =	rddreg [dreg:$0x17]  }
0x47: {  	[sflag:s31] =	ssyncadd.s32 $0xFFFFFB00;
	s14 =	sshrl.u32 s14, $0x3  }
0x48: {  	[spmem:s14], [sflag:s20] =	dma.local [hbm:s17], $0x500  }
0x49: {  	_ =	swait.ge [sflag:s31], $0x500  }
0x4a: {  	[sflag:s31] =	ssyncset.done $0x0  }
0x4b: {  	s18 =	sshrl.u32 @!p0 s28, $0x3;
	s19 =	simm.s32 @!p0 $0x3;
	[sflag:s31] =	ssyncadd.s32 $0xFFFFFB00  }
0x4c: {  	[spmem:s18], [sflag:s20] =	dma.local @!p0 [hbm:s17], $0x500  }
0x4d: {  	_ =	swait.ge @!p0 [sflag:s19], $0x500  }
0x4e: {  	[sflag:s19] =	ssyncset.done @!p0 $0x0  }
0x4f: {  	[sflag:s19] =	ssyncadd.s32 @!p0 $0xFFFFFB00  }
0x50: {  	[bflag:$0x0] =	sbarrier.arrive $0xFFFF  }
0x51: {  	s21 =	rddreg [dreg:$0x4]  }
0x52: {  	[tilespmem:s1], [sflag:$0x1] =	stream.linear.gather [hbm4b:s21+s1], $0x80, $0x38;
	[tilespmem:$0x1B980] =	vst v63  }
0x53: {  	s22 =	rddreg [dreg:$0xe]  }
0x54: {  	[tilespmem:s13], [sflag:$0x1] =	stream.linear.gather [hbm4b:s22+s1], $0x4000, $0x38;
	[tilespmem:$0x1B980] =	vst v63  }
0x55: {  	s23 =	rddreg [dreg:$0x5]  }
0x56: {  	[tilespmem:s0], [sflag:$0x2] =	stream.linear.gather [hbm4b:s23+s1], $0x80, $0x38;
	[tilespmem:$0x1B980] =	vst v63  }
0x57: {  	s24 =	rddreg [dreg:$0xf]  }
0x58: {  	[tilespmem:s2], [sflag:$0x2] =	stream.linear.gather [hbm4b:s24+s1], $0x4000, $0x38;
	[tilespmem:$0x1B980] =	vst v63  }
0x59: {  	_ =	swait.ge [sflag:s3], $0x80  }
0x5a: {  	[sflag:s3] =	ssyncset.done $0x0  }
0x5b: {  	[sflag:s3] =	ssyncadd.s32 $0xFFFFFF80  }
0x5c: {  	_ =	swait.ge [sflag:s3], $0x4000  }
0x5d: {  	[sflag:s3] =	ssyncset.done $0x0  }
0x5e: {  	[sflag:s3] =	ssyncadd.s32 $0xFFFFC000  }
0x5f: {  	[spmem:s15] =	stream.indirect.scatter.add.f32 [tilespmem:s13], [sflag:$0x3], $0x80, s1, s0, $0xb8;
	[tilespmem:$0x1B980] =	vst v63  }
0x60: {  	_ =	swait.ge [sflag:s31], $0x4000  }
0x61: {  	s25 =	sadd.s32 $0x0, s16;
	[sflag:s31] =	ssyncset.done $0x0  }
0x62: {  	s19 =	sadd.s32 $0x2B10, s25;
	[sflag:s31] =	ssyncadd.s32 $0xFFFFC000  }
0x63: {  	[tilespmem:s1], [sflag:$0x1] =	stream.linear.gather [hbm4b:s19+s1], $0x80, $0x38;
	[tilespmem:$0x1B980] =	vst v63  }
0x64: {  	s26 =	sadd.s32 $0xFFFF0000, s29  }
0x65: {  	[tilespmem:s13], [sflag:$0x1] =	stream.linear.gather [hbm4b:s26+s1], $0x4000, $0x38;
	[tilespmem:$0x1B980] =	vst v63  }
0x66: {  	_ =	swait.ge [sflag:s4], $0x80  }
0x67: {  	[sflag:s4] =	ssyncset.done $0x0  }
0x68: {  	[sflag:s4] =	ssyncadd.s32 $0xFFFFFF80  }
0x69: {  	_ =	swait.ge [sflag:s4], $0x4000  }
0x6a: {  	[sflag:s4] =	ssyncset.done $0x0  }
0x6b: {  	[sflag:s4] =	ssyncadd.s32 $0xFFFFC000  }
0x6c: {  	[spmem:s15] =	stream.indirect.scatter.add.f32 [tilespmem:s2], [sflag:$0x4], $0x80, s0, s0, $0xb8;
	[tilespmem:$0x1B980] =	vst v63  }
0x6d: {  	p2 =	sgt.u32 s30, $0x270;
	_ =	swait.ge [sflag:s5], $0x4000  }
0x6e: {  	s21 =	simm.s32 @!p2 $0x80;
	s19 =	sadd.s32 @!p2 $0x0, s16;
	[sflag:s5] =	ssyncset.done $0x0  }
0x6f: {  	s22 =	simm.s32 @!p2 $0x0;
	s19 =	sadd.s32 @!p2 $0x2D10, s19;
	[sflag:s5] =	ssyncadd.s32 $0xFFFFC000  }
0x70: {  	[tilespmem:s21], [sflag:$0x2] =	stream.linear.gather @!p2 [hbm4b:s19+s22], $0x80, $0x38;
	[tilespmem:$0x1B980] =	vst v63  }
0x71: {  	s19 =	simm.s32 @!p2 $0x4100  }
0x72: {  	[tilespmem:s19], [sflag:$0x2] =	stream.linear.gather @!p2 [hbm4b:s29+s22], $0x4000, $0x38;
	[tilespmem:$0x1B980] =	vst v63  }
0x73: {  	_ =	swait.ge [sflag:s3], $0x80  }
0x74: {  	[sflag:s3] =	ssyncset.done $0x0  }
0x75: {  	[sflag:s3] =	ssyncadd.s32 $0xFFFFFF80  }
0x76: {  	_ =	swait.ge [sflag:s3], $0x4000  }
0x77: {  	[sflag:s3] =	ssyncset.done $0x0  }
0x78: {  	s23 =	simm.s32 $0x800;
	[sflag:s3] =	ssyncadd.s32 $0xFFFFC000  }
0x79: {  	[spmem:s15] =	stream.indirect.scatter.add.f32 [tilespmem:s13], [sflag:$0x3], $0x80, s1, s0, $0xb8;
	[tilespmem:$0x1B980] =	vst v63  }
0x7a: {  	s24 =	sadd.s32 $0x400, s16;
	s21 =	sadd.s32 $0x40, s30;
	_ =	swait.ge [sflag:s31], $0x4000  }
0x7b: {  	s22 =	simm.s32 $0x400;
	s19 =	sadd.s32 $0x20000, s29;
	[sflag:s31] =	ssyncset.done $0x0  }
.LBB2_2:
0x7c: {  	s24 =	sadd.s32 $0x2B10, s24  }
0x7d: {  	[sflag:s31] =	ssyncadd.s32 $0xFFFFC000;
	s25 =	smov.u32 s23;
	s23 =	sadd.s32 $0x400, s23  }
0x7e: {  	[tilespmem:s1], [sflag:$0x1] =	stream.linear.gather [hbm4b:s24+s1], $0x80, $0x38;
	[tilespmem:$0x1B980] =	vst v63  }
0x7f: {  	p2 =	sne.s32 s23, $0x2400;
	s24 =	sadd.s32 $0xFFFF0000, s19  }
0x80: {  	[tilespmem:s13], [sflag:$0x1] =	stream.linear.gather [hbm4b:s24+s1], $0x4000, $0x38;
	[tilespmem:$0x1B980] =	vst v63  }
0x81: {  	_ =	swait.ge [sflag:s4], $0x80  }
0x82: {  	[sflag:s4] =	ssyncset.done $0x0  }
0x83: {  	[sflag:s4] =	ssyncadd.s32 $0xFFFFFF80  }
0x84: {  	_ =	swait.ge [sflag:s4], $0x4000  }
0x85: {  	[sflag:s4] =	ssyncset.done $0x0  }
0x86: {  	[sflag:s4] =	ssyncadd.s32 $0xFFFFC000  }
0x87: {  	[spmem:s15] =	stream.indirect.scatter.add.f32 [tilespmem:s2], [sflag:$0x4], $0x80, s0, s0, $0xb8;
	[tilespmem:$0x1B980] =	vst v63  }
0x88: {  	p3 =	sgt.u32 s21, $0x270;
	_ =	swait.ge [sflag:s5], $0x4000  }
0x89: {  	s22 =	sadd.s32 @!p3 s22, s16;
	s24 =	simm.s32 @!p3 $0x80;
	[sflag:s5] =	ssyncset.done $0x0  }
0x8a: {  	s26 =	simm.s32 @!p3 $0x0;
	s22 =	sadd.s32 @!p3 $0x2D10, s22;
	[sflag:s5] =	ssyncadd.s32 $0xFFFFC000  }
0x8b: {  	[tilespmem:s24], [sflag:$0x2] =	stream.linear.gather @!p3 [hbm4b:s22+s26], $0x80, $0x38;
	[tilespmem:$0x1B980] =	vst v63  }
0x8c: {  	s24 =	simm.s32 @!p3 $0x4100;
	s22 =	smov.u32 s25  }
0x8d: {  	[tilespmem:s24], [sflag:$0x2] =	stream.linear.gather @!p3 [hbm4b:s19+s26], $0x4000, $0x38;
	[tilespmem:$0x1B980] =	vst v63  }
0x8e: {  	_ =	swait.ge [sflag:s3], $0x80  }
0x8f: {  	[sflag:s3] =	ssyncset.done $0x0  }
0x90: {  	[sflag:s3] =	ssyncadd.s32 $0xFFFFFF80  }
0x91: {  	_ =	swait.ge [sflag:s3], $0x4000  }
.Ltmp0:
0x92: {  	[sflag:s3] =	ssyncset.done $0x0;
	(pc) =	sbr.rel @p2 .LBB2_2-.Ltmp0, $4  }
0x93: {  	[sflag:s3] =	ssyncadd.s32 $0xFFFFC000  }
0x94: {  	[spmem:s15] =	stream.indirect.scatter.add.f32 [tilespmem:s13], [sflag:$0x3], $0x80, s1, s0, $0xb8;
	[tilespmem:$0x1B980] =	vst v63  }
0x95: {  	s21 =	sadd.s32 $0x40, s21;
	_ =	swait.ge [sflag:s31], $0x4000  }
0x96: {  	s24 =	sadd.s32 s22, s16;
	s19 =	sadd.s32 $0x20000, s19;
	[sflag:s31] =	ssyncset.done $0x0  }
0x97: {  	s23 =	sadd.s32 $0x2B10, s24;
	[sflag:s31] =	ssyncadd.s32 $0xFFFFC000  }
0x98: {  	[tilespmem:s1], [sflag:$0x1] =	stream.linear.gather [hbm4b:s23+s1], $0x80, $0x38;
	[tilespmem:$0x1B980] =	vst v63  }
0x99: {  	s25 =	sadd.s32 $0xFFFF0000, s19  }
0x9a: {  	[tilespmem:s13], [sflag:$0x1] =	stream.linear.gather [hbm4b:s25+s1], $0x4000, $0x38;
	[tilespmem:$0x1B980] =	vst v63  }
0x9b: {  	_ =	swait.ge [sflag:s4], $0x80  }
0x9c: {  	[sflag:s4] =	ssyncset.done $0x0  }
0x9d: {  	[sflag:s4] =	ssyncadd.s32 $0xFFFFFF80  }
0x9e: {  	_ =	swait.ge [sflag:s4], $0x4000  }
0x9f: {  	[sflag:s4] =	ssyncset.done $0x0  }
0xa0: {  	[sflag:s4] =	ssyncadd.s32 $0xFFFFC000  }
0xa1: {  	[spmem:s15] =	stream.indirect.scatter.add.f32 [tilespmem:s2], [sflag:$0x4], $0x80, s0, s0, $0xb8;
	[tilespmem:$0x1B980] =	vst v63  }
0xa2: {  	p2 =	sgt.u32 s21, $0x270;
	_ =	swait.ge [sflag:s5], $0x4000  }
0xa3: {  	s21 =	sadd.s32 @!p2 s22, s16;
	s22 =	simm.s32 @!p2 $0x80;
	[sflag:s5] =	ssyncset.done $0x0  }
0xa4: {  	s23 =	simm.s32 @!p2 $0x0;
	s21 =	sadd.s32 @!p2 $0x2D10, s21;
	[sflag:s5] =	ssyncadd.s32 $0xFFFFC000  }
0xa5: {  	[tilespmem:s22], [sflag:$0x2] =	stream.linear.gather @!p2 [hbm4b:s21+s23], $0x80, $0x38;
	[tilespmem:$0x1B980] =	vst v63  }
0xa6: {  	s21 =	simm.s32 @!p2 $0x4100  }
0xa7: {  	[tilespmem:s21], [sflag:$0x2] =	stream.linear.gather @!p2 [hbm4b:s19+s23], $0x4000, $0x38;
	[tilespmem:$0x1B980] =	vst v63  }
0xa8: {  	_ =	swait.ge [sflag:s3], $0x80  }
0xa9: {  	[sflag:s3] =	ssyncset.done $0x0  }
0xaa: {  	[sflag:s3] =	ssyncadd.s32 $0xFFFFFF80  }
0xab: {  	_ =	swait.ge [sflag:s3], $0x4000  }
0xac: {  	[sflag:s3] =	ssyncset.done $0x0  }
0xad: {  	[sflag:s3] =	ssyncadd.s32 $0xFFFFC000  }
0xae: {  	[spmem:s15] =	stream.indirect.scatter.add.f32 [tilespmem:s13], [sflag:$0x3], $0x80, s1, s0, $0xb8;
	[tilespmem:$0x1B980] =	vst v63  }
0xaf: {  	_ =	swait.ge [sflag:s31], $0x4000  }
0xb0: {  	[sflag:s31] =	ssyncset.done $0x0  }
0xb1: {  	s19 =	simm.s32 @!p1 $0x2;
	[sflag:s31] =	ssyncadd.s32 $0xFFFFC000  }
0xb2: {  	_ =	swait.ge @!p1 [sflag:s19], $0x80  }
0xb3: {  	[sflag:s19] =	ssyncset.done @!p1 $0x0  }
0xb4: {  	[sflag:s19] =	ssyncadd.s32 @!p1 $0xFFFFFF80  }
0xb5: {  	_ =	swait.ge @!p1 [sflag:s19], $0x4000  }
0xb6: {  	[sflag:s19] =	ssyncset.done @!p1 $0x0  }
0xb7: {  	s21 =	simm.s32 @!p1 $0x4100;
	[sflag:s19] =	ssyncadd.s32 @!p1 $0xFFFFC000;
	s19 =	simm.s32 @!p1 $0x80  }
0xb8: {  	[spmem:s15] =	stream.indirect.scatter.add.f32 @!p1 [tilespmem:s21], [sflag:$0x3], $0x80, s19, s19, $0xb8;
	[tilespmem:$0x1B980] =	vst v63  }
0xb9: {  	s19 =	simm.s32 @!p1 $0x3  }
0xba: {  	_ =	swait.ge @!p1 [sflag:s19], $0x4000  }
0xbb: {  	[sflag:s19] =	ssyncset.done @!p1 $0x0  }
0xbc: {  	[sflag:s19] =	ssyncadd.s32 @!p1 $0xFFFFC000  }
0xbd: {  	[bflag:$0x0] =	sbarrier.arrive $0xFFFF  }
0xbe: {  	s26 =	rddreg [dreg:$0x6]  }
0xbf: {  	[hbm:s26], [sflag:s20] =	dma.local [spmem:s7], $0x500  }
0xc0: {  	_ =	swait.ge [sflag:s31], $0x500  }
0xc1: {  	[sflag:s31] =	ssyncset.done $0x0  }
0xc2: {  	s19 =	rddreg [dreg:$0x7];
	[sflag:s31] =	ssyncadd.s32 $0xFFFFFB00  }
0xc3: {  	[hbm:s19], [sflag:s20] =	dma.local [spmem:s8], $0x500  }
0xc4: {  	_ =	swait.ge [sflag:s31], $0x500  }
0xc5: {  	[sflag:s31] =	ssyncset.done $0x0  }
0xc6: {  	s21 =	rddreg [dreg:$0x8];
	[sflag:s31] =	ssyncadd.s32 $0xFFFFFB00  }
0xc7: {  	[hbm:s21], [sflag:s20] =	dma.local [spmem:s9], $0x500  }
0xc8: {  	_ =	swait.ge [sflag:s31], $0x500  }
0xc9: {  	[sflag:s31] =	ssyncset.done $0x0  }
0xca: {  	s22 =	rddreg [dreg:$0x9];
	[sflag:s31] =	ssyncadd.s32 $0xFFFFFB00  }
0xcb: {  	[hbm:s22], [sflag:s20] =	dma.local [spmem:s10], $0x500  }
0xcc: {  	_ =	swait.ge [sflag:s31], $0x500  }
0xcd: {  	[sflag:s31] =	ssyncset.done $0x0  }
0xce: {  	s23 =	rddreg [dreg:$0xa];
	[sflag:s31] =	ssyncadd.s32 $0xFFFFFB00  }
0xcf: {  	[hbm:s23], [sflag:s20] =	dma.local [spmem:s11], $0x500  }
0xd0: {  	_ =	swait.ge [sflag:s31], $0x500  }
0xd1: {  	[sflag:s31] =	ssyncset.done $0x0  }
0xd2: {  	s24 =	rddreg [dreg:$0xb];
	[sflag:s31] =	ssyncadd.s32 $0xFFFFFB00  }
0xd3: {  	[hbm:s24], [sflag:s20] =	dma.local [spmem:s12], $0x500  }
0xd4: {  	_ =	swait.ge [sflag:s31], $0x500  }
0xd5: {  	[sflag:s31] =	ssyncset.done $0x0  }
0xd6: {  	s25 =	rddreg [dreg:$0xc];
	[sflag:s31] =	ssyncadd.s32 $0xFFFFFB00  }
0xd7: {  	[hbm:s25], [sflag:s20] =	dma.local [spmem:s14], $0x500  }
0xd8: {  	_ =	swait.ge [sflag:s31], $0x500  }
0xd9: {  	[sflag:s31] =	ssyncset.done $0x0  }
0xda: {  	s7 =	rddreg [dreg:$0xd];
	[sflag:s31] =	ssyncadd.s32 $0xFFFFFB00  }
0xdb: {  	[hbm:s7], [sflag:s20] =	dma.local @!p0 [spmem:s18], $0x500  }
0xdc: {  	s7 =	simm.s32 @!p0 $0x3  }
0xdd: {  	_ =	swait.ge @!p0 [sflag:s7], $0x500  }
0xde: {  	s6 =	sadd.s32 $0x1, s6;
	s26 =	rddreg [dreg:$0x10]  }
0xdf: {  	p2 =	sne.s32 s6, s26  }
.Ltmp1:
0xe0: {  	_ = 	snop;
	(pc) =	sbr.rel @p2 .LBB2_1-.Ltmp1, $3  }
0xe1: {  	_ =	sdelay $0x1  }
0xe2: {  	[sflag:s7] =	ssyncset.done @!p0 $0x0  }
0xe3: {  	[sflag:s7] =	ssyncadd.s32 @!p0 $0xFFFFFB00  }
0xe4: {  	_ =	sfence.sel $0x180000  }
0xe5: {  	[bflag:$0x0] =	sbarrier.arrive $0xFFFF  }
0xe6: {  	_ =	strace $0x90000050  }
0xe7: {  	s0 =	stileid.u32;
	[bflag:$0x2] =	sbarrier.arrive $0xFFFF  }
0xe8: {  	p0 =	sne.s32 s0, $0x0;
	s0 =	rddreg [dreg:$0x3]  }
0xe9: {  	s0 =	sadd.s32 @!p0 $0x100000, s0  }
0xea: {  	[sflag:s0] =	ssyncadd.tile.s32 @!p0 $0x1;
	_ =	shalt  }
.Lfunc_end2:
_tile_overlayer_lowered:
.L_overlay_start_2:
0xeb: {  	(tag) =	ssettag $0x2  }
0xec: {  	s0 =	rddreg [dreg:$0x0];
	s2 =	stileid.u32  }
0xed: {  	s1 =	rddreg [dreg:$0x1];
	p0 =	sne.s32 s2, $0x0  }
0xee: {  	s3 =	rddreg [dreg:$0x2];
	[bflag:$0x3] =	sbarrier.arrive $0xFFFF;
	s2 =	simm.s32 @!p0 $0x1C03  }
0xef: {  	[timem:s3], [sflag:s2] =	dma.local @!p0 [hbm:s0], s1  }
0xf0: {  	s0 =	simm.s32 @!p0 $0x3  }
0xf1: {  	_ =	swait.ge @!p0 [sflag:s0], s1  }
0xf2: {  	s1 =	ssub.s32 @!p0 $0x0, s1;
	[sflag:s0] =	ssyncset.done @!p0 $0x0  }
0xf3: {  	[sflag:s0] =	ssyncadd.s32 @!p0 s1  }
0xf4: {  	[bflag:$0x3] =	sbarrier.arrive $0xFFFF  }
0xf5: {  	_ =	shalt  }

// kernel: kernel.9.cloned.1.call-start
scs
__scs_entry_jumppad:
0x0: {  	(pc) =	sbr.rel $0x88, $3  }
0x1: {  	(tag) =	ssettag $0x0;
	lr =	simm.s32 $0x1  }
0x2: {  	[smem:$0x3F91] =	sst lr;
	_ =	strace $0xD0000000  }
0x3: {  	_ = 	snop  }
0x4: {  	_ = 	snop  }
0x5: {  	_ = 	snop  }
0x6: {  	_ = 	snop  }
0x7: {  	_ = 	snop  }
__scs_overlays_trampoline_lowered:
0x8: {  	[smem:$0x3FA0] =	sst s0  }
0x9: {  	[smem:$0x3FA1] =	sst s1  }
0xa: {  	[smem:$0x3FA2] =	sst s2  }
0xb: {  	[smem:$0x3FA3] =	sst s3  }
0xc: {  	[smem:$0x3FA4] =	sst s4  }
0xd: {  	[smem:$0x3FA5] =	sst s5  }
0xe: {  	[smem:$0x3FA6] =	sst s6  }
0xf: {  	[smem:$0x3FA7] =	sst s7  }
0x10: {  	[smem:$0x3FA8] =	sst s8  }
0x11: {  	[smem:$0x3FA9] =	sst s9;
	s0 =	simm.s32 @!p0 $0x0  }
0x12: {  	s1 =	sld [smem:$0x3F8F];
	s0 =	simm.s32 @p0 $0x1  }
0x13: {  	[smem:$0x3FAA] =	sst s0;
	s0 =	simm.s32 @!p1 $0x0  }
0x14: {  	s2 =	sld [smem:$0x3F8E];
	s0 =	simm.s32 @p1 $0x1  }
0x15: {  	[smem:$0x3FAB] =	sst s0;
	s0 =	simm.s32 @!p2 $0x0  }
0x16: {  	s3 =	sld [smem:$0x3FDB];
	s0 =	simm.s32 @p2 $0x1  }
0x17: {  	s4 =	simm.s32 $0x1BF5;
	[smem:$0x3FAD] =	sst s0  }
0x18: {  	s0 =	sld [smem:$0x3F90];
	_ =	swait.ge [sflag:s4], $0x0  }
0x19: {  	s7 =	sld [smem:$0x3F91]  }
0x1a: {  	s8 =	sadd.s32 $0xFFFFE003, lr  }
0x1b: {  	s9 =	sadd.s32 $0xFFFFFEF7, lr;
	s5 =	simm.s32 $0xFFFFFFFF;
	p2 =	slt.u32 s8, $0xFFFFF086  }
0x1c: {  	p1 =	slt.u32 s9, $0xF7A;
	s5 =	simm.s32 @!p2 $0x0  }
0x1d: {  	s5 =	simm.s32 @p1 $0x1;
	p0 =	seq.s32 s7, s2  }
0x1e: {  	s7 =	smul.u32 @!p0 $0xF7A, s2;
	p2 =	seq.s32 @!p0 s5, $0x0  }
0x1f: {  	s9 =	smul.u32 $0xF7A, s1;
	s8 =	simm.s32 @!p0 $0x1BF5;
	p2 =	por !p2, p0  }
0x20: {  	[sflag:s8] =	ssyncset.s32 @!p0 $0xFFFFF086;
	s6 =	sadd.s32 @!p0 s3, s7;
	s7 =	simm.s32 @!p0 $0x108  }
0x21: {  	s3 =	sadd.s32 s3, s9;
	s6 =	sadd.s32 @!p0 $0x88, s6;
	s7 =	simm.s32 @p2 $0x1082  }
0x22: {  	[simem:s7], [sflag:s8] =	dma.local @!p0 [hbm:s6], $0xF7A  }
0x23: {  	s9 =	sor.u32 $0xD0000000, s2;
	s6 =	simm.s32 $0x108;
	_ =	swait.ge @!p0 [sflag:s8], $0x0  }
0x24: {  	s3 =	sadd.s32 $0x88, s3;
	s6 =	simm.s32 @!p1 $0x1082;
	[sflag:s4] =	ssyncset.s32 $0xFFFFF086  }
0x25: {  	[simem:s6], [sflag:s4] =	dma.local [hbm:s3], $0xF7A  }
0x26: {  	[smem:$0x3F91] =	sst s1;
	(tag) =	ssettag s2;
	_ =	strace s9  }
0x27: {  	s1 =	sld [smem:$0x3FA1]  }
0x28: {  	s2 =	sld [smem:$0x3FA2]  }
0x29: {  	s4 =	sld [smem:$0x3FA4]  }
0x2a: {  	p0 =	seq.s32 s5, $0x0;
	s5 =	sld [smem:$0x3FA5]  }
0x2b: {  	s6 =	sld [smem:$0x3FA6]  }
0x2c: {  	s7 =	sld [smem:$0x3FA7]  }
0x2d: {  	s3 =	simm.s32 $0x108;
	s8 =	sld [smem:$0x3FA8]  }
0x2e: {  	s3 =	simm.s32 @!p0 $0x1082;
	s9 =	sld [smem:$0x3FA9]  }
0x2f: {  	lr =	sadd.s32 s0, s3;
	s0 =	sld [smem:$0x3FA0]  }
0x30: {  	s3 =	sld [smem:$0x3FA3]  }
0x31: {  	[smem:$0x3FAC] =	sst s10  }
0x32: {  	s10 =	sld [smem:$0x3FAA];
	_ =	sdelay $0x3  }
0x33: {  	p0 =	seq.s32 s10, $0x1;
	s10 =	sld [smem:$0x3FAC];
	_ =	sdelay $0x3  }
0x34: {  	[smem:$0x3FAC] =	sst s10  }
0x35: {  	s10 =	sld [smem:$0x3FAB];
	_ =	sdelay $0x3  }
0x36: {  	p1 =	seq.s32 s10, $0x1;
	s10 =	sld [smem:$0x3FAC];
	_ =	sdelay $0x3  }
0x37: {  	[smem:$0x3FAC] =	sst s10  }
0x38: {  	s10 =	sld [smem:$0x3FAD]  }
0x39: {  	_ = 	snop;
	(pc) =	sbr.ind lr, $3  }
0x3a: {  	_ = 	snop  }
0x3b: {  	_ = 	snop  }
0x3c: {  	p2 =	seq.s32 s10, $0x1;
	s10 =	sld [smem:$0x3FAC]  }
0x3d: {  	_ =	shalt  }
0x3e: {  	_ =	shalt  }
0x3f: {  	_ =	shalt  }
0x40: {  	_ =	shalt  }
0x41: {  	_ =	shalt  }
0x42: {  	_ =	shalt  }
0x43: {  	_ =	shalt  }
0x44: {  	_ =	shalt  }
0x45: {  	_ =	shalt  }
0x46: {  	_ =	shalt  }
0x47: {  	_ =	shalt  }
0x48: {  	_ =	shalt  }
0x49: {  	_ =	shalt  }
0x4a: {  	_ =	shalt  }
0x4b: {  	_ =	shalt  }
0x4c: {  	_ =	shalt  }
0x4d: {  	_ =	shalt  }
0x4e: {  	_ =	shalt  }
0x4f: {  	_ =	shalt  }
0x50: {  	_ =	shalt  }
0x51: {  	_ =	shalt  }
0x52: {  	_ =	shalt  }
0x53: {  	_ =	shalt  }
0x54: {  	_ =	shalt  }
0x55: {  	_ =	shalt  }
0x56: {  	_ =	shalt  }
0x57: {  	_ =	shalt  }
0x58: {  	_ =	shalt  }
0x59: {  	_ =	shalt  }
0x5a: {  	_ =	shalt  }
0x5b: {  	_ =	shalt  }
0x5c: {  	_ =	shalt  }
0x5d: {  	_ =	shalt  }
0x5e: {  	_ =	shalt  }
0x5f: {  	_ =	shalt  }
0x60: {  	_ =	shalt  }
0x61: {  	_ =	shalt  }
0x62: {  	_ =	shalt  }
0x63: {  	_ =	shalt  }
0x64: {  	_ =	shalt  }
0x65: {  	_ =	shalt  }
0x66: {  	_ =	shalt  }
0x67: {  	_ =	shalt  }
0x68: {  	_ =	shalt  }
0x69: {  	_ =	shalt  }
0x6a: {  	_ =	shalt  }
0x6b: {  	_ =	shalt  }
0x6c: {  	_ =	shalt  }
0x6d: {  	_ =	shalt  }
0x6e: {  	_ =	shalt  }
0x6f: {  	_ =	shalt  }
0x70: {  	_ =	shalt  }
0x71: {  	_ =	shalt  }
0x72: {  	_ =	shalt  }
0x73: {  	_ =	shalt  }
0x74: {  	_ =	shalt  }
0x75: {  	_ =	shalt  }
0x76: {  	_ =	shalt  }
0x77: {  	_ =	shalt  }
0x78: {  	_ =	shalt  }
0x79: {  	_ =	shalt  }
0x7a: {  	_ =	shalt  }
0x7b: {  	_ =	shalt  }
0x7c: {  	_ =	shalt  }
0x7d: {  	_ =	shalt  }
0x7e: {  	_ =	shalt  }
0x7f: {  	_ =	shalt  }
0x80: {  	_ =	shalt  }
0x81: {  	_ =	shalt  }
0x82: {  	_ =	shalt  }
0x83: {  	_ =	shalt  }
0x84: {  	_ =	shalt  }
0x85: {  	_ =	shalt  }
0x86: {  	_ =	shalt  }
0x87: {  	_ =	shalt  }
.Lfunc_end0:
.L_simem_size_0:
called_computation_lowered:
.L_overlay_start_0:
0x88: {  	s2 =	sld [smem:$0x3FD9]  }
0x89: {  	s3 =	sld [smem:$0x3FFE];
	_ =	sdelay $0x1  }
0x8a: {  	s1 =	srdreg.scid  }
0x8b: {  	s0 =	sand.u32 $0x1, s1  }
0x8c: {  	s14 =	sshll.u32 s0, $0xA;
	s2 =	sadd.s32 s3, s2  }
0x8d: {  	s2 =	sadd.s32 s2, s14  }
0x8e: {  	[smem:$0x3FB8] =	sst s2  }
0x8f: {  	_ = 	snop  }
0x90: {  	s2 =	sld [smem:$0x3FD0];
	_ =	sdelay $0x2  }
0x91: {  	s4 =	simm.s32 $0xB;
	s5 =	simm.s32 $0x10;
	s15 =	sld [smem:$0x3FC9]  }
0x92: {  	[smem:s5], [sflag:s4] =	dma.local [hbm:s2], $0x1  }
0x93: {  	_ =	swait.eq [sflag:s4], $0x1  }
0x94: {  	[sflag:s4] =	ssyncset.done $0x0  }
0x95: {  	[sflag:s4] =	ssyncadd.s32 $0xFFFFFFFF  }
0x96: {  	s16 =	sld [smem:$0x10];
	(tm) =	ssettm $0x1  }
0x97: {  	s17 =	sld [smem:$0x3FFB];
	_ =	sdelay $0x3  }
0x98: {  	_ =	strace s17  }
0x99: {  	s4 =	sld [smem:$0x3FFC];
	_ =	sdelay $0x3  }
0x9a: {  	_ =	strace s4  }
0x9b: {  	s4 =	sld [smem:$0x3FFD];
	_ =	sdelay $0x3  }
0x9c: {  	_ =	strace s4  }
0x9d: {  	_ =	strace $0x8FFFFFFF  }
0x9e: {  	s18 =	sld [smem:$0x3FDB];
	_ =	sdelay $0x1  }
0x9f: {  	s19 =	simm.s32 $_scs_section_size  }
0xa0: {  	s6 =	simm.s32 $_size__tile_overlayer_lowered;
	s7 =	simm.s32 $_tile_overlayer_lowered  }
0xa1: {  	s22 =	simm.s32 $0x1BFF;
	s21 =	sshll.u32 s7, $0x1;
	s4 =	sadd.s32 s19, s18  }
0xa2: {  	s8 =	simm.s32 $0x0;
	s20 =	sshll.u32 s6, $0x1;
	s6 =	sadd.s32 s21, s4  }
0xa3: {  	[timem:s8], [sflag:s22] =	dma.local [hbm:s6], s20  }
0xa4: {  	_ =	swait.ge [sflag:s22], s20  }
0xa5: {  	s5 =	ssub.s32 $0x0, s20;
	[sflag:s22] =	ssyncset.done $0x0  }
0xa6: {  	[sflag:s22] =	ssyncadd.s32 s5;
	_ =	sdelay $0x1  }
0xa7: {  	s23 =	simm.s32 $0x1B8B  }
0xa8: {  	_ =	swait.ge [sflag:s23], $0x1  }
0xa9: {  	[sflag:s23] =	ssyncset.done $0x0  }
0xaa: {  	s25 =	simm.s32 $0x1B8E;
	s24 =	sld [smem:$0x3FFE];
	[sflag:s23] =	ssyncadd.s32 $0xFFFFFFFF  }
0xab: {  	s26 =	simm.s32 $execute0_lowered;
	[smem:$0x3FD2] =	sst s25  }
0xac: {  	s6 =	sshll.u32 s26, $0x1;
	_ =	strace $0x80000046;
	[dreg:$0x1] =	wrdreg $0xFFFFFFFF  }
0xad: {  	s28 =	simm.s32 $_size_execute0_lowered;
	s4 =	sadd.s32 s4, s6;
	[dreg:$0x0] =	wrdreg $0x0  }
0xae: {  	s6 =	sshll.u32 s28, $0x1;
	[dreg:$0x2] =	wrdreg s4  }
0xaf: {  	[dreg:$0x3] =	wrdreg s6  }
0xb0: {  	[dreg:$0x4] =	wrdreg $0xC0  }
0xb1: {  	_ =	task [dreg:s8], $0x5FFFF  }
0xb2: {  	[dreg:$0x1] =	wrdreg $0xFFFFFFFF  }
0xb3: {  	[dreg:$0x0] =	wrdreg $0x60  }
0xb4: {  	[dreg:$0x2] =	wrdreg s15  }
0xb5: {  	[dreg:$0x3] =	wrdreg s24  }
0xb6: {  	[dreg:$0x4] =	wrdreg s16  }
0xb7: {  	[dreg:$0x5] =	wrdreg $0xA  }
0xb8: {  	_ =	task.clear_ibuf [dreg:s8], $0x6FFFF;
	_ =	strace $0x90000046  }
0xb9: {  	s29 =	simm.s32 $0xA;
	_ =	strace $0x80000048  }
0xba: {  	_ =	swait.ge [sflag:s29], $0x1  }
0xbb: {  	[sflag:s29] =	ssyncadd.s32 $0xFFFFFFFF  }
0xbc: {  	_ =	strace $0x90000048  }
0xbd: {  	_ =	sfence  }
0xbe: {  	s30 =	sld [smem:$0x0];
	_ =	sdelay $0x2  }
0xbf: {  	s31 =	sshll.u32 s1, $0xD;
	s1 =	sshrl.u32 s1, $0x2  }
0xc0: {  	s3 =	sand.u32 $0x4000, s31;
	s1 =	sadd.s32 s1, s30  }
0xc1: {  	s0 =	sor.u32 s3, s0;
	s1 =	sshll.u32 s1, $0x11  }
0xc2: {  	s0 =	sor.u32 s1, s0  }
0xc3: {  	s0 =	sadd.s32 $0x8F2B, s0  }
0xc4: {  	[sflag:s0] =	ssyncadd.remote.s32 $0x1  }
0xc5: {  	_ =	sfence.sel $0xFFFF  }
0xc6: {  	[dreg:$0x0] =	wrdreg $0xFFFFFFFF;
	(pc) =	sbr.abs _section_cstart, $3  }
0xc7: {  	[dreg:$0x1] =	wrdreg $0xFFFFFFFF  }
0xc8: {  	_ =	task.clear_ibuf [dreg:s8], $0x2FFFF;
	_ =	strace $0x9FFFFFFF  }
0xc9: {  	(tm) =	ssettm $0x7FFFFFFF  }
tec
execute0_lowered:
.L_overlay_start_1:
0x0: {  	(tag) =	ssettag $0x1  }
0x1: {  	s1 =	rddreg [dreg:$0x0]  }
0x2: {  	s7 =	rddreg [dreg:$0x1]  }
0x3: {  	s3 =	rddreg [dreg:$0x2]  }
0x4: {  	s5 =	srdreg.scid;
	s0 =	stileid.u32;
	s4 =	simm.s32 $0x0  }
0x5: {  	s17 =	simm.s32 $0x80;
	s18 =	simm.s32 $0x200;
	s19 =	simm.s32 $0x8200  }
0x6: {  	s20 =	simm.s32 $0x180;
	s21 =	simm.s32 $0x4200;
	s22 =	simm.s32 $0xC200  }
0x7: {  	s23 =	simm.s32 $0x1;
	s24 =	simm.s32 $0x2;
	s13 =	sand.u32 $0x1, s5  }
0x8: {  	s25 =	sshll.u32 s0, $0x1;
	[smem:$0x7FF] =	sst s4;
	s5 =	sadd.s32 $0x3800, s7  }
0x9: {  	s11 =	sshll.u32 s0, $0xC;
	s29 =	sshll.u32 s0, $0x5;
	s12 =	sor.u32 s13, s25  }
0xa: {  	_ =	strace $0x80000047;
	s8 =	ssub.s32 $0x2, s13;
	s14 =	sshll.u32 s13, $0xB  }
0xb: {  	s15 =	sadd.s32 s29, s3;
	s16 =	sshll.u32 s13, $0x4;
	s25 =	simm.s32 $0x0  }
0xc: {  	s6 =	smin.u32 s12, $0x10;
	s10 =	sshrl.u32 s8, $0x1;
	s11 =	sor.u32 s14, s11  }
0xd: {  	s12 =	sor.u32 $0x20, s12;
	s9 =	sshll.u32 s6, $0xB;
	s10 =	ssub.s32 s8, s10  }
0xe: {  	s6 =	sadd.s32 $0x8800, s7;
	s7 =	sadd.s32 $0x141000, s7;
	s28 =	smax.u32 s10, $0x1  }
0xf: {  	s13 =	sadd.s32 s16, s15;
	s30 =	sadd.s32 s7, s11;
	[dreg:$0x8] =	wrdreg s28  }
0x10: {  	s9 =	sor.u32 $0x130000, s9;
	s31 =	sadd.s32 s6, s11;
	[dreg:$0x4] =	wrdreg s30  }
0x11: {  	s14 =	sadd.s32 s29, s5;
	s2 =	sadd.s32 s6, s9;
	[dreg:$0x5] =	wrdreg s31  }
0x12: {  	s15 =	simm.s32 $0x3;
	s26 =	sadd.s32 s7, s9;
	[dreg:$0x6] =	wrdreg s2  }
0x13: {  	s14 =	sadd.s32 s16, s14;
	s16 =	simm.s32 $0x100;
	[dreg:$0x7] =	wrdreg s26  }
.LBB2_1:
0x14: {  	[tilespmem:s4], [sflag:$0x3] =	stream.linear.gather [hbm4b:s14+s4], $0x80, $0x38;
	[tilespmem:$0x10200] =	vst v63  }
0x15: {  	_ =	swait.ge [sflag:s15], $0x80  }
0x16: {  	[sflag:s15] =	ssyncset.done $0x0  }
0x17: {  	[sflag:s15] =	ssyncadd.s32 $0xFFFFFF80  }
0x18: {  	[tilespmem:s16], [sflag:$0x3] =	stream.linear.gather [hbm4b:s13+s4], $0x80, $0x38;
	[tilespmem:$0x10200] =	vst v63  }
0x19: {  	_ =	swait.ge [sflag:s15], $0x80  }
0x1a: {  	[sflag:s15] =	ssyncset.done $0x0  }
0x1b: {  	p0 =	por $0x1, $0x1;
	[sflag:s15] =	ssyncadd.s32 $0xFFFFFF80  }
0x1c: {  	[tilespmem:s18], [sflag:$0x1] =	stream.indirect.gather [hbm4b:s1+s17], $0x80, s4, s17, $0xb8;
	[tilespmem:$0x10200] =	vst v63  }
0x1d: {  	s26 =	simm.s32 @!p0 $0x2  }
0x1e: {  	[tilespmem:s19], [sflag:$0x1] =	stream.indirect.gather [hbm4b:s1+s17], $0x80, s16, s17, $0xb8;
	[tilespmem:$0x10200] =	vst v63  }
0x1f: {  	_ =	swait.ge @!p0 [sflag:s26], $0x4000  }
0x20: {  	[sflag:s26] =	ssyncset.done @!p0 $0x0  }
0x21: {  	s28 =	sadd.s32 @!p0 $0x0, s11;
	[sflag:s26] =	ssyncadd.s32 @!p0 $0xFFFFC000  }
0x22: {  	s30 =	simm.s32 @!p0 $0x0;
	s28 =	sadd.s32 @!p0 $0xFFFF0000, s28;
	_ =	swait.ge @!p0 [sflag:s26], $0x4000  }
0x23: {  	s31 =	simm.s32 @!p0 $0x4200;
	s28 =	sand.u32 @!p0 $0x1FFFF800, s28;
	[sflag:s26] =	ssyncset.done @!p0 $0x0  }
0x24: {  	s29 =	sadd.s32 @!p0 s6, s28;
	[sflag:s26] =	ssyncadd.s32 @!p0 $0xFFFFC000;
	s26 =	simm.s32 @!p0 $0x3  }
0x25: {  	[hbm4b:s29+s30] =	stream.linear.scatter @!p0 [tilespmem:s31], [sflag:$0x3], $0x4000, $0x38;
	[tilespmem:$0x10200] =	vst v63  }
0x26: {  	_ =	swait.ge @!p0 [sflag:s26], $0x4000  }
0x27: {  	[sflag:s26] =	ssyncset.done @!p0 $0x0  }
0x28: {  	s28 =	sadd.s32 @!p0 s7, s28;
	s29 =	simm.s32 @!p0 $0xC200;
	[sflag:s26] =	ssyncadd.s32 @!p0 $0xFFFFC000  }
0x29: {  	[hbm4b:s28+s30] =	stream.linear.scatter @!p0 [tilespmem:s29], [sflag:$0x3], $0x4000, $0x38;
	[tilespmem:$0x10200] =	vst v63  }
0x2a: {  	p1 =	slt.s32 s12, $0x270;
	s28 =	smov.u32 s12  }
0x2b: {  	_ =	swait.ge @!p0 [sflag:s26], $0x4000;
	s28 =	simm.s32 @!p1 $0x270  }
0x2c: {  	[sflag:s26] =	ssyncset.done @!p0 $0x0;
	s28 =	sshll.u32 s28, $0x4  }
0x2d: {  	[sflag:s26] =	ssyncadd.s32 @!p0 $0xFFFFC000;
	s8 =	sadd.s32 s5, s28  }
0x2e: {  	[tilespmem:s17], [sflag:$0x3] =	stream.linear.gather [hbm4b:s8+s4], $0x80, $0x38;
	[tilespmem:$0x10200] =	vst v63  }
0x2f: {  	_ =	swait.ge [sflag:s15], $0x80  }
0x30: {  	[sflag:s15] =	ssyncset.done $0x0  }
0x31: {  	s9 =	sadd.s32 s3, s28;
	[sflag:s15] =	ssyncadd.s32 $0xFFFFFF80  }
0x32: {  	[tilespmem:s20], [sflag:$0x3] =	stream.linear.gather [hbm4b:s9+s4], $0x80, $0x38;
	[tilespmem:$0x10200] =	vst v63  }
0x33: {  	_ =	swait.ge [sflag:s15], $0x80  }
0x34: {  	[sflag:s15] =	ssyncset.done $0x0  }
0x35: {  	[sflag:s15] =	ssyncadd.s32 $0xFFFFFF80  }
0x36: {  	[tilespmem:s21], [sflag:$0x2] =	stream.indirect.gather [hbm4b:s1+s17], $0x80, s17, s17, $0xb8;
	[tilespmem:$0x10200] =	vst v63  }
0x37: {  	_ = 	snop  }
0x38: {  	[tilespmem:s22], [sflag:$0x2] =	stream.indirect.gather [hbm4b:s1+s17], $0x80, s20, s17, $0xb8;
	[tilespmem:$0x10200] =	vst v63  }
0x39: {  	_ =	swait.ge [sflag:s23], $0x4000  }
0x3a: {  	[sflag:s23] =	ssyncset.done $0x0  }
0x3b: {  	[sflag:s23] =	ssyncadd.s32 $0xFFFFC000  }
0x3c: {  	_ =	swait.ge [sflag:s23], $0x4000  }
0x3d: {  	s10 =	rddreg [dreg:$0x5];
	[sflag:s23] =	ssyncset.done $0x0  }
0x3e: {  	[sflag:s23] =	ssyncadd.s32 $0xFFFFC000;
	s26 =	sadd.s32 $0x0, s10  }
0x3f: {  	[hbm4b:s26+s4] =	stream.linear.scatter [tilespmem:s18], [sflag:$0x3], $0x4000, $0x38;
	[tilespmem:$0x10200] =	vst v63  }
0x40: {  	_ =	swait.ge [sflag:s15], $0x4000  }
0x41: {  	s29 =	sadd.s32 $0x400, s14;
	s31 =	rddreg [dreg:$0x4];
	[sflag:s15] =	ssyncset.done $0x0  }
0x42: {  	s30 =	smov.u32 s12;
	[sflag:s15] =	ssyncadd.s32 $0xFFFFC000;
	s26 =	sadd.s32 $0x0, s31  }
0x43: {  	[hbm4b:s26+s4] =	stream.linear.scatter [tilespmem:s19], [sflag:$0x3], $0x4000, $0x38;
	[tilespmem:$0x10200] =	vst v63  }
0x44: {  	s28 =	sadd.s32 $0x400, s13;
	s26 =	simm.s32 $0x20000;
	_ =	swait.ge [sflag:s15], $0x4000  }
.LBB2_2:
0x45: {  	[sflag:s15] =	ssyncset.done $0x0  }
0x46: {  	[sflag:s15] =	ssyncadd.s32 $0xFFFFC000  }
0x47: {  	[tilespmem:s4], [sflag:$0x3] =	stream.linear.gather [hbm4b:s29+s4], $0x80, $0x38;
	[tilespmem:$0x10200] =	vst v63  }
0x48: {  	_ =	swait.ge [sflag:s15], $0x80  }
0x49: {  	[sflag:s15] =	ssyncset.done $0x0  }
0x4a: {  	[sflag:s15] =	ssyncadd.s32 $0xFFFFFF80  }
0x4b: {  	[tilespmem:s16], [sflag:$0x3] =	stream.linear.gather [hbm4b:s28+s4], $0x80, $0x38;
	[tilespmem:$0x10200] =	vst v63  }
0x4c: {  	_ =	swait.ge [sflag:s15], $0x80  }
0x4d: {  	s31 =	smov.u32 s26;
	[sflag:s15] =	ssyncset.done $0x0  }
0x4e: {  	p1 =	seq.s32 s31, $0x0;
	[sflag:s15] =	ssyncadd.s32 $0xFFFFFF80  }
0x4f: {  	[tilespmem:s18], [sflag:$0x1] =	stream.indirect.gather [hbm4b:s1+s17], $0x80, s4, s17, $0xb8;
	[tilespmem:$0x10200] =	vst v63  }
0x50: {  	s0 =	simm.s32 @!p1 $0x2  }
0x51: {  	[tilespmem:s19], [sflag:$0x1] =	stream.indirect.gather [hbm4b:s1+s17], $0x80, s16, s17, $0xb8;
	[tilespmem:$0x10200] =	vst v63  }
0x52: {  	_ =	swait.ge @!p1 [sflag:s0], $0x4000  }
0x53: {  	[sflag:s0] =	ssyncset.done @!p1 $0x0  }
0x54: {  	s2 =	sadd.s32 @!p1 s31, s11;
	[sflag:s0] =	ssyncadd.s32 @!p1 $0xFFFFC000  }
0x55: {  	s9 =	simm.s32 @!p1 $0x0;
	s2 =	sadd.s32 @!p1 $0xFFFF0000, s2;
	_ =	swait.ge @!p1 [sflag:s0], $0x4000  }
0x56: {  	s10 =	simm.s32 @!p1 $0x4200;
	s2 =	sand.u32 @!p1 $0x1FFFF800, s2;
	[sflag:s0] =	ssyncset.done @!p1 $0x0  }
0x57: {  	s8 =	sadd.s32 @!p1 s6, s2;
	[sflag:s0] =	ssyncadd.s32 @!p1 $0xFFFFC000;
	s0 =	simm.s32 @!p1 $0x3  }
0x58: {  	[hbm4b:s8+s9] =	stream.linear.scatter @!p1 [tilespmem:s10], [sflag:$0x3], $0x4000, $0x38;
	[tilespmem:$0x10200] =	vst v63  }
0x59: {  	_ =	swait.ge @!p1 [sflag:s0], $0x4000  }
0x5a: {  	s30 =	sadd.s32 $0x40, s30;
	[sflag:s0] =	ssyncset.done @!p1 $0x0  }
0x5b: {  	s2 =	sadd.s32 @!p1 s7, s2;
	s8 =	simm.s32 @!p1 $0xC200;
	[sflag:s0] =	ssyncadd.s32 @!p1 $0xFFFFC000  }
0x5c: {  	[hbm4b:s2+s9] =	stream.linear.scatter @!p1 [tilespmem:s8], [sflag:$0x3], $0x4000, $0x38;
	[tilespmem:$0x10200] =	vst v63  }
0x5d: {  	p2 =	slt.s32 s30, $0x270;
	s2 =	smov.u32 s30  }
0x5e: {  	_ =	swait.ge @!p1 [sflag:s0], $0x4000;
	s2 =	simm.s32 @!p2 $0x270  }
0x5f: {  	[sflag:s0] =	ssyncset.done @!p1 $0x0;
	s2 =	sshll.u32 s2, $0x4  }
0x60: {  	[sflag:s0] =	ssyncadd.s32 @!p1 $0xFFFFC000;
	s10 =	sadd.s32 s5, s2  }
0x61: {  	[tilespmem:s17], [sflag:$0x3] =	stream.linear.gather [hbm4b:s10+s4], $0x80, $0x38;
	[tilespmem:$0x10200] =	vst v63  }
0x62: {  	_ =	swait.ge [sflag:s15], $0x80  }
0x63: {  	[sflag:s15] =	ssyncset.done $0x0  }
0x64: {  	s8 =	sadd.s32 s3, s2;
	[sflag:s15] =	ssyncadd.s32 $0xFFFFFF80  }
0x65: {  	[tilespmem:s20], [sflag:$0x3] =	stream.linear.gather [hbm4b:s8+s4], $0x80, $0x38;
	[tilespmem:$0x10200] =	vst v63  }
0x66: {  	_ =	swait.ge [sflag:s15], $0x80  }
0x67: {  	[sflag:s15] =	ssyncset.done $0x0  }
0x68: {  	[sflag:s15] =	ssyncadd.s32 $0xFFFFFF80  }
0x69: {  	[tilespmem:s21], [sflag:$0x2] =	stream.indirect.gather [hbm4b:s1+s17], $0x80, s17, s17, $0xb8;
	[tilespmem:$0x10200] =	vst v63  }
0x6a: {  	_ = 	snop  }
0x6b: {  	[tilespmem:s22], [sflag:$0x2] =	stream.indirect.gather [hbm4b:s1+s17], $0x80, s20, s17, $0xb8;
	[tilespmem:$0x10200] =	vst v63  }
0x6c: {  	_ =	swait.ge [sflag:s23], $0x4000  }
0x6d: {  	[sflag:s23] =	ssyncset.done $0x0  }
0x6e: {  	[sflag:s23] =	ssyncadd.s32 $0xFFFFC000  }
0x6f: {  	_ =	swait.ge [sflag:s23], $0x4000  }
0x70: {  	s26 =	sadd.s32 $0x20000, s26;
	s9 =	rddreg [dreg:$0x5];
	[sflag:s23] =	ssyncset.done $0x0  }
0x71: {  	p0 =	sne.s32 s26, $0x140000;
	[sflag:s23] =	ssyncadd.s32 $0xFFFFC000;
	s0 =	sadd.s32 s31, s9  }
0x72: {  	[hbm4b:s0+s4] =	stream.linear.scatter [tilespmem:s18], [sflag:$0x3], $0x4000, $0x38;
	[tilespmem:$0x10200] =	vst v63  }
.Ltmp0:
0x73: {  	_ =	swait.ge [sflag:s15], $0x4000;
	(pc) =	sbr.rel @p0 .LBB2_2-.Ltmp0, $4  }
0x74: {  	s10 =	rddreg [dreg:$0x4];
	[sflag:s15] =	ssyncset.done $0x0  }
0x75: {  	[sflag:s15] =	ssyncadd.s32 $0xFFFFC000;
	s0 =	sadd.s32 s31, s10  }
0x76: {  	[hbm4b:s0+s4] =	stream.linear.scatter [tilespmem:s19], [sflag:$0x3], $0x4000, $0x38;
	[tilespmem:$0x10200] =	vst v63  }
0x77: {  	s29 =	sadd.s32 $0x400, s29;
	s28 =	sadd.s32 $0x400, s28;
	_ =	swait.ge [sflag:s15], $0x4000  }
0x78: {  	[sflag:s15] =	ssyncset.done $0x0  }
0x79: {  	[sflag:s15] =	ssyncadd.s32 $0xFFFFC000  }
0x7a: {  	_ =	swait.ge [sflag:s24], $0x4000  }
0x7b: {  	[sflag:s24] =	ssyncset.done $0x0  }
0x7c: {  	[sflag:s24] =	ssyncadd.s32 $0xFFFFC000  }
0x7d: {  	_ =	swait.ge [sflag:s24], $0x4000  }
0x7e: {  	[sflag:s24] =	ssyncset.done $0x0  }
0x7f: {  	s0 =	rddreg [dreg:$0x6];
	[sflag:s24] =	ssyncadd.s32 $0xFFFFC000  }
0x80: {  	[hbm4b:s0+s4] =	stream.linear.scatter [tilespmem:s21], [sflag:$0x3], $0x4000, $0x38;
	[tilespmem:$0x10200] =	vst v63  }
0x81: {  	_ =	swait.ge [sflag:s15], $0x4000  }
0x82: {  	[sflag:s15] =	ssyncset.done $0x0  }
0x83: {  	s30 =	rddreg [dreg:$0x7];
	[sflag:s15] =	ssyncadd.s32 $0xFFFFC000  }
0x84: {  	[hbm4b:s30+s4] =	stream.linear.scatter [tilespmem:s22], [sflag:$0x3], $0x4000, $0x38;
	[tilespmem:$0x10200] =	vst v63  }
0x85: {  	_ =	swait.ge [sflag:s15], $0x4000  }
0x86: {  	s25 =	sadd.s32 $0x1, s25;
	s31 =	rddreg [dreg:$0x8]  }
0x87: {  	p0 =	sne.s32 s25, s31  }
.Ltmp1:
0x88: {  	_ = 	snop;
	(pc) =	sbr.rel @p0 .LBB2_1-.Ltmp1, $3  }
0x89: {  	_ =	sdelay $0x1  }
0x8a: {  	[sflag:s15] =	ssyncset.done $0x0  }
0x8b: {  	[sflag:s15] =	ssyncadd.s32 $0xFFFFC000  }
0x8c: {  	_ =	sfence.sel $0x180000  }
0x8d: {  	[bflag:$0x0] =	sbarrier.arrive $0xFFFF  }
0x8e: {  	_ =	strace $0x90000047  }
0x8f: {  	s0 =	stileid.u32;
	[bflag:$0x2] =	sbarrier.arrive $0xFFFF  }
0x90: {  	p0 =	sne.s32 s0, $0x0;
	s0 =	rddreg [dreg:$0x3]  }
0x91: {  	s0 =	sadd.s32 @!p0 $0x100000, s0  }
0x92: {  	[sflag:s0] =	ssyncadd.tile.s32 @!p0 $0x1;
	_ =	shalt  }
.Lfunc_end2:
_tile_overlayer_lowered:
.L_overlay_start_2:
0x93: {  	(tag) =	ssettag $0x2  }
0x94: {  	s0 =	rddreg [dreg:$0x0];
	s2 =	stileid.u32  }
0x95: {  	s1 =	rddreg [dreg:$0x1];
	p0 =	sne.s32 s2, $0x0  }
0x96: {  	s3 =	rddreg [dreg:$0x2];
	[bflag:$0x3] =	sbarrier.arrive $0xFFFF;
	s2 =	simm.s32 @!p0 $0x1C03  }
0x97: {  	[timem:s3], [sflag:s2] =	dma.local @!p0 [hbm:s0], s1  }
0x98: {  	s0 =	simm.s32 @!p0 $0x3  }
0x99: {  	_ =	swait.ge @!p0 [sflag:s0], s1  }
0x9a: {  	s1 =	ssub.s32 @!p0 $0x0, s1;
	[sflag:s0] =	ssyncset.done @!p0 $0x0  }
0x9b: {  	[sflag:s0] =	ssyncadd.s32 @!p0 s1  }
0x9c: {  	[bflag:$0x3] =	sbarrier.arrive $0xFFFF  }
0x9d: {  	_ =	shalt  }

</sc_bundles>
